<compile_context>
chip_gen: v7x
topology: tpu7x:2x2x1
jax: 0.10.2.dev20260603
libtpu: 0.0.44.dev20260713+nightly
codegen_flags: <defaults>
</compile_context>

<pallas_src>
import functools

import jax
import jax.numpy as jnp
from jax import lax
from jax.experimental import pallas as pl
from jax.experimental.pallas import tpu as pltpu
from jax.experimental.pallas import tpu_sc as plsc

N_NODES = 10000
D_FEAT = 128
HIDDEN = 16
N_EDGES = 320000
N_REACH = 500000

NC = 2
NS = 16
NW = NC * NS
L = 16

NPAD = 10240
ROWS_PER_TILE = NPAD // NS

G = 128
KQ = 8
NBE = 80
E_TILE = NBE * G
E_PAD = NW * E_TILE
NGE = NBE // KQ

NBR = 126
R_TILE = NBR * G
R_PAD = NW * R_TILE

_sc_mesh = plsc.VectorSubcoreMesh(core_axis_name="c", subcore_axis_name="s")
_sc_params = pltpu.CompilerParams(use_tc_tiling_on_sc=False,
                                  needs_layout_passes=False)



@functools.partial(
    pl.kernel,
    out_type=jax.ShapeDtypeStruct((NC, NPAD, HIDDEN), jnp.float32),
    mesh=_sc_mesh,
    compiler_params=_sc_params,
    scratch_types=[
        pltpu.VMEM((NBE, G), jnp.int32),
        pltpu.VMEM((G, HIDDEN), jnp.float32),
        pltpu.VMEM_SHARED((NPAD, HIDDEN), jnp.float32),
        pltpu.SemaphoreType.DMA,
    ],
)
def _k_deg(dst_hbm, zeros_hbm, ones_hbm, out_hbm, idx_v, ones_v, acc_sh, sem):
    c = lax.axis_index("c")
    s = lax.axis_index("s")
    wid = c * NS + s
    sl = pl.ds(s * ROWS_PER_TILE, ROWS_PER_TILE)
    pltpu.sync_copy(zeros_hbm.at[sl], acc_sh.at[sl])
    pltpu.sync_copy(ones_hbm, ones_v)
    pltpu.sync_copy(dst_hbm.at[wid], idx_v)
    plsc.subcore_barrier()

    def body(g, carry):
        for k in range(KQ):
            pltpu.async_copy(ones_v, acc_sh.at[idx_v.at[g * KQ + k]], sem,
                             add=True)
        for k in range(KQ):
            pltpu.make_async_copy(ones_v, acc_sh.at[idx_v.at[g * KQ + k]],
                                  sem).wait()
        return carry

    lax.fori_loop(0, NGE, body, 0)
    plsc.subcore_barrier()
    pltpu.sync_copy(acc_sh.at[sl], out_hbm.at[c, sl])


@functools.partial(
    pl.kernel,
    out_type=jax.ShapeDtypeStruct((NC, NPAD, HIDDEN), jnp.float32),
    mesh=_sc_mesh,
    compiler_params=_sc_params,
    scratch_types=[
        pltpu.VMEM((NBE, G), jnp.int32),
        pltpu.VMEM((NBE, G), jnp.int32),
        pltpu.VMEM((KQ, G, HIDDEN), jnp.float32),
        pltpu.VMEM_SHARED((NPAD, HIDDEN), jnp.float32),
        pltpu.SemaphoreType.DMA,
        pltpu.SemaphoreType.DMA,
    ],
)
def _k_scatter(u_hbm, src_hbm, dst_hbm, zeros_hbm, out_hbm,
               si_v, di_v, rows_v, acc_sh, sem_g, sem_s):
    c = lax.axis_index("c")
    s = lax.axis_index("s")
    wid = c * NS + s
    sl = pl.ds(s * ROWS_PER_TILE, ROWS_PER_TILE)
    pltpu.sync_copy(zeros_hbm.at[sl], acc_sh.at[sl])
    pltpu.sync_copy(src_hbm.at[wid], si_v)
    pltpu.sync_copy(dst_hbm.at[wid], di_v)
    plsc.subcore_barrier()

    def body(g, carry):
        for k in range(KQ):
            pltpu.async_copy(u_hbm.at[si_v.at[g * KQ + k]], rows_v.at[k],
                             sem_g)
        for k in range(KQ):
            pltpu.make_async_copy(u_hbm.at[si_v.at[g * KQ + k]], rows_v.at[k],
                                  sem_g).wait()
        for k in range(KQ):
            pltpu.async_copy(rows_v.at[k], acc_sh.at[di_v.at[g * KQ + k]],
                             sem_s, add=True)
        for k in range(KQ):
            pltpu.make_async_copy(rows_v.at[k], acc_sh.at[di_v.at[g * KQ + k]],
                                  sem_s).wait()
        return carry

    lax.fori_loop(0, NGE, body, 0)
    plsc.subcore_barrier()
    pltpu.sync_copy(acc_sh.at[sl], out_hbm.at[c, sl])


@functools.partial(
    pl.kernel,
    out_type=jax.ShapeDtypeStruct((NW, R_TILE), jnp.float32),
    mesh=_sc_mesh,
    compiler_params=_sc_params,
    scratch_types=[
        pltpu.VMEM((NBR, G), jnp.int32),
        pltpu.VMEM((NBR, G), jnp.int32),
        pltpu.VMEM((G, D_FEAT), jnp.float32),
        pltpu.VMEM((G, D_FEAT), jnp.float32),
        pltpu.VMEM((G, D_FEAT), jnp.float32),
        pltpu.VMEM((D_FEAT,), jnp.float32),
        pltpu.VMEM((L,), jnp.float32),
        pltpu.VMEM((R_TILE,), jnp.float32),
        pltpu.SemaphoreType.DMA,
        pltpu.SemaphoreType.DMA,
        pltpu.SemaphoreType.DMA,
        pltpu.SemaphoreType.DMA,
        pltpu.SemaphoreType.DMA,
        pltpu.SemaphoreType.DMA,
    ],
)
def _k_decode(a_hbm, b_hbm, s_hbm, t_hbm, w_hbm, l2b_hbm, out_hbm,
              si_v, ti_v, r0, r1, r2, w_v, l2b_v, out_v,
              sa0, sa1, sa2, sb0, sb1, sb2):
    bufs = (r0, r1, r2)
    sas = (sa0, sa1, sa2)
    sbs = (sb0, sb1, sb2)
    c = lax.axis_index("c")
    s = lax.axis_index("s")
    wid = c * NS + s
    pltpu.sync_copy(s_hbm.at[wid], si_v)
    pltpu.sync_copy(t_hbm.at[wid], ti_v)
    pltpu.sync_copy(w_hbm, w_v)
    pltpu.sync_copy(l2b_hbm, l2b_v)
    bias = l2b_v[...]
    row_ids = [lax.iota(jnp.int32, L) + (L * g) for g in range(G // L)]
    zero16 = jnp.zeros((L,), jnp.float32)

    def start_a(bb, p):
        pltpu.async_copy(a_hbm.at[si_v.at[bb]], bufs[p], sas[p])

    def wait_a(p):
        pltpu.make_async_copy(a_hbm.at[si_v.at[0]], bufs[p], sas[p]).wait()

    def start_b(bb, p):
        pltpu.async_copy(b_hbm.at[ti_v.at[bb]], bufs[p], sbs[p], add=True)

    def wait_b(p):
        pltpu.make_async_copy(b_hbm.at[ti_v.at[0]], bufs[p], sbs[p]).wait()

    def compute(bb, buf):
        def jbody(j, accs):
            col = jnp.zeros((L,), jnp.int32) + j
            wj = plsc.load_gather(w_v, [col])
            out = []
            for g in range(G // L):
                v = plsc.load_gather(buf, [row_ids[g], col])
                out.append(accs[g] + jnp.maximum(v, 0.0) * wj)
            return tuple(out)

        accs = lax.fori_loop(0, D_FEAT, jbody,
                             tuple(zero16 for _ in range(G // L)))
        for g in range(G // L):
            z = accs[g] + bias
            out_v[pl.ds(bb * G + L * g, L)] = 1.0 / (1.0 + jnp.exp(-z))

    start_a(0, 0)
    start_a(1, 1)
    wait_a(0)
    start_b(0, 0)

    def outer(i, carry):
        for k in range(3):
            bb = i * 3 + k
            p0, p1, p2 = k % 3, (k + 1) % 3, (k + 2) % 3

            @pl.when(bb + 2 < NBR)
            def _():
                start_a(bb + 2, p2)

            @pl.when(bb + 1 < NBR)
            def _():
                wait_a(p1)
                start_b(bb + 1, p1)

            wait_b(p0)
            compute(bb, bufs[p0])
        return carry

    lax.fori_loop(0, NBR // 3, outer, 0)
    pltpu.sync_copy(out_v, out_hbm.at[wid])



def _k_h1(x_ref, w1_ref, o_ref):
    o_ref[...] = jnp.dot(x_ref[...], w1_ref[...],
                         preferred_element_type=jnp.float32)


def _k_u1(deg_ref, h1_ref, o_u1, o_dinv):
    deg = deg_ref[0, :, 0:1] + deg_ref[1, :, 0:1] + 1.0
    dinv = lax.rsqrt(deg)
    o_dinv[...] = dinv
    o_u1[...] = h1_ref[...] * dinv


def _k_u2(raw_ref, u1_ref, dinv_ref, b1_ref, o_u2):
    t = raw_ref[0] + raw_ref[1] + u1_ref[...]
    rel = jnp.maximum(dinv_ref[...] * t + b1_ref[...], 0.0)
    o_u2[...] = dinv_ref[...] * rel


def _k_ab(raw_ref, u2_ref, dinv_ref, w2_ref, b2_ref, l1wa_ref, l1wb_ref,
          l1b_ref, o_a, o_b):
    pre = dinv_ref[...] * (raw_ref[0] + raw_ref[1] + u2_ref[...])
    h = jnp.dot(pre, w2_ref[...], preferred_element_type=jnp.float32)
    h = h + b2_ref[...]
    o_a[...] = jnp.dot(h, l1wa_ref[...], preferred_element_type=jnp.float32)
    o_b[...] = (jnp.dot(h, l1wb_ref[...], preferred_element_type=jnp.float32)
                + l1b_ref[...])



def kernel(x, edge_index, reachability_edge_index,
           W1, b1, W2, b2, L1W, L1b, L2W, L2b):
    f32 = jnp.float32
    xp = jnp.pad(x, ((0, NPAD - N_NODES), (0, 0)))

    pad_e = E_PAD - N_EDGES
    src3 = jnp.concatenate(
        [edge_index[0], jnp.full((pad_e,), NPAD - 1, jnp.int32)]
    ).reshape(NW, NBE, G)
    dst3 = jnp.concatenate(
        [edge_index[1], jnp.full((pad_e,), NPAD - 1, jnp.int32)]
    ).reshape(NW, NBE, G)

    pad_r = R_PAD - N_REACH
    rs3 = jnp.concatenate(
        [reachability_edge_index[:, 0], jnp.zeros((pad_r,), jnp.int32)]
    ).reshape(NW, NBR, G)
    rt3 = jnp.concatenate(
        [reachability_edge_index[:, 1], jnp.zeros((pad_r,), jnp.int32)]
    ).reshape(NW, NBR, G)

    zeros_nf = jnp.zeros((NPAD, HIDDEN), f32)
    ones_rows = jnp.ones((G, HIDDEN), f32)
    l2w_flat = L2W[:, 0]
    l2b_splat = jnp.broadcast_to(L2b, (L,))

    h1 = pl.pallas_call(
        _k_h1,
        out_shape=jax.ShapeDtypeStruct((NPAD, HIDDEN), f32),
    )(xp, W1)

    deg = _k_deg(dst3, zeros_nf, ones_rows)

    u1, dinv = pl.pallas_call(
        _k_u1,
        out_shape=(jax.ShapeDtypeStruct((NPAD, HIDDEN), f32),
                   jax.ShapeDtypeStruct((NPAD, 1), f32)),
    )(deg, h1)

    raw1 = _k_scatter(u1, src3, dst3, zeros_nf)

    u2 = pl.pallas_call(
        _k_u2,
        out_shape=jax.ShapeDtypeStruct((NPAD, HIDDEN), f32),
    )(raw1, u1, dinv, b1[None, :])

    raw2 = _k_scatter(u2, src3, dst3, zeros_nf)

    A, B = pl.pallas_call(
        _k_ab,
        out_shape=(jax.ShapeDtypeStruct((NPAD, D_FEAT), f32),
                   jax.ShapeDtypeStruct((NPAD, D_FEAT), f32)),
    )(raw2, u2, dinv, W2, b2[None, :], L1W[:D_FEAT], L1W[D_FEAT:], L1b[None, :])

    out = _k_decode(A, B, rs3, rt3, l2w_flat, l2b_splat)

    return out.reshape(-1)[:N_REACH].reshape(N_REACH, 1)

# --- scband reference (transcript-rebuilt; emitter-appended) ---
"""Pipeline reference for scband-r-gnn-80109730005609 (READ-ONLY COPY).

The authoritative reference and input builder live on the scoring server;
editing this copy changes nothing except your own understanding.
"""

import jax, jax.numpy as jnp
import numpy as np

N_NODES = 10000
D_FEAT = 128
HIDDEN = 16
N_EDGES = 320000
N_REACH = 500000


def gcn_conv(x, edge_index, W, b, num_nodes):
    # PyG GCNConv: add self-loops, symmetric normalization, linear transform, scatter-add
    src = edge_index[0]
    dst = edge_index[1]
    loop = jnp.arange(num_nodes, dtype=edge_index.dtype)
    src = jnp.concatenate([src, loop])
    dst = jnp.concatenate([dst, loop])
    deg = jnp.zeros((num_nodes,), dtype=x.dtype).at[dst].add(1.0)
    deg_inv_sqrt = jnp.where(deg > 0, deg ** -0.5, 0.0)
    norm = deg_inv_sqrt[src] * deg_inv_sqrt[dst]
    h = x @ W
    msg = h[src] * norm[:, None]
    out = jnp.zeros((num_nodes, W.shape[1]), dtype=x.dtype).at[dst].add(msg)
    return out + b


def setup_inputs(seed: int = 0) -> dict:
    key = jax.random.key(seed)
    ks = jax.random.split(key, 12)
    x = jax.random.normal(ks[0], (N_NODES, D_FEAT), dtype=jnp.float32)
    edge_index = jax.random.randint(ks[1], (2, N_EDGES), 0, N_NODES, dtype=jnp.int64 if jax.config.jax_enable_x64 else jnp.int32).astype(jnp.int32)
    reach = jax.random.randint(ks[2], (N_REACH, 2), 0, N_NODES, dtype=jnp.int32)
    s1 = 1.0 / np.sqrt(D_FEAT)
    s2 = 1.0 / np.sqrt(HIDDEN)
    s3 = 1.0 / np.sqrt(2 * D_FEAT)
    s4 = 1.0 / np.sqrt(D_FEAT)
    W1 = jax.random.uniform(ks[3], (D_FEAT, HIDDEN), minval=-s1, maxval=s1, dtype=jnp.float32)
    b1 = jnp.zeros((HIDDEN,), dtype=jnp.float32)
    W2 = jax.random.uniform(ks[4], (HIDDEN, D_FEAT), minval=-s2, maxval=s2, dtype=jnp.float32)
    b2 = jnp.zeros((D_FEAT,), dtype=jnp.float32)
    L1W = jax.random.uniform(ks[5], (2 * D_FEAT, D_FEAT), minval=-s3, maxval=s3, dtype=jnp.float32)
    L1b = jax.random.uniform(ks[6], (D_FEAT,), minval=-s3, maxval=s3, dtype=jnp.float32)
    L2W = jax.random.uniform(ks[7], (D_FEAT, 1), minval=-s4, maxval=s4, dtype=jnp.float32)
    L2b = jax.random.uniform(ks[8], (1,), minval=-s4, maxval=s4, dtype=jnp.float32)
    return {"x": x, "edge_index": edge_index, "reachability_edge_index": reach,
            "W1": W1, "b1": b1, "W2": W2, "b2": b2,
            "L1W": L1W, "L1b": L1b, "L2W": L2W, "L2b": L2b}


def reference(x, edge_index, reachability_edge_index, W1, b1, W2, b2, L1W, L1b, L2W, L2b):
    num_nodes = x.shape[0]
    # Encoder
    h = gcn_conv(x, edge_index, W1, b1, num_nodes)
    h = jax.nn.relu(h)
    h = gcn_conv(h, edge_index, W2, b2, num_nodes)
    # Decoder
    src = reachability_edge_index[:, 0]
    tar = reachability_edge_index[:, 1]
    z = jnp.concatenate([h[src], h[tar]], axis=-1)
    z = z @ L1W + L1b
    z = jax.nn.relu(z)
    z = z @ L2W + L2b
    return jax.nn.sigmoid(z)

if __name__ == "__main__":
    import jax
    _d = setup_inputs()
    print(jax.jit(kernel)(*tuple(_d.values())))

</pallas_src>

<mosaic_0001>
#map = affine_map<(d0, d1) -> (0, 0)>
#map1 = affine_map<(d0, d1) -> (0, 0, 0)>
module attributes {stable_mosaic.version = 14 : i64} {
  func.func @_k_scatter(%arg0: i32, %arg1: i32, %arg2: memref<10240x16xf32, #tpu.memory_space<hbm>>, %arg3: memref<32x80x128xi32, #tpu.memory_space<hbm>>, %arg4: memref<32x80x128xi32, #tpu.memory_space<hbm>>, %arg5: memref<10240x16xf32, #tpu.memory_space<hbm>>, %arg6: memref<2x10240x16xf32, #tpu.memory_space<hbm>>, %arg7: memref<80x128xi32, #tpu.memory_space<vmem>>, %arg8: memref<80x128xi32, #tpu.memory_space<vmem>>, %arg9: memref<8x128x16xf32, #tpu.memory_space<vmem>>, %arg10: memref<10240x16xf32, #tpu.memory_space<vmem_shared>>, %arg11: memref<!tpu.dma_semaphore, #tpu.memory_space<semaphore_mem>>, %arg12: memref<!tpu.dma_semaphore, #tpu.memory_space<semaphore_mem>>) attributes {dimension_semantics = [#tpu.dimension_semantics<core_parallel>, #tpu.dimension_semantics<subcore_parallel>], iteration_bounds = array<i64: 2, 16>, scalar_prefetch = 0 : i64, scratch_operands = 6 : i64, tpu.core_type = #tpu.core_type<sc_vector_subcore>, window_params = [{transform_indices = #map}, {transform_indices = #map1}, {transform_indices = #map1}, {transform_indices = #map}, {transform_indices = #map1}]} {
    %mul3A = arith.constant 16 : i32
    %mul3A_0 = arith.muli %arg0, %mul3A : i32
    %add3A = arith.addi %mul3A_0, %arg1 : i32
    %mul3A_1 = arith.constant 640 : i32
    %mul3A_2 = arith.muli %arg1, %mul3A_1 : i32
    "tpu.region"() ({
      %run_scoped3A = tpu.sem_alloc : memref<!tpu.dma_semaphore, #tpu.memory_space<semaphore_mem>>
      %dma_start3A = arith.constant 0 : i32
      %dma_start3A_9 = tpu.memref_slice %arg10[%mul3A_2, %dma_start3A] : memref<10240x16xf32, #tpu.memory_space<vmem_shared>> -> memref<640x16xf32, #tpu.memory_space<vmem_shared>>
      %dma_start3A_10 = arith.constant 0 : i32
      %dma_start3A_11 = tpu.memref_slice %arg5[%mul3A_2, %dma_start3A_10] : memref<10240x16xf32, #tpu.memory_space<hbm>> -> memref<640x16xf32, #tpu.memory_space<hbm>>
      tpu.enqueue_dma source(%dma_start3A_11 : memref<640x16xf32, #tpu.memory_space<hbm>>) target(%dma_start3A_9 : memref<640x16xf32, #tpu.memory_space<vmem_shared>>) target_semaphore(%run_scoped3A : memref<!tpu.dma_semaphore, #tpu.memory_space<semaphore_mem>>)
      %dma_wait3A = arith.constant 0 : i32
      %dma_wait3A_12 = tpu.memref_slice %arg10[%mul3A_2, %dma_wait3A] : memref<10240x16xf32, #tpu.memory_space<vmem_shared>> -> memref<640x16xf32, #tpu.memory_space<vmem_shared>>
      %dma_wait3A_13 = arith.constant 0 : i32
      %dma_wait3A_14 = tpu.memref_slice %arg5[%mul3A_2, %dma_wait3A_13] : memref<10240x16xf32, #tpu.memory_space<hbm>> -> memref<640x16xf32, #tpu.memory_space<hbm>>
      tpu.wait_dma2 semaphore(%run_scoped3A : memref<!tpu.dma_semaphore, #tpu.memory_space<semaphore_mem>>) src(%dma_wait3A_14 : memref<640x16xf32, #tpu.memory_space<hbm>>) dst(%dma_wait3A_12 : memref<640x16xf32, #tpu.memory_space<vmem_shared>>)
      tpu.yield
    }) : () -> ()
    "tpu.region"() ({
      %run_scoped3A = tpu.sem_alloc : memref<!tpu.dma_semaphore, #tpu.memory_space<semaphore_mem>>
      %dma_start3A = arith.constant 0 : i32
      %dma_start3A_9 = arith.constant 0 : i32
      %dma_start3A_10 = tpu.memref_slice %arg3[%add3A, %dma_start3A, %dma_start3A_9] : memref<32x80x128xi32, #tpu.memory_space<hbm>> -> memref<1x80x128xi32, #tpu.memory_space<hbm>>
      %dma_start3A_11 = tpu.memref_squeeze %dma_start3A_10 : memref<1x80x128xi32, #tpu.memory_space<hbm>> -> memref<80x128xi32, #tpu.memory_space<hbm>>
      %dma_start3A_12 = arith.constant 0 : i32
      %dma_start3A_13 = arith.constant 0 : i32
      %dma_start3A_14 = tpu.memref_slice %arg3[%add3A, %dma_start3A_12, %dma_start3A_13] : memref<32x80x128xi32, #tpu.memory_space<hbm>> -> memref<1x80x128xi32, #tpu.memory_space<hbm>>
      %dma_start3A_15 = tpu.memref_squeeze %dma_start3A_14 : memref<1x80x128xi32, #tpu.memory_space<hbm>> -> memref<80x128xi32, #tpu.memory_space<hbm>>
      tpu.enqueue_dma source(%dma_start3A_15 : memref<80x128xi32, #tpu.memory_space<hbm>>) target(%arg7 : memref<80x128xi32, #tpu.memory_space<vmem>>) target_semaphore(%run_scoped3A : memref<!tpu.dma_semaphore, #tpu.memory_space<semaphore_mem>>)
      %dma_wait3A = arith.constant 0 : i32
      %dma_wait3A_16 = arith.constant 0 : i32
      %dma_wait3A_17 = tpu.memref_slice %arg3[%add3A, %dma_wait3A, %dma_wait3A_16] : memref<32x80x128xi32, #tpu.memory_space<hbm>> -> memref<1x80x128xi32, #tpu.memory_space<hbm>>
      %dma_wait3A_18 = tpu.memref_squeeze %dma_wait3A_17 : memref<1x80x128xi32, #tpu.memory_space<hbm>> -> memref<80x128xi32, #tpu.memory_space<hbm>>
      %dma_wait3A_19 = arith.constant 0 : i32
      %dma_wait3A_20 = arith.constant 0 : i32
      %dma_wait3A_21 = tpu.memref_slice %arg3[%add3A, %dma_wait3A_19, %dma_wait3A_20] : memref<32x80x128xi32, #tpu.memory_space<hbm>> -> memref<1x80x128xi32, #tpu.memory_space<hbm>>
      %dma_wait3A_22 = tpu.memref_squeeze %dma_wait3A_21 : memref<1x80x128xi32, #tpu.memory_space<hbm>> -> memref<80x128xi32, #tpu.memory_space<hbm>>
      tpu.wait_dma2 semaphore(%run_scoped3A : memref<!tpu.dma_semaphore, #tpu.memory_space<semaphore_mem>>) src(%dma_wait3A_22 : memref<80x128xi32, #tpu.memory_space<hbm>>) dst(%arg7 : memref<80x128xi32, #tpu.memory_space<vmem>>)
      tpu.yield
    }) : () -> ()
    "tpu.region"() ({
      %run_scoped3A = tpu.sem_alloc : memref<!tpu.dma_semaphore, #tpu.memory_space<semaphore_mem>>
      %dma_start3A = arith.constant 0 : i32
      %dma_start3A_9 = arith.constant 0 : i32
      %dma_start3A_10 = tpu.memref_slice %arg4[%add3A, %dma_start3A, %dma_start3A_9] : memref<32x80x128xi32, #tpu.memory_space<hbm>> -> memref<1x80x128xi32, #tpu.memory_space<hbm>>
      %dma_start3A_11 = tpu.memref_squeeze %dma_start3A_10 : memref<1x80x128xi32, #tpu.memory_space<hbm>> -> memref<80x128xi32, #tpu.memory_space<hbm>>
      %dma_start3A_12 = arith.constant 0 : i32
      %dma_start3A_13 = arith.constant 0 : i32
      %dma_start3A_14 = tpu.memref_slice %arg4[%add3A, %dma_start3A_12, %dma_start3A_13] : memref<32x80x128xi32, #tpu.memory_space<hbm>> -> memref<1x80x128xi32, #tpu.memory_space<hbm>>
      %dma_start3A_15 = tpu.memref_squeeze %dma_start3A_14 : memref<1x80x128xi32, #tpu.memory_space<hbm>> -> memref<80x128xi32, #tpu.memory_space<hbm>>
      tpu.enqueue_dma source(%dma_start3A_15 : memref<80x128xi32, #tpu.memory_space<hbm>>) target(%arg8 : memref<80x128xi32, #tpu.memory_space<vmem>>) target_semaphore(%run_scoped3A : memref<!tpu.dma_semaphore, #tpu.memory_space<semaphore_mem>>)
      %dma_wait3A = arith.constant 0 : i32
      %dma_wait3A_16 = arith.constant 0 : i32
      %dma_wait3A_17 = tpu.memref_slice %arg4[%add3A, %dma_wait3A, %dma_wait3A_16] : memref<32x80x128xi32, #tpu.memory_space<hbm>> -> memref<1x80x128xi32, #tpu.memory_space<hbm>>
      %dma_wait3A_18 = tpu.memref_squeeze %dma_wait3A_17 : memref<1x80x128xi32, #tpu.memory_space<hbm>> -> memref<80x128xi32, #tpu.memory_space<hbm>>
      %dma_wait3A_19 = arith.constant 0 : i32
      %dma_wait3A_20 = arith.constant 0 : i32
      %dma_wait3A_21 = tpu.memref_slice %arg4[%add3A, %dma_wait3A_19, %dma_wait3A_20] : memref<32x80x128xi32, #tpu.memory_space<hbm>> -> memref<1x80x128xi32, #tpu.memory_space<hbm>>
      %dma_wait3A_22 = tpu.memref_squeeze %dma_wait3A_21 : memref<1x80x128xi32, #tpu.memory_space<hbm>> -> memref<80x128xi32, #tpu.memory_space<hbm>>
      tpu.wait_dma2 semaphore(%run_scoped3A : memref<!tpu.dma_semaphore, #tpu.memory_space<semaphore_mem>>) src(%dma_wait3A_22 : memref<80x128xi32, #tpu.memory_space<hbm>>) dst(%arg8 : memref<80x128xi32, #tpu.memory_space<vmem>>)
      tpu.yield
    }) : () -> ()
    %barrier3A = arith.constant 0 : index
    tpu.barrier barrier_id(%barrier3A)
    %scan3A = arith.constant 0 : i32
    %scan3A_3 = arith.constant 0 : i32
    %scan3A_4 = arith.constant 10 : i32
    %scan3A_5 = arith.addi %scan3A_3, %scan3A_4 : i32
    %scan3A_6 = arith.constant 1 : i32
    scf.for %scan3A_9 = %scan3A_3 to %scan3A_5 step %scan3A_6  : i32 {
      %mul3A_10 = arith.constant 8 : i32
      %mul3A_11 = arith.muli %scan3A_9, %mul3A_10 : i32
      %add3A_12 = arith.constant 0 : i32
      %add3A_13 = arith.addi %mul3A_11, %add3A_12 : i32
      %dma_start3A = arith.constant 0 : i32
      %dma_start3A_14 = arith.constant 0 : i32
      %dma_start3A_15 = arith.constant 0 : i32
      %dma_start3A_16 = tpu.memref_slice %arg9[%dma_start3A, %dma_start3A_14, %dma_start3A_15] : memref<8x128x16xf32, #tpu.memory_space<vmem>> -> memref<1x128x16xf32, #tpu.memory_space<vmem>>
      %dma_start3A_17 = tpu.memref_squeeze %dma_start3A_16 : memref<1x128x16xf32, #tpu.memory_space<vmem>> -> memref<128x16xf32, #tpu.memory_space<vmem>>
      %dma_start3A_18 = arith.constant 0 : i32
      %dma_start3A_19 = tpu.memref_slice %arg7[%add3A_13, %dma_start3A_18] : memref<80x128xi32, #tpu.memory_space<vmem>> -> memref<1x128xi32, #tpu.memory_space<vmem>>
      %dma_start3A_20 = tpu.memref_squeeze %dma_start3A_19 : memref<1x128xi32, #tpu.memory_space<vmem>> -> memref<128xi32, #tpu.memory_space<vmem>>
      %dma_start3A_21 = arith.constant 0 : i32
      %dma_start3A_22 = arith.constant 0 : i32
      %dma_start3A_23 = tpu.memref_slice %arg2[%dma_start3A_21, %dma_start3A_22] : memref<10240x16xf32, #tpu.memory_space<hbm>> -> memref<10240x16xf32, #tpu.memory_space<hbm>>
      tpu.enqueue_indirect_dma source(%dma_start3A_23 : memref<10240x16xf32, #tpu.memory_space<hbm>>) target(%dma_start3A_17 : memref<128x16xf32, #tpu.memory_space<vmem>>) offsets(%dma_start3A_20 : memref<128xi32, #tpu.memory_space<vmem>>) semaphore(%arg11 : memref<!tpu.dma_semaphore, #tpu.memory_space<semaphore_mem>>)
      %mul3A_24 = arith.constant 8 : i32
      %mul3A_25 = arith.muli %scan3A_9, %mul3A_24 : i32
      %add3A_26 = arith.constant 1 : i32
      %add3A_27 = arith.addi %mul3A_25, %add3A_26 : i32
      %dma_start3A_28 = arith.constant 1 : i32
      %dma_start3A_29 = arith.constant 0 : i32
      %dma_start3A_30 = arith.constant 0 : i32
      %dma_start3A_31 = tpu.memref_slice %arg9[%dma_start3A_28, %dma_start3A_29, %dma_start3A_30] : memref<8x128x16xf32, #tpu.memory_space<vmem>> -> memref<1x128x16xf32, #tpu.memory_space<vmem>>
      %dma_start3A_32 = tpu.memref_squeeze %dma_start3A_31 : memref<1x128x16xf32, #tpu.memory_space<vmem>> -> memref<128x16xf32, #tpu.memory_space<vmem>>
      %dma_start3A_33 = arith.constant 0 : i32
      %dma_start3A_34 = tpu.memref_slice %arg7[%add3A_27, %dma_start3A_33] : memref<80x128xi32, #tpu.memory_space<vmem>> -> memref<1x128xi32, #tpu.memory_space<vmem>>
      %dma_start3A_35 = tpu.memref_squeeze %dma_start3A_34 : memref<1x128xi32, #tpu.memory_space<vmem>> -> memref<128xi32, #tpu.memory_space<vmem>>
      %dma_start3A_36 = arith.constant 0 : i32
      %dma_start3A_37 = arith.constant 0 : i32
      %dma_start3A_38 = tpu.memref_slice %arg2[%dma_start3A_36, %dma_start3A_37] : memref<10240x16xf32, #tpu.memory_space<hbm>> -> memref<10240x16xf32, #tpu.memory_space<hbm>>
      tpu.enqueue_indirect_dma source(%dma_start3A_38 : memref<10240x16xf32, #tpu.memory_space<hbm>>) target(%dma_start3A_32 : memref<128x16xf32, #tpu.memory_space<vmem>>) offsets(%dma_start3A_35 : memref<128xi32, #tpu.memory_space<vmem>>) semaphore(%arg11 : memref<!tpu.dma_semaphore, #tpu.memory_space<semaphore_mem>>)
      %mul3A_39 = arith.constant 8 : i32
      %mul3A_40 = arith.muli %scan3A_9, %mul3A_39 : i32
      %add3A_41 = arith.constant 2 : i32
      %add3A_42 = arith.addi %mul3A_40, %add3A_41 : i32
      %dma_start3A_43 = arith.constant 2 : i32
      %dma_start3A_44 = arith.constant 0 : i32
      %dma_start3A_45 = arith.constant 0 : i32
      %dma_start3A_46 = tpu.memref_slice %arg9[%dma_start3A_43, %dma_start3A_44, %dma_start3A_45] : memref<8x128x16xf32, #tpu.memory_space<vmem>> -> memref<1x128x16xf32, #tpu.memory_space<vmem>>
      %dma_start3A_47 = tpu.memref_squeeze %dma_start3A_46 : memref<1x128x16xf32, #tpu.memory_space<vmem>> -> memref<128x16xf32, #tpu.memory_space<vmem>>
      %dma_start3A_48 = arith.constant 0 : i32
      %dma_start3A_49 = tpu.memref_slice %arg7[%add3A_42, %dma_start3A_48] : memref<80x128xi32, #tpu.memory_space<vmem>> -> memref<1x128xi32, #tpu.memory_space<vmem>>
      %dma_start3A_50 = tpu.memref_squeeze %dma_start3A_49 : memref<1x128xi32, #tpu.memory_space<vmem>> -> memref<128xi32, #tpu.memory_space<vmem>>
      %dma_start3A_51 = arith.constant 0 : i32
      %dma_start3A_52 = arith.constant 0 : i32
      %dma_start3A_53 = tpu.memref_slice %arg2[%dma_start3A_51, %dma_start3A_52] : memref<10240x16xf32, #tpu.memory_space<hbm>> -> memref<10240x16xf32, #tpu.memory_space<hbm>>
      tpu.enqueue_indirect_dma source(%dma_start3A_53 : memref<10240x16xf32, #tpu.memory_space<hbm>>) target(%dma_start3A_47 : memref<128x16xf32, #tpu.memory_space<vmem>>) offsets(%dma_start3A_50 : memref<128xi32, #tpu.memory_space<vmem>>) semaphore(%arg11 : memref<!tpu.dma_semaphore, #tpu.memory_space<semaphore_mem>>)
      %mul3A_54 = arith.constant 8 : i32
      %mul3A_55 = arith.muli %scan3A_9, %mul3A_54 : i32
      %add3A_56 = arith.constant 3 : i32
      %add3A_57 = arith.addi %mul3A_55, %add3A_56 : i32
      %dma_start3A_58 = arith.constant 3 : i32
      %dma_start3A_59 = arith.constant 0 : i32
      %dma_start3A_60 = arith.constant 0 : i32
      %dma_start3A_61 = tpu.memref_slice %arg9[%dma_start3A_58, %dma_start3A_59, %dma_start3A_60] : memref<8x128x16xf32, #tpu.memory_space<vmem>> -> memref<1x128x16xf32, #tpu.memory_space<vmem>>
      %dma_start3A_62 = tpu.memref_squeeze %dma_start3A_61 : memref<1x128x16xf32, #tpu.memory_space<vmem>> -> memref<128x16xf32, #tpu.memory_space<vmem>>
      %dma_start3A_63 = arith.constant 0 : i32
      %dma_start3A_64 = tpu.memref_slice %arg7[%add3A_57, %dma_start3A_63] : memref<80x128xi32, #tpu.memory_space<vmem>> -> memref<1x128xi32, #tpu.memory_space<vmem>>
      %dma_start3A_65 = tpu.memref_squeeze %dma_start3A_64 : memref<1x128xi32, #tpu.memory_space<vmem>> -> memref<128xi32, #tpu.memory_space<vmem>>
      %dma_start3A_66 = arith.constant 0 : i32
      %dma_start3A_67 = arith.constant 0 : i32
      %dma_start3A_68 = tpu.memref_slice %arg2[%dma_start3A_66, %dma_start3A_67] : memref<10240x16xf32, #tpu.memory_space<hbm>> -> memref<10240x16xf32, #tpu.memory_space<hbm>>
      tpu.enqueue_indirect_dma source(%dma_start3A_68 : memref<10240x16xf32, #tpu.memory_space<hbm>>) target(%dma_start3A_62 : memref<128x16xf32, #tpu.memory_space<vmem>>) offsets(%dma_start3A_65 : memref<128xi32, #tpu.memory_space<vmem>>) semaphore(%arg11 : memref<!tpu.dma_semaphore, #tpu.memory_space<semaphore_mem>>)
      %mul3A_69 = arith.constant 8 : i32
      %mul3A_70 = arith.muli %scan3A_9, %mul3A_69 : i32
      %add3A_71 = arith.constant 4 : i32
      %add3A_72 = arith.addi %mul3A_70, %add3A_71 : i32
      %dma_start3A_73 = arith.constant 4 : i32
      %dma_start3A_74 = arith.constant 0 : i32
      %dma_start3A_75 = arith.constant 0 : i32
      %dma_start3A_76 = tpu.memref_slice %arg9[%dma_start3A_73, %dma_start3A_74, %dma_start3A_75] : memref<8x128x16xf32, #tpu.memory_space<vmem>> -> memref<1x128x16xf32, #tpu.memory_space<vmem>>
      %dma_start3A_77 = tpu.memref_squeeze %dma_start3A_76 : memref<1x128x16xf32, #tpu.memory_space<vmem>> -> memref<128x16xf32, #tpu.memory_space<vmem>>
      %dma_start3A_78 = arith.constant 0 : i32
      %dma_start3A_79 = tpu.memref_slice %arg7[%add3A_72, %dma_start3A_78] : memref<80x128xi32, #tpu.memory_space<vmem>> -> memref<1x128xi32, #tpu.memory_space<vmem>>
      %dma_start3A_80 = tpu.memref_squeeze %dma_start3A_79 : memref<1x128xi32, #tpu.memory_space<vmem>> -> memref<128xi32, #tpu.memory_space<vmem>>
      %dma_start3A_81 = arith.constant 0 : i32
      %dma_start3A_82 = arith.constant 0 : i32
      %dma_start3A_83 = tpu.memref_slice %arg2[%dma_start3A_81, %dma_start3A_82] : memref<10240x16xf32, #tpu.memory_space<hbm>> -> memref<10240x16xf32, #tpu.memory_space<hbm>>
      tpu.enqueue_indirect_dma source(%dma_start3A_83 : memref<10240x16xf32, #tpu.memory_space<hbm>>) target(%dma_start3A_77 : memref<128x16xf32, #tpu.memory_space<vmem>>) offsets(%dma_start3A_80 : memref<128xi32, #tpu.memory_space<vmem>>) semaphore(%arg11 : memref<!tpu.dma_semaphore, #tpu.memory_space<semaphore_mem>>)
      %mul3A_84 = arith.constant 8 : i32
      %mul3A_85 = arith.muli %scan3A_9, %mul3A_84 : i32
      %add3A_86 = arith.constant 5 : i32
      %add3A_87 = arith.addi %mul3A_85, %add3A_86 : i32
      %dma_start3A_88 = arith.constant 5 : i32
      %dma_start3A_89 = arith.constant 0 : i32
      %dma_start3A_90 = arith.constant 0 : i32
      %dma_start3A_91 = tpu.memref_slice %arg9[%dma_start3A_88, %dma_start3A_89, %dma_start3A_90] : memref<8x128x16xf32, #tpu.memory_space<vmem>> -> memref<1x128x16xf32, #tpu.memory_space<vmem>>
      %dma_start3A_92 = tpu.memref_squeeze %dma_start3A_91 : memref<1x128x16xf32, #tpu.memory_space<vmem>> -> memref<128x16xf32, #tpu.memory_space<vmem>>
      %dma_start3A_93 = arith.constant 0 : i32
      %dma_start3A_94 = tpu.memref_slice %arg7[%add3A_87, %dma_start3A_93] : memref<80x128xi32, #tpu.memory_space<vmem>> -> memref<1x128xi32, #tpu.memory_space<vmem>>
      %dma_start3A_95 = tpu.memref_squeeze %dma_start3A_94 : memref<1x128xi32, #tpu.memory_space<vmem>> -> memref<128xi32, #tpu.memory_space<vmem>>
      %dma_start3A_96 = arith.constant 0 : i32
      %dma_start3A_97 = arith.constant 0 : i32
      %dma_start3A_98 = tpu.memref_slice %arg2[%dma_start3A_96, %dma_start3A_97] : memref<10240x16xf32, #tpu.memory_space<hbm>> -> memref<10240x16xf32, #tpu.memory_space<hbm>>
      tpu.enqueue_indirect_dma source(%dma_start3A_98 : memref<10240x16xf32, #tpu.memory_space<hbm>>) target(%dma_start3A_92 : memref<128x16xf32, #tpu.memory_space<vmem>>) offsets(%dma_start3A_95 : memref<128xi32, #tpu.memory_space<vmem>>) semaphore(%arg11 : memref<!tpu.dma_semaphore, #tpu.memory_space<semaphore_mem>>)
      %mul3A_99 = arith.constant 8 : i32
      %mul3A_100 = arith.muli %scan3A_9, %mul3A_99 : i32
      %add3A_101 = arith.constant 6 : i32
      %add3A_102 = arith.addi %mul3A_100, %add3A_101 : i32
      %dma_start3A_103 = arith.constant 6 : i32
      %dma_start3A_104 = arith.constant 0 : i32
      %dma_start3A_105 = arith.constant 0 : i32
      %dma_start3A_106 = tpu.memref_slice %arg9[%dma_start3A_103, %dma_start3A_104, %dma_start3A_105] : memref<8x128x16xf32, #tpu.memory_space<vmem>> -> memref<1x128x16xf32, #tpu.memory_space<vmem>>
      %dma_start3A_107 = tpu.memref_squeeze %dma_start3A_106 : memref<1x128x16xf32, #tpu.memory_space<vmem>> -> memref<128x16xf32, #tpu.memory_space<vmem>>
      %dma_start3A_108 = arith.constant 0 : i32
      %dma_start3A_109 = tpu.memref_slice %arg7[%add3A_102, %dma_start3A_108] : memref<80x128xi32, #tpu.memory_space<vmem>> -> memref<1x128xi32, #tpu.memory_space<vmem>>
      %dma_start3A_110 = tpu.memref_squeeze %dma_start3A_109 : memref<1x128xi32, #tpu.memory_space<vmem>> -> memref<128xi32, #tpu.memory_space<vmem>>
      %dma_start3A_111 = arith.constant 0 : i32
      %dma_start3A_112 = arith.constant 0 : i32
      %dma_start3A_113 = tpu.memref_slice %arg2[%dma_start3A_111, %dma_start3A_112] : memref<10240x16xf32, #tpu.memory_space<hbm>> -> memref<10240x16xf32, #tpu.memory_space<hbm>>
      tpu.enqueue_indirect_dma source(%dma_start3A_113 : memref<10240x16xf32, #tpu.memory_space<hbm>>) target(%dma_start3A_107 : memref<128x16xf32, #tpu.memory_space<vmem>>) offsets(%dma_start3A_110 : memref<128xi32, #tpu.memory_space<vmem>>) semaphore(%arg11 : memref<!tpu.dma_semaphore, #tpu.memory_space<semaphore_mem>>)
      %mul3A_114 = arith.constant 8 : i32
      %mul3A_115 = arith.muli %scan3A_9, %mul3A_114 : i32
      %add3A_116 = arith.constant 7 : i32
      %add3A_117 = arith.addi %mul3A_115, %add3A_116 : i32
      %dma_start3A_118 = arith.constant 7 : i32
      %dma_start3A_119 = arith.constant 0 : i32
      %dma_start3A_120 = arith.constant 0 : i32
      %dma_start3A_121 = tpu.memref_slice %arg9[%dma_start3A_118, %dma_start3A_119, %dma_start3A_120] : memref<8x128x16xf32, #tpu.memory_space<vmem>> -> memref<1x128x16xf32, #tpu.memory_space<vmem>>
      %dma_start3A_122 = tpu.memref_squeeze %dma_start3A_121 : memref<1x128x16xf32, #tpu.memory_space<vmem>> -> memref<128x16xf32, #tpu.memory_space<vmem>>
      %dma_start3A_123 = arith.constant 0 : i32
      %dma_start3A_124 = tpu.memref_slice %arg7[%add3A_117, %dma_start3A_123] : memref<80x128xi32, #tpu.memory_space<vmem>> -> memref<1x128xi32, #tpu.memory_space<vmem>>
      %dma_start3A_125 = tpu.memref_squeeze %dma_start3A_124 : memref<1x128xi32, #tpu.memory_space<vmem>> -> memref<128xi32, #tpu.memory_space<vmem>>
      %dma_start3A_126 = arith.constant 0 : i32
      %dma_start3A_127 = arith.constant 0 : i32
      %dma_start3A_128 = tpu.memref_slice %arg2[%dma_start3A_126, %dma_start3A_127] : memref<10240x16xf32, #tpu.memory_space<hbm>> -> memref<10240x16xf32, #tpu.memory_space<hbm>>
      tpu.enqueue_indirect_dma source(%dma_start3A_128 : memref<10240x16xf32, #tpu.memory_space<hbm>>) target(%dma_start3A_122 : memref<128x16xf32, #tpu.memory_space<vmem>>) offsets(%dma_start3A_125 : memref<128xi32, #tpu.memory_space<vmem>>) semaphore(%arg11 : memref<!tpu.dma_semaphore, #tpu.memory_space<semaphore_mem>>)
      %mul3A_129 = arith.constant 8 : i32
      %mul3A_130 = arith.muli %scan3A_9, %mul3A_129 : i32
      %add3A_131 = arith.constant 0 : i32
      %add3A_132 = arith.addi %mul3A_130, %add3A_131 : i32
      %dma_wait3A = arith.constant 0 : i32
      %dma_wait3A_133 = arith.constant 0 : i32
      %dma_wait3A_134 = arith.constant 0 : i32
      %dma_wait3A_135 = tpu.memref_slice %arg9[%dma_wait3A, %dma_wait3A_133, %dma_wait3A_134] : memref<8x128x16xf32, #tpu.memory_space<vmem>> -> memref<1x128x16xf32, #tpu.memory_space<vmem>>
      %dma_wait3A_136 = tpu.memref_squeeze %dma_wait3A_135 : memref<1x128x16xf32, #tpu.memory_space<vmem>> -> memref<128x16xf32, #tpu.memory_space<vmem>>
      %dma_wait3A_137 = arith.constant 0 : i32
      %dma_wait3A_138 = tpu.memref_slice %arg7[%add3A_132, %dma_wait3A_137] : memref<80x128xi32, #tpu.memory_space<vmem>> -> memref<1x128xi32, #tpu.memory_space<vmem>>
      %dma_wait3A_139 = tpu.memref_squeeze %dma_wait3A_138 : memref<1x128xi32, #tpu.memory_space<vmem>> -> memref<128xi32, #tpu.memory_space<vmem>>
      %dma_wait3A_140 = arith.constant 0 : i32
      %dma_wait3A_141 = arith.constant 0 : i32
      %dma_wait3A_142 = tpu.memref_slice %arg2[%dma_wait3A_140, %dma_wait3A_141] : memref<10240x16xf32, #tpu.memory_space<hbm>> -> memref<10240x16xf32, #tpu.memory_space<hbm>>
      tpu.wait_indirect_dma semaphore(%arg11 : memref<!tpu.dma_semaphore, #tpu.memory_space<semaphore_mem>>) src(%dma_wait3A_142 : memref<10240x16xf32, #tpu.memory_space<hbm>>) dst(%dma_wait3A_136 : memref<128x16xf32, #tpu.memory_space<vmem>>)
      %mul3A_143 = arith.constant 8 : i32
      %mul3A_144 = arith.muli %scan3A_9, %mul3A_143 : i32
      %add3A_145 = arith.constant 1 : i32
      %add3A_146 = arith.addi %mul3A_144, %add3A_145 : i32
      %dma_wait3A_147 = arith.constant 1 : i32
      %dma_wait3A_148 = arith.constant 0 : i32
      %dma_wait3A_149 = arith.constant 0 : i32
      %dma_wait3A_150 = tpu.memref_slice %arg9[%dma_wait3A_147, %dma_wait3A_148, %dma_wait3A_149] : memref<8x128x16xf32, #tpu.memory_space<vmem>> -> memref<1x128x16xf32, #tpu.memory_space<vmem>>
      %dma_wait3A_151 = tpu.memref_squeeze %dma_wait3A_150 : memref<1x128x16xf32, #tpu.memory_space<vmem>> -> memref<128x16xf32, #tpu.memory_space<vmem>>
      %dma_wait3A_152 = arith.constant 0 : i32
      %dma_wait3A_153 = tpu.memref_slice %arg7[%add3A_146, %dma_wait3A_152] : memref<80x128xi32, #tpu.memory_space<vmem>> -> memref<1x128xi32, #tpu.memory_space<vmem>>
      %dma_wait3A_154 = tpu.memref_squeeze %dma_wait3A_153 : memref<1x128xi32, #tpu.memory_space<vmem>> -> memref<128xi32, #tpu.memory_space<vmem>>
      %dma_wait3A_155 = arith.constant 0 : i32
      %dma_wait3A_156 = arith.constant 0 : i32
      %dma_wait3A_157 = tpu.memref_slice %arg2[%dma_wait3A_155, %dma_wait3A_156] : memref<10240x16xf32, #tpu.memory_space<hbm>> -> memref<10240x16xf32, #tpu.memory_space<hbm>>
      tpu.wait_indirect_dma semaphore(%arg11 : memref<!tpu.dma_semaphore, #tpu.memory_space<semaphore_mem>>) src(%dma_wait3A_157 : memref<10240x16xf32, #tpu.memory_space<hbm>>) dst(%dma_wait3A_151 : memref<128x16xf32, #tpu.memory_space<vmem>>)
      %mul3A_158 = arith.constant 8 : i32
      %mul3A_159 = arith.muli %scan3A_9, %mul3A_158 : i32
      %add3A_160 = arith.constant 2 : i32
      %add3A_161 = arith.addi %mul3A_159, %add3A_160 : i32
      %dma_wait3A_162 = arith.constant 2 : i32
      %dma_wait3A_163 = arith.constant 0 : i32
      %dma_wait3A_164 = arith.constant 0 : i32
      %dma_wait3A_165 = tpu.memref_slice %arg9[%dma_wait3A_162, %dma_wait3A_163, %dma_wait3A_164] : memref<8x128x16xf32, #tpu.memory_space<vmem>> -> memref<1x128x16xf32, #tpu.memory_space<vmem>>
      %dma_wait3A_166 = tpu.memref_squeeze %dma_wait3A_165 : memref<1x128x16xf32, #tpu.memory_space<vmem>> -> memref<128x16xf32, #tpu.memory_space<vmem>>
      %dma_wait3A_167 = arith.constant 0 : i32
      %dma_wait3A_168 = tpu.memref_slice %arg7[%add3A_161, %dma_wait3A_167] : memref<80x128xi32, #tpu.memory_space<vmem>> -> memref<1x128xi32, #tpu.memory_space<vmem>>
      %dma_wait3A_169 = tpu.memref_squeeze %dma_wait3A_168 : memref<1x128xi32, #tpu.memory_space<vmem>> -> memref<128xi32, #tpu.memory_space<vmem>>
      %dma_wait3A_170 = arith.constant 0 : i32
      %dma_wait3A_171 = arith.constant 0 : i32
      %dma_wait3A_172 = tpu.memref_slice %arg2[%dma_wait3A_170, %dma_wait3A_171] : memref<10240x16xf32, #tpu.memory_space<hbm>> -> memref<10240x16xf32, #tpu.memory_space<hbm>>
      tpu.wait_indirect_dma semaphore(%arg11 : memref<!tpu.dma_semaphore, #tpu.memory_space<semaphore_mem>>) src(%dma_wait3A_172 : memref<10240x16xf32, #tpu.memory_space<hbm>>) dst(%dma_wait3A_166 : memref<128x16xf32, #tpu.memory_space<vmem>>)
      %mul3A_173 = arith.constant 8 : i32
      %mul3A_174 = arith.muli %scan3A_9, %mul3A_173 : i32
      %add3A_175 = arith.constant 3 : i32
      %add3A_176 = arith.addi %mul3A_174, %add3A_175 : i32
      %dma_wait3A_177 = arith.constant 3 : i32
      %dma_wait3A_178 = arith.constant 0 : i32
      %dma_wait3A_179 = arith.constant 0 : i32
      %dma_wait3A_180 = tpu.memref_slice %arg9[%dma_wait3A_177, %dma_wait3A_178, %dma_wait3A_179] : memref<8x128x16xf32, #tpu.memory_space<vmem>> -> memref<1x128x16xf32, #tpu.memory_space<vmem>>
      %dma_wait3A_181 = tpu.memref_squeeze %dma_wait3A_180 : memref<1x128x16xf32, #tpu.memory_space<vmem>> -> memref<128x16xf32, #tpu.memory_space<vmem>>
      %dma_wait3A_182 = arith.constant 0 : i32
      %dma_wait3A_183 = tpu.memref_slice %arg7[%add3A_176, %dma_wait3A_182] : memref<80x128xi32, #tpu.memory_space<vmem>> -> memref<1x128xi32, #tpu.memory_space<vmem>>
      %dma_wait3A_184 = tpu.memref_squeeze %dma_wait3A_183 : memref<1x128xi32, #tpu.memory_space<vmem>> -> memref<128xi32, #tpu.memory_space<vmem>>
      %dma_wait3A_185 = arith.constant 0 : i32
      %dma_wait3A_186 = arith.constant 0 : i32
      %dma_wait3A_187 = tpu.memref_slice %arg2[%dma_wait3A_185, %dma_wait3A_186] : memref<10240x16xf32, #tpu.memory_space<hbm>> -> memref<10240x16xf32, #tpu.memory_space<hbm>>
      tpu.wait_indirect_dma semaphore(%arg11 : memref<!tpu.dma_semaphore, #tpu.memory_space<semaphore_mem>>) src(%dma_wait3A_187 : memref<10240x16xf32, #tpu.memory_space<hbm>>) dst(%dma_wait3A_181 : memref<128x16xf32, #tpu.memory_space<vmem>>)
      %mul3A_188 = arith.constant 8 : i32
      %mul3A_189 = arith.muli %scan3A_9, %mul3A_188 : i32
      %add3A_190 = arith.constant 4 : i32
      %add3A_191 = arith.addi %mul3A_189, %add3A_190 : i32
      %dma_wait3A_192 = arith.constant 4 : i32
      %dma_wait3A_193 = arith.constant 0 : i32
      %dma_wait3A_194 = arith.constant 0 : i32
      %dma_wait3A_195 = tpu.memref_slice %arg9[%dma_wait3A_192, %dma_wait3A_193, %dma_wait3A_194] : memref<8x128x16xf32, #tpu.memory_space<vmem>> -> memref<1x128x16xf32, #tpu.memory_space<vmem>>
      %dma_wait3A_196 = tpu.memref_squeeze %dma_wait3A_195 : memref<1x128x16xf32, #tpu.memory_space<vmem>> -> memref<128x16xf32, #tpu.memory_space<vmem>>
      %dma_wait3A_197 = arith.constant 0 : i32
      %dma_wait3A_198 = tpu.memref_slice %arg7[%add3A_191, %dma_wait3A_197] : memref<80x128xi32, #tpu.memory_space<vmem>> -> memref<1x128xi32, #tpu.memory_space<vmem>>
      %dma_wait3A_199 = tpu.memref_squeeze %dma_wait3A_198 : memref<1x128xi32, #tpu.memory_space<vmem>> -> memref<128xi32, #tpu.memory_space<vmem>>
      %dma_wait3A_200 = arith.constant 0 : i32
      %dma_wait3A_201 = arith.constant 0 : i32
      %dma_wait3A_202 = tpu.memref_slice %arg2[%dma_wait3A_200, %dma_wait3A_201] : memref<10240x16xf32, #tpu.memory_space<hbm>> -> memref<10240x16xf32, #tpu.memory_space<hbm>>
      tpu.wait_indirect_dma semaphore(%arg11 : memref<!tpu.dma_semaphore, #tpu.memory_space<semaphore_mem>>) src(%dma_wait3A_202 : memref<10240x16xf32, #tpu.memory_space<hbm>>) dst(%dma_wait3A_196 : memref<128x16xf32, #tpu.memory_space<vmem>>)
      %mul3A_203 = arith.constant 8 : i32
      %mul3A_204 = arith.muli %scan3A_9, %mul3A_203 : i32
      %add3A_205 = arith.constant 5 : i32
      %add3A_206 = arith.addi %mul3A_204, %add3A_205 : i32
      %dma_wait3A_207 = arith.constant 5 : i32
      %dma_wait3A_208 = arith.constant 0 : i32
      %dma_wait3A_209 = arith.constant 0 : i32
      %dma_wait3A_210 = tpu.memref_slice %arg9[%dma_wait3A_207, %dma_wait3A_208, %dma_wait3A_209] : memref<8x128x16xf32, #tpu.memory_space<vmem>> -> memref<1x128x16xf32, #tpu.memory_space<vmem>>
      %dma_wait3A_211 = tpu.memref_squeeze %dma_wait3A_210 : memref<1x128x16xf32, #tpu.memory_space<vmem>> -> memref<128x16xf32, #tpu.memory_space<vmem>>
      %dma_wait3A_212 = arith.constant 0 : i32
      %dma_wait3A_213 = tpu.memref_slice %arg7[%add3A_206, %dma_wait3A_212] : memref<80x128xi32, #tpu.memory_space<vmem>> -> memref<1x128xi32, #tpu.memory_space<vmem>>
      %dma_wait3A_214 = tpu.memref_squeeze %dma_wait3A_213 : memref<1x128xi32, #tpu.memory_space<vmem>> -> memref<128xi32, #tpu.memory_space<vmem>>
      %dma_wait3A_215 = arith.constant 0 : i32
      %dma_wait3A_216 = arith.constant 0 : i32
      %dma_wait3A_217 = tpu.memref_slice %arg2[%dma_wait3A_215, %dma_wait3A_216] : memref<10240x16xf32, #tpu.memory_space<hbm>> -> memref<10240x16xf32, #tpu.memory_space<hbm>>
      tpu.wait_indirect_dma semaphore(%arg11 : memref<!tpu.dma_semaphore, #tpu.memory_space<semaphore_mem>>) src(%dma_wait3A_217 : memref<10240x16xf32, #tpu.memory_space<hbm>>) dst(%dma_wait3A_211 : memref<128x16xf32, #tpu.memory_space<vmem>>)
      %mul3A_218 = arith.constant 8 : i32
      %mul3A_219 = arith.muli %scan3A_9, %mul3A_218 : i32
      %add3A_220 = arith.constant 6 : i32
      %add3A_221 = arith.addi %mul3A_219, %add3A_220 : i32
      %dma_wait3A_222 = arith.constant 6 : i32
      %dma_wait3A_223 = arith.constant 0 : i32
      %dma_wait3A_224 = arith.constant 0 : i32
      %dma_wait3A_225 = tpu.memref_slice %arg9[%dma_wait3A_222, %dma_wait3A_223, %dma_wait3A_224] : memref<8x128x16xf32, #tpu.memory_space<vmem>> -> memref<1x128x16xf32, #tpu.memory_space<vmem>>
      %dma_wait3A_226 = tpu.memref_squeeze %dma_wait3A_225 : memref<1x128x16xf32, #tpu.memory_space<vmem>> -> memref<128x16xf32, #tpu.memory_space<vmem>>
      %dma_wait3A_227 = arith.constant 0 : i32
      %dma_wait3A_228 = tpu.memref_slice %arg7[%add3A_221, %dma_wait3A_227] : memref<80x128xi32, #tpu.memory_space<vmem>> -> memref<1x128xi32, #tpu.memory_space<vmem>>
      %dma_wait3A_229 = tpu.memref_squeeze %dma_wait3A_228 : memref<1x128xi32, #tpu.memory_space<vmem>> -> memref<128xi32, #tpu.memory_space<vmem>>
      %dma_wait3A_230 = arith.constant 0 : i32
      %dma_wait3A_231 = arith.constant 0 : i32
      %dma_wait3A_232 = tpu.memref_slice %arg2[%dma_wait3A_230, %dma_wait3A_231] : memref<10240x16xf32, #tpu.memory_space<hbm>> -> memref<10240x16xf32, #tpu.memory_space<hbm>>
      tpu.wait_indirect_dma semaphore(%arg11 : memref<!tpu.dma_semaphore, #tpu.memory_space<semaphore_mem>>) src(%dma_wait3A_232 : memref<10240x16xf32, #tpu.memory_space<hbm>>) dst(%dma_wait3A_226 : memref<128x16xf32, #tpu.memory_space<vmem>>)
      %mul3A_233 = arith.constant 8 : i32
      %mul3A_234 = arith.muli %scan3A_9, %mul3A_233 : i32
      %add3A_235 = arith.constant 7 : i32
      %add3A_236 = arith.addi %mul3A_234, %add3A_235 : i32
      %dma_wait3A_237 = arith.constant 7 : i32
      %dma_wait3A_238 = arith.constant 0 : i32
      %dma_wait3A_239 = arith.constant 0 : i32
      %dma_wait3A_240 = tpu.memref_slice %arg9[%dma_wait3A_237, %dma_wait3A_238, %dma_wait3A_239] : memref<8x128x16xf32, #tpu.memory_space<vmem>> -> memref<1x128x16xf32, #tpu.memory_space<vmem>>
      %dma_wait3A_241 = tpu.memref_squeeze %dma_wait3A_240 : memref<1x128x16xf32, #tpu.memory_space<vmem>> -> memref<128x16xf32, #tpu.memory_space<vmem>>
      %dma_wait3A_242 = arith.constant 0 : i32
      %dma_wait3A_243 = tpu.memref_slice %arg7[%add3A_236, %dma_wait3A_242] : memref<80x128xi32, #tpu.memory_space<vmem>> -> memref<1x128xi32, #tpu.memory_space<vmem>>
      %dma_wait3A_244 = tpu.memref_squeeze %dma_wait3A_243 : memref<1x128xi32, #tpu.memory_space<vmem>> -> memref<128xi32, #tpu.memory_space<vmem>>
      %dma_wait3A_245 = arith.constant 0 : i32
      %dma_wait3A_246 = arith.constant 0 : i32
      %dma_wait3A_247 = tpu.memref_slice %arg2[%dma_wait3A_245, %dma_wait3A_246] : memref<10240x16xf32, #tpu.memory_space<hbm>> -> memref<10240x16xf32, #tpu.memory_space<hbm>>
      tpu.wait_indirect_dma semaphore(%arg11 : memref<!tpu.dma_semaphore, #tpu.memory_space<semaphore_mem>>) src(%dma_wait3A_247 : memref<10240x16xf32, #tpu.memory_space<hbm>>) dst(%dma_wait3A_241 : memref<128x16xf32, #tpu.memory_space<vmem>>)
      %mul3A_248 = arith.constant 8 : i32
      %mul3A_249 = arith.muli %scan3A_9, %mul3A_248 : i32
      %add3A_250 = arith.constant 0 : i32
      %add3A_251 = arith.addi %mul3A_249, %add3A_250 : i32
      %dma_start3A_252 = arith.constant 0 : i32
      %dma_start3A_253 = arith.constant 0 : i32
      %dma_start3A_254 = arith.constant 0 : i32
      %dma_start3A_255 = tpu.memref_slice %arg9[%dma_start3A_252, %dma_start3A_253, %dma_start3A_254] : memref<8x128x16xf32, #tpu.memory_space<vmem>> -> memref<1x128x16xf32, #tpu.memory_space<vmem>>
      %dma_start3A_256 = tpu.memref_squeeze %dma_start3A_255 : memref<1x128x16xf32, #tpu.memory_space<vmem>> -> memref<128x16xf32, #tpu.memory_space<vmem>>
      %dma_start3A_257 = arith.constant 0 : i32
      %dma_start3A_258 = tpu.memref_slice %arg8[%add3A_251, %dma_start3A_257] : memref<80x128xi32, #tpu.memory_space<vmem>> -> memref<1x128xi32, #tpu.memory_space<vmem>>
      %dma_start3A_259 = tpu.memref_squeeze %dma_start3A_258 : memref<1x128xi32, #tpu.memory_space<vmem>> -> memref<128xi32, #tpu.memory_space<vmem>>
      %dma_start3A_260 = arith.constant 0 : i32
      %dma_start3A_261 = arith.constant 0 : i32
      %dma_start3A_262 = tpu.memref_slice %arg10[%dma_start3A_260, %dma_start3A_261] : memref<10240x16xf32, #tpu.memory_space<vmem_shared>> -> memref<10240x16xf32, #tpu.memory_space<vmem_shared>>
      tpu.enqueue_indirect_dma source(%dma_start3A_256 : memref<128x16xf32, #tpu.memory_space<vmem>>) target(%dma_start3A_262 : memref<10240x16xf32, #tpu.memory_space<vmem_shared>>) offsets(%dma_start3A_259 : memref<128xi32, #tpu.memory_space<vmem>>) semaphore(%arg12 : memref<!tpu.dma_semaphore, #tpu.memory_space<semaphore_mem>>) {add = true}
      %mul3A_263 = arith.constant 8 : i32
      %mul3A_264 = arith.muli %scan3A_9, %mul3A_263 : i32
      %add3A_265 = arith.constant 1 : i32
      %add3A_266 = arith.addi %mul3A_264, %add3A_265 : i32
      %dma_start3A_267 = arith.constant 1 : i32
      %dma_start3A_268 = arith.constant 0 : i32
      %dma_start3A_269 = arith.constant 0 : i32
      %dma_start3A_270 = tpu.memref_slice %arg9[%dma_start3A_267, %dma_start3A_268, %dma_start3A_269] : memref<8x128x16xf32, #tpu.memory_space<vmem>> -> memref<1x128x16xf32, #tpu.memory_space<vmem>>
      %dma_start3A_271 = tpu.memref_squeeze %dma_start3A_270 : memref<1x128x16xf32, #tpu.memory_space<vmem>> -> memref<128x16xf32, #tpu.memory_space<vmem>>
      %dma_start3A_272 = arith.constant 0 : i32
      %dma_start3A_273 = tpu.memref_slice %arg8[%add3A_266, %dma_start3A_272] : memref<80x128xi32, #tpu.memory_space<vmem>> -> memref<1x128xi32, #tpu.memory_space<vmem>>
      %dma_start3A_274 = tpu.memref_squeeze %dma_start3A_273 : memref<1x128xi32, #tpu.memory_space<vmem>> -> memref<128xi32, #tpu.memory_space<vmem>>
      %dma_start3A_275 = arith.constant 0 : i32
      %dma_start3A_276 = arith.constant 0 : i32
      %dma_start3A_277 = tpu.memref_slice %arg10[%dma_start3A_275, %dma_start3A_276] : memref<10240x16xf32, #tpu.memory_space<vmem_shared>> -> memref<10240x16xf32, #tpu.memory_space<vmem_shared>>
      tpu.enqueue_indirect_dma source(%dma_start3A_271 : memref<128x16xf32, #tpu.memory_space<vmem>>) target(%dma_start3A_277 : memref<10240x16xf32, #tpu.memory_space<vmem_shared>>) offsets(%dma_start3A_274 : memref<128xi32, #tpu.memory_space<vmem>>) semaphore(%arg12 : memref<!tpu.dma_semaphore, #tpu.memory_space<semaphore_mem>>) {add = true}
      %mul3A_278 = arith.constant 8 : i32
      %mul3A_279 = arith.muli %scan3A_9, %mul3A_278 : i32
      %add3A_280 = arith.constant 2 : i32
      %add3A_281 = arith.addi %mul3A_279, %add3A_280 : i32
      %dma_start3A_282 = arith.constant 2 : i32
      %dma_start3A_283 = arith.constant 0 : i32
      %dma_start3A_284 = arith.constant 0 : i32
      %dma_start3A_285 = tpu.memref_slice %arg9[%dma_start3A_282, %dma_start3A_283, %dma_start3A_284] : memref<8x128x16xf32, #tpu.memory_space<vmem>> -> memref<1x128x16xf32, #tpu.memory_space<vmem>>
      %dma_start3A_286 = tpu.memref_squeeze %dma_start3A_285 : memref<1x128x16xf32, #tpu.memory_space<vmem>> -> memref<128x16xf32, #tpu.memory_space<vmem>>
      %dma_start3A_287 = arith.constant 0 : i32
      %dma_start3A_288 = tpu.memref_slice %arg8[%add3A_281, %dma_start3A_287] : memref<80x128xi32, #tpu.memory_space<vmem>> -> memref<1x128xi32, #tpu.memory_space<vmem>>
      %dma_start3A_289 = tpu.memref_squeeze %dma_start3A_288 : memref<1x128xi32, #tpu.memory_space<vmem>> -> memref<128xi32, #tpu.memory_space<vmem>>
      %dma_start3A_290 = arith.constant 0 : i32
      %dma_start3A_291 = arith.constant 0 : i32
      %dma_start3A_292 = tpu.memref_slice %arg10[%dma_start3A_290, %dma_start3A_291] : memref<10240x16xf32, #tpu.memory_space<vmem_shared>> -> memref<10240x16xf32, #tpu.memory_space<vmem_shared>>
      tpu.enqueue_indirect_dma source(%dma_start3A_286 : memref<128x16xf32, #tpu.memory_space<vmem>>) target(%dma_start3A_292 : memref<10240x16xf32, #tpu.memory_space<vmem_shared>>) offsets(%dma_start3A_289 : memref<128xi32, #tpu.memory_space<vmem>>) semaphore(%arg12 : memref<!tpu.dma_semaphore, #tpu.memory_space<semaphore_mem>>) {add = true}
      %mul3A_293 = arith.constant 8 : i32
      %mul3A_294 = arith.muli %scan3A_9, %mul3A_293 : i32
      %add3A_295 = arith.constant 3 : i32
      %add3A_296 = arith.addi %mul3A_294, %add3A_295 : i32
      %dma_start3A_297 = arith.constant 3 : i32
      %dma_start3A_298 = arith.constant 0 : i32
      %dma_start3A_299 = arith.constant 0 : i32
      %dma_start3A_300 = tpu.memref_slice %arg9[%dma_start3A_297, %dma_start3A_298, %dma_start3A_299] : memref<8x128x16xf32, #tpu.memory_space<vmem>> -> memref<1x128x16xf32, #tpu.memory_space<vmem>>
      %dma_start3A_301 = tpu.memref_squeeze %dma_start3A_300 : memref<1x128x16xf32, #tpu.memory_space<vmem>> -> memref<128x16xf32, #tpu.memory_space<vmem>>
      %dma_start3A_302 = arith.constant 0 : i32
      %dma_start3A_303 = tpu.memref_slice %arg8[%add3A_296, %dma_start3A_302] : memref<80x128xi32, #tpu.memory_space<vmem>> -> memref<1x128xi32, #tpu.memory_space<vmem>>
      %dma_start3A_304 = tpu.memref_squeeze %dma_start3A_303 : memref<1x128xi32, #tpu.memory_space<vmem>> -> memref<128xi32, #tpu.memory_space<vmem>>
      %dma_start3A_305 = arith.constant 0 : i32
      %dma_start3A_306 = arith.constant 0 : i32
      %dma_start3A_307 = tpu.memref_slice %arg10[%dma_start3A_305, %dma_start3A_306] : memref<10240x16xf32, #tpu.memory_space<vmem_shared>> -> memref<10240x16xf32, #tpu.memory_space<vmem_shared>>
      tpu.enqueue_indirect_dma source(%dma_start3A_301 : memref<128x16xf32, #tpu.memory_space<vmem>>) target(%dma_start3A_307 : memref<10240x16xf32, #tpu.memory_space<vmem_shared>>) offsets(%dma_start3A_304 : memref<128xi32, #tpu.memory_space<vmem>>) semaphore(%arg12 : memref<!tpu.dma_semaphore, #tpu.memory_space<semaphore_mem>>) {add = true}
      %mul3A_308 = arith.constant 8 : i32
      %mul3A_309 = arith.muli %scan3A_9, %mul3A_308 : i32
      %add3A_310 = arith.constant 4 : i32
      %add3A_311 = arith.addi %mul3A_309, %add3A_310 : i32
      %dma_start3A_312 = arith.constant 4 : i32
      %dma_start3A_313 = arith.constant 0 : i32
      %dma_start3A_314 = arith.constant 0 : i32
      %dma_start3A_315 = tpu.memref_slice %arg9[%dma_start3A_312, %dma_start3A_313, %dma_start3A_314] : memref<8x128x16xf32, #tpu.memory_space<vmem>> -> memref<1x128x16xf32, #tpu.memory_space<vmem>>
      %dma_start3A_316 = tpu.memref_squeeze %dma_start3A_315 : memref<1x128x16xf32, #tpu.memory_space<vmem>> -> memref<128x16xf32, #tpu.memory_space<vmem>>
      %dma_start3A_317 = arith.constant 0 : i32
      %dma_start3A_318 = tpu.memref_slice %arg8[%add3A_311, %dma_start3A_317] : memref<80x128xi32, #tpu.memory_space<vmem>> -> memref<1x128xi32, #tpu.memory_space<vmem>>
      %dma_start3A_319 = tpu.memref_squeeze %dma_start3A_318 : memref<1x128xi32, #tpu.memory_space<vmem>> -> memref<128xi32, #tpu.memory_space<vmem>>
      %dma_start3A_320 = arith.constant 0 : i32
      %dma_start3A_321 = arith.constant 0 : i32
      %dma_start3A_322 = tpu.memref_slice %arg10[%dma_start3A_320, %dma_start3A_321] : memref<10240x16xf32, #tpu.memory_space<vmem_shared>> -> memref<10240x16xf32, #tpu.memory_space<vmem_shared>>
      tpu.enqueue_indirect_dma source(%dma_start3A_316 : memref<128x16xf32, #tpu.memory_space<vmem>>) target(%dma_start3A_322 : memref<10240x16xf32, #tpu.memory_space<vmem_shared>>) offsets(%dma_start3A_319 : memref<128xi32, #tpu.memory_space<vmem>>) semaphore(%arg12 : memref<!tpu.dma_semaphore, #tpu.memory_space<semaphore_mem>>) {add = true}
      %mul3A_323 = arith.constant 8 : i32
      %mul3A_324 = arith.muli %scan3A_9, %mul3A_323 : i32
      %add3A_325 = arith.constant 5 : i32
      %add3A_326 = arith.addi %mul3A_324, %add3A_325 : i32
      %dma_start3A_327 = arith.constant 5 : i32
      %dma_start3A_328 = arith.constant 0 : i32
      %dma_start3A_329 = arith.constant 0 : i32
      %dma_start3A_330 = tpu.memref_slice %arg9[%dma_start3A_327, %dma_start3A_328, %dma_start3A_329] : memref<8x128x16xf32, #tpu.memory_space<vmem>> -> memref<1x128x16xf32, #tpu.memory_space<vmem>>
      %dma_start3A_331 = tpu.memref_squeeze %dma_start3A_330 : memref<1x128x16xf32, #tpu.memory_space<vmem>> -> memref<128x16xf32, #tpu.memory_space<vmem>>
      %dma_start3A_332 = arith.constant 0 : i32
      %dma_start3A_333 = tpu.memref_slice %arg8[%add3A_326, %dma_start3A_332] : memref<80x128xi32, #tpu.memory_space<vmem>> -> memref<1x128xi32, #tpu.memory_space<vmem>>
      %dma_start3A_334 = tpu.memref_squeeze %dma_start3A_333 : memref<1x128xi32, #tpu.memory_space<vmem>> -> memref<128xi32, #tpu.memory_space<vmem>>
      %dma_start3A_335 = arith.constant 0 : i32
      %dma_start3A_336 = arith.constant 0 : i32
      %dma_start3A_337 = tpu.memref_slice %arg10[%dma_start3A_335, %dma_start3A_336] : memref<10240x16xf32, #tpu.memory_space<vmem_shared>> -> memref<10240x16xf32, #tpu.memory_space<vmem_shared>>
      tpu.enqueue_indirect_dma source(%dma_start3A_331 : memref<128x16xf32, #tpu.memory_space<vmem>>) target(%dma_start3A_337 : memref<10240x16xf32, #tpu.memory_space<vmem_shared>>) offsets(%dma_start3A_334 : memref<128xi32, #tpu.memory_space<vmem>>) semaphore(%arg12 : memref<!tpu.dma_semaphore, #tpu.memory_space<semaphore_mem>>) {add = true}
      %mul3A_338 = arith.constant 8 : i32
      %mul3A_339 = arith.muli %scan3A_9, %mul3A_338 : i32
      %add3A_340 = arith.constant 6 : i32
      %add3A_341 = arith.addi %mul3A_339, %add3A_340 : i32
      %dma_start3A_342 = arith.constant 6 : i32
      %dma_start3A_343 = arith.constant 0 : i32
      %dma_start3A_344 = arith.constant 0 : i32
      %dma_start3A_345 = tpu.memref_slice %arg9[%dma_start3A_342, %dma_start3A_343, %dma_start3A_344] : memref<8x128x16xf32, #tpu.memory_space<vmem>> -> memref<1x128x16xf32, #tpu.memory_space<vmem>>
      %dma_start3A_346 = tpu.memref_squeeze %dma_start3A_345 : memref<1x128x16xf32, #tpu.memory_space<vmem>> -> memref<128x16xf32, #tpu.memory_space<vmem>>
      %dma_start3A_347 = arith.constant 0 : i32
      %dma_start3A_348 = tpu.memref_slice %arg8[%add3A_341, %dma_start3A_347] : memref<80x128xi32, #tpu.memory_space<vmem>> -> memref<1x128xi32, #tpu.memory_space<vmem>>
      %dma_start3A_349 = tpu.memref_squeeze %dma_start3A_348 : memref<1x128xi32, #tpu.memory_space<vmem>> -> memref<128xi32, #tpu.memory_space<vmem>>
      %dma_start3A_350 = arith.constant 0 : i32
      %dma_start3A_351 = arith.constant 0 : i32
      %dma_start3A_352 = tpu.memref_slice %arg10[%dma_start3A_350, %dma_start3A_351] : memref<10240x16xf32, #tpu.memory_space<vmem_shared>> -> memref<10240x16xf32, #tpu.memory_space<vmem_shared>>
      tpu.enqueue_indirect_dma source(%dma_start3A_346 : memref<128x16xf32, #tpu.memory_space<vmem>>) target(%dma_start3A_352 : memref<10240x16xf32, #tpu.memory_space<vmem_shared>>) offsets(%dma_start3A_349 : memref<128xi32, #tpu.memory_space<vmem>>) semaphore(%arg12 : memref<!tpu.dma_semaphore, #tpu.memory_space<semaphore_mem>>) {add = true}
      %mul3A_353 = arith.constant 8 : i32
      %mul3A_354 = arith.muli %scan3A_9, %mul3A_353 : i32
      %add3A_355 = arith.constant 7 : i32
      %add3A_356 = arith.addi %mul3A_354, %add3A_355 : i32
      %dma_start3A_357 = arith.constant 7 : i32
      %dma_start3A_358 = arith.constant 0 : i32
      %dma_start3A_359 = arith.constant 0 : i32
      %dma_start3A_360 = tpu.memref_slice %arg9[%dma_start3A_357, %dma_start3A_358, %dma_start3A_359] : memref<8x128x16xf32, #tpu.memory_space<vmem>> -> memref<1x128x16xf32, #tpu.memory_space<vmem>>
      %dma_start3A_361 = tpu.memref_squeeze %dma_start3A_360 : memref<1x128x16xf32, #tpu.memory_space<vmem>> -> memref<128x16xf32, #tpu.memory_space<vmem>>
      %dma_start3A_362 = arith.constant 0 : i32
      %dma_start3A_363 = tpu.memref_slice %arg8[%add3A_356, %dma_start3A_362] : memref<80x128xi32, #tpu.memory_space<vmem>> -> memref<1x128xi32, #tpu.memory_space<vmem>>
      %dma_start3A_364 = tpu.memref_squeeze %dma_start3A_363 : memref<1x128xi32, #tpu.memory_space<vmem>> -> memref<128xi32, #tpu.memory_space<vmem>>
      %dma_start3A_365 = arith.constant 0 : i32
      %dma_start3A_366 = arith.constant 0 : i32
      %dma_start3A_367 = tpu.memref_slice %arg10[%dma_start3A_365, %dma_start3A_366] : memref<10240x16xf32, #tpu.memory_space<vmem_shared>> -> memref<10240x16xf32, #tpu.memory_space<vmem_shared>>
      tpu.enqueue_indirect_dma source(%dma_start3A_361 : memref<128x16xf32, #tpu.memory_space<vmem>>) target(%dma_start3A_367 : memref<10240x16xf32, #tpu.memory_space<vmem_shared>>) offsets(%dma_start3A_364 : memref<128xi32, #tpu.memory_space<vmem>>) semaphore(%arg12 : memref<!tpu.dma_semaphore, #tpu.memory_space<semaphore_mem>>) {add = true}
      %mul3A_368 = arith.constant 8 : i32
      %mul3A_369 = arith.muli %scan3A_9, %mul3A_368 : i32
      %add3A_370 = arith.constant 0 : i32
      %add3A_371 = arith.addi %mul3A_369, %add3A_370 : i32
      %dma_wait3A_372 = arith.constant 0 : i32
      %dma_wait3A_373 = arith.constant 0 : i32
      %dma_wait3A_374 = arith.constant 0 : i32
      %dma_wait3A_375 = tpu.memref_slice %arg9[%dma_wait3A_372, %dma_wait3A_373, %dma_wait3A_374] : memref<8x128x16xf32, #tpu.memory_space<vmem>> -> memref<1x128x16xf32, #tpu.memory_space<vmem>>
      %dma_wait3A_376 = tpu.memref_squeeze %dma_wait3A_375 : memref<1x128x16xf32, #tpu.memory_space<vmem>> -> memref<128x16xf32, #tpu.memory_space<vmem>>
      %dma_wait3A_377 = arith.constant 0 : i32
      %dma_wait3A_378 = tpu.memref_slice %arg8[%add3A_371, %dma_wait3A_377] : memref<80x128xi32, #tpu.memory_space<vmem>> -> memref<1x128xi32, #tpu.memory_space<vmem>>
      %dma_wait3A_379 = tpu.memref_squeeze %dma_wait3A_378 : memref<1x128xi32, #tpu.memory_space<vmem>> -> memref<128xi32, #tpu.memory_space<vmem>>
      %dma_wait3A_380 = arith.constant 0 : i32
      %dma_wait3A_381 = arith.constant 0 : i32
      %dma_wait3A_382 = tpu.memref_slice %arg10[%dma_wait3A_380, %dma_wait3A_381] : memref<10240x16xf32, #tpu.memory_space<vmem_shared>> -> memref<10240x16xf32, #tpu.memory_space<vmem_shared>>
      tpu.wait_indirect_dma semaphore(%arg12 : memref<!tpu.dma_semaphore, #tpu.memory_space<semaphore_mem>>) src(%dma_wait3A_376 : memref<128x16xf32, #tpu.memory_space<vmem>>) dst(%dma_wait3A_382 : memref<10240x16xf32, #tpu.memory_space<vmem_shared>>)
      %mul3A_383 = arith.constant 8 : i32
      %mul3A_384 = arith.muli %scan3A_9, %mul3A_383 : i32
      %add3A_385 = arith.constant 1 : i32
      %add3A_386 = arith.addi %mul3A_384, %add3A_385 : i32
      %dma_wait3A_387 = arith.constant 1 : i32
      %dma_wait3A_388 = arith.constant 0 : i32
      %dma_wait3A_389 = arith.constant 0 : i32
      %dma_wait3A_390 = tpu.memref_slice %arg9[%dma_wait3A_387, %dma_wait3A_388, %dma_wait3A_389] : memref<8x128x16xf32, #tpu.memory_space<vmem>> -> memref<1x128x16xf32, #tpu.memory_space<vmem>>
      %dma_wait3A_391 = tpu.memref_squeeze %dma_wait3A_390 : memref<1x128x16xf32, #tpu.memory_space<vmem>> -> memref<128x16xf32, #tpu.memory_space<vmem>>
      %dma_wait3A_392 = arith.constant 0 : i32
      %dma_wait3A_393 = tpu.memref_slice %arg8[%add3A_386, %dma_wait3A_392] : memref<80x128xi32, #tpu.memory_space<vmem>> -> memref<1x128xi32, #tpu.memory_space<vmem>>
      %dma_wait3A_394 = tpu.memref_squeeze %dma_wait3A_393 : memref<1x128xi32, #tpu.memory_space<vmem>> -> memref<128xi32, #tpu.memory_space<vmem>>
      %dma_wait3A_395 = arith.constant 0 : i32
      %dma_wait3A_396 = arith.constant 0 : i32
      %dma_wait3A_397 = tpu.memref_slice %arg10[%dma_wait3A_395, %dma_wait3A_396] : memref<10240x16xf32, #tpu.memory_space<vmem_shared>> -> memref<10240x16xf32, #tpu.memory_space<vmem_shared>>
      tpu.wait_indirect_dma semaphore(%arg12 : memref<!tpu.dma_semaphore, #tpu.memory_space<semaphore_mem>>) src(%dma_wait3A_391 : memref<128x16xf32, #tpu.memory_space<vmem>>) dst(%dma_wait3A_397 : memref<10240x16xf32, #tpu.memory_space<vmem_shared>>)
      %mul3A_398 = arith.constant 8 : i32
      %mul3A_399 = arith.muli %scan3A_9, %mul3A_398 : i32
      %add3A_400 = arith.constant 2 : i32
      %add3A_401 = arith.addi %mul3A_399, %add3A_400 : i32
      %dma_wait3A_402 = arith.constant 2 : i32
      %dma_wait3A_403 = arith.constant 0 : i32
      %dma_wait3A_404 = arith.constant 0 : i32
      %dma_wait3A_405 = tpu.memref_slice %arg9[%dma_wait3A_402, %dma_wait3A_403, %dma_wait3A_404] : memref<8x128x16xf32, #tpu.memory_space<vmem>> -> memref<1x128x16xf32, #tpu.memory_space<vmem>>
      %dma_wait3A_406 = tpu.memref_squeeze %dma_wait3A_405 : memref<1x128x16xf32, #tpu.memory_space<vmem>> -> memref<128x16xf32, #tpu.memory_space<vmem>>
      %dma_wait3A_407 = arith.constant 0 : i32
      %dma_wait3A_408 = tpu.memref_slice %arg8[%add3A_401, %dma_wait3A_407] : memref<80x128xi32, #tpu.memory_space<vmem>> -> memref<1x128xi32, #tpu.memory_space<vmem>>
      %dma_wait3A_409 = tpu.memref_squeeze %dma_wait3A_408 : memref<1x128xi32, #tpu.memory_space<vmem>> -> memref<128xi32, #tpu.memory_space<vmem>>
      %dma_wait3A_410 = arith.constant 0 : i32
      %dma_wait3A_411 = arith.constant 0 : i32
      %dma_wait3A_412 = tpu.memref_slice %arg10[%dma_wait3A_410, %dma_wait3A_411] : memref<10240x16xf32, #tpu.memory_space<vmem_shared>> -> memref<10240x16xf32, #tpu.memory_space<vmem_shared>>
      tpu.wait_indirect_dma semaphore(%arg12 : memref<!tpu.dma_semaphore, #tpu.memory_space<semaphore_mem>>) src(%dma_wait3A_406 : memref<128x16xf32, #tpu.memory_space<vmem>>) dst(%dma_wait3A_412 : memref<10240x16xf32, #tpu.memory_space<vmem_shared>>)
      %mul3A_413 = arith.constant 8 : i32
      %mul3A_414 = arith.muli %scan3A_9, %mul3A_413 : i32
      %add3A_415 = arith.constant 3 : i32
      %add3A_416 = arith.addi %mul3A_414, %add3A_415 : i32
      %dma_wait3A_417 = arith.constant 3 : i32
      %dma_wait3A_418 = arith.constant 0 : i32
      %dma_wait3A_419 = arith.constant 0 : i32
      %dma_wait3A_420 = tpu.memref_slice %arg9[%dma_wait3A_417, %dma_wait3A_418, %dma_wait3A_419] : memref<8x128x16xf32, #tpu.memory_space<vmem>> -> memref<1x128x16xf32, #tpu.memory_space<vmem>>
      %dma_wait3A_421 = tpu.memref_squeeze %dma_wait3A_420 : memref<1x128x16xf32, #tpu.memory_space<vmem>> -> memref<128x16xf32, #tpu.memory_space<vmem>>
      %dma_wait3A_422 = arith.constant 0 : i32
      %dma_wait3A_423 = tpu.memref_slice %arg8[%add3A_416, %dma_wait3A_422] : memref<80x128xi32, #tpu.memory_space<vmem>> -> memref<1x128xi32, #tpu.memory_space<vmem>>
      %dma_wait3A_424 = tpu.memref_squeeze %dma_wait3A_423 : memref<1x128xi32, #tpu.memory_space<vmem>> -> memref<128xi32, #tpu.memory_space<vmem>>
      %dma_wait3A_425 = arith.constant 0 : i32
      %dma_wait3A_426 = arith.constant 0 : i32
      %dma_wait3A_427 = tpu.memref_slice %arg10[%dma_wait3A_425, %dma_wait3A_426] : memref<10240x16xf32, #tpu.memory_space<vmem_shared>> -> memref<10240x16xf32, #tpu.memory_space<vmem_shared>>
      tpu.wait_indirect_dma semaphore(%arg12 : memref<!tpu.dma_semaphore, #tpu.memory_space<semaphore_mem>>) src(%dma_wait3A_421 : memref<128x16xf32, #tpu.memory_space<vmem>>) dst(%dma_wait3A_427 : memref<10240x16xf32, #tpu.memory_space<vmem_shared>>)
      %mul3A_428 = arith.constant 8 : i32
      %mul3A_429 = arith.muli %scan3A_9, %mul3A_428 : i32
      %add3A_430 = arith.constant 4 : i32
      %add3A_431 = arith.addi %mul3A_429, %add3A_430 : i32
      %dma_wait3A_432 = arith.constant 4 : i32
      %dma_wait3A_433 = arith.constant 0 : i32
      %dma_wait3A_434 = arith.constant 0 : i32
      %dma_wait3A_435 = tpu.memref_slice %arg9[%dma_wait3A_432, %dma_wait3A_433, %dma_wait3A_434] : memref<8x128x16xf32, #tpu.memory_space<vmem>> -> memref<1x128x16xf32, #tpu.memory_space<vmem>>
      %dma_wait3A_436 = tpu.memref_squeeze %dma_wait3A_435 : memref<1x128x16xf32, #tpu.memory_space<vmem>> -> memref<128x16xf32, #tpu.memory_space<vmem>>
      %dma_wait3A_437 = arith.constant 0 : i32
      %dma_wait3A_438 = tpu.memref_slice %arg8[%add3A_431, %dma_wait3A_437] : memref<80x128xi32, #tpu.memory_space<vmem>> -> memref<1x128xi32, #tpu.memory_space<vmem>>
      %dma_wait3A_439 = tpu.memref_squeeze %dma_wait3A_438 : memref<1x128xi32, #tpu.memory_space<vmem>> -> memref<128xi32, #tpu.memory_space<vmem>>
      %dma_wait3A_440 = arith.constant 0 : i32
      %dma_wait3A_441 = arith.constant 0 : i32
      %dma_wait3A_442 = tpu.memref_slice %arg10[%dma_wait3A_440, %dma_wait3A_441] : memref<10240x16xf32, #tpu.memory_space<vmem_shared>> -> memref<10240x16xf32, #tpu.memory_space<vmem_shared>>
      tpu.wait_indirect_dma semaphore(%arg12 : memref<!tpu.dma_semaphore, #tpu.memory_space<semaphore_mem>>) src(%dma_wait3A_436 : memref<128x16xf32, #tpu.memory_space<vmem>>) dst(%dma_wait3A_442 : memref<10240x16xf32, #tpu.memory_space<vmem_shared>>)
      %mul3A_443 = arith.constant 8 : i32
      %mul3A_444 = arith.muli %scan3A_9, %mul3A_443 : i32
      %add3A_445 = arith.constant 5 : i32
      %add3A_446 = arith.addi %mul3A_444, %add3A_445 : i32
      %dma_wait3A_447 = arith.constant 5 : i32
      %dma_wait3A_448 = arith.constant 0 : i32
      %dma_wait3A_449 = arith.constant 0 : i32
      %dma_wait3A_450 = tpu.memref_slice %arg9[%dma_wait3A_447, %dma_wait3A_448, %dma_wait3A_449] : memref<8x128x16xf32, #tpu.memory_space<vmem>> -> memref<1x128x16xf32, #tpu.memory_space<vmem>>
      %dma_wait3A_451 = tpu.memref_squeeze %dma_wait3A_450 : memref<1x128x16xf32, #tpu.memory_space<vmem>> -> memref<128x16xf32, #tpu.memory_space<vmem>>
      %dma_wait3A_452 = arith.constant 0 : i32
      %dma_wait3A_453 = tpu.memref_slice %arg8[%add3A_446, %dma_wait3A_452] : memref<80x128xi32, #tpu.memory_space<vmem>> -> memref<1x128xi32, #tpu.memory_space<vmem>>
      %dma_wait3A_454 = tpu.memref_squeeze %dma_wait3A_453 : memref<1x128xi32, #tpu.memory_space<vmem>> -> memref<128xi32, #tpu.memory_space<vmem>>
      %dma_wait3A_455 = arith.constant 0 : i32
      %dma_wait3A_456 = arith.constant 0 : i32
      %dma_wait3A_457 = tpu.memref_slice %arg10[%dma_wait3A_455, %dma_wait3A_456] : memref<10240x16xf32, #tpu.memory_space<vmem_shared>> -> memref<10240x16xf32, #tpu.memory_space<vmem_shared>>
      tpu.wait_indirect_dma semaphore(%arg12 : memref<!tpu.dma_semaphore, #tpu.memory_space<semaphore_mem>>) src(%dma_wait3A_451 : memref<128x16xf32, #tpu.memory_space<vmem>>) dst(%dma_wait3A_457 : memref<10240x16xf32, #tpu.memory_space<vmem_shared>>)
      %mul3A_458 = arith.constant 8 : i32
      %mul3A_459 = arith.muli %scan3A_9, %mul3A_458 : i32
      %add3A_460 = arith.constant 6 : i32
      %add3A_461 = arith.addi %mul3A_459, %add3A_460 : i32
      %dma_wait3A_462 = arith.constant 6 : i32
      %dma_wait3A_463 = arith.constant 0 : i32
      %dma_wait3A_464 = arith.constant 0 : i32
      %dma_wait3A_465 = tpu.memref_slice %arg9[%dma_wait3A_462, %dma_wait3A_463, %dma_wait3A_464] : memref<8x128x16xf32, #tpu.memory_space<vmem>> -> memref<1x128x16xf32, #tpu.memory_space<vmem>>
      %dma_wait3A_466 = tpu.memref_squeeze %dma_wait3A_465 : memref<1x128x16xf32, #tpu.memory_space<vmem>> -> memref<128x16xf32, #tpu.memory_space<vmem>>
      %dma_wait3A_467 = arith.constant 0 : i32
      %dma_wait3A_468 = tpu.memref_slice %arg8[%add3A_461, %dma_wait3A_467] : memref<80x128xi32, #tpu.memory_space<vmem>> -> memref<1x128xi32, #tpu.memory_space<vmem>>
      %dma_wait3A_469 = tpu.memref_squeeze %dma_wait3A_468 : memref<1x128xi32, #tpu.memory_space<vmem>> -> memref<128xi32, #tpu.memory_space<vmem>>
      %dma_wait3A_470 = arith.constant 0 : i32
      %dma_wait3A_471 = arith.constant 0 : i32
      %dma_wait3A_472 = tpu.memref_slice %arg10[%dma_wait3A_470, %dma_wait3A_471] : memref<10240x16xf32, #tpu.memory_space<vmem_shared>> -> memref<10240x16xf32, #tpu.memory_space<vmem_shared>>
      tpu.wait_indirect_dma semaphore(%arg12 : memref<!tpu.dma_semaphore, #tpu.memory_space<semaphore_mem>>) src(%dma_wait3A_466 : memref<128x16xf32, #tpu.memory_space<vmem>>) dst(%dma_wait3A_472 : memref<10240x16xf32, #tpu.memory_space<vmem_shared>>)
      %mul3A_473 = arith.constant 8 : i32
      %mul3A_474 = arith.muli %scan3A_9, %mul3A_473 : i32
      %add3A_475 = arith.constant 7 : i32
      %add3A_476 = arith.addi %mul3A_474, %add3A_475 : i32
      %dma_wait3A_477 = arith.constant 7 : i32
      %dma_wait3A_478 = arith.constant 0 : i32
      %dma_wait3A_479 = arith.constant 0 : i32
      %dma_wait3A_480 = tpu.memref_slice %arg9[%dma_wait3A_477, %dma_wait3A_478, %dma_wait3A_479] : memref<8x128x16xf32, #tpu.memory_space<vmem>> -> memref<1x128x16xf32, #tpu.memory_space<vmem>>
      %dma_wait3A_481 = tpu.memref_squeeze %dma_wait3A_480 : memref<1x128x16xf32, #tpu.memory_space<vmem>> -> memref<128x16xf32, #tpu.memory_space<vmem>>
      %dma_wait3A_482 = arith.constant 0 : i32
      %dma_wait3A_483 = tpu.memref_slice %arg8[%add3A_476, %dma_wait3A_482] : memref<80x128xi32, #tpu.memory_space<vmem>> -> memref<1x128xi32, #tpu.memory_space<vmem>>
      %dma_wait3A_484 = tpu.memref_squeeze %dma_wait3A_483 : memref<1x128xi32, #tpu.memory_space<vmem>> -> memref<128xi32, #tpu.memory_space<vmem>>
      %dma_wait3A_485 = arith.constant 0 : i32
      %dma_wait3A_486 = arith.constant 0 : i32
      %dma_wait3A_487 = tpu.memref_slice %arg10[%dma_wait3A_485, %dma_wait3A_486] : memref<10240x16xf32, #tpu.memory_space<vmem_shared>> -> memref<10240x16xf32, #tpu.memory_space<vmem_shared>>
      tpu.wait_indirect_dma semaphore(%arg12 : memref<!tpu.dma_semaphore, #tpu.memory_space<semaphore_mem>>) src(%dma_wait3A_481 : memref<128x16xf32, #tpu.memory_space<vmem>>) dst(%dma_wait3A_487 : memref<10240x16xf32, #tpu.memory_space<vmem_shared>>)
    }
    %scan3A_7 = arith.constant 10 : i32
    %barrier3A_8 = arith.constant 0 : index
    tpu.barrier barrier_id(%barrier3A_8)
    "tpu.region"() ({
      %run_scoped3A = tpu.sem_alloc : memref<!tpu.dma_semaphore, #tpu.memory_space<semaphore_mem>>
      %dma_start3A = arith.constant 0 : i32
      %dma_start3A_9 = tpu.memref_slice %arg6[%arg0, %mul3A_2, %dma_start3A] : memref<2x10240x16xf32, #tpu.memory_space<hbm>> -> memref<1x640x16xf32, #tpu.memory_space<hbm>>
      %dma_start3A_10 = tpu.memref_squeeze %dma_start3A_9 : memref<1x640x16xf32, #tpu.memory_space<hbm>> -> memref<640x16xf32, #tpu.memory_space<hbm>>
      %dma_start3A_11 = arith.constant 0 : i32
      %dma_start3A_12 = tpu.memref_slice %arg10[%mul3A_2, %dma_start3A_11] : memref<10240x16xf32, #tpu.memory_space<vmem_shared>> -> memref<640x16xf32, #tpu.memory_space<vmem_shared>>
      tpu.enqueue_dma source(%dma_start3A_12 : memref<640x16xf32, #tpu.memory_space<vmem_shared>>) target(%dma_start3A_10 : memref<640x16xf32, #tpu.memory_space<hbm>>) target_semaphore(%run_scoped3A : memref<!tpu.dma_semaphore, #tpu.memory_space<semaphore_mem>>)
      %dma_wait3A = arith.constant 0 : i32
      %dma_wait3A_13 = tpu.memref_slice %arg6[%arg0, %mul3A_2, %dma_wait3A] : memref<2x10240x16xf32, #tpu.memory_space<hbm>> -> memref<1x640x16xf32, #tpu.memory_space<hbm>>
      %dma_wait3A_14 = tpu.memref_squeeze %dma_wait3A_13 : memref<1x640x16xf32, #tpu.memory_space<hbm>> -> memref<640x16xf32, #tpu.memory_space<hbm>>
      %dma_wait3A_15 = arith.constant 0 : i32
      %dma_wait3A_16 = tpu.memref_slice %arg10[%mul3A_2, %dma_wait3A_15] : memref<10240x16xf32, #tpu.memory_space<vmem_shared>> -> memref<640x16xf32, #tpu.memory_space<vmem_shared>>
      tpu.wait_dma2 semaphore(%run_scoped3A : memref<!tpu.dma_semaphore, #tpu.memory_space<semaphore_mem>>) src(%dma_wait3A_16 : memref<640x16xf32, #tpu.memory_space<vmem_shared>>) dst(%dma_wait3A_14 : memref<640x16xf32, #tpu.memory_space<hbm>>)
      tpu.yield
    }) : () -> ()
    return
  }
}

#map = affine_map<(d0, d1) -> (0, 0)>
#map1 = affine_map<(d0, d1) -> (0, 0, 0)>
#map2 = affine_map<(d0, d1) -> (0)>
module attributes {stable_mosaic.version = 14 : i64} {
  func.func @_k_decode(%arg0: i32, %arg1: i32, %arg2: memref<10240x128xf32, #tpu.memory_space<hbm>>, %arg3: memref<10240x128xf32, #tpu.memory_space<hbm>>, %arg4: memref<32x126x128xi32, #tpu.memory_space<hbm>>, %arg5: memref<32x126x128xi32, #tpu.memory_space<hbm>>, %arg6: memref<128xf32, #tpu.memory_space<hbm>>, %arg7: memref<16xf32, #tpu.memory_space<hbm>>, %arg8: memref<32x16128xf32, #tpu.memory_space<hbm>>, %arg9: memref<126x128xi32, #tpu.memory_space<vmem>>, %arg10: memref<126x128xi32, #tpu.memory_space<vmem>>, %arg11: memref<128x128xf32, #tpu.memory_space<vmem>>, %arg12: memref<128x128xf32, #tpu.memory_space<vmem>>, %arg13: memref<128x128xf32, #tpu.memory_space<vmem>>, %arg14: memref<128xf32, #tpu.memory_space<vmem>>, %arg15: memref<16xf32, #tpu.memory_space<vmem>>, %arg16: memref<16128xf32, #tpu.memory_space<vmem>>, %arg17: memref<!tpu.dma_semaphore, #tpu.memory_space<semaphore_mem>>, %arg18: memref<!tpu.dma_semaphore, #tpu.memory_space<semaphore_mem>>, %arg19: memref<!tpu.dma_semaphore, #tpu.memory_space<semaphore_mem>>, %arg20: memref<!tpu.dma_semaphore, #tpu.memory_space<semaphore_mem>>, %arg21: memref<!tpu.dma_semaphore, #tpu.memory_space<semaphore_mem>>, %arg22: memref<!tpu.dma_semaphore, #tpu.memory_space<semaphore_mem>>) attributes {dimension_semantics = [#tpu.dimension_semantics<core_parallel>, #tpu.dimension_semantics<subcore_parallel>], iteration_bounds = array<i64: 2, 16>, scalar_prefetch = 0 : i64, scratch_operands = 14 : i64, tpu.core_type = #tpu.core_type<sc_vector_subcore>, window_params = [{transform_indices = #map}, {transform_indices = #map}, {transform_indices = #map1}, {transform_indices = #map1}, {transform_indices = #map2}, {transform_indices = #map2}, {transform_indices = #map}]} {
    %mul3A = arith.constant 16 : i32
    %mul3A_0 = arith.muli %arg0, %mul3A : i32
    %add3A = arith.addi %mul3A_0, %arg1 : i32
    "tpu.region"() ({
      %run_scoped3A = tpu.sem_alloc : memref<!tpu.dma_semaphore, #tpu.memory_space<semaphore_mem>>
      %dma_start3A_65 = arith.constant 0 : i32
      %dma_start3A_66 = arith.constant 0 : i32
      %dma_start3A_67 = tpu.memref_slice %arg4[%add3A, %dma_start3A_65, %dma_start3A_66] : memref<32x126x128xi32, #tpu.memory_space<hbm>> -> memref<1x126x128xi32, #tpu.memory_space<hbm>>
      %dma_start3A_68 = tpu.memref_squeeze %dma_start3A_67 : memref<1x126x128xi32, #tpu.memory_space<hbm>> -> memref<126x128xi32, #tpu.memory_space<hbm>>
      %dma_start3A_69 = arith.constant 0 : i32
      %dma_start3A_70 = arith.constant 0 : i32
      %dma_start3A_71 = tpu.memref_slice %arg4[%add3A, %dma_start3A_69, %dma_start3A_70] : memref<32x126x128xi32, #tpu.memory_space<hbm>> -> memref<1x126x128xi32, #tpu.memory_space<hbm>>
      %dma_start3A_72 = tpu.memref_squeeze %dma_start3A_71 : memref<1x126x128xi32, #tpu.memory_space<hbm>> -> memref<126x128xi32, #tpu.memory_space<hbm>>
      tpu.enqueue_dma source(%dma_start3A_72 : memref<126x128xi32, #tpu.memory_space<hbm>>) target(%arg9 : memref<126x128xi32, #tpu.memory_space<vmem>>) target_semaphore(%run_scoped3A : memref<!tpu.dma_semaphore, #tpu.memory_space<semaphore_mem>>)
      %dma_wait3A_73 = arith.constant 0 : i32
      %dma_wait3A_74 = arith.constant 0 : i32
      %dma_wait3A_75 = tpu.memref_slice %arg4[%add3A, %dma_wait3A_73, %dma_wait3A_74] : memref<32x126x128xi32, #tpu.memory_space<hbm>> -> memref<1x126x128xi32, #tpu.memory_space<hbm>>
      %dma_wait3A_76 = tpu.memref_squeeze %dma_wait3A_75 : memref<1x126x128xi32, #tpu.memory_space<hbm>> -> memref<126x128xi32, #tpu.memory_space<hbm>>
      %dma_wait3A_77 = arith.constant 0 : i32
      %dma_wait3A_78 = arith.constant 0 : i32
      %dma_wait3A_79 = tpu.memref_slice %arg4[%add3A, %dma_wait3A_77, %dma_wait3A_78] : memref<32x126x128xi32, #tpu.memory_space<hbm>> -> memref<1x126x128xi32, #tpu.memory_space<hbm>>
      %dma_wait3A_80 = tpu.memref_squeeze %dma_wait3A_79 : memref<1x126x128xi32, #tpu.memory_space<hbm>> -> memref<126x128xi32, #tpu.memory_space<hbm>>
      tpu.wait_dma2 semaphore(%run_scoped3A : memref<!tpu.dma_semaphore, #tpu.memory_space<semaphore_mem>>) src(%dma_wait3A_80 : memref<126x128xi32, #tpu.memory_space<hbm>>) dst(%arg9 : memref<126x128xi32, #tpu.memory_space<vmem>>)
      tpu.yield
    }) : () -> ()
    "tpu.region"() ({
      %run_scoped3A = tpu.sem_alloc : memref<!tpu.dma_semaphore, #tpu.memory_space<semaphore_mem>>
      %dma_start3A_65 = arith.constant 0 : i32
      %dma_start3A_66 = arith.constant 0 : i32
      %dma_start3A_67 = tpu.memref_slice %arg5[%add3A, %dma_start3A_65, %dma_start3A_66] : memref<32x126x128xi32, #tpu.memory_space<hbm>> -> memref<1x126x128xi32, #tpu.memory_space<hbm>>
      %dma_start3A_68 = tpu.memref_squeeze %dma_start3A_67 : memref<1x126x128xi32, #tpu.memory_space<hbm>> -> memref<126x128xi32, #tpu.memory_space<hbm>>
      %dma_start3A_69 = arith.constant 0 : i32
      %dma_start3A_70 = arith.constant 0 : i32
      %dma_start3A_71 = tpu.memref_slice %arg5[%add3A, %dma_start3A_69, %dma_start3A_70] : memref<32x126x128xi32, #tpu.memory_space<hbm>> -> memref<1x126x128xi32, #tpu.memory_space<hbm>>
      %dma_start3A_72 = tpu.memref_squeeze %dma_start3A_71 : memref<1x126x128xi32, #tpu.memory_space<hbm>> -> memref<126x128xi32, #tpu.memory_space<hbm>>
      tpu.enqueue_dma source(%dma_start3A_72 : memref<126x128xi32, #tpu.memory_space<hbm>>) target(%arg10 : memref<126x128xi32, #tpu.memory_space<vmem>>) target_semaphore(%run_scoped3A : memref<!tpu.dma_semaphore, #tpu.memory_space<semaphore_mem>>)
      %dma_wait3A_73 = arith.constant 0 : i32
      %dma_wait3A_74 = arith.constant 0 : i32
      %dma_wait3A_75 = tpu.memref_slice %arg5[%add3A, %dma_wait3A_73, %dma_wait3A_74] : memref<32x126x128xi32, #tpu.memory_space<hbm>> -> memref<1x126x128xi32, #tpu.memory_space<hbm>>
      %dma_wait3A_76 = tpu.memref_squeeze %dma_wait3A_75 : memref<1x126x128xi32, #tpu.memory_space<hbm>> -> memref<126x128xi32, #tpu.memory_space<hbm>>
      %dma_wait3A_77 = arith.constant 0 : i32
      %dma_wait3A_78 = arith.constant 0 : i32
      %dma_wait3A_79 = tpu.memref_slice %arg5[%add3A, %dma_wait3A_77, %dma_wait3A_78] : memref<32x126x128xi32, #tpu.memory_space<hbm>> -> memref<1x126x128xi32, #tpu.memory_space<hbm>>
      %dma_wait3A_80 = tpu.memref_squeeze %dma_wait3A_79 : memref<1x126x128xi32, #tpu.memory_space<hbm>> -> memref<126x128xi32, #tpu.memory_space<hbm>>
      tpu.wait_dma2 semaphore(%run_scoped3A : memref<!tpu.dma_semaphore, #tpu.memory_space<semaphore_mem>>) src(%dma_wait3A_80 : memref<126x128xi32, #tpu.memory_space<hbm>>) dst(%arg10 : memref<126x128xi32, #tpu.memory_space<vmem>>)
      tpu.yield
    }) : () -> ()
    "tpu.region"() ({
      %run_scoped3A = tpu.sem_alloc : memref<!tpu.dma_semaphore, #tpu.memory_space<semaphore_mem>>
      tpu.enqueue_dma source(%arg6 : memref<128xf32, #tpu.memory_space<hbm>>) target(%arg14 : memref<128xf32, #tpu.memory_space<vmem>>) target_semaphore(%run_scoped3A : memref<!tpu.dma_semaphore, #tpu.memory_space<semaphore_mem>>)
      tpu.wait_dma2 semaphore(%run_scoped3A : memref<!tpu.dma_semaphore, #tpu.memory_space<semaphore_mem>>) src(%arg6 : memref<128xf32, #tpu.memory_space<hbm>>) dst(%arg14 : memref<128xf32, #tpu.memory_space<vmem>>)
      tpu.yield
    }) : () -> ()
    "tpu.region"() ({
      %run_scoped3A = tpu.sem_alloc : memref<!tpu.dma_semaphore, #tpu.memory_space<semaphore_mem>>
      tpu.enqueue_dma source(%arg7 : memref<16xf32, #tpu.memory_space<hbm>>) target(%arg15 : memref<16xf32, #tpu.memory_space<vmem>>) target_semaphore(%run_scoped3A : memref<!tpu.dma_semaphore, #tpu.memory_space<semaphore_mem>>)
      tpu.wait_dma2 semaphore(%run_scoped3A : memref<!tpu.dma_semaphore, #tpu.memory_space<semaphore_mem>>) src(%arg7 : memref<16xf32, #tpu.memory_space<hbm>>) dst(%arg15 : memref<16xf32, #tpu.memory_space<vmem>>)
      tpu.yield
    }) : () -> ()
    %get3A = arith.constant 0 : index
    %get3A_1 = tpu.vector_load %arg15[%get3A] {strides = array<i32>} : memref<16xf32, #tpu.memory_space<vmem>>, vector<16xf32>,
    %iota3A = tpu.iota {dimensions = array<i32: 0>} : vector<16xi32>
    %add3A_2 = arith.constant 0 : i32
    %add3A_3 = vector.broadcast %add3A_2 : i32 to vector<16xi32>
    %add3A_4 = arith.addi %iota3A, %add3A_3 : vector<16xi32>
    %iota3A_5 = tpu.iota {dimensions = array<i32: 0>} : vector<16xi32>
    %add3A_6 = arith.constant 16 : i32
    %add3A_7 = vector.broadcast %add3A_6 : i32 to vector<16xi32>
    %add3A_8 = arith.addi %iota3A_5, %add3A_7 : vector<16xi32>
    %iota3A_9 = tpu.iota {dimensions = array<i32: 0>} : vector<16xi32>
    %add3A_10 = arith.constant 32 : i32
    %add3A_11 = vector.broadcast %add3A_10 : i32 to vector<16xi32>
    %add3A_12 = arith.addi %iota3A_9, %add3A_11 : vector<16xi32>
    %iota3A_13 = tpu.iota {dimensions = array<i32: 0>} : vector<16xi32>
    %add3A_14 = arith.constant 48 : i32
    %add3A_15 = vector.broadcast %add3A_14 : i32 to vector<16xi32>
    %add3A_16 = arith.addi %iota3A_13, %add3A_15 : vector<16xi32>
    %iota3A_17 = tpu.iota {dimensions = array<i32: 0>} : vector<16xi32>
    %add3A_18 = arith.constant 64 : i32
    %add3A_19 = vector.broadcast %add3A_18 : i32 to vector<16xi32>
    %add3A_20 = arith.addi %iota3A_17, %add3A_19 : vector<16xi32>
    %iota3A_21 = tpu.iota {dimensions = array<i32: 0>} : vector<16xi32>
    %add3A_22 = arith.constant 80 : i32
    %add3A_23 = vector.broadcast %add3A_22 : i32 to vector<16xi32>
    %add3A_24 = arith.addi %iota3A_21, %add3A_23 : vector<16xi32>
    %iota3A_25 = tpu.iota {dimensions = array<i32: 0>} : vector<16xi32>
    %add3A_26 = arith.constant 96 : i32
    %add3A_27 = vector.broadcast %add3A_26 : i32 to vector<16xi32>
    %add3A_28 = arith.addi %iota3A_25, %add3A_27 : vector<16xi32>
    %iota3A_29 = tpu.iota {dimensions = array<i32: 0>} : vector<16xi32>
    %add3A_30 = arith.constant 112 : i32
    %add3A_31 = vector.broadcast %add3A_30 : i32 to vector<16xi32>
    %add3A_32 = arith.addi %iota3A_29, %add3A_31 : vector<16xi32>
    %broadcast_in_dim3A = arith.constant 0.000000e+00 : f32
    %broadcast_in_dim3A_33 = vector.broadcast %broadcast_in_dim3A : f32 to vector<16xf32>
    %dma_start3A = arith.constant 0 : i32
    %dma_start3A_34 = arith.constant 0 : i32
    %dma_start3A_35 = tpu.memref_slice %arg9[%dma_start3A, %dma_start3A_34] : memref<126x128xi32, #tpu.memory_space<vmem>> -> memref<1x128xi32, #tpu.memory_space<vmem>>
    %dma_start3A_36 = tpu.memref_squeeze %dma_start3A_35 : memref<1x128xi32, #tpu.memory_space<vmem>> -> memref<128xi32, #tpu.memory_space<vmem>>
    %dma_start3A_37 = arith.constant 0 : i32
    %dma_start3A_38 = arith.constant 0 : i32
    %dma_start3A_39 = tpu.memref_slice %arg2[%dma_start3A_37, %dma_start3A_38] : memref<10240x128xf32, #tpu.memory_space<hbm>> -> memref<10240x128xf32, #tpu.memory_space<hbm>>
    tpu.enqueue_indirect_dma source(%dma_start3A_39 : memref<10240x128xf32, #tpu.memory_space<hbm>>) target(%arg11 : memref<128x128xf32, #tpu.memory_space<vmem>>) offsets(%dma_start3A_36 : memref<128xi32, #tpu.memory_space<vmem>>) semaphore(%arg17 : memref<!tpu.dma_semaphore, #tpu.memory_space<semaphore_mem>>)
    %dma_start3A_40 = arith.constant 1 : i32
    %dma_start3A_41 = arith.constant 0 : i32
    %dma_start3A_42 = tpu.memref_slice %arg9[%dma_start3A_40, %dma_start3A_41] : memref<126x128xi32, #tpu.memory_space<vmem>> -> memref<1x128xi32, #tpu.memory_space<vmem>>
    %dma_start3A_43 = tpu.memref_squeeze %dma_start3A_42 : memref<1x128xi32, #tpu.memory_space<vmem>> -> memref<128xi32, #tpu.memory_space<vmem>>
    %dma_start3A_44 = arith.constant 0 : i32
    %dma_start3A_45 = arith.constant 0 : i32
    %dma_start3A_46 = tpu.memref_slice %arg2[%dma_start3A_44, %dma_start3A_45] : memref<10240x128xf32, #tpu.memory_space<hbm>> -> memref<10240x128xf32, #tpu.memory_space<hbm>>
    tpu.enqueue_indirect_dma source(%dma_start3A_46 : memref<10240x128xf32, #tpu.memory_space<hbm>>) target(%arg12 : memref<128x128xf32, #tpu.memory_space<vmem>>) offsets(%dma_start3A_43 : memref<128xi32, #tpu.memory_space<vmem>>) semaphore(%arg18 : memref<!tpu.dma_semaphore, #tpu.memory_space<semaphore_mem>>)
    %dma_wait3A = arith.constant 0 : i32
    %dma_wait3A_47 = arith.constant 0 : i32
    %dma_wait3A_48 = tpu.memref_slice %arg9[%dma_wait3A, %dma_wait3A_47] : memref<126x128xi32, #tpu.memory_space<vmem>> -> memref<1x128xi32, #tpu.memory_space<vmem>>
    %dma_wait3A_49 = tpu.memref_squeeze %dma_wait3A_48 : memref<1x128xi32, #tpu.memory_space<vmem>> -> memref<128xi32, #tpu.memory_space<vmem>>
    %dma_wait3A_50 = arith.constant 0 : i32
    %dma_wait3A_51 = arith.constant 0 : i32
    %dma_wait3A_52 = tpu.memref_slice %arg2[%dma_wait3A_50, %dma_wait3A_51] : memref<10240x128xf32, #tpu.memory_space<hbm>> -> memref<10240x128xf32, #tpu.memory_space<hbm>>
    tpu.wait_indirect_dma semaphore(%arg17 : memref<!tpu.dma_semaphore, #tpu.memory_space<semaphore_mem>>) src(%dma_wait3A_52 : memref<10240x128xf32, #tpu.memory_space<hbm>>) dst(%arg11 : memref<128x128xf32, #tpu.memory_space<vmem>>)
    %dma_start3A_53 = arith.constant 0 : i32
    %dma_start3A_54 = arith.constant 0 : i32
    %dma_start3A_55 = tpu.memref_slice %arg10[%dma_start3A_53, %dma_start3A_54] : memref<126x128xi32, #tpu.memory_space<vmem>> -> memref<1x128xi32, #tpu.memory_space<vmem>>
    %dma_start3A_56 = tpu.memref_squeeze %dma_start3A_55 : memref<1x128xi32, #tpu.memory_space<vmem>> -> memref<128xi32, #tpu.memory_space<vmem>>
    %dma_start3A_57 = arith.constant 0 : i32
    %dma_start3A_58 = arith.constant 0 : i32
    %dma_start3A_59 = tpu.memref_slice %arg3[%dma_start3A_57, %dma_start3A_58] : memref<10240x128xf32, #tpu.memory_space<hbm>> -> memref<10240x128xf32, #tpu.memory_space<hbm>>
    tpu.enqueue_indirect_dma source(%dma_start3A_59 : memref<10240x128xf32, #tpu.memory_space<hbm>>) target(%arg11 : memref<128x128xf32, #tpu.memory_space<vmem>>) offsets(%dma_start3A_56 : memref<128xi32, #tpu.memory_space<vmem>>) semaphore(%arg20 : memref<!tpu.dma_semaphore, #tpu.memory_space<semaphore_mem>>) {add = true}
    %scan3A = arith.constant 0 : i32
    %scan3A_60 = arith.constant 0 : i32
    %scan3A_61 = arith.constant 42 : i32
    %scan3A_62 = arith.addi %scan3A_60, %scan3A_61 : i32
    %scan3A_63 = arith.constant 1 : i32
    scf.for %scan3A_65 = %scan3A_60 to %scan3A_62 step %scan3A_63  : i32 {
      %mul3A_66 = arith.constant 3 : i32
      %mul3A_67 = arith.muli %scan3A_65, %mul3A_66 : i32
      %add3A_68 = arith.constant 0 : i32
      %add3A_69 = arith.addi %mul3A_67, %add3A_68 : i32
      %add3A_70 = arith.constant 2 : i32
      %add3A_71 = arith.addi %add3A_69, %add3A_70 : i32
      %lt3A = arith.constant 126 : i32
      %lt3A_72 = arith.cmpi slt, %add3A_71, %lt3A : i32
      %convert_element_type3A = arith.extui %lt3A_72 : i1 to i32
      %cond3A = arith.constant 0 : i32
      %cond3A_73 = arith.cmpi ne, %convert_element_type3A, %cond3A : i32
      scf.if %cond3A_73 {
        %add3A_560 = arith.constant 2 : i32
        %add3A_561 = arith.addi %add3A_69, %add3A_560 : i32
        %dma_start3A_562 = arith.constant 0 : i32
        %dma_start3A_563 = tpu.memref_slice %arg9[%add3A_561, %dma_start3A_562] : memref<126x128xi32, #tpu.memory_space<vmem>> -> memref<1x128xi32, #tpu.memory_space<vmem>>
        %dma_start3A_564 = tpu.memref_squeeze %dma_start3A_563 : memref<1x128xi32, #tpu.memory_space<vmem>> -> memref<128xi32, #tpu.memory_space<vmem>>
        %dma_start3A_565 = arith.constant 0 : i32
        %dma_start3A_566 = arith.constant 0 : i32
        %dma_start3A_567 = tpu.memref_slice %arg2[%dma_start3A_565, %dma_start3A_566] : memref<10240x128xf32, #tpu.memory_space<hbm>> -> memref<10240x128xf32, #tpu.memory_space<hbm>>
        tpu.enqueue_indirect_dma source(%dma_start3A_567 : memref<10240x128xf32, #tpu.memory_space<hbm>>) target(%arg13 : memref<128x128xf32, #tpu.memory_space<vmem>>) offsets(%dma_start3A_564 : memref<128xi32, #tpu.memory_space<vmem>>) semaphore(%arg19 : memref<!tpu.dma_semaphore, #tpu.memory_space<semaphore_mem>>)
      } else {
      }
      %add3A_74 = arith.constant 1 : i32
      %add3A_75 = arith.addi %add3A_69, %add3A_74 : i32
      %lt3A_76 = arith.constant 126 : i32
      %lt3A_77 = arith.cmpi slt, %add3A_75, %lt3A_76 : i32
      %convert_element_type3A_78 = arith.extui %lt3A_77 : i1 to i32
      %cond3A_79 = arith.constant 0 : i32
      %cond3A_80 = arith.cmpi ne, %convert_element_type3A_78, %cond3A_79 : i32
      scf.if %cond3A_80 {
        %dma_wait3A_560 = arith.constant 0 : i32
        %dma_wait3A_561 = arith.constant 0 : i32
        %dma_wait3A_562 = tpu.memref_slice %arg9[%dma_wait3A_560, %dma_wait3A_561] : memref<126x128xi32, #tpu.memory_space<vmem>> -> memref<1x128xi32, #tpu.memory_space<vmem>>
        %dma_wait3A_563 = tpu.memref_squeeze %dma_wait3A_562 : memref<1x128xi32, #tpu.memory_space<vmem>> -> memref<128xi32, #tpu.memory_space<vmem>>
        %dma_wait3A_564 = arith.constant 0 : i32
        %dma_wait3A_565 = arith.constant 0 : i32
        %dma_wait3A_566 = tpu.memref_slice %arg2[%dma_wait3A_564, %dma_wait3A_565] : memref<10240x128xf32, #tpu.memory_space<hbm>> -> memref<10240x128xf32, #tpu.memory_space<hbm>>
        tpu.wait_indirect_dma semaphore(%arg18 : memref<!tpu.dma_semaphore, #tpu.memory_space<semaphore_mem>>) src(%dma_wait3A_566 : memref<10240x128xf32, #tpu.memory_space<hbm>>) dst(%arg12 : memref<128x128xf32, #tpu.memory_space<vmem>>)
        %add3A_567 = arith.constant 1 : i32
        %add3A_568 = arith.addi %add3A_69, %add3A_567 : i32
        %dma_start3A_569 = arith.constant 0 : i32
        %dma_start3A_570 = tpu.memref_slice %arg10[%add3A_568, %dma_start3A_569] : memref<126x128xi32, #tpu.memory_space<vmem>> -> memref<1x128xi32, #tpu.memory_space<vmem>>
        %dma_start3A_571 = tpu.memref_squeeze %dma_start3A_570 : memref<1x128xi32, #tpu.memory_space<vmem>> -> memref<128xi32, #tpu.memory_space<vmem>>
        %dma_start3A_572 = arith.constant 0 : i32
        %dma_start3A_573 = arith.constant 0 : i32
        %dma_start3A_574 = tpu.memref_slice %arg3[%dma_start3A_572, %dma_start3A_573] : memref<10240x128xf32, #tpu.memory_space<hbm>> -> memref<10240x128xf32, #tpu.memory_space<hbm>>
        tpu.enqueue_indirect_dma source(%dma_start3A_574 : memref<10240x128xf32, #tpu.memory_space<hbm>>) target(%arg12 : memref<128x128xf32, #tpu.memory_space<vmem>>) offsets(%dma_start3A_571 : memref<128xi32, #tpu.memory_space<vmem>>) semaphore(%arg21 : memref<!tpu.dma_semaphore, #tpu.memory_space<semaphore_mem>>) {add = true}
      } else {
      }
      %dma_wait3A_81 = arith.constant 0 : i32
      %dma_wait3A_82 = arith.constant 0 : i32
      %dma_wait3A_83 = tpu.memref_slice %arg10[%dma_wait3A_81, %dma_wait3A_82] : memref<126x128xi32, #tpu.memory_space<vmem>> -> memref<1x128xi32, #tpu.memory_space<vmem>>
      %dma_wait3A_84 = tpu.memref_squeeze %dma_wait3A_83 : memref<1x128xi32, #tpu.memory_space<vmem>> -> memref<128xi32, #tpu.memory_space<vmem>>
      %dma_wait3A_85 = arith.constant 0 : i32
      %dma_wait3A_86 = arith.constant 0 : i32
      %dma_wait3A_87 = tpu.memref_slice %arg3[%dma_wait3A_85, %dma_wait3A_86] : memref<10240x128xf32, #tpu.memory_space<hbm>> -> memref<10240x128xf32, #tpu.memory_space<hbm>>
      tpu.wait_indirect_dma semaphore(%arg20 : memref<!tpu.dma_semaphore, #tpu.memory_space<semaphore_mem>>) src(%dma_wait3A_87 : memref<10240x128xf32, #tpu.memory_space<hbm>>) dst(%arg11 : memref<128x128xf32, #tpu.memory_space<vmem>>)
      %scan3A_88 = arith.constant 0 : i32
      %scan3A_89 = arith.constant 128 : i32
      %scan3A_90 = arith.addi %scan3A_88, %scan3A_89 : i32
      %scan3A_91 = arith.constant 1 : i32
      %scan3A_92:8 = scf.for %scan3A_560 = %scan3A_88 to %scan3A_90 step %scan3A_91 iter_args(%scan3A_561 = %broadcast_in_dim3A_33, %scan3A_562 = %broadcast_in_dim3A_33, %scan3A_563 = %broadcast_in_dim3A_33, %scan3A_564 = %broadcast_in_dim3A_33, %scan3A_565 = %broadcast_in_dim3A_33, %scan3A_566 = %broadcast_in_dim3A_33, %scan3A_567 = %broadcast_in_dim3A_33, %scan3A_568 = %broadcast_in_dim3A_33) -> (vector<16xf32>, vector<16xf32>, vector<16xf32>, vector<16xf32>, vector<16xf32>, vector<16xf32>, vector<16xf32>, vector<16xf32>)  : i32 {
        %broadcast_in_dim3A_569 = arith.constant 0 : i32
        %broadcast_in_dim3A_570 = vector.broadcast %broadcast_in_dim3A_569 : i32 to vector<16xi32>
        %add3A_571 = vector.broadcast %scan3A_560 : i32 to vector<16xi32>
        %add3A_572 = arith.addi %broadcast_in_dim3A_570, %add3A_571 : vector<16xi32>
        %gather3A = tpu.vector_load_idx %arg14[%add3A_572] : memref<128xf32, #tpu.memory_space<vmem>>[vector<16xi32>], vector<16xf32>,
        %gather3A_573 = tpu.vector_load_idx %arg11[%add3A_4, %add3A_572] : memref<128x128xf32, #tpu.memory_space<vmem>>[vector<16xi32>, vector<16xi32>], vector<16xf32>,
        %max3A = arith.constant 0.000000e+00 : f32
        %max3A_574 = vector.broadcast %max3A : f32 to vector<16xf32>
        %max3A_575 = arith.maximumf %gather3A_573, %max3A_574 : vector<16xf32>
        %mul3A_576 = arith.mulf %max3A_575, %gather3A : vector<16xf32>
        %add3A_577 = arith.addf %scan3A_561, %mul3A_576 : vector<16xf32>
        %gather3A_578 = tpu.vector_load_idx %arg11[%add3A_8, %add3A_572] : memref<128x128xf32, #tpu.memory_space<vmem>>[vector<16xi32>, vector<16xi32>], vector<16xf32>,
        %max3A_579 = arith.constant 0.000000e+00 : f32
        %max3A_580 = vector.broadcast %max3A_579 : f32 to vector<16xf32>
        %max3A_581 = arith.maximumf %gather3A_578, %max3A_580 : vector<16xf32>
        %mul3A_582 = arith.mulf %max3A_581, %gather3A : vector<16xf32>
        %add3A_583 = arith.addf %scan3A_562, %mul3A_582 : vector<16xf32>
        %gather3A_584 = tpu.vector_load_idx %arg11[%add3A_12, %add3A_572] : memref<128x128xf32, #tpu.memory_space<vmem>>[vector<16xi32>, vector<16xi32>], vector<16xf32>,
        %max3A_585 = arith.constant 0.000000e+00 : f32
        %max3A_586 = vector.broadcast %max3A_585 : f32 to vector<16xf32>
        %max3A_587 = arith.maximumf %gather3A_584, %max3A_586 : vector<16xf32>
        %mul3A_588 = arith.mulf %max3A_587, %gather3A : vector<16xf32>
        %add3A_589 = arith.addf %scan3A_563, %mul3A_588 : vector<16xf32>
        %gather3A_590 = tpu.vector_load_idx %arg11[%add3A_16, %add3A_572] : memref<128x128xf32, #tpu.memory_space<vmem>>[vector<16xi32>, vector<16xi32>], vector<16xf32>,
        %max3A_591 = arith.constant 0.000000e+00 : f32
        %max3A_592 = vector.broadcast %max3A_591 : f32 to vector<16xf32>
        %max3A_593 = arith.maximumf %gather3A_590, %max3A_592 : vector<16xf32>
        %mul3A_594 = arith.mulf %max3A_593, %gather3A : vector<16xf32>
        %add3A_595 = arith.addf %scan3A_564, %mul3A_594 : vector<16xf32>
        %gather3A_596 = tpu.vector_load_idx %arg11[%add3A_20, %add3A_572] : memref<128x128xf32, #tpu.memory_space<vmem>>[vector<16xi32>, vector<16xi32>], vector<16xf32>,
        %max3A_597 = arith.constant 0.000000e+00 : f32
        %max3A_598 = vector.broadcast %max3A_597 : f32 to vector<16xf32>
        %max3A_599 = arith.maximumf %gather3A_596, %max3A_598 : vector<16xf32>
        %mul3A_600 = arith.mulf %max3A_599, %gather3A : vector<16xf32>
        %add3A_601 = arith.addf %scan3A_565, %mul3A_600 : vector<16xf32>
        %gather3A_602 = tpu.vector_load_idx %arg11[%add3A_24, %add3A_572] : memref<128x128xf32, #tpu.memory_space<vmem>>[vector<16xi32>, vector<16xi32>], vector<16xf32>,
        %max3A_603 = arith.constant 0.000000e+00 : f32
        %max3A_604 = vector.broadcast %max3A_603 : f32 to vector<16xf32>
        %max3A_605 = arith.maximumf %gather3A_602, %max3A_604 : vector<16xf32>
        %mul3A_606 = arith.mulf %max3A_605, %gather3A : vector<16xf32>
        %add3A_607 = arith.addf %scan3A_566, %mul3A_606 : vector<16xf32>
        %gather3A_608 = tpu.vector_load_idx %arg11[%add3A_28, %add3A_572] : memref<128x128xf32, #tpu.memory_space<vmem>>[vector<16xi32>, vector<16xi32>], vector<16xf32>,
        %max3A_609 = arith.constant 0.000000e+00 : f32
        %max3A_610 = vector.broadcast %max3A_609 : f32 to vector<16xf32>
        %max3A_611 = arith.maximumf %gather3A_608, %max3A_610 : vector<16xf32>
        %mul3A_612 = arith.mulf %max3A_611, %gather3A : vector<16xf32>
        %add3A_613 = arith.addf %scan3A_567, %mul3A_612 : vector<16xf32>
        %gather3A_614 = tpu.vector_load_idx %arg11[%add3A_32, %add3A_572] : memref<128x128xf32, #tpu.memory_space<vmem>>[vector<16xi32>, vector<16xi32>], vector<16xf32>,
        %max3A_615 = arith.constant 0.000000e+00 : f32
        %max3A_616 = vector.broadcast %max3A_615 : f32 to vector<16xf32>
        %max3A_617 = arith.maximumf %gather3A_614, %max3A_616 : vector<16xf32>
        %mul3A_618 = arith.mulf %max3A_617, %gather3A : vector<16xf32>
        %add3A_619 = arith.addf %scan3A_568, %mul3A_618 : vector<16xf32>
        scf.yield %add3A_577, %add3A_583, %add3A_589, %add3A_595, %add3A_601, %add3A_607, %add3A_613, %add3A_619 : vector<16xf32>, vector<16xf32>, vector<16xf32>, vector<16xf32>, vector<16xf32>, vector<16xf32>, vector<16xf32>, vector<16xf32>
      }
      %scan3A_93 = arith.constant 128 : i32
      %add3A_94 = arith.addf %scan3A_92#0, %get3A_1 : vector<16xf32>
      %neg3A = arith.constant 0.000000e+00 : f32
      %neg3A_95 = vector.broadcast %neg3A : f32 to vector<16xf32>
      %neg3A_96 = arith.subf %neg3A_95, %add3A_94 : vector<16xf32>
      %exp3A = math.exp %neg3A_96 : vector<16xf32>
      %add3A_97 = arith.constant 1.000000e+00 : f32
      %add3A_98 = vector.broadcast %add3A_97 : f32 to vector<16xf32>
      %add3A_99 = arith.addf %add3A_98, %exp3A : vector<16xf32>
      %div3A = arith.constant 1.000000e+00 : f32
      %div3A_100 = vector.broadcast %div3A : f32 to vector<16xf32>
      %div3A_101 = arith.divf %div3A_100, %add3A_99 : vector<16xf32>
      %mul3A_102 = arith.constant 128 : i32
      %mul3A_103 = arith.muli %add3A_69, %mul3A_102 : i32
      %add3A_104 = arith.constant 0 : i32
      %add3A_105 = arith.addi %mul3A_103, %add3A_104 : i32
      %swap3A = arith.index_cast %add3A_105 : i32 to index
      %swap3A_106 = tpu.vector_load %arg16[%swap3A] {strides = array<i32>} : memref<16128xf32, #tpu.memory_space<vmem>>, vector<16xf32>,
      tpu.vector_store %arg16[%swap3A], %div3A_101 {strides = array<i32>} : memref<16128xf32, #tpu.memory_space<vmem>>, vector<16xf32>,
      %add3A_107 = arith.addf %scan3A_92#1, %get3A_1 : vector<16xf32>
      %neg3A_108 = arith.constant 0.000000e+00 : f32
      %neg3A_109 = vector.broadcast %neg3A_108 : f32 to vector<16xf32>
      %neg3A_110 = arith.subf %neg3A_109, %add3A_107 : vector<16xf32>
      %exp3A_111 = math.exp %neg3A_110 : vector<16xf32>
      %add3A_112 = arith.constant 1.000000e+00 : f32
      %add3A_113 = vector.broadcast %add3A_112 : f32 to vector<16xf32>
      %add3A_114 = arith.addf %add3A_113, %exp3A_111 : vector<16xf32>
      %div3A_115 = arith.constant 1.000000e+00 : f32
      %div3A_116 = vector.broadcast %div3A_115 : f32 to vector<16xf32>
      %div3A_117 = arith.divf %div3A_116, %add3A_114 : vector<16xf32>
      %mul3A_118 = arith.constant 128 : i32
      %mul3A_119 = arith.muli %add3A_69, %mul3A_118 : i32
      %add3A_120 = arith.constant 16 : i32
      %add3A_121 = arith.addi %mul3A_119, %add3A_120 : i32
      %swap3A_122 = arith.index_cast %add3A_121 : i32 to index
      %swap3A_123 = tpu.vector_load %arg16[%swap3A_122] {strides = array<i32>} : memref<16128xf32, #tpu.memory_space<vmem>>, vector<16xf32>,
      tpu.vector_store %arg16[%swap3A_122], %div3A_117 {strides = array<i32>} : memref<16128xf32, #tpu.memory_space<vmem>>, vector<16xf32>,
      %add3A_124 = arith.addf %scan3A_92#2, %get3A_1 : vector<16xf32>
      %neg3A_125 = arith.constant 0.000000e+00 : f32
      %neg3A_126 = vector.broadcast %neg3A_125 : f32 to vector<16xf32>
      %neg3A_127 = arith.subf %neg3A_126, %add3A_124 : vector<16xf32>
      %exp3A_128 = math.exp %neg3A_127 : vector<16xf32>
      %add3A_129 = arith.constant 1.000000e+00 : f32
      %add3A_130 = vector.broadcast %add3A_129 : f32 to vector<16xf32>
      %add3A_131 = arith.addf %add3A_130, %exp3A_128 : vector<16xf32>
      %div3A_132 = arith.constant 1.000000e+00 : f32
      %div3A_133 = vector.broadcast %div3A_132 : f32 to vector<16xf32>
      %div3A_134 = arith.divf %div3A_133, %add3A_131 : vector<16xf32>
      %mul3A_135 = arith.constant 128 : i32
      %mul3A_136 = arith.muli %add3A_69, %mul3A_135 : i32
      %add3A_137 = arith.constant 32 : i32
      %add3A_138 = arith.addi %mul3A_136, %add3A_137 : i32
      %swap3A_139 = arith.index_cast %add3A_138 : i32 to index
      %swap3A_140 = tpu.vector_load %arg16[%swap3A_139] {strides = array<i32>} : memref<16128xf32, #tpu.memory_space<vmem>>, vector<16xf32>,
      tpu.vector_store %arg16[%swap3A_139], %div3A_134 {strides = array<i32>} : memref<16128xf32, #tpu.memory_space<vmem>>, vector<16xf32>,
      %add3A_141 = arith.addf %scan3A_92#3, %get3A_1 : vector<16xf32>
      %neg3A_142 = arith.constant 0.000000e+00 : f32
      %neg3A_143 = vector.broadcast %neg3A_142 : f32 to vector<16xf32>
      %neg3A_144 = arith.subf %neg3A_143, %add3A_141 : vector<16xf32>
      %exp3A_145 = math.exp %neg3A_144 : vector<16xf32>
      %add3A_146 = arith.constant 1.000000e+00 : f32
      %add3A_147 = vector.broadcast %add3A_146 : f32 to vector<16xf32>
      %add3A_148 = arith.addf %add3A_147, %exp3A_145 : vector<16xf32>
      %div3A_149 = arith.constant 1.000000e+00 : f32
      %div3A_150 = vector.broadcast %div3A_149 : f32 to vector<16xf32>
      %div3A_151 = arith.divf %div3A_150, %add3A_148 : vector<16xf32>
      %mul3A_152 = arith.constant 128 : i32
      %mul3A_153 = arith.muli %add3A_69, %mul3A_152 : i32
      %add3A_154 = arith.constant 48 : i32
      %add3A_155 = arith.addi %mul3A_153, %add3A_154 : i32
      %swap3A_156 = arith.index_cast %add3A_155 : i32 to index
      %swap3A_157 = tpu.vector_load %arg16[%swap3A_156] {strides = array<i32>} : memref<16128xf32, #tpu.memory_space<vmem>>, vector<16xf32>,
      tpu.vector_store %arg16[%swap3A_156], %div3A_151 {strides = array<i32>} : memref<16128xf32, #tpu.memory_space<vmem>>, vector<16xf32>,
      %add3A_158 = arith.addf %scan3A_92#4, %get3A_1 : vector<16xf32>
      %neg3A_159 = arith.constant 0.000000e+00 : f32
      %neg3A_160 = vector.broadcast %neg3A_159 : f32 to vector<16xf32>
      %neg3A_161 = arith.subf %neg3A_160, %add3A_158 : vector<16xf32>
      %exp3A_162 = math.exp %neg3A_161 : vector<16xf32>
      %add3A_163 = arith.constant 1.000000e+00 : f32
      %add3A_164 = vector.broadcast %add3A_163 : f32 to vector<16xf32>
      %add3A_165 = arith.addf %add3A_164, %exp3A_162 : vector<16xf32>
      %div3A_166 = arith.constant 1.000000e+00 : f32
      %div3A_167 = vector.broadcast %div3A_166 : f32 to vector<16xf32>
      %div3A_168 = arith.divf %div3A_167, %add3A_165 : vector<16xf32>
      %mul3A_169 = arith.constant 128 : i32
      %mul3A_170 = arith.muli %add3A_69, %mul3A_169 : i32
      %add3A_171 = arith.constant 64 : i32
      %add3A_172 = arith.addi %mul3A_170, %add3A_171 : i32
      %swap3A_173 = arith.index_cast %add3A_172 : i32 to index
      %swap3A_174 = tpu.vector_load %arg16[%swap3A_173] {strides = array<i32>} : memref<16128xf32, #tpu.memory_space<vmem>>, vector<16xf32>,
      tpu.vector_store %arg16[%swap3A_173], %div3A_168 {strides = array<i32>} : memref<16128xf32, #tpu.memory_space<vmem>>, vector<16xf32>,
      %add3A_175 = arith.addf %scan3A_92#5, %get3A_1 : vector<16xf32>
      %neg3A_176 = arith.constant 0.000000e+00 : f32
      %neg3A_177 = vector.broadcast %neg3A_176 : f32 to vector<16xf32>
      %neg3A_178 = arith.subf %neg3A_177, %add3A_175 : vector<16xf32>
      %exp3A_179 = math.exp %neg3A_178 : vector<16xf32>
      %add3A_180 = arith.constant 1.000000e+00 : f32
      %add3A_181 = vector.broadcast %add3A_180 : f32 to vector<16xf32>
      %add3A_182 = arith.addf %add3A_181, %exp3A_179 : vector<16xf32>
      %div3A_183 = arith.constant 1.000000e+00 : f32
      %div3A_184 = vector.broadcast %div3A_183 : f32 to vector<16xf32>
      %div3A_185 = arith.divf %div3A_184, %add3A_182 : vector<16xf32>
      %mul3A_186 = arith.constant 128 : i32
      %mul3A_187 = arith.muli %add3A_69, %mul3A_186 : i32
      %add3A_188 = arith.constant 80 : i32
      %add3A_189 = arith.addi %mul3A_187, %add3A_188 : i32
      %swap3A_190 = arith.index_cast %add3A_189 : i32 to index
      %swap3A_191 = tpu.vector_load %arg16[%swap3A_190] {strides = array<i32>} : memref<16128xf32, #tpu.memory_space<vmem>>, vector<16xf32>,
      tpu.vector_store %arg16[%swap3A_190], %div3A_185 {strides = array<i32>} : memref<16128xf32, #tpu.memory_space<vmem>>, vector<16xf32>,
      %add3A_192 = arith.addf %scan3A_92#6, %get3A_1 : vector<16xf32>
      %neg3A_193 = arith.constant 0.000000e+00 : f32
      %neg3A_194 = vector.broadcast %neg3A_193 : f32 to vector<16xf32>
      %neg3A_195 = arith.subf %neg3A_194, %add3A_192 : vector<16xf32>
      %exp3A_196 = math.exp %neg3A_195 : vector<16xf32>
      %add3A_197 = arith.constant 1.000000e+00 : f32
      %add3A_198 = vector.broadcast %add3A_197 : f32 to vector<16xf32>
      %add3A_199 = arith.addf %add3A_198, %exp3A_196 : vector<16xf32>
      %div3A_200 = arith.constant 1.000000e+00 : f32
      %div3A_201 = vector.broadcast %div3A_200 : f32 to vector<16xf32>
      %div3A_202 = arith.divf %div3A_201, %add3A_199 : vector<16xf32>
      %mul3A_203 = arith.constant 128 : i32
      %mul3A_204 = arith.muli %add3A_69, %mul3A_203 : i32
      %add3A_205 = arith.constant 96 : i32
      %add3A_206 = arith.addi %mul3A_204, %add3A_205 : i32
      %swap3A_207 = arith.index_cast %add3A_206 : i32 to index
      %swap3A_208 = tpu.vector_load %arg16[%swap3A_207] {strides = array<i32>} : memref<16128xf32, #tpu.memory_space<vmem>>, vector<16xf32>,
      tpu.vector_store %arg16[%swap3A_207], %div3A_202 {strides = array<i32>} : memref<16128xf32, #tpu.memory_space<vmem>>, vector<16xf32>,
      %add3A_209 = arith.addf %scan3A_92#7, %get3A_1 : vector<16xf32>
      %neg3A_210 = arith.constant 0.000000e+00 : f32
      %neg3A_211 = vector.broadcast %neg3A_210 : f32 to vector<16xf32>
      %neg3A_212 = arith.subf %neg3A_211, %add3A_209 : vector<16xf32>
      %exp3A_213 = math.exp %neg3A_212 : vector<16xf32>
      %add3A_214 = arith.constant 1.000000e+00 : f32
      %add3A_215 = vector.broadcast %add3A_214 : f32 to vector<16xf32>
      %add3A_216 = arith.addf %add3A_215, %exp3A_213 : vector<16xf32>
      %div3A_217 = arith.constant 1.000000e+00 : f32
      %div3A_218 = vector.broadcast %div3A_217 : f32 to vector<16xf32>
      %div3A_219 = arith.divf %div3A_218, %add3A_216 : vector<16xf32>
      %mul3A_220 = arith.constant 128 : i32
      %mul3A_221 = arith.muli %add3A_69, %mul3A_220 : i32
      %add3A_222 = arith.constant 112 : i32
      %add3A_223 = arith.addi %mul3A_221, %add3A_222 : i32
      %swap3A_224 = arith.index_cast %add3A_223 : i32 to index
      %swap3A_225 = tpu.vector_load %arg16[%swap3A_224] {strides = array<i32>} : memref<16128xf32, #tpu.memory_space<vmem>>, vector<16xf32>,
      tpu.vector_store %arg16[%swap3A_224], %div3A_219 {strides = array<i32>} : memref<16128xf32, #tpu.memory_space<vmem>>, vector<16xf32>,
      %mul3A_226 = arith.constant 3 : i32
      %mul3A_227 = arith.muli %scan3A_65, %mul3A_226 : i32
      %add3A_228 = arith.constant 1 : i32
      %add3A_229 = arith.addi %mul3A_227, %add3A_228 : i32
      %add3A_230 = arith.constant 2 : i32
      %add3A_231 = arith.addi %add3A_229, %add3A_230 : i32
      %lt3A_232 = arith.constant 126 : i32
      %lt3A_233 = arith.cmpi slt, %add3A_231, %lt3A_232 : i32
      %convert_element_type3A_234 = arith.extui %lt3A_233 : i1 to i32
      %cond3A_235 = arith.constant 0 : i32
      %cond3A_236 = arith.cmpi ne, %convert_element_type3A_234, %cond3A_235 : i32
      scf.if %cond3A_236 {
        %add3A_560 = arith.constant 2 : i32
        %add3A_561 = arith.addi %add3A_229, %add3A_560 : i32
        %dma_start3A_562 = arith.constant 0 : i32
        %dma_start3A_563 = tpu.memref_slice %arg9[%add3A_561, %dma_start3A_562] : memref<126x128xi32, #tpu.memory_space<vmem>> -> memref<1x128xi32, #tpu.memory_space<vmem>>
        %dma_start3A_564 = tpu.memref_squeeze %dma_start3A_563 : memref<1x128xi32, #tpu.memory_space<vmem>> -> memref<128xi32, #tpu.memory_space<vmem>>
        %dma_start3A_565 = arith.constant 0 : i32
        %dma_start3A_566 = arith.constant 0 : i32
        %dma_start3A_567 = tpu.memref_slice %arg2[%dma_start3A_565, %dma_start3A_566] : memref<10240x128xf32, #tpu.memory_space<hbm>> -> memref<10240x128xf32, #tpu.memory_space<hbm>>
        tpu.enqueue_indirect_dma source(%dma_start3A_567 : memref<10240x128xf32, #tpu.memory_space<hbm>>) target(%arg11 : memref<128x128xf32, #tpu.memory_space<vmem>>) offsets(%dma_start3A_564 : memref<128xi32, #tpu.memory_space<vmem>>) semaphore(%arg17 : memref<!tpu.dma_semaphore, #tpu.memory_space<semaphore_mem>>)
      } else {
      }
      %add3A_237 = arith.constant 1 : i32
      %add3A_238 = arith.addi %add3A_229, %add3A_237 : i32
      %lt3A_239 = arith.constant 126 : i32
      %lt3A_240 = arith.cmpi slt, %add3A_238, %lt3A_239 : i32
      %convert_element_type3A_241 = arith.extui %lt3A_240 : i1 to i32
      %cond3A_242 = arith.constant 0 : i32
      %cond3A_243 = arith.cmpi ne, %convert_element_type3A_241, %cond3A_242 : i32
      scf.if %cond3A_243 {
        %dma_wait3A_560 = arith.constant 0 : i32
        %dma_wait3A_561 = arith.constant 0 : i32
        %dma_wait3A_562 = tpu.memref_slice %arg9[%dma_wait3A_560, %dma_wait3A_561] : memref<126x128xi32, #tpu.memory_space<vmem>> -> memref<1x128xi32, #tpu.memory_space<vmem>>
        %dma_wait3A_563 = tpu.memref_squeeze %dma_wait3A_562 : memref<1x128xi32, #tpu.memory_space<vmem>> -> memref<128xi32, #tpu.memory_space<vmem>>
        %dma_wait3A_564 = arith.constant 0 : i32
        %dma_wait3A_565 = arith.constant 0 : i32
        %dma_wait3A_566 = tpu.memref_slice %arg2[%dma_wait3A_564, %dma_wait3A_565] : memref<10240x128xf32, #tpu.memory_space<hbm>> -> memref<10240x128xf32, #tpu.memory_space<hbm>>
        tpu.wait_indirect_dma semaphore(%arg19 : memref<!tpu.dma_semaphore, #tpu.memory_space<semaphore_mem>>) src(%dma_wait3A_566 : memref<10240x128xf32, #tpu.memory_space<hbm>>) dst(%arg13 : memref<128x128xf32, #tpu.memory_space<vmem>>)
        %add3A_567 = arith.constant 1 : i32
        %add3A_568 = arith.addi %add3A_229, %add3A_567 : i32
        %dma_start3A_569 = arith.constant 0 : i32
        %dma_start3A_570 = tpu.memref_slice %arg10[%add3A_568, %dma_start3A_569] : memref<126x128xi32, #tpu.memory_space<vmem>> -> memref<1x128xi32, #tpu.memory_space<vmem>>
        %dma_start3A_571 = tpu.memref_squeeze %dma_start3A_570 : memref<1x128xi32, #tpu.memory_space<vmem>> -> memref<128xi32, #tpu.memory_space<vmem>>
        %dma_start3A_572 = arith.constant 0 : i32
        %dma_start3A_573 = arith.constant 0 : i32
        %dma_start3A_574 = tpu.memref_slice %arg3[%dma_start3A_572, %dma_start3A_573] : memref<10240x128xf32, #tpu.memory_space<hbm>> -> memref<10240x128xf32, #tpu.memory_space<hbm>>
        tpu.enqueue_indirect_dma source(%dma_start3A_574 : memref<10240x128xf32, #tpu.memory_space<hbm>>) target(%arg13 : memref<128x128xf32, #tpu.memory_space<vmem>>) offsets(%dma_start3A_571 : memref<128xi32, #tpu.memory_space<vmem>>) semaphore(%arg22 : memref<!tpu.dma_semaphore, #tpu.memory_space<semaphore_mem>>) {add = true}
      } else {
      }
      %dma_wait3A_244 = arith.constant 0 : i32
      %dma_wait3A_245 = arith.constant 0 : i32
      %dma_wait3A_246 = tpu.memref_slice %arg10[%dma_wait3A_244, %dma_wait3A_245] : memref<126x128xi32, #tpu.memory_space<vmem>> -> memref<1x128xi32, #tpu.memory_space<vmem>>
      %dma_wait3A_247 = tpu.memref_squeeze %dma_wait3A_246 : memref<1x128xi32, #tpu.memory_space<vmem>> -> memref<128xi32, #tpu.memory_space<vmem>>
      %dma_wait3A_248 = arith.constant 0 : i32
      %dma_wait3A_249 = arith.constant 0 : i32
      %dma_wait3A_250 = tpu.memref_slice %arg3[%dma_wait3A_248, %dma_wait3A_249] : memref<10240x128xf32, #tpu.memory_space<hbm>> -> memref<10240x128xf32, #tpu.memory_space<hbm>>
      tpu.wait_indirect_dma semaphore(%arg21 : memref<!tpu.dma_semaphore, #tpu.memory_space<semaphore_mem>>) src(%dma_wait3A_250 : memref<10240x128xf32, #tpu.memory_space<hbm>>) dst(%arg12 : memref<128x128xf32, #tpu.memory_space<vmem>>)
      %scan3A_251 = arith.constant 0 : i32
      %scan3A_252 = arith.constant 128 : i32
      %scan3A_253 = arith.addi %scan3A_251, %scan3A_252 : i32
      %scan3A_254 = arith.constant 1 : i32
      %scan3A_255:8 = scf.for %scan3A_560 = %scan3A_251 to %scan3A_253 step %scan3A_254 iter_args(%scan3A_561 = %broadcast_in_dim3A_33, %scan3A_562 = %broadcast_in_dim3A_33, %scan3A_563 = %broadcast_in_dim3A_33, %scan3A_564 = %broadcast_in_dim3A_33, %scan3A_565 = %broadcast_in_dim3A_33, %scan3A_566 = %broadcast_in_dim3A_33, %scan3A_567 = %broadcast_in_dim3A_33, %scan3A_568 = %broadcast_in_dim3A_33) -> (vector<16xf32>, vector<16xf32>, vector<16xf32>, vector<16xf32>, vector<16xf32>, vector<16xf32>, vector<16xf32>, vector<16xf32>)  : i32 {
        %broadcast_in_dim3A_569 = arith.constant 0 : i32
        %broadcast_in_dim3A_570 = vector.broadcast %broadcast_in_dim3A_569 : i32 to vector<16xi32>
        %add3A_571 = vector.broadcast %scan3A_560 : i32 to vector<16xi32>
        %add3A_572 = arith.addi %broadcast_in_dim3A_570, %add3A_571 : vector<16xi32>
        %gather3A = tpu.vector_load_idx %arg14[%add3A_572] : memref<128xf32, #tpu.memory_space<vmem>>[vector<16xi32>], vector<16xf32>,
        %gather3A_573 = tpu.vector_load_idx %arg12[%add3A_4, %add3A_572] : memref<128x128xf32, #tpu.memory_space<vmem>>[vector<16xi32>, vector<16xi32>], vector<16xf32>,
        %max3A = arith.constant 0.000000e+00 : f32
        %max3A_574 = vector.broadcast %max3A : f32 to vector<16xf32>
        %max3A_575 = arith.maximumf %gather3A_573, %max3A_574 : vector<16xf32>
        %mul3A_576 = arith.mulf %max3A_575, %gather3A : vector<16xf32>
        %add3A_577 = arith.addf %scan3A_561, %mul3A_576 : vector<16xf32>
        %gather3A_578 = tpu.vector_load_idx %arg12[%add3A_8, %add3A_572] : memref<128x128xf32, #tpu.memory_space<vmem>>[vector<16xi32>, vector<16xi32>], vector<16xf32>,
        %max3A_579 = arith.constant 0.000000e+00 : f32
        %max3A_580 = vector.broadcast %max3A_579 : f32 to vector<16xf32>
        %max3A_581 = arith.maximumf %gather3A_578, %max3A_580 : vector<16xf32>
        %mul3A_582 = arith.mulf %max3A_581, %gather3A : vector<16xf32>
        %add3A_583 = arith.addf %scan3A_562, %mul3A_582 : vector<16xf32>
        %gather3A_584 = tpu.vector_load_idx %arg12[%add3A_12, %add3A_572] : memref<128x128xf32, #tpu.memory_space<vmem>>[vector<16xi32>, vector<16xi32>], vector<16xf32>,
        %max3A_585 = arith.constant 0.000000e+00 : f32
        %max3A_586 = vector.broadcast %max3A_585 : f32 to vector<16xf32>
        %max3A_587 = arith.maximumf %gather3A_584, %max3A_586 : vector<16xf32>
        %mul3A_588 = arith.mulf %max3A_587, %gather3A : vector<16xf32>
        %add3A_589 = arith.addf %scan3A_563, %mul3A_588 : vector<16xf32>
        %gather3A_590 = tpu.vector_load_idx %arg12[%add3A_16, %add3A_572] : memref<128x128xf32, #tpu.memory_space<vmem>>[vector<16xi32>, vector<16xi32>], vector<16xf32>,
        %max3A_591 = arith.constant 0.000000e+00 : f32
        %max3A_592 = vector.broadcast %max3A_591 : f32 to vector<16xf32>
        %max3A_593 = arith.maximumf %gather3A_590, %max3A_592 : vector<16xf32>
        %mul3A_594 = arith.mulf %max3A_593, %gather3A : vector<16xf32>
        %add3A_595 = arith.addf %scan3A_564, %mul3A_594 : vector<16xf32>
        %gather3A_596 = tpu.vector_load_idx %arg12[%add3A_20, %add3A_572] : memref<128x128xf32, #tpu.memory_space<vmem>>[vector<16xi32>, vector<16xi32>], vector<16xf32>,
        %max3A_597 = arith.constant 0.000000e+00 : f32
        %max3A_598 = vector.broadcast %max3A_597 : f32 to vector<16xf32>
        %max3A_599 = arith.maximumf %gather3A_596, %max3A_598 : vector<16xf32>
        %mul3A_600 = arith.mulf %max3A_599, %gather3A : vector<16xf32>
        %add3A_601 = arith.addf %scan3A_565, %mul3A_600 : vector<16xf32>
        %gather3A_602 = tpu.vector_load_idx %arg12[%add3A_24, %add3A_572] : memref<128x128xf32, #tpu.memory_space<vmem>>[vector<16xi32>, vector<16xi32>], vector<16xf32>,
        %max3A_603 = arith.constant 0.000000e+00 : f32
        %max3A_604 = vector.broadcast %max3A_603 : f32 to vector<16xf32>
        %max3A_605 = arith.maximumf %gather3A_602, %max3A_604 : vector<16xf32>
        %mul3A_606 = arith.mulf %max3A_605, %gather3A : vector<16xf32>
        %add3A_607 = arith.addf %scan3A_566, %mul3A_606 : vector<16xf32>
        %gather3A_608 = tpu.vector_load_idx %arg12[%add3A_28, %add3A_572] : memref<128x128xf32, #tpu.memory_space<vmem>>[vector<16xi32>, vector<16xi32>], vector<16xf32>,
        %max3A_609 = arith.constant 0.000000e+00 : f32
        %max3A_610 = vector.broadcast %max3A_609 : f32 to vector<16xf32>
        %max3A_611 = arith.maximumf %gather3A_608, %max3A_610 : vector<16xf32>
        %mul3A_612 = arith.mulf %max3A_611, %gather3A : vector<16xf32>
        %add3A_613 = arith.addf %scan3A_567, %mul3A_612 : vector<16xf32>
        %gather3A_614 = tpu.vector_load_idx %arg12[%add3A_32, %add3A_572] : memref<128x128xf32, #tpu.memory_space<vmem>>[vector<16xi32>, vector<16xi32>], vector<16xf32>,
        %max3A_615 = arith.constant 0.000000e+00 : f32
        %max3A_616 = vector.broadcast %max3A_615 : f32 to vector<16xf32>
        %max3A_617 = arith.maximumf %gather3A_614, %max3A_616 : vector<16xf32>
        %mul3A_618 = arith.mulf %max3A_617, %gather3A : vector<16xf32>
        %add3A_619 = arith.addf %scan3A_568, %mul3A_618 : vector<16xf32>
        scf.yield %add3A_577, %add3A_583, %add3A_589, %add3A_595, %add3A_601, %add3A_607, %add3A_613, %add3A_619 : vector<16xf32>, vector<16xf32>, vector<16xf32>, vector<16xf32>, vector<16xf32>, vector<16xf32>, vector<16xf32>, vector<16xf32>
      }
      %scan3A_256 = arith.constant 128 : i32
      %add3A_257 = arith.addf %scan3A_255#0, %get3A_1 : vector<16xf32>
      %neg3A_258 = arith.constant 0.000000e+00 : f32
      %neg3A_259 = vector.broadcast %neg3A_258 : f32 to vector<16xf32>
      %neg3A_260 = arith.subf %neg3A_259, %add3A_257 : vector<16xf32>
      %exp3A_261 = math.exp %neg3A_260 : vector<16xf32>
      %add3A_262 = arith.constant 1.000000e+00 : f32
      %add3A_263 = vector.broadcast %add3A_262 : f32 to vector<16xf32>
      %add3A_264 = arith.addf %add3A_263, %exp3A_261 : vector<16xf32>
      %div3A_265 = arith.constant 1.000000e+00 : f32
      %div3A_266 = vector.broadcast %div3A_265 : f32 to vector<16xf32>
      %div3A_267 = arith.divf %div3A_266, %add3A_264 : vector<16xf32>
      %mul3A_268 = arith.constant 128 : i32
      %mul3A_269 = arith.muli %add3A_229, %mul3A_268 : i32
      %add3A_270 = arith.constant 0 : i32
      %add3A_271 = arith.addi %mul3A_269, %add3A_270 : i32
      %swap3A_272 = arith.index_cast %add3A_271 : i32 to index
      %swap3A_273 = tpu.vector_load %arg16[%swap3A_272] {strides = array<i32>} : memref<16128xf32, #tpu.memory_space<vmem>>, vector<16xf32>,
      tpu.vector_store %arg16[%swap3A_272], %div3A_267 {strides = array<i32>} : memref<16128xf32, #tpu.memory_space<vmem>>, vector<16xf32>,
      %add3A_274 = arith.addf %scan3A_255#1, %get3A_1 : vector<16xf32>
      %neg3A_275 = arith.constant 0.000000e+00 : f32
      %neg3A_276 = vector.broadcast %neg3A_275 : f32 to vector<16xf32>
      %neg3A_277 = arith.subf %neg3A_276, %add3A_274 : vector<16xf32>
      %exp3A_278 = math.exp %neg3A_277 : vector<16xf32>
      %add3A_279 = arith.constant 1.000000e+00 : f32
      %add3A_280 = vector.broadcast %add3A_279 : f32 to vector<16xf32>
      %add3A_281 = arith.addf %add3A_280, %exp3A_278 : vector<16xf32>
      %div3A_282 = arith.constant 1.000000e+00 : f32
      %div3A_283 = vector.broadcast %div3A_282 : f32 to vector<16xf32>
      %div3A_284 = arith.divf %div3A_283, %add3A_281 : vector<16xf32>
      %mul3A_285 = arith.constant 128 : i32
      %mul3A_286 = arith.muli %add3A_229, %mul3A_285 : i32
      %add3A_287 = arith.constant 16 : i32
      %add3A_288 = arith.addi %mul3A_286, %add3A_287 : i32
      %swap3A_289 = arith.index_cast %add3A_288 : i32 to index
      %swap3A_290 = tpu.vector_load %arg16[%swap3A_289] {strides = array<i32>} : memref<16128xf32, #tpu.memory_space<vmem>>, vector<16xf32>,
      tpu.vector_store %arg16[%swap3A_289], %div3A_284 {strides = array<i32>} : memref<16128xf32, #tpu.memory_space<vmem>>, vector<16xf32>,
      %add3A_291 = arith.addf %scan3A_255#2, %get3A_1 : vector<16xf32>
      %neg3A_292 = arith.constant 0.000000e+00 : f32
      %neg3A_293 = vector.broadcast %neg3A_292 : f32 to vector<16xf32>
      %neg3A_294 = arith.subf %neg3A_293, %add3A_291 : vector<16xf32>
      %exp3A_295 = math.exp %neg3A_294 : vector<16xf32>
      %add3A_296 = arith.constant 1.000000e+00 : f32
      %add3A_297 = vector.broadcast %add3A_296 : f32 to vector<16xf32>
      %add3A_298 = arith.addf %add3A_297, %exp3A_295 : vector<16xf32>
      %div3A_299 = arith.constant 1.000000e+00 : f32
      %div3A_300 = vector.broadcast %div3A_299 : f32 to vector<16xf32>
      %div3A_301 = arith.divf %div3A_300, %add3A_298 : vector<16xf32>
      %mul3A_302 = arith.constant 128 : i32
      %mul3A_303 = arith.muli %add3A_229, %mul3A_302 : i32
      %add3A_304 = arith.constant 32 : i32
      %add3A_305 = arith.addi %mul3A_303, %add3A_304 : i32
      %swap3A_306 = arith.index_cast %add3A_305 : i32 to index
      %swap3A_307 = tpu.vector_load %arg16[%swap3A_306] {strides = array<i32>} : memref<16128xf32, #tpu.memory_space<vmem>>, vector<16xf32>,
      tpu.vector_store %arg16[%swap3A_306], %div3A_301 {strides = array<i32>} : memref<16128xf32, #tpu.memory_space<vmem>>, vector<16xf32>,
      %add3A_308 = arith.addf %scan3A_255#3, %get3A_1 : vector<16xf32>
      %neg3A_309 = arith.constant 0.000000e+00 : f32
      %neg3A_310 = vector.broadcast %neg3A_309 : f32 to vector<16xf32>
      %neg3A_311 = arith.subf %neg3A_310, %add3A_308 : vector<16xf32>
      %exp3A_312 = math.exp %neg3A_311 : vector<16xf32>
      %add3A_313 = arith.constant 1.000000e+00 : f32
      %add3A_314 = vector.broadcast %add3A_313 : f32 to vector<16xf32>
      %add3A_315 = arith.addf %add3A_314, %exp3A_312 : vector<16xf32>
      %div3A_316 = arith.constant 1.000000e+00 : f32
      %div3A_317 = vector.broadcast %div3A_316 : f32 to vector<16xf32>
      %div3A_318 = arith.divf %div3A_317, %add3A_315 : vector<16xf32>
      %mul3A_319 = arith.constant 128 : i32
      %mul3A_320 = arith.muli %add3A_229, %mul3A_319 : i32
      %add3A_321 = arith.constant 48 : i32
      %add3A_322 = arith.addi %mul3A_320, %add3A_321 : i32
      %swap3A_323 = arith.index_cast %add3A_322 : i32 to index
      %swap3A_324 = tpu.vector_load %arg16[%swap3A_323] {strides = array<i32>} : memref<16128xf32, #tpu.memory_space<vmem>>, vector<16xf32>,
      tpu.vector_store %arg16[%swap3A_323], %div3A_318 {strides = array<i32>} : memref<16128xf32, #tpu.memory_space<vmem>>, vector<16xf32>,
      %add3A_325 = arith.addf %scan3A_255#4, %get3A_1 : vector<16xf32>
      %neg3A_326 = arith.constant 0.000000e+00 : f32
      %neg3A_327 = vector.broadcast %neg3A_326 : f32 to vector<16xf32>
      %neg3A_328 = arith.subf %neg3A_327, %add3A_325 : vector<16xf32>
      %exp3A_329 = math.exp %neg3A_328 : vector<16xf32>
      %add3A_330 = arith.constant 1.000000e+00 : f32
      %add3A_331 = vector.broadcast %add3A_330 : f32 to vector<16xf32>
      %add3A_332 = arith.addf %add3A_331, %exp3A_329 : vector<16xf32>
      %div3A_333 = arith.constant 1.000000e+00 : f32
      %div3A_334 = vector.broadcast %div3A_333 : f32 to vector<16xf32>
      %div3A_335 = arith.divf %div3A_334, %add3A_332 : vector<16xf32>
      %mul3A_336 = arith.constant 128 : i32
      %mul3A_337 = arith.muli %add3A_229, %mul3A_336 : i32
      %add3A_338 = arith.constant 64 : i32
      %add3A_339 = arith.addi %mul3A_337, %add3A_338 : i32
      %swap3A_340 = arith.index_cast %add3A_339 : i32 to index
      %swap3A_341 = tpu.vector_load %arg16[%swap3A_340] {strides = array<i32>} : memref<16128xf32, #tpu.memory_space<vmem>>, vector<16xf32>,
      tpu.vector_store %arg16[%swap3A_340], %div3A_335 {strides = array<i32>} : memref<16128xf32, #tpu.memory_space<vmem>>, vector<16xf32>,
      %add3A_342 = arith.addf %scan3A_255#5, %get3A_1 : vector<16xf32>
      %neg3A_343 = arith.constant 0.000000e+00 : f32
      %neg3A_344 = vector.broadcast %neg3A_343 : f32 to vector<16xf32>
      %neg3A_345 = arith.subf %neg3A_344, %add3A_342 : vector<16xf32>
      %exp3A_346 = math.exp %neg3A_345 : vector<16xf32>
      %add3A_347 = arith.constant 1.000000e+00 : f32
      %add3A_348 = vector.broadcast %add3A_347 : f32 to vector<16xf32>
      %add3A_349 = arith.addf %add3A_348, %exp3A_346 : vector<16xf32>
      %div3A_350 = arith.constant 1.000000e+00 : f32
      %div3A_351 = vector.broadcast %div3A_350 : f32 to vector<16xf32>
      %div3A_352 = arith.divf %div3A_351, %add3A_349 : vector<16xf32>
      %mul3A_353 = arith.constant 128 : i32
      %mul3A_354 = arith.muli %add3A_229, %mul3A_353 : i32
      %add3A_355 = arith.constant 80 : i32
      %add3A_356 = arith.addi %mul3A_354, %add3A_355 : i32
      %swap3A_357 = arith.index_cast %add3A_356 : i32 to index
      %swap3A_358 = tpu.vector_load %arg16[%swap3A_357] {strides = array<i32>} : memref<16128xf32, #tpu.memory_space<vmem>>, vector<16xf32>,
      tpu.vector_store %arg16[%swap3A_357], %div3A_352 {strides = array<i32>} : memref<16128xf32, #tpu.memory_space<vmem>>, vector<16xf32>,
      %add3A_359 = arith.addf %scan3A_255#6, %get3A_1 : vector<16xf32>
      %neg3A_360 = arith.constant 0.000000e+00 : f32
      %neg3A_361 = vector.broadcast %neg3A_360 : f32 to vector<16xf32>
      %neg3A_362 = arith.subf %neg3A_361, %add3A_359 : vector<16xf32>
      %exp3A_363 = math.exp %neg3A_362 : vector<16xf32>
      %add3A_364 = arith.constant 1.000000e+00 : f32
      %add3A_365 = vector.broadcast %add3A_364 : f32 to vector<16xf32>
      %add3A_366 = arith.addf %add3A_365, %exp3A_363 : vector<16xf32>
      %div3A_367 = arith.constant 1.000000e+00 : f32
      %div3A_368 = vector.broadcast %div3A_367 : f32 to vector<16xf32>
      %div3A_369 = arith.divf %div3A_368, %add3A_366 : vector<16xf32>
      %mul3A_370 = arith.constant 128 : i32
      %mul3A_371 = arith.muli %add3A_229, %mul3A_370 : i32
      %add3A_372 = arith.constant 96 : i32
      %add3A_373 = arith.addi %mul3A_371, %add3A_372 : i32
      %swap3A_374 = arith.index_cast %add3A_373 : i32 to index
      %swap3A_375 = tpu.vector_load %arg16[%swap3A_374] {strides = array<i32>} : memref<16128xf32, #tpu.memory_space<vmem>>, vector<16xf32>,
      tpu.vector_store %arg16[%swap3A_374], %div3A_369 {strides = array<i32>} : memref<16128xf32, #tpu.memory_space<vmem>>, vector<16xf32>,
      %add3A_376 = arith.addf %scan3A_255#7, %get3A_1 : vector<16xf32>
      %neg3A_377 = arith.constant 0.000000e+00 : f32
      %neg3A_378 = vector.broadcast %neg3A_377 : f32 to vector<16xf32>
      %neg3A_379 = arith.subf %neg3A_378, %add3A_376 : vector<16xf32>
      %exp3A_380 = math.exp %neg3A_379 : vector<16xf32>
      %add3A_381 = arith.constant 1.000000e+00 : f32
      %add3A_382 = vector.broadcast %add3A_381 : f32 to vector<16xf32>
      %add3A_383 = arith.addf %add3A_382, %exp3A_380 : vector<16xf32>
      %div3A_384 = arith.constant 1.000000e+00 : f32
      %div3A_385 = vector.broadcast %div3A_384 : f32 to vector<16xf32>
      %div3A_386 = arith.divf %div3A_385, %add3A_383 : vector<16xf32>
      %mul3A_387 = arith.constant 128 : i32
      %mul3A_388 = arith.muli %add3A_229, %mul3A_387 : i32
      %add3A_389 = arith.constant 112 : i32
      %add3A_390 = arith.addi %mul3A_388, %add3A_389 : i32
      %swap3A_391 = arith.index_cast %add3A_390 : i32 to index
      %swap3A_392 = tpu.vector_load %arg16[%swap3A_391] {strides = array<i32>} : memref<16128xf32, #tpu.memory_space<vmem>>, vector<16xf32>,
      tpu.vector_store %arg16[%swap3A_391], %div3A_386 {strides = array<i32>} : memref<16128xf32, #tpu.memory_space<vmem>>, vector<16xf32>,
      %mul3A_393 = arith.constant 3 : i32
      %mul3A_394 = arith.muli %scan3A_65, %mul3A_393 : i32
      %add3A_395 = arith.constant 2 : i32
      %add3A_396 = arith.addi %mul3A_394, %add3A_395 : i32
      %add3A_397 = arith.constant 2 : i32
      %add3A_398 = arith.addi %add3A_396, %add3A_397 : i32
      %lt3A_399 = arith.constant 126 : i32
      %lt3A_400 = arith.cmpi slt, %add3A_398, %lt3A_399 : i32
      %convert_element_type3A_401 = arith.extui %lt3A_400 : i1 to i32
      %cond3A_402 = arith.constant 0 : i32
      %cond3A_403 = arith.cmpi ne, %convert_element_type3A_401, %cond3A_402 : i32
      scf.if %cond3A_403 {
        %add3A_560 = arith.constant 2 : i32
        %add3A_561 = arith.addi %add3A_396, %add3A_560 : i32
        %dma_start3A_562 = arith.constant 0 : i32
        %dma_start3A_563 = tpu.memref_slice %arg9[%add3A_561, %dma_start3A_562] : memref<126x128xi32, #tpu.memory_space<vmem>> -> memref<1x128xi32, #tpu.memory_space<vmem>>
        %dma_start3A_564 = tpu.memref_squeeze %dma_start3A_563 : memref<1x128xi32, #tpu.memory_space<vmem>> -> memref<128xi32, #tpu.memory_space<vmem>>
        %dma_start3A_565 = arith.constant 0 : i32
        %dma_start3A_566 = arith.constant 0 : i32
        %dma_start3A_567 = tpu.memref_slice %arg2[%dma_start3A_565, %dma_start3A_566] : memref<10240x128xf32, #tpu.memory_space<hbm>> -> memref<10240x128xf32, #tpu.memory_space<hbm>>
        tpu.enqueue_indirect_dma source(%dma_start3A_567 : memref<10240x128xf32, #tpu.memory_space<hbm>>) target(%arg12 : memref<128x128xf32, #tpu.memory_space<vmem>>) offsets(%dma_start3A_564 : memref<128xi32, #tpu.memory_space<vmem>>) semaphore(%arg18 : memref<!tpu.dma_semaphore, #tpu.memory_space<semaphore_mem>>)
      } else {
      }
      %add3A_404 = arith.constant 1 : i32
      %add3A_405 = arith.addi %add3A_396, %add3A_404 : i32
      %lt3A_406 = arith.constant 126 : i32
      %lt3A_407 = arith.cmpi slt, %add3A_405, %lt3A_406 : i32
      %convert_element_type3A_408 = arith.extui %lt3A_407 : i1 to i32
      %cond3A_409 = arith.constant 0 : i32
      %cond3A_410 = arith.cmpi ne, %convert_element_type3A_408, %cond3A_409 : i32
      scf.if %cond3A_410 {
        %dma_wait3A_560 = arith.constant 0 : i32
        %dma_wait3A_561 = arith.constant 0 : i32
        %dma_wait3A_562 = tpu.memref_slice %arg9[%dma_wait3A_560, %dma_wait3A_561] : memref<126x128xi32, #tpu.memory_space<vmem>> -> memref<1x128xi32, #tpu.memory_space<vmem>>
        %dma_wait3A_563 = tpu.memref_squeeze %dma_wait3A_562 : memref<1x128xi32, #tpu.memory_space<vmem>> -> memref<128xi32, #tpu.memory_space<vmem>>
        %dma_wait3A_564 = arith.constant 0 : i32
        %dma_wait3A_565 = arith.constant 0 : i32
        %dma_wait3A_566 = tpu.memref_slice %arg2[%dma_wait3A_564, %dma_wait3A_565] : memref<10240x128xf32, #tpu.memory_space<hbm>> -> memref<10240x128xf32, #tpu.memory_space<hbm>>
        tpu.wait_indirect_dma semaphore(%arg17 : memref<!tpu.dma_semaphore, #tpu.memory_space<semaphore_mem>>) src(%dma_wait3A_566 : memref<10240x128xf32, #tpu.memory_space<hbm>>) dst(%arg11 : memref<128x128xf32, #tpu.memory_space<vmem>>)
        %add3A_567 = arith.constant 1 : i32
        %add3A_568 = arith.addi %add3A_396, %add3A_567 : i32
        %dma_start3A_569 = arith.constant 0 : i32
        %dma_start3A_570 = tpu.memref_slice %arg10[%add3A_568, %dma_start3A_569] : memref<126x128xi32, #tpu.memory_space<vmem>> -> memref<1x128xi32, #tpu.memory_space<vmem>>
        %dma_start3A_571 = tpu.memref_squeeze %dma_start3A_570 : memref<1x128xi32, #tpu.memory_space<vmem>> -> memref<128xi32, #tpu.memory_space<vmem>>
        %dma_start3A_572 = arith.constant 0 : i32
        %dma_start3A_573 = arith.constant 0 : i32
        %dma_start3A_574 = tpu.memref_slice %arg3[%dma_start3A_572, %dma_start3A_573] : memref<10240x128xf32, #tpu.memory_space<hbm>> -> memref<10240x128xf32, #tpu.memory_space<hbm>>
        tpu.enqueue_indirect_dma source(%dma_start3A_574 : memref<10240x128xf32, #tpu.memory_space<hbm>>) target(%arg11 : memref<128x128xf32, #tpu.memory_space<vmem>>) offsets(%dma_start3A_571 : memref<128xi32, #tpu.memory_space<vmem>>) semaphore(%arg20 : memref<!tpu.dma_semaphore, #tpu.memory_space<semaphore_mem>>) {add = true}
      } else {
      }
      %dma_wait3A_411 = arith.constant 0 : i32
      %dma_wait3A_412 = arith.constant 0 : i32
      %dma_wait3A_413 = tpu.memref_slice %arg10[%dma_wait3A_411, %dma_wait3A_412] : memref<126x128xi32, #tpu.memory_space<vmem>> -> memref<1x128xi32, #tpu.memory_space<vmem>>
      %dma_wait3A_414 = tpu.memref_squeeze %dma_wait3A_413 : memref<1x128xi32, #tpu.memory_space<vmem>> -> memref<128xi32, #tpu.memory_space<vmem>>
      %dma_wait3A_415 = arith.constant 0 : i32
      %dma_wait3A_416 = arith.constant 0 : i32
      %dma_wait3A_417 = tpu.memref_slice %arg3[%dma_wait3A_415, %dma_wait3A_416] : memref<10240x128xf32, #tpu.memory_space<hbm>> -> memref<10240x128xf32, #tpu.memory_space<hbm>>
      tpu.wait_indirect_dma semaphore(%arg22 : memref<!tpu.dma_semaphore, #tpu.memory_space<semaphore_mem>>) src(%dma_wait3A_417 : memref<10240x128xf32, #tpu.memory_space<hbm>>) dst(%arg13 : memref<128x128xf32, #tpu.memory_space<vmem>>)
      %scan3A_418 = arith.constant 0 : i32
      %scan3A_419 = arith.constant 128 : i32
      %scan3A_420 = arith.addi %scan3A_418, %scan3A_419 : i32
      %scan3A_421 = arith.constant 1 : i32
      %scan3A_422:8 = scf.for %scan3A_560 = %scan3A_418 to %scan3A_420 step %scan3A_421 iter_args(%scan3A_561 = %broadcast_in_dim3A_33, %scan3A_562 = %broadcast_in_dim3A_33, %scan3A_563 = %broadcast_in_dim3A_33, %scan3A_564 = %broadcast_in_dim3A_33, %scan3A_565 = %broadcast_in_dim3A_33, %scan3A_566 = %broadcast_in_dim3A_33, %scan3A_567 = %broadcast_in_dim3A_33, %scan3A_568 = %broadcast_in_dim3A_33) -> (vector<16xf32>, vector<16xf32>, vector<16xf32>, vector<16xf32>, vector<16xf32>, vector<16xf32>, vector<16xf32>, vector<16xf32>)  : i32 {
        %broadcast_in_dim3A_569 = arith.constant 0 : i32
        %broadcast_in_dim3A_570 = vector.broadcast %broadcast_in_dim3A_569 : i32 to vector<16xi32>
        %add3A_571 = vector.broadcast %scan3A_560 : i32 to vector<16xi32>
        %add3A_572 = arith.addi %broadcast_in_dim3A_570, %add3A_571 : vector<16xi32>
        %gather3A = tpu.vector_load_idx %arg14[%add3A_572] : memref<128xf32, #tpu.memory_space<vmem>>[vector<16xi32>], vector<16xf32>,
        %gather3A_573 = tpu.vector_load_idx %arg13[%add3A_4, %add3A_572] : memref<128x128xf32, #tpu.memory_space<vmem>>[vector<16xi32>, vector<16xi32>], vector<16xf32>,
        %max3A = arith.constant 0.000000e+00 : f32
        %max3A_574 = vector.broadcast %max3A : f32 to vector<16xf32>
        %max3A_575 = arith.maximumf %gather3A_573, %max3A_574 : vector<16xf32>
        %mul3A_576 = arith.mulf %max3A_575, %gather3A : vector<16xf32>
        %add3A_577 = arith.addf %scan3A_561, %mul3A_576 : vector<16xf32>
        %gather3A_578 = tpu.vector_load_idx %arg13[%add3A_8, %add3A_572] : memref<128x128xf32, #tpu.memory_space<vmem>>[vector<16xi32>, vector<16xi32>], vector<16xf32>,
        %max3A_579 = arith.constant 0.000000e+00 : f32
        %max3A_580 = vector.broadcast %max3A_579 : f32 to vector<16xf32>
        %max3A_581 = arith.maximumf %gather3A_578, %max3A_580 : vector<16xf32>
        %mul3A_582 = arith.mulf %max3A_581, %gather3A : vector<16xf32>
        %add3A_583 = arith.addf %scan3A_562, %mul3A_582 : vector<16xf32>
        %gather3A_584 = tpu.vector_load_idx %arg13[%add3A_12, %add3A_572] : memref<128x128xf32, #tpu.memory_space<vmem>>[vector<16xi32>, vector<16xi32>], vector<16xf32>,
        %max3A_585 = arith.constant 0.000000e+00 : f32
        %max3A_586 = vector.broadcast %max3A_585 : f32 to vector<16xf32>
        %max3A_587 = arith.maximumf %gather3A_584, %max3A_586 : vector<16xf32>
        %mul3A_588 = arith.mulf %max3A_587, %gather3A : vector<16xf32>
        %add3A_589 = arith.addf %scan3A_563, %mul3A_588 : vector<16xf32>
        %gather3A_590 = tpu.vector_load_idx %arg13[%add3A_16, %add3A_572] : memref<128x128xf32, #tpu.memory_space<vmem>>[vector<16xi32>, vector<16xi32>], vector<16xf32>,
        %max3A_591 = arith.constant 0.000000e+00 : f32
        %max3A_592 = vector.broadcast %max3A_591 : f32 to vector<16xf32>
        %max3A_593 = arith.maximumf %gather3A_590, %max3A_592 : vector<16xf32>
        %mul3A_594 = arith.mulf %max3A_593, %gather3A : vector<16xf32>
        %add3A_595 = arith.addf %scan3A_564, %mul3A_594 : vector<16xf32>
        %gather3A_596 = tpu.vector_load_idx %arg13[%add3A_20, %add3A_572] : memref<128x128xf32, #tpu.memory_space<vmem>>[vector<16xi32>, vector<16xi32>], vector<16xf32>,
        %max3A_597 = arith.constant 0.000000e+00 : f32
        %max3A_598 = vector.broadcast %max3A_597 : f32 to vector<16xf32>
        %max3A_599 = arith.maximumf %gather3A_596, %max3A_598 : vector<16xf32>
        %mul3A_600 = arith.mulf %max3A_599, %gather3A : vector<16xf32>
        %add3A_601 = arith.addf %scan3A_565, %mul3A_600 : vector<16xf32>
        %gather3A_602 = tpu.vector_load_idx %arg13[%add3A_24, %add3A_572] : memref<128x128xf32, #tpu.memory_space<vmem>>[vector<16xi32>, vector<16xi32>], vector<16xf32>,
        %max3A_603 = arith.constant 0.000000e+00 : f32
        %max3A_604 = vector.broadcast %max3A_603 : f32 to vector<16xf32>
        %max3A_605 = arith.maximumf %gather3A_602, %max3A_604 : vector<16xf32>
        %mul3A_606 = arith.mulf %max3A_605, %gather3A : vector<16xf32>
        %add3A_607 = arith.addf %scan3A_566, %mul3A_606 : vector<16xf32>
        %gather3A_608 = tpu.vector_load_idx %arg13[%add3A_28, %add3A_572] : memref<128x128xf32, #tpu.memory_space<vmem>>[vector<16xi32>, vector<16xi32>], vector<16xf32>,
        %max3A_609 = arith.constant 0.000000e+00 : f32
        %max3A_610 = vector.broadcast %max3A_609 : f32 to vector<16xf32>
        %max3A_611 = arith.maximumf %gather3A_608, %max3A_610 : vector<16xf32>
        %mul3A_612 = arith.mulf %max3A_611, %gather3A : vector<16xf32>
        %add3A_613 = arith.addf %scan3A_567, %mul3A_612 : vector<16xf32>
        %gather3A_614 = tpu.vector_load_idx %arg13[%add3A_32, %add3A_572] : memref<128x128xf32, #tpu.memory_space<vmem>>[vector<16xi32>, vector<16xi32>], vector<16xf32>,
        %max3A_615 = arith.constant 0.000000e+00 : f32
        %max3A_616 = vector.broadcast %max3A_615 : f32 to vector<16xf32>
        %max3A_617 = arith.maximumf %gather3A_614, %max3A_616 : vector<16xf32>
        %mul3A_618 = arith.mulf %max3A_617, %gather3A : vector<16xf32>
        %add3A_619 = arith.addf %scan3A_568, %mul3A_618 : vector<16xf32>
        scf.yield %add3A_577, %add3A_583, %add3A_589, %add3A_595, %add3A_601, %add3A_607, %add3A_613, %add3A_619 : vector<16xf32>, vector<16xf32>, vector<16xf32>, vector<16xf32>, vector<16xf32>, vector<16xf32>, vector<16xf32>, vector<16xf32>
      }
      %scan3A_423 = arith.constant 128 : i32
      %add3A_424 = arith.addf %scan3A_422#0, %get3A_1 : vector<16xf32>
      %neg3A_425 = arith.constant 0.000000e+00 : f32
      %neg3A_426 = vector.broadcast %neg3A_425 : f32 to vector<16xf32>
      %neg3A_427 = arith.subf %neg3A_426, %add3A_424 : vector<16xf32>
      %exp3A_428 = math.exp %neg3A_427 : vector<16xf32>
      %add3A_429 = arith.constant 1.000000e+00 : f32
      %add3A_430 = vector.broadcast %add3A_429 : f32 to vector<16xf32>
      %add3A_431 = arith.addf %add3A_430, %exp3A_428 : vector<16xf32>
      %div3A_432 = arith.constant 1.000000e+00 : f32
      %div3A_433 = vector.broadcast %div3A_432 : f32 to vector<16xf32>
      %div3A_434 = arith.divf %div3A_433, %add3A_431 : vector<16xf32>
      %mul3A_435 = arith.constant 128 : i32
      %mul3A_436 = arith.muli %add3A_396, %mul3A_435 : i32
      %add3A_437 = arith.constant 0 : i32
      %add3A_438 = arith.addi %mul3A_436, %add3A_437 : i32
      %swap3A_439 = arith.index_cast %add3A_438 : i32 to index
      %swap3A_440 = tpu.vector_load %arg16[%swap3A_439] {strides = array<i32>} : memref<16128xf32, #tpu.memory_space<vmem>>, vector<16xf32>,
      tpu.vector_store %arg16[%swap3A_439], %div3A_434 {strides = array<i32>} : memref<16128xf32, #tpu.memory_space<vmem>>, vector<16xf32>,
      %add3A_441 = arith.addf %scan3A_422#1, %get3A_1 : vector<16xf32>
      %neg3A_442 = arith.constant 0.000000e+00 : f32
      %neg3A_443 = vector.broadcast %neg3A_442 : f32 to vector<16xf32>
      %neg3A_444 = arith.subf %neg3A_443, %add3A_441 : vector<16xf32>
      %exp3A_445 = math.exp %neg3A_444 : vector<16xf32>
      %add3A_446 = arith.constant 1.000000e+00 : f32
      %add3A_447 = vector.broadcast %add3A_446 : f32 to vector<16xf32>
      %add3A_448 = arith.addf %add3A_447, %exp3A_445 : vector<16xf32>
      %div3A_449 = arith.constant 1.000000e+00 : f32
      %div3A_450 = vector.broadcast %div3A_449 : f32 to vector<16xf32>
      %div3A_451 = arith.divf %div3A_450, %add3A_448 : vector<16xf32>
      %mul3A_452 = arith.constant 128 : i32
      %mul3A_453 = arith.muli %add3A_396, %mul3A_452 : i32
      %add3A_454 = arith.constant 16 : i32
      %add3A_455 = arith.addi %mul3A_453, %add3A_454 : i32
      %swap3A_456 = arith.index_cast %add3A_455 : i32 to index
      %swap3A_457 = tpu.vector_load %arg16[%swap3A_456] {strides = array<i32>} : memref<16128xf32, #tpu.memory_space<vmem>>, vector<16xf32>,
      tpu.vector_store %arg16[%swap3A_456], %div3A_451 {strides = array<i32>} : memref<16128xf32, #tpu.memory_space<vmem>>, vector<16xf32>,
      %add3A_458 = arith.addf %scan3A_422#2, %get3A_1 : vector<16xf32>
      %neg3A_459 = arith.constant 0.000000e+00 : f32
      %neg3A_460 = vector.broadcast %neg3A_459 : f32 to vector<16xf32>
      %neg3A_461 = arith.subf %neg3A_460, %add3A_458 : vector<16xf32>
      %exp3A_462 = math.exp %neg3A_461 : vector<16xf32>
      %add3A_463 = arith.constant 1.000000e+00 : f32
      %add3A_464 = vector.broadcast %add3A_463 : f32 to vector<16xf32>
      %add3A_465 = arith.addf %add3A_464, %exp3A_462 : vector<16xf32>
      %div3A_466 = arith.constant 1.000000e+00 : f32
      %div3A_467 = vector.broadcast %div3A_466 : f32 to vector<16xf32>
      %div3A_468 = arith.divf %div3A_467, %add3A_465 : vector<16xf32>
      %mul3A_469 = arith.constant 128 : i32
      %mul3A_470 = arith.muli %add3A_396, %mul3A_469 : i32
      %add3A_471 = arith.constant 32 : i32
      %add3A_472 = arith.addi %mul3A_470, %add3A_471 : i32
      %swap3A_473 = arith.index_cast %add3A_472 : i32 to index
      %swap3A_474 = tpu.vector_load %arg16[%swap3A_473] {strides = array<i32>} : memref<16128xf32, #tpu.memory_space<vmem>>, vector<16xf32>,
      tpu.vector_store %arg16[%swap3A_473], %div3A_468 {strides = array<i32>} : memref<16128xf32, #tpu.memory_space<vmem>>, vector<16xf32>,
      %add3A_475 = arith.addf %scan3A_422#3, %get3A_1 : vector<16xf32>
      %neg3A_476 = arith.constant 0.000000e+00 : f32
      %neg3A_477 = vector.broadcast %neg3A_476 : f32 to vector<16xf32>
      %neg3A_478 = arith.subf %neg3A_477, %add3A_475 : vector<16xf32>
      %exp3A_479 = math.exp %neg3A_478 : vector<16xf32>
      %add3A_480 = arith.constant 1.000000e+00 : f32
      %add3A_481 = vector.broadcast %add3A_480 : f32 to vector<16xf32>
      %add3A_482 = arith.addf %add3A_481, %exp3A_479 : vector<16xf32>
      %div3A_483 = arith.constant 1.000000e+00 : f32
      %div3A_484 = vector.broadcast %div3A_483 : f32 to vector<16xf32>
      %div3A_485 = arith.divf %div3A_484, %add3A_482 : vector<16xf32>
      %mul3A_486 = arith.constant 128 : i32
      %mul3A_487 = arith.muli %add3A_396, %mul3A_486 : i32
      %add3A_488 = arith.constant 48 : i32
      %add3A_489 = arith.addi %mul3A_487, %add3A_488 : i32
      %swap3A_490 = arith.index_cast %add3A_489 : i32 to index
      %swap3A_491 = tpu.vector_load %arg16[%swap3A_490] {strides = array<i32>} : memref<16128xf32, #tpu.memory_space<vmem>>, vector<16xf32>,
      tpu.vector_store %arg16[%swap3A_490], %div3A_485 {strides = array<i32>} : memref<16128xf32, #tpu.memory_space<vmem>>, vector<16xf32>,
      %add3A_492 = arith.addf %scan3A_422#4, %get3A_1 : vector<16xf32>
      %neg3A_493 = arith.constant 0.000000e+00 : f32
      %neg3A_494 = vector.broadcast %neg3A_493 : f32 to vector<16xf32>
      %neg3A_495 = arith.subf %neg3A_494, %add3A_492 : vector<16xf32>
      %exp3A_496 = math.exp %neg3A_495 : vector<16xf32>
      %add3A_497 = arith.constant 1.000000e+00 : f32
      %add3A_498 = vector.broadcast %add3A_497 : f32 to vector<16xf32>
      %add3A_499 = arith.addf %add3A_498, %exp3A_496 : vector<16xf32>
      %div3A_500 = arith.constant 1.000000e+00 : f32
      %div3A_501 = vector.broadcast %div3A_500 : f32 to vector<16xf32>
      %div3A_502 = arith.divf %div3A_501, %add3A_499 : vector<16xf32>
      %mul3A_503 = arith.constant 128 : i32
      %mul3A_504 = arith.muli %add3A_396, %mul3A_503 : i32
      %add3A_505 = arith.constant 64 : i32
      %add3A_506 = arith.addi %mul3A_504, %add3A_505 : i32
      %swap3A_507 = arith.index_cast %add3A_506 : i32 to index
      %swap3A_508 = tpu.vector_load %arg16[%swap3A_507] {strides = array<i32>} : memref<16128xf32, #tpu.memory_space<vmem>>, vector<16xf32>,
      tpu.vector_store %arg16[%swap3A_507], %div3A_502 {strides = array<i32>} : memref<16128xf32, #tpu.memory_space<vmem>>, vector<16xf32>,
      %add3A_509 = arith.addf %scan3A_422#5, %get3A_1 : vector<16xf32>
      %neg3A_510 = arith.constant 0.000000e+00 : f32
      %neg3A_511 = vector.broadcast %neg3A_510 : f32 to vector<16xf32>
      %neg3A_512 = arith.subf %neg3A_511, %add3A_509 : vector<16xf32>
      %exp3A_513 = math.exp %neg3A_512 : vector<16xf32>
      %add3A_514 = arith.constant 1.000000e+00 : f32
      %add3A_515 = vector.broadcast %add3A_514 : f32 to vector<16xf32>
      %add3A_516 = arith.addf %add3A_515, %exp3A_513 : vector<16xf32>
      %div3A_517 = arith.constant 1.000000e+00 : f32
      %div3A_518 = vector.broadcast %div3A_517 : f32 to vector<16xf32>
      %div3A_519 = arith.divf %div3A_518, %add3A_516 : vector<16xf32>
      %mul3A_520 = arith.constant 128 : i32
      %mul3A_521 = arith.muli %add3A_396, %mul3A_520 : i32
      %add3A_522 = arith.constant 80 : i32
      %add3A_523 = arith.addi %mul3A_521, %add3A_522 : i32
      %swap3A_524 = arith.index_cast %add3A_523 : i32 to index
      %swap3A_525 = tpu.vector_load %arg16[%swap3A_524] {strides = array<i32>} : memref<16128xf32, #tpu.memory_space<vmem>>, vector<16xf32>,
      tpu.vector_store %arg16[%swap3A_524], %div3A_519 {strides = array<i32>} : memref<16128xf32, #tpu.memory_space<vmem>>, vector<16xf32>,
      %add3A_526 = arith.addf %scan3A_422#6, %get3A_1 : vector<16xf32>
      %neg3A_527 = arith.constant 0.000000e+00 : f32
      %neg3A_528 = vector.broadcast %neg3A_527 : f32 to vector<16xf32>
      %neg3A_529 = arith.subf %neg3A_528, %add3A_526 : vector<16xf32>
      %exp3A_530 = math.exp %neg3A_529 : vector<16xf32>
      %add3A_531 = arith.constant 1.000000e+00 : f32
      %add3A_532 = vector.broadcast %add3A_531 : f32 to vector<16xf32>
      %add3A_533 = arith.addf %add3A_532, %exp3A_530 : vector<16xf32>
      %div3A_534 = arith.constant 1.000000e+00 : f32
      %div3A_535 = vector.broadcast %div3A_534 : f32 to vector<16xf32>
      %div3A_536 = arith.divf %div3A_535, %add3A_533 : vector<16xf32>
      %mul3A_537 = arith.constant 128 : i32
      %mul3A_538 = arith.muli %add3A_396, %mul3A_537 : i32
      %add3A_539 = arith.constant 96 : i32
      %add3A_540 = arith.addi %mul3A_538, %add3A_539 : i32
      %swap3A_541 = arith.index_cast %add3A_540 : i32 to index
      %swap3A_542 = tpu.vector_load %arg16[%swap3A_541] {strides = array<i32>} : memref<16128xf32, #tpu.memory_space<vmem>>, vector<16xf32>,
      tpu.vector_store %arg16[%swap3A_541], %div3A_536 {strides = array<i32>} : memref<16128xf32, #tpu.memory_space<vmem>>, vector<16xf32>,
      %add3A_543 = arith.addf %scan3A_422#7, %get3A_1 : vector<16xf32>
      %neg3A_544 = arith.constant 0.000000e+00 : f32
      %neg3A_545 = vector.broadcast %neg3A_544 : f32 to vector<16xf32>
      %neg3A_546 = arith.subf %neg3A_545, %add3A_543 : vector<16xf32>
      %exp3A_547 = math.exp %neg3A_546 : vector<16xf32>
      %add3A_548 = arith.constant 1.000000e+00 : f32
      %add3A_549 = vector.broadcast %add3A_548 : f32 to vector<16xf32>
      %add3A_550 = arith.addf %add3A_549, %exp3A_547 : vector<16xf32>
      %div3A_551 = arith.constant 1.000000e+00 : f32
      %div3A_552 = vector.broadcast %div3A_551 : f32 to vector<16xf32>
      %div3A_553 = arith.divf %div3A_552, %add3A_550 : vector<16xf32>
      %mul3A_554 = arith.constant 128 : i32
      %mul3A_555 = arith.muli %add3A_396, %mul3A_554 : i32
      %add3A_556 = arith.constant 112 : i32
      %add3A_557 = arith.addi %mul3A_555, %add3A_556 : i32
      %swap3A_558 = arith.index_cast %add3A_557 : i32 to index
      %swap3A_559 = tpu.vector_load %arg16[%swap3A_558] {strides = array<i32>} : memref<16128xf32, #tpu.memory_space<vmem>>, vector<16xf32>,
      tpu.vector_store %arg16[%swap3A_558], %div3A_553 {strides = array<i32>} : memref<16128xf32, #tpu.memory_space<vmem>>, vector<16xf32>,
    }
    %scan3A_64 = arith.constant 42 : i32
    "tpu.region"() ({
      %run_scoped3A = tpu.sem_alloc : memref<!tpu.dma_semaphore, #tpu.memory_space<semaphore_mem>>
      %dma_start3A_65 = arith.constant 0 : i32
      %dma_start3A_66 = tpu.memref_slice %arg8[%add3A, %dma_start3A_65] : memref<32x16128xf32, #tpu.memory_space<hbm>> -> memref<1x16128xf32, #tpu.memory_space<hbm>>
      %dma_start3A_67 = tpu.memref_squeeze %dma_start3A_66 : memref<1x16128xf32, #tpu.memory_space<hbm>> -> memref<16128xf32, #tpu.memory_space<hbm>>
      %dma_start3A_68 = arith.constant 0 : i32
      %dma_start3A_69 = tpu.memref_slice %arg8[%add3A, %dma_start3A_68] : memref<32x16128xf32, #tpu.memory_space<hbm>> -> memref<1x16128xf32, #tpu.memory_space<hbm>>
      %dma_start3A_70 = tpu.memref_squeeze %dma_start3A_69 : memref<1x16128xf32, #tpu.memory_space<hbm>> -> memref<16128xf32, #tpu.memory_space<hbm>>
      tpu.enqueue_dma source(%arg16 : memref<16128xf32, #tpu.memory_space<vmem>>) target(%dma_start3A_70 : memref<16128xf32, #tpu.memory_space<hbm>>) target_semaphore(%run_scoped3A : memref<!tpu.dma_semaphore, #tpu.memory_space<semaphore_mem>>)
      %dma_wait3A_71 = arith.constant 0 : i32
      %dma_wait3A_72 = tpu.memref_slice %arg8[%add3A, %dma_wait3A_71] : memref<32x16128xf32, #tpu.memory_space<hbm>> -> memref<1x16128xf32, #tpu.memory_space<hbm>>
      %dma_wait3A_73 = tpu.memref_squeeze %dma_wait3A_72 : memref<1x16128xf32, #tpu.memory_space<hbm>> -> memref<16128xf32, #tpu.memory_space<hbm>>
      %dma_wait3A_74 = arith.constant 0 : i32
      %dma_wait3A_75 = tpu.memref_slice %arg8[%add3A, %dma_wait3A_74] : memref<32x16128xf32, #tpu.memory_space<hbm>> -> memref<1x16128xf32, #tpu.memory_space<hbm>>
      %dma_wait3A_76 = tpu.memref_squeeze %dma_wait3A_75 : memref<1x16128xf32, #tpu.memory_space<hbm>> -> memref<16128xf32, #tpu.memory_space<hbm>>
      tpu.wait_dma2 semaphore(%run_scoped3A : memref<!tpu.dma_semaphore, #tpu.memory_space<semaphore_mem>>) src(%arg16 : memref<16128xf32, #tpu.memory_space<vmem>>) dst(%dma_wait3A_76 : memref<16128xf32, #tpu.memory_space<hbm>>)
      tpu.yield
    }) : () -> ()
    return
  }
}

#map = affine_map<(d0, d1) -> (0, 0, 0)>
#map1 = affine_map<(d0, d1) -> (0, 0)>
module attributes {stable_mosaic.version = 14 : i64} {
  func.func @_k_deg(%arg0: i32, %arg1: i32, %arg2: memref<32x80x128xi32, #tpu.memory_space<hbm>>, %arg3: memref<10240x16xf32, #tpu.memory_space<hbm>>, %arg4: memref<128x16xf32, #tpu.memory_space<hbm>>, %arg5: memref<2x10240x16xf32, #tpu.memory_space<hbm>>, %arg6: memref<80x128xi32, #tpu.memory_space<vmem>>, %arg7: memref<128x16xf32, #tpu.memory_space<vmem>>, %arg8: memref<10240x16xf32, #tpu.memory_space<vmem_shared>>, %arg9: memref<!tpu.dma_semaphore, #tpu.memory_space<semaphore_mem>>) attributes {dimension_semantics = [#tpu.dimension_semantics<core_parallel>, #tpu.dimension_semantics<subcore_parallel>], iteration_bounds = array<i64: 2, 16>, scalar_prefetch = 0 : i64, scratch_operands = 4 : i64, tpu.core_type = #tpu.core_type<sc_vector_subcore>, window_params = [{transform_indices = #map}, {transform_indices = #map1}, {transform_indices = #map1}, {transform_indices = #map}]} {
    %mul3A = arith.constant 16 : i32
    %mul3A_0 = arith.muli %arg0, %mul3A : i32
    %add3A = arith.addi %mul3A_0, %arg1 : i32
    %mul3A_1 = arith.constant 640 : i32
    %mul3A_2 = arith.muli %arg1, %mul3A_1 : i32
    "tpu.region"() ({
      %run_scoped3A = tpu.sem_alloc : memref<!tpu.dma_semaphore, #tpu.memory_space<semaphore_mem>>
      %dma_start3A = arith.constant 0 : i32
      %dma_start3A_9 = tpu.memref_slice %arg8[%mul3A_2, %dma_start3A] : memref<10240x16xf32, #tpu.memory_space<vmem_shared>> -> memref<640x16xf32, #tpu.memory_space<vmem_shared>>
      %dma_start3A_10 = arith.constant 0 : i32
      %dma_start3A_11 = tpu.memref_slice %arg3[%mul3A_2, %dma_start3A_10] : memref<10240x16xf32, #tpu.memory_space<hbm>> -> memref<640x16xf32, #tpu.memory_space<hbm>>
      tpu.enqueue_dma source(%dma_start3A_11 : memref<640x16xf32, #tpu.memory_space<hbm>>) target(%dma_start3A_9 : memref<640x16xf32, #tpu.memory_space<vmem_shared>>) target_semaphore(%run_scoped3A : memref<!tpu.dma_semaphore, #tpu.memory_space<semaphore_mem>>)
      %dma_wait3A = arith.constant 0 : i32
      %dma_wait3A_12 = tpu.memref_slice %arg8[%mul3A_2, %dma_wait3A] : memref<10240x16xf32, #tpu.memory_space<vmem_shared>> -> memref<640x16xf32, #tpu.memory_space<vmem_shared>>
      %dma_wait3A_13 = arith.constant 0 : i32
      %dma_wait3A_14 = tpu.memref_slice %arg3[%mul3A_2, %dma_wait3A_13] : memref<10240x16xf32, #tpu.memory_space<hbm>> -> memref<640x16xf32, #tpu.memory_space<hbm>>
      tpu.wait_dma2 semaphore(%run_scoped3A : memref<!tpu.dma_semaphore, #tpu.memory_space<semaphore_mem>>) src(%dma_wait3A_14 : memref<640x16xf32, #tpu.memory_space<hbm>>) dst(%dma_wait3A_12 : memref<640x16xf32, #tpu.memory_space<vmem_shared>>)
      tpu.yield
    }) : () -> ()
    "tpu.region"() ({
      %run_scoped3A = tpu.sem_alloc : memref<!tpu.dma_semaphore, #tpu.memory_space<semaphore_mem>>
      tpu.enqueue_dma source(%arg4 : memref<128x16xf32, #tpu.memory_space<hbm>>) target(%arg7 : memref<128x16xf32, #tpu.memory_space<vmem>>) target_semaphore(%run_scoped3A : memref<!tpu.dma_semaphore, #tpu.memory_space<semaphore_mem>>)
      tpu.wait_dma2 semaphore(%run_scoped3A : memref<!tpu.dma_semaphore, #tpu.memory_space<semaphore_mem>>) src(%arg4 : memref<128x16xf32, #tpu.memory_space<hbm>>) dst(%arg7 : memref<128x16xf32, #tpu.memory_space<vmem>>)
      tpu.yield
    }) : () -> ()
    "tpu.region"() ({
      %run_scoped3A = tpu.sem_alloc : memref<!tpu.dma_semaphore, #tpu.memory_space<semaphore_mem>>
      %dma_start3A = arith.constant 0 : i32
      %dma_start3A_9 = arith.constant 0 : i32
      %dma_start3A_10 = tpu.memref_slice %arg2[%add3A, %dma_start3A, %dma_start3A_9] : memref<32x80x128xi32, #tpu.memory_space<hbm>> -> memref<1x80x128xi32, #tpu.memory_space<hbm>>
      %dma_start3A_11 = tpu.memref_squeeze %dma_start3A_10 : memref<1x80x128xi32, #tpu.memory_space<hbm>> -> memref<80x128xi32, #tpu.memory_space<hbm>>
      %dma_start3A_12 = arith.constant 0 : i32
      %dma_start3A_13 = arith.constant 0 : i32
      %dma_start3A_14 = tpu.memref_slice %arg2[%add3A, %dma_start3A_12, %dma_start3A_13] : memref<32x80x128xi32, #tpu.memory_space<hbm>> -> memref<1x80x128xi32, #tpu.memory_space<hbm>>
      %dma_start3A_15 = tpu.memref_squeeze %dma_start3A_14 : memref<1x80x128xi32, #tpu.memory_space<hbm>> -> memref<80x128xi32, #tpu.memory_space<hbm>>
      tpu.enqueue_dma source(%dma_start3A_15 : memref<80x128xi32, #tpu.memory_space<hbm>>) target(%arg6 : memref<80x128xi32, #tpu.memory_space<vmem>>) target_semaphore(%run_scoped3A : memref<!tpu.dma_semaphore, #tpu.memory_space<semaphore_mem>>)
      %dma_wait3A = arith.constant 0 : i32
      %dma_wait3A_16 = arith.constant 0 : i32
      %dma_wait3A_17 = tpu.memref_slice %arg2[%add3A, %dma_wait3A, %dma_wait3A_16] : memref<32x80x128xi32, #tpu.memory_space<hbm>> -> memref<1x80x128xi32, #tpu.memory_space<hbm>>
      %dma_wait3A_18 = tpu.memref_squeeze %dma_wait3A_17 : memref<1x80x128xi32, #tpu.memory_space<hbm>> -> memref<80x128xi32, #tpu.memory_space<hbm>>
      %dma_wait3A_19 = arith.constant 0 : i32
      %dma_wait3A_20 = arith.constant 0 : i32
      %dma_wait3A_21 = tpu.memref_slice %arg2[%add3A, %dma_wait3A_19, %dma_wait3A_20] : memref<32x80x128xi32, #tpu.memory_space<hbm>> -> memref<1x80x128xi32, #tpu.memory_space<hbm>>
      %dma_wait3A_22 = tpu.memref_squeeze %dma_wait3A_21 : memref<1x80x128xi32, #tpu.memory_space<hbm>> -> memref<80x128xi32, #tpu.memory_space<hbm>>
      tpu.wait_dma2 semaphore(%run_scoped3A : memref<!tpu.dma_semaphore, #tpu.memory_space<semaphore_mem>>) src(%dma_wait3A_22 : memref<80x128xi32, #tpu.memory_space<hbm>>) dst(%arg6 : memref<80x128xi32, #tpu.memory_space<vmem>>)
      tpu.yield
    }) : () -> ()
    %barrier3A = arith.constant 0 : index
    tpu.barrier barrier_id(%barrier3A)
    %scan3A = arith.constant 0 : i32
    %scan3A_3 = arith.constant 0 : i32
    %scan3A_4 = arith.constant 10 : i32
    %scan3A_5 = arith.addi %scan3A_3, %scan3A_4 : i32
    %scan3A_6 = arith.constant 1 : i32
    scf.for %scan3A_9 = %scan3A_3 to %scan3A_5 step %scan3A_6  : i32 {
      %mul3A_10 = arith.constant 8 : i32
      %mul3A_11 = arith.muli %scan3A_9, %mul3A_10 : i32
      %add3A_12 = arith.constant 0 : i32
      %add3A_13 = arith.addi %mul3A_11, %add3A_12 : i32
      %dma_start3A = arith.constant 0 : i32
      %dma_start3A_14 = tpu.memref_slice %arg6[%add3A_13, %dma_start3A] : memref<80x128xi32, #tpu.memory_space<vmem>> -> memref<1x128xi32, #tpu.memory_space<vmem>>
      %dma_start3A_15 = tpu.memref_squeeze %dma_start3A_14 : memref<1x128xi32, #tpu.memory_space<vmem>> -> memref<128xi32, #tpu.memory_space<vmem>>
      %dma_start3A_16 = arith.constant 0 : i32
      %dma_start3A_17 = arith.constant 0 : i32
      %dma_start3A_18 = tpu.memref_slice %arg8[%dma_start3A_16, %dma_start3A_17] : memref<10240x16xf32, #tpu.memory_space<vmem_shared>> -> memref<10240x16xf32, #tpu.memory_space<vmem_shared>>
      tpu.enqueue_indirect_dma source(%arg7 : memref<128x16xf32, #tpu.memory_space<vmem>>) target(%dma_start3A_18 : memref<10240x16xf32, #tpu.memory_space<vmem_shared>>) offsets(%dma_start3A_15 : memref<128xi32, #tpu.memory_space<vmem>>) semaphore(%arg9 : memref<!tpu.dma_semaphore, #tpu.memory_space<semaphore_mem>>) {add = true}
      %mul3A_19 = arith.constant 8 : i32
      %mul3A_20 = arith.muli %scan3A_9, %mul3A_19 : i32
      %add3A_21 = arith.constant 1 : i32
      %add3A_22 = arith.addi %mul3A_20, %add3A_21 : i32
      %dma_start3A_23 = arith.constant 0 : i32
      %dma_start3A_24 = tpu.memref_slice %arg6[%add3A_22, %dma_start3A_23] : memref<80x128xi32, #tpu.memory_space<vmem>> -> memref<1x128xi32, #tpu.memory_space<vmem>>
      %dma_start3A_25 = tpu.memref_squeeze %dma_start3A_24 : memref<1x128xi32, #tpu.memory_space<vmem>> -> memref<128xi32, #tpu.memory_space<vmem>>
      %dma_start3A_26 = arith.constant 0 : i32
      %dma_start3A_27 = arith.constant 0 : i32
      %dma_start3A_28 = tpu.memref_slice %arg8[%dma_start3A_26, %dma_start3A_27] : memref<10240x16xf32, #tpu.memory_space<vmem_shared>> -> memref<10240x16xf32, #tpu.memory_space<vmem_shared>>
      tpu.enqueue_indirect_dma source(%arg7 : memref<128x16xf32, #tpu.memory_space<vmem>>) target(%dma_start3A_28 : memref<10240x16xf32, #tpu.memory_space<vmem_shared>>) offsets(%dma_start3A_25 : memref<128xi32, #tpu.memory_space<vmem>>) semaphore(%arg9 : memref<!tpu.dma_semaphore, #tpu.memory_space<semaphore_mem>>) {add = true}
      %mul3A_29 = arith.constant 8 : i32
      %mul3A_30 = arith.muli %scan3A_9, %mul3A_29 : i32
      %add3A_31 = arith.constant 2 : i32
      %add3A_32 = arith.addi %mul3A_30, %add3A_31 : i32
      %dma_start3A_33 = arith.constant 0 : i32
      %dma_start3A_34 = tpu.memref_slice %arg6[%add3A_32, %dma_start3A_33] : memref<80x128xi32, #tpu.memory_space<vmem>> -> memref<1x128xi32, #tpu.memory_space<vmem>>
      %dma_start3A_35 = tpu.memref_squeeze %dma_start3A_34 : memref<1x128xi32, #tpu.memory_space<vmem>> -> memref<128xi32, #tpu.memory_space<vmem>>
      %dma_start3A_36 = arith.constant 0 : i32
      %dma_start3A_37 = arith.constant 0 : i32
      %dma_start3A_38 = tpu.memref_slice %arg8[%dma_start3A_36, %dma_start3A_37] : memref<10240x16xf32, #tpu.memory_space<vmem_shared>> -> memref<10240x16xf32, #tpu.memory_space<vmem_shared>>
      tpu.enqueue_indirect_dma source(%arg7 : memref<128x16xf32, #tpu.memory_space<vmem>>) target(%dma_start3A_38 : memref<10240x16xf32, #tpu.memory_space<vmem_shared>>) offsets(%dma_start3A_35 : memref<128xi32, #tpu.memory_space<vmem>>) semaphore(%arg9 : memref<!tpu.dma_semaphore, #tpu.memory_space<semaphore_mem>>) {add = true}
      %mul3A_39 = arith.constant 8 : i32
      %mul3A_40 = arith.muli %scan3A_9, %mul3A_39 : i32
      %add3A_41 = arith.constant 3 : i32
      %add3A_42 = arith.addi %mul3A_40, %add3A_41 : i32
      %dma_start3A_43 = arith.constant 0 : i32
      %dma_start3A_44 = tpu.memref_slice %arg6[%add3A_42, %dma_start3A_43] : memref<80x128xi32, #tpu.memory_space<vmem>> -> memref<1x128xi32, #tpu.memory_space<vmem>>
      %dma_start3A_45 = tpu.memref_squeeze %dma_start3A_44 : memref<1x128xi32, #tpu.memory_space<vmem>> -> memref<128xi32, #tpu.memory_space<vmem>>
      %dma_start3A_46 = arith.constant 0 : i32
      %dma_start3A_47 = arith.constant 0 : i32
      %dma_start3A_48 = tpu.memref_slice %arg8[%dma_start3A_46, %dma_start3A_47] : memref<10240x16xf32, #tpu.memory_space<vmem_shared>> -> memref<10240x16xf32, #tpu.memory_space<vmem_shared>>
      tpu.enqueue_indirect_dma source(%arg7 : memref<128x16xf32, #tpu.memory_space<vmem>>) target(%dma_start3A_48 : memref<10240x16xf32, #tpu.memory_space<vmem_shared>>) offsets(%dma_start3A_45 : memref<128xi32, #tpu.memory_space<vmem>>) semaphore(%arg9 : memref<!tpu.dma_semaphore, #tpu.memory_space<semaphore_mem>>) {add = true}
      %mul3A_49 = arith.constant 8 : i32
      %mul3A_50 = arith.muli %scan3A_9, %mul3A_49 : i32
      %add3A_51 = arith.constant 4 : i32
      %add3A_52 = arith.addi %mul3A_50, %add3A_51 : i32
      %dma_start3A_53 = arith.constant 0 : i32
      %dma_start3A_54 = tpu.memref_slice %arg6[%add3A_52, %dma_start3A_53] : memref<80x128xi32, #tpu.memory_space<vmem>> -> memref<1x128xi32, #tpu.memory_space<vmem>>
      %dma_start3A_55 = tpu.memref_squeeze %dma_start3A_54 : memref<1x128xi32, #tpu.memory_space<vmem>> -> memref<128xi32, #tpu.memory_space<vmem>>
      %dma_start3A_56 = arith.constant 0 : i32
      %dma_start3A_57 = arith.constant 0 : i32
      %dma_start3A_58 = tpu.memref_slice %arg8[%dma_start3A_56, %dma_start3A_57] : memref<10240x16xf32, #tpu.memory_space<vmem_shared>> -> memref<10240x16xf32, #tpu.memory_space<vmem_shared>>
      tpu.enqueue_indirect_dma source(%arg7 : memref<128x16xf32, #tpu.memory_space<vmem>>) target(%dma_start3A_58 : memref<10240x16xf32, #tpu.memory_space<vmem_shared>>) offsets(%dma_start3A_55 : memref<128xi32, #tpu.memory_space<vmem>>) semaphore(%arg9 : memref<!tpu.dma_semaphore, #tpu.memory_space<semaphore_mem>>) {add = true}
      %mul3A_59 = arith.constant 8 : i32
      %mul3A_60 = arith.muli %scan3A_9, %mul3A_59 : i32
      %add3A_61 = arith.constant 5 : i32
      %add3A_62 = arith.addi %mul3A_60, %add3A_61 : i32
      %dma_start3A_63 = arith.constant 0 : i32
      %dma_start3A_64 = tpu.memref_slice %arg6[%add3A_62, %dma_start3A_63] : memref<80x128xi32, #tpu.memory_space<vmem>> -> memref<1x128xi32, #tpu.memory_space<vmem>>
      %dma_start3A_65 = tpu.memref_squeeze %dma_start3A_64 : memref<1x128xi32, #tpu.memory_space<vmem>> -> memref<128xi32, #tpu.memory_space<vmem>>
      %dma_start3A_66 = arith.constant 0 : i32
      %dma_start3A_67 = arith.constant 0 : i32
      %dma_start3A_68 = tpu.memref_slice %arg8[%dma_start3A_66, %dma_start3A_67] : memref<10240x16xf32, #tpu.memory_space<vmem_shared>> -> memref<10240x16xf32, #tpu.memory_space<vmem_shared>>
      tpu.enqueue_indirect_dma source(%arg7 : memref<128x16xf32, #tpu.memory_space<vmem>>) target(%dma_start3A_68 : memref<10240x16xf32, #tpu.memory_space<vmem_shared>>) offsets(%dma_start3A_65 : memref<128xi32, #tpu.memory_space<vmem>>) semaphore(%arg9 : memref<!tpu.dma_semaphore, #tpu.memory_space<semaphore_mem>>) {add = true}
      %mul3A_69 = arith.constant 8 : i32
      %mul3A_70 = arith.muli %scan3A_9, %mul3A_69 : i32
      %add3A_71 = arith.constant 6 : i32
      %add3A_72 = arith.addi %mul3A_70, %add3A_71 : i32
      %dma_start3A_73 = arith.constant 0 : i32
      %dma_start3A_74 = tpu.memref_slice %arg6[%add3A_72, %dma_start3A_73] : memref<80x128xi32, #tpu.memory_space<vmem>> -> memref<1x128xi32, #tpu.memory_space<vmem>>
      %dma_start3A_75 = tpu.memref_squeeze %dma_start3A_74 : memref<1x128xi32, #tpu.memory_space<vmem>> -> memref<128xi32, #tpu.memory_space<vmem>>
      %dma_start3A_76 = arith.constant 0 : i32
      %dma_start3A_77 = arith.constant 0 : i32
      %dma_start3A_78 = tpu.memref_slice %arg8[%dma_start3A_76, %dma_start3A_77] : memref<10240x16xf32, #tpu.memory_space<vmem_shared>> -> memref<10240x16xf32, #tpu.memory_space<vmem_shared>>
      tpu.enqueue_indirect_dma source(%arg7 : memref<128x16xf32, #tpu.memory_space<vmem>>) target(%dma_start3A_78 : memref<10240x16xf32, #tpu.memory_space<vmem_shared>>) offsets(%dma_start3A_75 : memref<128xi32, #tpu.memory_space<vmem>>) semaphore(%arg9 : memref<!tpu.dma_semaphore, #tpu.memory_space<semaphore_mem>>) {add = true}
      %mul3A_79 = arith.constant 8 : i32
      %mul3A_80 = arith.muli %scan3A_9, %mul3A_79 : i32
      %add3A_81 = arith.constant 7 : i32
      %add3A_82 = arith.addi %mul3A_80, %add3A_81 : i32
      %dma_start3A_83 = arith.constant 0 : i32
      %dma_start3A_84 = tpu.memref_slice %arg6[%add3A_82, %dma_start3A_83] : memref<80x128xi32, #tpu.memory_space<vmem>> -> memref<1x128xi32, #tpu.memory_space<vmem>>
      %dma_start3A_85 = tpu.memref_squeeze %dma_start3A_84 : memref<1x128xi32, #tpu.memory_space<vmem>> -> memref<128xi32, #tpu.memory_space<vmem>>
      %dma_start3A_86 = arith.constant 0 : i32
      %dma_start3A_87 = arith.constant 0 : i32
      %dma_start3A_88 = tpu.memref_slice %arg8[%dma_start3A_86, %dma_start3A_87] : memref<10240x16xf32, #tpu.memory_space<vmem_shared>> -> memref<10240x16xf32, #tpu.memory_space<vmem_shared>>
      tpu.enqueue_indirect_dma source(%arg7 : memref<128x16xf32, #tpu.memory_space<vmem>>) target(%dma_start3A_88 : memref<10240x16xf32, #tpu.memory_space<vmem_shared>>) offsets(%dma_start3A_85 : memref<128xi32, #tpu.memory_space<vmem>>) semaphore(%arg9 : memref<!tpu.dma_semaphore, #tpu.memory_space<semaphore_mem>>) {add = true}
      %mul3A_89 = arith.constant 8 : i32
      %mul3A_90 = arith.muli %scan3A_9, %mul3A_89 : i32
      %add3A_91 = arith.constant 0 : i32
      %add3A_92 = arith.addi %mul3A_90, %add3A_91 : i32
      %dma_wait3A = arith.constant 0 : i32
      %dma_wait3A_93 = tpu.memref_slice %arg6[%add3A_92, %dma_wait3A] : memref<80x128xi32, #tpu.memory_space<vmem>> -> memref<1x128xi32, #tpu.memory_space<vmem>>
      %dma_wait3A_94 = tpu.memref_squeeze %dma_wait3A_93 : memref<1x128xi32, #tpu.memory_space<vmem>> -> memref<128xi32, #tpu.memory_space<vmem>>
      %dma_wait3A_95 = arith.constant 0 : i32
      %dma_wait3A_96 = arith.constant 0 : i32
      %dma_wait3A_97 = tpu.memref_slice %arg8[%dma_wait3A_95, %dma_wait3A_96] : memref<10240x16xf32, #tpu.memory_space<vmem_shared>> -> memref<10240x16xf32, #tpu.memory_space<vmem_shared>>
      tpu.wait_indirect_dma semaphore(%arg9 : memref<!tpu.dma_semaphore, #tpu.memory_space<semaphore_mem>>) src(%arg7 : memref<128x16xf32, #tpu.memory_space<vmem>>) dst(%dma_wait3A_97 : memref<10240x16xf32, #tpu.memory_space<vmem_shared>>)
      %mul3A_98 = arith.constant 8 : i32
      %mul3A_99 = arith.muli %scan3A_9, %mul3A_98 : i32
      %add3A_100 = arith.constant 1 : i32
      %add3A_101 = arith.addi %mul3A_99, %add3A_100 : i32
      %dma_wait3A_102 = arith.constant 0 : i32
      %dma_wait3A_103 = tpu.memref_slice %arg6[%add3A_101, %dma_wait3A_102] : memref<80x128xi32, #tpu.memory_space<vmem>> -> memref<1x128xi32, #tpu.memory_space<vmem>>
      %dma_wait3A_104 = tpu.memref_squeeze %dma_wait3A_103 : memref<1x128xi32, #tpu.memory_space<vmem>> -> memref<128xi32, #tpu.memory_space<vmem>>
      %dma_wait3A_105 = arith.constant 0 : i32
      %dma_wait3A_106 = arith.constant 0 : i32
      %dma_wait3A_107 = tpu.memref_slice %arg8[%dma_wait3A_105, %dma_wait3A_106] : memref<10240x16xf32, #tpu.memory_space<vmem_shared>> -> memref<10240x16xf32, #tpu.memory_space<vmem_shared>>
      tpu.wait_indirect_dma semaphore(%arg9 : memref<!tpu.dma_semaphore, #tpu.memory_space<semaphore_mem>>) src(%arg7 : memref<128x16xf32, #tpu.memory_space<vmem>>) dst(%dma_wait3A_107 : memref<10240x16xf32, #tpu.memory_space<vmem_shared>>)
      %mul3A_108 = arith.constant 8 : i32
      %mul3A_109 = arith.muli %scan3A_9, %mul3A_108 : i32
      %add3A_110 = arith.constant 2 : i32
      %add3A_111 = arith.addi %mul3A_109, %add3A_110 : i32
      %dma_wait3A_112 = arith.constant 0 : i32
      %dma_wait3A_113 = tpu.memref_slice %arg6[%add3A_111, %dma_wait3A_112] : memref<80x128xi32, #tpu.memory_space<vmem>> -> memref<1x128xi32, #tpu.memory_space<vmem>>
      %dma_wait3A_114 = tpu.memref_squeeze %dma_wait3A_113 : memref<1x128xi32, #tpu.memory_space<vmem>> -> memref<128xi32, #tpu.memory_space<vmem>>
      %dma_wait3A_115 = arith.constant 0 : i32
      %dma_wait3A_116 = arith.constant 0 : i32
      %dma_wait3A_117 = tpu.memref_slice %arg8[%dma_wait3A_115, %dma_wait3A_116] : memref<10240x16xf32, #tpu.memory_space<vmem_shared>> -> memref<10240x16xf32, #tpu.memory_space<vmem_shared>>
      tpu.wait_indirect_dma semaphore(%arg9 : memref<!tpu.dma_semaphore, #tpu.memory_space<semaphore_mem>>) src(%arg7 : memref<128x16xf32, #tpu.memory_space<vmem>>) dst(%dma_wait3A_117 : memref<10240x16xf32, #tpu.memory_space<vmem_shared>>)
      %mul3A_118 = arith.constant 8 : i32
      %mul3A_119 = arith.muli %scan3A_9, %mul3A_118 : i32
      %add3A_120 = arith.constant 3 : i32
      %add3A_121 = arith.addi %mul3A_119, %add3A_120 : i32
      %dma_wait3A_122 = arith.constant 0 : i32
      %dma_wait3A_123 = tpu.memref_slice %arg6[%add3A_121, %dma_wait3A_122] : memref<80x128xi32, #tpu.memory_space<vmem>> -> memref<1x128xi32, #tpu.memory_space<vmem>>
      %dma_wait3A_124 = tpu.memref_squeeze %dma_wait3A_123 : memref<1x128xi32, #tpu.memory_space<vmem>> -> memref<128xi32, #tpu.memory_space<vmem>>
      %dma_wait3A_125 = arith.constant 0 : i32
      %dma_wait3A_126 = arith.constant 0 : i32
      %dma_wait3A_127 = tpu.memref_slice %arg8[%dma_wait3A_125, %dma_wait3A_126] : memref<10240x16xf32, #tpu.memory_space<vmem_shared>> -> memref<10240x16xf32, #tpu.memory_space<vmem_shared>>
      tpu.wait_indirect_dma semaphore(%arg9 : memref<!tpu.dma_semaphore, #tpu.memory_space<semaphore_mem>>) src(%arg7 : memref<128x16xf32, #tpu.memory_space<vmem>>) dst(%dma_wait3A_127 : memref<10240x16xf32, #tpu.memory_space<vmem_shared>>)
      %mul3A_128 = arith.constant 8 : i32
      %mul3A_129 = arith.muli %scan3A_9, %mul3A_128 : i32
      %add3A_130 = arith.constant 4 : i32
      %add3A_131 = arith.addi %mul3A_129, %add3A_130 : i32
      %dma_wait3A_132 = arith.constant 0 : i32
      %dma_wait3A_133 = tpu.memref_slice %arg6[%add3A_131, %dma_wait3A_132] : memref<80x128xi32, #tpu.memory_space<vmem>> -> memref<1x128xi32, #tpu.memory_space<vmem>>
      %dma_wait3A_134 = tpu.memref_squeeze %dma_wait3A_133 : memref<1x128xi32, #tpu.memory_space<vmem>> -> memref<128xi32, #tpu.memory_space<vmem>>
      %dma_wait3A_135 = arith.constant 0 : i32
      %dma_wait3A_136 = arith.constant 0 : i32
      %dma_wait3A_137 = tpu.memref_slice %arg8[%dma_wait3A_135, %dma_wait3A_136] : memref<10240x16xf32, #tpu.memory_space<vmem_shared>> -> memref<10240x16xf32, #tpu.memory_space<vmem_shared>>
      tpu.wait_indirect_dma semaphore(%arg9 : memref<!tpu.dma_semaphore, #tpu.memory_space<semaphore_mem>>) src(%arg7 : memref<128x16xf32, #tpu.memory_space<vmem>>) dst(%dma_wait3A_137 : memref<10240x16xf32, #tpu.memory_space<vmem_shared>>)
      %mul3A_138 = arith.constant 8 : i32
      %mul3A_139 = arith.muli %scan3A_9, %mul3A_138 : i32
      %add3A_140 = arith.constant 5 : i32
      %add3A_141 = arith.addi %mul3A_139, %add3A_140 : i32
      %dma_wait3A_142 = arith.constant 0 : i32
      %dma_wait3A_143 = tpu.memref_slice %arg6[%add3A_141, %dma_wait3A_142] : memref<80x128xi32, #tpu.memory_space<vmem>> -> memref<1x128xi32, #tpu.memory_space<vmem>>
      %dma_wait3A_144 = tpu.memref_squeeze %dma_wait3A_143 : memref<1x128xi32, #tpu.memory_space<vmem>> -> memref<128xi32, #tpu.memory_space<vmem>>
      %dma_wait3A_145 = arith.constant 0 : i32
      %dma_wait3A_146 = arith.constant 0 : i32
      %dma_wait3A_147 = tpu.memref_slice %arg8[%dma_wait3A_145, %dma_wait3A_146] : memref<10240x16xf32, #tpu.memory_space<vmem_shared>> -> memref<10240x16xf32, #tpu.memory_space<vmem_shared>>
      tpu.wait_indirect_dma semaphore(%arg9 : memref<!tpu.dma_semaphore, #tpu.memory_space<semaphore_mem>>) src(%arg7 : memref<128x16xf32, #tpu.memory_space<vmem>>) dst(%dma_wait3A_147 : memref<10240x16xf32, #tpu.memory_space<vmem_shared>>)
      %mul3A_148 = arith.constant 8 : i32
      %mul3A_149 = arith.muli %scan3A_9, %mul3A_148 : i32
      %add3A_150 = arith.constant 6 : i32
      %add3A_151 = arith.addi %mul3A_149, %add3A_150 : i32
      %dma_wait3A_152 = arith.constant 0 : i32
      %dma_wait3A_153 = tpu.memref_slice %arg6[%add3A_151, %dma_wait3A_152] : memref<80x128xi32, #tpu.memory_space<vmem>> -> memref<1x128xi32, #tpu.memory_space<vmem>>
      %dma_wait3A_154 = tpu.memref_squeeze %dma_wait3A_153 : memref<1x128xi32, #tpu.memory_space<vmem>> -> memref<128xi32, #tpu.memory_space<vmem>>
      %dma_wait3A_155 = arith.constant 0 : i32
      %dma_wait3A_156 = arith.constant 0 : i32
      %dma_wait3A_157 = tpu.memref_slice %arg8[%dma_wait3A_155, %dma_wait3A_156] : memref<10240x16xf32, #tpu.memory_space<vmem_shared>> -> memref<10240x16xf32, #tpu.memory_space<vmem_shared>>
      tpu.wait_indirect_dma semaphore(%arg9 : memref<!tpu.dma_semaphore, #tpu.memory_space<semaphore_mem>>) src(%arg7 : memref<128x16xf32, #tpu.memory_space<vmem>>) dst(%dma_wait3A_157 : memref<10240x16xf32, #tpu.memory_space<vmem_shared>>)
      %mul3A_158 = arith.constant 8 : i32
      %mul3A_159 = arith.muli %scan3A_9, %mul3A_158 : i32
      %add3A_160 = arith.constant 7 : i32
      %add3A_161 = arith.addi %mul3A_159, %add3A_160 : i32
      %dma_wait3A_162 = arith.constant 0 : i32
      %dma_wait3A_163 = tpu.memref_slice %arg6[%add3A_161, %dma_wait3A_162] : memref<80x128xi32, #tpu.memory_space<vmem>> -> memref<1x128xi32, #tpu.memory_space<vmem>>
      %dma_wait3A_164 = tpu.memref_squeeze %dma_wait3A_163 : memref<1x128xi32, #tpu.memory_space<vmem>> -> memref<128xi32, #tpu.memory_space<vmem>>
      %dma_wait3A_165 = arith.constant 0 : i32
      %dma_wait3A_166 = arith.constant 0 : i32
      %dma_wait3A_167 = tpu.memref_slice %arg8[%dma_wait3A_165, %dma_wait3A_166] : memref<10240x16xf32, #tpu.memory_space<vmem_shared>> -> memref<10240x16xf32, #tpu.memory_space<vmem_shared>>
      tpu.wait_indirect_dma semaphore(%arg9 : memref<!tpu.dma_semaphore, #tpu.memory_space<semaphore_mem>>) src(%arg7 : memref<128x16xf32, #tpu.memory_space<vmem>>) dst(%dma_wait3A_167 : memref<10240x16xf32, #tpu.memory_space<vmem_shared>>)
    }
    %scan3A_7 = arith.constant 10 : i32
    %barrier3A_8 = arith.constant 0 : index
    tpu.barrier barrier_id(%barrier3A_8)
    "tpu.region"() ({
      %run_scoped3A = tpu.sem_alloc : memref<!tpu.dma_semaphore, #tpu.memory_space<semaphore_mem>>
      %dma_start3A = arith.constant 0 : i32
      %dma_start3A_9 = tpu.memref_slice %arg5[%arg0, %mul3A_2, %dma_start3A] : memref<2x10240x16xf32, #tpu.memory_space<hbm>> -> memref<1x640x16xf32, #tpu.memory_space<hbm>>
      %dma_start3A_10 = tpu.memref_squeeze %dma_start3A_9 : memref<1x640x16xf32, #tpu.memory_space<hbm>> -> memref<640x16xf32, #tpu.memory_space<hbm>>
      %dma_start3A_11 = arith.constant 0 : i32
      %dma_start3A_12 = tpu.memref_slice %arg8[%mul3A_2, %dma_start3A_11] : memref<10240x16xf32, #tpu.memory_space<vmem_shared>> -> memref<640x16xf32, #tpu.memory_space<vmem_shared>>
      tpu.enqueue_dma source(%dma_start3A_12 : memref<640x16xf32, #tpu.memory_space<vmem_shared>>) target(%dma_start3A_10 : memref<640x16xf32, #tpu.memory_space<hbm>>) target_semaphore(%run_scoped3A : memref<!tpu.dma_semaphore, #tpu.memory_space<semaphore_mem>>)
      %dma_wait3A = arith.constant 0 : i32
      %dma_wait3A_13 = tpu.memref_slice %arg5[%arg0, %mul3A_2, %dma_wait3A] : memref<2x10240x16xf32, #tpu.memory_space<hbm>> -> memref<1x640x16xf32, #tpu.memory_space<hbm>>
      %dma_wait3A_14 = tpu.memref_squeeze %dma_wait3A_13 : memref<1x640x16xf32, #tpu.memory_space<hbm>> -> memref<640x16xf32, #tpu.memory_space<hbm>>
      %dma_wait3A_15 = arith.constant 0 : i32
      %dma_wait3A_16 = tpu.memref_slice %arg8[%mul3A_2, %dma_wait3A_15] : memref<10240x16xf32, #tpu.memory_space<vmem_shared>> -> memref<640x16xf32, #tpu.memory_space<vmem_shared>>
      tpu.wait_dma2 semaphore(%run_scoped3A : memref<!tpu.dma_semaphore, #tpu.memory_space<semaphore_mem>>) src(%dma_wait3A_16 : memref<640x16xf32, #tpu.memory_space<vmem_shared>>) dst(%dma_wait3A_14 : memref<640x16xf32, #tpu.memory_space<hbm>>)
      tpu.yield
    }) : () -> ()
    return
  }
}

#map = affine_map<(d0, d1) -> (0, 0)>
#map1 = affine_map<(d0, d1) -> (0, 0, 0)>
module attributes {stable_mosaic.version = 14 : i64} {
  func.func @_k_scatter(%arg0: i32, %arg1: i32, %arg2: memref<10240x16xf32, #tpu.memory_space<hbm>>, %arg3: memref<32x80x128xi32, #tpu.memory_space<hbm>>, %arg4: memref<32x80x128xi32, #tpu.memory_space<hbm>>, %arg5: memref<10240x16xf32, #tpu.memory_space<hbm>>, %arg6: memref<2x10240x16xf32, #tpu.memory_space<hbm>>, %arg7: memref<80x128xi32, #tpu.memory_space<vmem>>, %arg8: memref<80x128xi32, #tpu.memory_space<vmem>>, %arg9: memref<8x128x16xf32, #tpu.memory_space<vmem>>, %arg10: memref<10240x16xf32, #tpu.memory_space<vmem_shared>>, %arg11: memref<!tpu.dma_semaphore, #tpu.memory_space<semaphore_mem>>, %arg12: memref<!tpu.dma_semaphore, #tpu.memory_space<semaphore_mem>>) attributes {dimension_semantics = [#tpu.dimension_semantics<core_parallel>, #tpu.dimension_semantics<subcore_parallel>], iteration_bounds = array<i64: 2, 16>, scalar_prefetch = 0 : i64, scratch_operands = 6 : i64, tpu.core_type = #tpu.core_type<sc_vector_subcore>, window_params = [{transform_indices = #map}, {transform_indices = #map1}, {transform_indices = #map1}, {transform_indices = #map}, {transform_indices = #map1}]} {
    %mul3A = arith.constant 16 : i32
    %mul3A_0 = arith.muli %arg0, %mul3A : i32
    %add3A = arith.addi %mul3A_0, %arg1 : i32
    %mul3A_1 = arith.constant 640 : i32
    %mul3A_2 = arith.muli %arg1, %mul3A_1 : i32
    "tpu.region"() ({
      %run_scoped3A = tpu.sem_alloc : memref<!tpu.dma_semaphore, #tpu.memory_space<semaphore_mem>>
      %dma_start3A = arith.constant 0 : i32
      %dma_start3A_9 = tpu.memref_slice %arg10[%mul3A_2, %dma_start3A] : memref<10240x16xf32, #tpu.memory_space<vmem_shared>> -> memref<640x16xf32, #tpu.memory_space<vmem_shared>>
      %dma_start3A_10 = arith.constant 0 : i32
      %dma_start3A_11 = tpu.memref_slice %arg5[%mul3A_2, %dma_start3A_10] : memref<10240x16xf32, #tpu.memory_space<hbm>> -> memref<640x16xf32, #tpu.memory_space<hbm>>
      tpu.enqueue_dma source(%dma_start3A_11 : memref<640x16xf32, #tpu.memory_space<hbm>>) target(%dma_start3A_9 : memref<640x16xf32, #tpu.memory_space<vmem_shared>>) target_semaphore(%run_scoped3A : memref<!tpu.dma_semaphore, #tpu.memory_space<semaphore_mem>>)
      %dma_wait3A = arith.constant 0 : i32
      %dma_wait3A_12 = tpu.memref_slice %arg10[%mul3A_2, %dma_wait3A] : memref<10240x16xf32, #tpu.memory_space<vmem_shared>> -> memref<640x16xf32, #tpu.memory_space<vmem_shared>>
      %dma_wait3A_13 = arith.constant 0 : i32
      %dma_wait3A_14 = tpu.memref_slice %arg5[%mul3A_2, %dma_wait3A_13] : memref<10240x16xf32, #tpu.memory_space<hbm>> -> memref<640x16xf32, #tpu.memory_space<hbm>>
      tpu.wait_dma2 semaphore(%run_scoped3A : memref<!tpu.dma_semaphore, #tpu.memory_space<semaphore_mem>>) src(%dma_wait3A_14 : memref<640x16xf32, #tpu.memory_space<hbm>>) dst(%dma_wait3A_12 : memref<640x16xf32, #tpu.memory_space<vmem_shared>>)
      tpu.yield
    }) : () -> ()
    "tpu.region"() ({
      %run_scoped3A = tpu.sem_alloc : memref<!tpu.dma_semaphore, #tpu.memory_space<semaphore_mem>>
      %dma_start3A = arith.constant 0 : i32
      %dma_start3A_9 = arith.constant 0 : i32
      %dma_start3A_10 = tpu.memref_slice %arg3[%add3A, %dma_start3A, %dma_start3A_9] : memref<32x80x128xi32, #tpu.memory_space<hbm>> -> memref<1x80x128xi32, #tpu.memory_space<hbm>>
      %dma_start3A_11 = tpu.memref_squeeze %dma_start3A_10 : memref<1x80x128xi32, #tpu.memory_space<hbm>> -> memref<80x128xi32, #tpu.memory_space<hbm>>
      %dma_start3A_12 = arith.constant 0 : i32
      %dma_start3A_13 = arith.constant 0 : i32
      %dma_start3A_14 = tpu.memref_slice %arg3[%add3A, %dma_start3A_12, %dma_start3A_13] : memref<32x80x128xi32, #tpu.memory_space<hbm>> -> memref<1x80x128xi32, #tpu.memory_space<hbm>>
      %dma_start3A_15 = tpu.memref_squeeze %dma_start3A_14 : memref<1x80x128xi32, #tpu.memory_space<hbm>> -> memref<80x128xi32, #tpu.memory_space<hbm>>
      tpu.enqueue_dma source(%dma_start3A_15 : memref<80x128xi32, #tpu.memory_space<hbm>>) target(%arg7 : memref<80x128xi32, #tpu.memory_space<vmem>>) target_semaphore(%run_scoped3A : memref<!tpu.dma_semaphore, #tpu.memory_space<semaphore_mem>>)
      %dma_wait3A = arith.constant 0 : i32
      %dma_wait3A_16 = arith.constant 0 : i32
      %dma_wait3A_17 = tpu.memref_slice %arg3[%add3A, %dma_wait3A, %dma_wait3A_16] : memref<32x80x128xi32, #tpu.memory_space<hbm>> -> memref<1x80x128xi32, #tpu.memory_space<hbm>>
      %dma_wait3A_18 = tpu.memref_squeeze %dma_wait3A_17 : memref<1x80x128xi32, #tpu.memory_space<hbm>> -> memref<80x128xi32, #tpu.memory_space<hbm>>
      %dma_wait3A_19 = arith.constant 0 : i32
      %dma_wait3A_20 = arith.constant 0 : i32
      %dma_wait3A_21 = tpu.memref_slice %arg3[%add3A, %dma_wait3A_19, %dma_wait3A_20] : memref<32x80x128xi32, #tpu.memory_space<hbm>> -> memref<1x80x128xi32, #tpu.memory_space<hbm>>
      %dma_wait3A_22 = tpu.memref_squeeze %dma_wait3A_21 : memref<1x80x128xi32, #tpu.memory_space<hbm>> -> memref<80x128xi32, #tpu.memory_space<hbm>>
      tpu.wait_dma2 semaphore(%run_scoped3A : memref<!tpu.dma_semaphore, #tpu.memory_space<semaphore_mem>>) src(%dma_wait3A_22 : memref<80x128xi32, #tpu.memory_space<hbm>>) dst(%arg7 : memref<80x128xi32, #tpu.memory_space<vmem>>)
      tpu.yield
    }) : () -> ()
    "tpu.region"() ({
      %run_scoped3A = tpu.sem_alloc : memref<!tpu.dma_semaphore, #tpu.memory_space<semaphore_mem>>
      %dma_start3A = arith.constant 0 : i32
      %dma_start3A_9 = arith.constant 0 : i32
      %dma_start3A_10 = tpu.memref_slice %arg4[%add3A, %dma_start3A, %dma_start3A_9] : memref<32x80x128xi32, #tpu.memory_space<hbm>> -> memref<1x80x128xi32, #tpu.memory_space<hbm>>
      %dma_start3A_11 = tpu.memref_squeeze %dma_start3A_10 : memref<1x80x128xi32, #tpu.memory_space<hbm>> -> memref<80x128xi32, #tpu.memory_space<hbm>>
      %dma_start3A_12 = arith.constant 0 : i32
      %dma_start3A_13 = arith.constant 0 : i32
      %dma_start3A_14 = tpu.memref_slice %arg4[%add3A, %dma_start3A_12, %dma_start3A_13] : memref<32x80x128xi32, #tpu.memory_space<hbm>> -> memref<1x80x128xi32, #tpu.memory_space<hbm>>
      %dma_start3A_15 = tpu.memref_squeeze %dma_start3A_14 : memref<1x80x128xi32, #tpu.memory_space<hbm>> -> memref<80x128xi32, #tpu.memory_space<hbm>>
      tpu.enqueue_dma source(%dma_start3A_15 : memref<80x128xi32, #tpu.memory_space<hbm>>) target(%arg8 : memref<80x128xi32, #tpu.memory_space<vmem>>) target_semaphore(%run_scoped3A : memref<!tpu.dma_semaphore, #tpu.memory_space<semaphore_mem>>)
      %dma_wait3A = arith.constant 0 : i32
      %dma_wait3A_16 = arith.constant 0 : i32
      %dma_wait3A_17 = tpu.memref_slice %arg4[%add3A, %dma_wait3A, %dma_wait3A_16] : memref<32x80x128xi32, #tpu.memory_space<hbm>> -> memref<1x80x128xi32, #tpu.memory_space<hbm>>
      %dma_wait3A_18 = tpu.memref_squeeze %dma_wait3A_17 : memref<1x80x128xi32, #tpu.memory_space<hbm>> -> memref<80x128xi32, #tpu.memory_space<hbm>>
      %dma_wait3A_19 = arith.constant 0 : i32
      %dma_wait3A_20 = arith.constant 0 : i32
      %dma_wait3A_21 = tpu.memref_slice %arg4[%add3A, %dma_wait3A_19, %dma_wait3A_20] : memref<32x80x128xi32, #tpu.memory_space<hbm>> -> memref<1x80x128xi32, #tpu.memory_space<hbm>>
      %dma_wait3A_22 = tpu.memref_squeeze %dma_wait3A_21 : memref<1x80x128xi32, #tpu.memory_space<hbm>> -> memref<80x128xi32, #tpu.memory_space<hbm>>
      tpu.wait_dma2 semaphore(%run_scoped3A : memref<!tpu.dma_semaphore, #tpu.memory_space<semaphore_mem>>) src(%dma_wait3A_22 : memref<80x128xi32, #tpu.memory_space<hbm>>) dst(%arg8 : memref<80x128xi32, #tpu.memory_space<vmem>>)
      tpu.yield
    }) : () -> ()
    %barrier3A = arith.constant 0 : index
    tpu.barrier barrier_id(%barrier3A)
    %scan3A = arith.constant 0 : i32
    %scan3A_3 = arith.constant 0 : i32
    %scan3A_4 = arith.constant 10 : i32
    %scan3A_5 = arith.addi %scan3A_3, %scan3A_4 : i32
    %scan3A_6 = arith.constant 1 : i32
    scf.for %scan3A_9 = %scan3A_3 to %scan3A_5 step %scan3A_6  : i32 {
      %mul3A_10 = arith.constant 8 : i32
      %mul3A_11 = arith.muli %scan3A_9, %mul3A_10 : i32
      %add3A_12 = arith.constant 0 : i32
      %add3A_13 = arith.addi %mul3A_11, %add3A_12 : i32
      %dma_start3A = arith.constant 0 : i32
      %dma_start3A_14 = arith.constant 0 : i32
      %dma_start3A_15 = arith.constant 0 : i32
      %dma_start3A_16 = tpu.memref_slice %arg9[%dma_start3A, %dma_start3A_14, %dma_start3A_15] : memref<8x128x16xf32, #tpu.memory_space<vmem>> -> memref<1x128x16xf32, #tpu.memory_space<vmem>>
      %dma_start3A_17 = tpu.memref_squeeze %dma_start3A_16 : memref<1x128x16xf32, #tpu.memory_space<vmem>> -> memref<128x16xf32, #tpu.memory_space<vmem>>
      %dma_start3A_18 = arith.constant 0 : i32
      %dma_start3A_19 = tpu.memref_slice %arg7[%add3A_13, %dma_start3A_18] : memref<80x128xi32, #tpu.memory_space<vmem>> -> memref<1x128xi32, #tpu.memory_space<vmem>>
      %dma_start3A_20 = tpu.memref_squeeze %dma_start3A_19 : memref<1x128xi32, #tpu.memory_space<vmem>> -> memref<128xi32, #tpu.memory_space<vmem>>
      %dma_start3A_21 = arith.constant 0 : i32
      %dma_start3A_22 = arith.constant 0 : i32
      %dma_start3A_23 = tpu.memref_slice %arg2[%dma_start3A_21, %dma_start3A_22] : memref<10240x16xf32, #tpu.memory_space<hbm>> -> memref<10240x16xf32, #tpu.memory_space<hbm>>
      tpu.enqueue_indirect_dma source(%dma_start3A_23 : memref<10240x16xf32, #tpu.memory_space<hbm>>) target(%dma_start3A_17 : memref<128x16xf32, #tpu.memory_space<vmem>>) offsets(%dma_start3A_20 : memref<128xi32, #tpu.memory_space<vmem>>) semaphore(%arg11 : memref<!tpu.dma_semaphore, #tpu.memory_space<semaphore_mem>>)
      %mul3A_24 = arith.constant 8 : i32
      %mul3A_25 = arith.muli %scan3A_9, %mul3A_24 : i32
      %add3A_26 = arith.constant 1 : i32
      %add3A_27 = arith.addi %mul3A_25, %add3A_26 : i32
      %dma_start3A_28 = arith.constant 1 : i32
      %dma_start3A_29 = arith.constant 0 : i32
      %dma_start3A_30 = arith.constant 0 : i32
      %dma_start3A_31 = tpu.memref_slice %arg9[%dma_start3A_28, %dma_start3A_29, %dma_start3A_30] : memref<8x128x16xf32, #tpu.memory_space<vmem>> -> memref<1x128x16xf32, #tpu.memory_space<vmem>>
      %dma_start3A_32 = tpu.memref_squeeze %dma_start3A_31 : memref<1x128x16xf32, #tpu.memory_space<vmem>> -> memref<128x16xf32, #tpu.memory_space<vmem>>
      %dma_start3A_33 = arith.constant 0 : i32
      %dma_start3A_34 = tpu.memref_slice %arg7[%add3A_27, %dma_start3A_33] : memref<80x128xi32, #tpu.memory_space<vmem>> -> memref<1x128xi32, #tpu.memory_space<vmem>>
      %dma_start3A_35 = tpu.memref_squeeze %dma_start3A_34 : memref<1x128xi32, #tpu.memory_space<vmem>> -> memref<128xi32, #tpu.memory_space<vmem>>
      %dma_start3A_36 = arith.constant 0 : i32
      %dma_start3A_37 = arith.constant 0 : i32
      %dma_start3A_38 = tpu.memref_slice %arg2[%dma_start3A_36, %dma_start3A_37] : memref<10240x16xf32, #tpu.memory_space<hbm>> -> memref<10240x16xf32, #tpu.memory_space<hbm>>
      tpu.enqueue_indirect_dma source(%dma_start3A_38 : memref<10240x16xf32, #tpu.memory_space<hbm>>) target(%dma_start3A_32 : memref<128x16xf32, #tpu.memory_space<vmem>>) offsets(%dma_start3A_35 : memref<128xi32, #tpu.memory_space<vmem>>) semaphore(%arg11 : memref<!tpu.dma_semaphore, #tpu.memory_space<semaphore_mem>>)
      %mul3A_39 = arith.constant 8 : i32
      %mul3A_40 = arith.muli %scan3A_9, %mul3A_39 : i32
      %add3A_41 = arith.constant 2 : i32
      %add3A_42 = arith.addi %mul3A_40, %add3A_41 : i32
      %dma_start3A_43 = arith.constant 2 : i32
      %dma_start3A_44 = arith.constant 0 : i32
      %dma_start3A_45 = arith.constant 0 : i32
      %dma_start3A_46 = tpu.memref_slice %arg9[%dma_start3A_43, %dma_start3A_44, %dma_start3A_45] : memref<8x128x16xf32, #tpu.memory_space<vmem>> -> memref<1x128x16xf32, #tpu.memory_space<vmem>>
      %dma_start3A_47 = tpu.memref_squeeze %dma_start3A_46 : memref<1x128x16xf32, #tpu.memory_space<vmem>> -> memref<128x16xf32, #tpu.memory_space<vmem>>
      %dma_start3A_48 = arith.constant 0 : i32
      %dma_start3A_49 = tpu.memref_slice %arg7[%add3A_42, %dma_start3A_48] : memref<80x128xi32, #tpu.memory_space<vmem>> -> memref<1x128xi32, #tpu.memory_space<vmem>>
      %dma_start3A_50 = tpu.memref_squeeze %dma_start3A_49 : memref<1x128xi32, #tpu.memory_space<vmem>> -> memref<128xi32, #tpu.memory_space<vmem>>
      %dma_start3A_51 = arith.constant 0 : i32
      %dma_start3A_52 = arith.constant 0 : i32
      %dma_start3A_53 = tpu.memref_slice %arg2[%dma_start3A_51, %dma_start3A_52] : memref<10240x16xf32, #tpu.memory_space<hbm>> -> memref<10240x16xf32, #tpu.memory_space<hbm>>
      tpu.enqueue_indirect_dma source(%dma_start3A_53 : memref<10240x16xf32, #tpu.memory_space<hbm>>) target(%dma_start3A_47 : memref<128x16xf32, #tpu.memory_space<vmem>>) offsets(%dma_start3A_50 : memref<128xi32, #tpu.memory_space<vmem>>) semaphore(%arg11 : memref<!tpu.dma_semaphore, #tpu.memory_space<semaphore_mem>>)
      %mul3A_54 = arith.constant 8 : i32
      %mul3A_55 = arith.muli %scan3A_9, %mul3A_54 : i32
      %add3A_56 = arith.constant 3 : i32
      %add3A_57 = arith.addi %mul3A_55, %add3A_56 : i32
      %dma_start3A_58 = arith.constant 3 : i32
      %dma_start3A_59 = arith.constant 0 : i32
      %dma_start3A_60 = arith.constant 0 : i32
      %dma_start3A_61 = tpu.memref_slice %arg9[%dma_start3A_58, %dma_start3A_59, %dma_start3A_60] : memref<8x128x16xf32, #tpu.memory_space<vmem>> -> memref<1x128x16xf32, #tpu.memory_space<vmem>>
      %dma_start3A_62 = tpu.memref_squeeze %dma_start3A_61 : memref<1x128x16xf32, #tpu.memory_space<vmem>> -> memref<128x16xf32, #tpu.memory_space<vmem>>
      %dma_start3A_63 = arith.constant 0 : i32
      %dma_start3A_64 = tpu.memref_slice %arg7[%add3A_57, %dma_start3A_63] : memref<80x128xi32, #tpu.memory_space<vmem>> -> memref<1x128xi32, #tpu.memory_space<vmem>>
      %dma_start3A_65 = tpu.memref_squeeze %dma_start3A_64 : memref<1x128xi32, #tpu.memory_space<vmem>> -> memref<128xi32, #tpu.memory_space<vmem>>
      %dma_start3A_66 = arith.constant 0 : i32
      %dma_start3A_67 = arith.constant 0 : i32
      %dma_start3A_68 = tpu.memref_slice %arg2[%dma_start3A_66, %dma_start3A_67] : memref<10240x16xf32, #tpu.memory_space<hbm>> -> memref<10240x16xf32, #tpu.memory_space<hbm>>
      tpu.enqueue_indirect_dma source(%dma_start3A_68 : memref<10240x16xf32, #tpu.memory_space<hbm>>) target(%dma_start3A_62 : memref<128x16xf32, #tpu.memory_space<vmem>>) offsets(%dma_start3A_65 : memref<128xi32, #tpu.memory_space<vmem>>) semaphore(%arg11 : memref<!tpu.dma_semaphore, #tpu.memory_space<semaphore_mem>>)
      %mul3A_69 = arith.constant 8 : i32
      %mul3A_70 = arith.muli %scan3A_9, %mul3A_69 : i32
      %add3A_71 = arith.constant 4 : i32
      %add3A_72 = arith.addi %mul3A_70, %add3A_71 : i32
      %dma_start3A_73 = arith.constant 4 : i32
      %dma_start3A_74 = arith.constant 0 : i32
      %dma_start3A_75 = arith.constant 0 : i32
      %dma_start3A_76 = tpu.memref_slice %arg9[%dma_start3A_73, %dma_start3A_74, %dma_start3A_75] : memref<8x128x16xf32, #tpu.memory_space<vmem>> -> memref<1x128x16xf32, #tpu.memory_space<vmem>>
      %dma_start3A_77 = tpu.memref_squeeze %dma_start3A_76 : memref<1x128x16xf32, #tpu.memory_space<vmem>> -> memref<128x16xf32, #tpu.memory_space<vmem>>
      %dma_start3A_78 = arith.constant 0 : i32
      %dma_start3A_79 = tpu.memref_slice %arg7[%add3A_72, %dma_start3A_78] : memref<80x128xi32, #tpu.memory_space<vmem>> -> memref<1x128xi32, #tpu.memory_space<vmem>>
      %dma_start3A_80 = tpu.memref_squeeze %dma_start3A_79 : memref<1x128xi32, #tpu.memory_space<vmem>> -> memref<128xi32, #tpu.memory_space<vmem>>
      %dma_start3A_81 = arith.constant 0 : i32
      %dma_start3A_82 = arith.constant 0 : i32
      %dma_start3A_83 = tpu.memref_slice %arg2[%dma_start3A_81, %dma_start3A_82] : memref<10240x16xf32, #tpu.memory_space<hbm>> -> memref<10240x16xf32, #tpu.memory_space<hbm>>
      tpu.enqueue_indirect_dma source(%dma_start3A_83 : memref<10240x16xf32, #tpu.memory_space<hbm>>) target(%dma_start3A_77 : memref<128x16xf32, #tpu.memory_space<vmem>>) offsets(%dma_start3A_80 : memref<128xi32, #tpu.memory_space<vmem>>) semaphore(%arg11 : memref<!tpu.dma_semaphore, #tpu.memory_space<semaphore_mem>>)
      %mul3A_84 = arith.constant 8 : i32
      %mul3A_85 = arith.muli %scan3A_9, %mul3A_84 : i32
      %add3A_86 = arith.constant 5 : i32
      %add3A_87 = arith.addi %mul3A_85, %add3A_86 : i32
      %dma_start3A_88 = arith.constant 5 : i32
      %dma_start3A_89 = arith.constant 0 : i32
      %dma_start3A_90 = arith.constant 0 : i32
      %dma_start3A_91 = tpu.memref_slice %arg9[%dma_start3A_88, %dma_start3A_89, %dma_start3A_90] : memref<8x128x16xf32, #tpu.memory_space<vmem>> -> memref<1x128x16xf32, #tpu.memory_space<vmem>>
      %dma_start3A_92 = tpu.memref_squeeze %dma_start3A_91 : memref<1x128x16xf32, #tpu.memory_space<vmem>> -> memref<128x16xf32, #tpu.memory_space<vmem>>
      %dma_start3A_93 = arith.constant 0 : i32
      %dma_start3A_94 = tpu.memref_slice %arg7[%add3A_87, %dma_start3A_93] : memref<80x128xi32, #tpu.memory_space<vmem>> -> memref<1x128xi32, #tpu.memory_space<vmem>>
      %dma_start3A_95 = tpu.memref_squeeze %dma_start3A_94 : memref<1x128xi32, #tpu.memory_space<vmem>> -> memref<128xi32, #tpu.memory_space<vmem>>
      %dma_start3A_96 = arith.constant 0 : i32
      %dma_start3A_97 = arith.constant 0 : i32
      %dma_start3A_98 = tpu.memref_slice %arg2[%dma_start3A_96, %dma_start3A_97] : memref<10240x16xf32, #tpu.memory_space<hbm>> -> memref<10240x16xf32, #tpu.memory_space<hbm>>
      tpu.enqueue_indirect_dma source(%dma_start3A_98 : memref<10240x16xf32, #tpu.memory_space<hbm>>) target(%dma_start3A_92 : memref<128x16xf32, #tpu.memory_space<vmem>>) offsets(%dma_start3A_95 : memref<128xi32, #tpu.memory_space<vmem>>) semaphore(%arg11 : memref<!tpu.dma_semaphore, #tpu.memory_space<semaphore_mem>>)
      %mul3A_99 = arith.constant 8 : i32
      %mul3A_100 = arith.muli %scan3A_9, %mul3A_99 : i32
      %add3A_101 = arith.constant 6 : i32
      %add3A_102 = arith.addi %mul3A_100, %add3A_101 : i32
      %dma_start3A_103 = arith.constant 6 : i32
      %dma_start3A_104 = arith.constant 0 : i32
      %dma_start3A_105 = arith.constant 0 : i32
      %dma_start3A_106 = tpu.memref_slice %arg9[%dma_start3A_103, %dma_start3A_104, %dma_start3A_105] : memref<8x128x16xf32, #tpu.memory_space<vmem>> -> memref<1x128x16xf32, #tpu.memory_space<vmem>>
      %dma_start3A_107 = tpu.memref_squeeze %dma_start3A_106 : memref<1x128x16xf32, #tpu.memory_space<vmem>> -> memref<128x16xf32, #tpu.memory_space<vmem>>
      %dma_start3A_108 = arith.constant 0 : i32
      %dma_start3A_109 = tpu.memref_slice %arg7[%add3A_102, %dma_start3A_108] : memref<80x128xi32, #tpu.memory_space<vmem>> -> memref<1x128xi32, #tpu.memory_space<vmem>>
      %dma_start3A_110 = tpu.memref_squeeze %dma_start3A_109 : memref<1x128xi32, #tpu.memory_space<vmem>> -> memref<128xi32, #tpu.memory_space<vmem>>
      %dma_start3A_111 = arith.constant 0 : i32
      %dma_start3A_112 = arith.constant 0 : i32
      %dma_start3A_113 = tpu.memref_slice %arg2[%dma_start3A_111, %dma_start3A_112] : memref<10240x16xf32, #tpu.memory_space<hbm>> -> memref<10240x16xf32, #tpu.memory_space<hbm>>
      tpu.enqueue_indirect_dma source(%dma_start3A_113 : memref<10240x16xf32, #tpu.memory_space<hbm>>) target(%dma_start3A_107 : memref<128x16xf32, #tpu.memory_space<vmem>>) offsets(%dma_start3A_110 : memref<128xi32, #tpu.memory_space<vmem>>) semaphore(%arg11 : memref<!tpu.dma_semaphore, #tpu.memory_space<semaphore_mem>>)
      %mul3A_114 = arith.constant 8 : i32
      %mul3A_115 = arith.muli %scan3A_9, %mul3A_114 : i32
      %add3A_116 = arith.constant 7 : i32
      %add3A_117 = arith.addi %mul3A_115, %add3A_116 : i32
      %dma_start3A_118 = arith.constant 7 : i32
      %dma_start3A_119 = arith.constant 0 : i32
      %dma_start3A_120 = arith.constant 0 : i32
      %dma_start3A_121 = tpu.memref_slice %arg9[%dma_start3A_118, %dma_start3A_119, %dma_start3A_120] : memref<8x128x16xf32, #tpu.memory_space<vmem>> -> memref<1x128x16xf32, #tpu.memory_space<vmem>>
      %dma_start3A_122 = tpu.memref_squeeze %dma_start3A_121 : memref<1x128x16xf32, #tpu.memory_space<vmem>> -> memref<128x16xf32, #tpu.memory_space<vmem>>
      %dma_start3A_123 = arith.constant 0 : i32
      %dma_start3A_124 = tpu.memref_slice %arg7[%add3A_117, %dma_start3A_123] : memref<80x128xi32, #tpu.memory_space<vmem>> -> memref<1x128xi32, #tpu.memory_space<vmem>>
      %dma_start3A_125 = tpu.memref_squeeze %dma_start3A_124 : memref<1x128xi32, #tpu.memory_space<vmem>> -> memref<128xi32, #tpu.memory_space<vmem>>
      %dma_start3A_126 = arith.constant 0 : i32
      %dma_start3A_127 = arith.constant 0 : i32
      %dma_start3A_128 = tpu.memref_slice %arg2[%dma_start3A_126, %dma_start3A_127] : memref<10240x16xf32, #tpu.memory_space<hbm>> -> memref<10240x16xf32, #tpu.memory_space<hbm>>
      tpu.enqueue_indirect_dma source(%dma_start3A_128 : memref<10240x16xf32, #tpu.memory_space<hbm>>) target(%dma_start3A_122 : memref<128x16xf32, #tpu.memory_space<vmem>>) offsets(%dma_start3A_125 : memref<128xi32, #tpu.memory_space<vmem>>) semaphore(%arg11 : memref<!tpu.dma_semaphore, #tpu.memory_space<semaphore_mem>>)
      %mul3A_129 = arith.constant 8 : i32
      %mul3A_130 = arith.muli %scan3A_9, %mul3A_129 : i32
      %add3A_131 = arith.constant 0 : i32
      %add3A_132 = arith.addi %mul3A_130, %add3A_131 : i32
      %dma_wait3A = arith.constant 0 : i32
      %dma_wait3A_133 = arith.constant 0 : i32
      %dma_wait3A_134 = arith.constant 0 : i32
      %dma_wait3A_135 = tpu.memref_slice %arg9[%dma_wait3A, %dma_wait3A_133, %dma_wait3A_134] : memref<8x128x16xf32, #tpu.memory_space<vmem>> -> memref<1x128x16xf32, #tpu.memory_space<vmem>>
      %dma_wait3A_136 = tpu.memref_squeeze %dma_wait3A_135 : memref<1x128x16xf32, #tpu.memory_space<vmem>> -> memref<128x16xf32, #tpu.memory_space<vmem>>
      %dma_wait3A_137 = arith.constant 0 : i32
      %dma_wait3A_138 = tpu.memref_slice %arg7[%add3A_132, %dma_wait3A_137] : memref<80x128xi32, #tpu.memory_space<vmem>> -> memref<1x128xi32, #tpu.memory_space<vmem>>
      %dma_wait3A_139 = tpu.memref_squeeze %dma_wait3A_138 : memref<1x128xi32, #tpu.memory_space<vmem>> -> memref<128xi32, #tpu.memory_space<vmem>>
      %dma_wait3A_140 = arith.constant 0 : i32
      %dma_wait3A_141 = arith.constant 0 : i32
      %dma_wait3A_142 = tpu.memref_slice %arg2[%dma_wait3A_140, %dma_wait3A_141] : memref<10240x16xf32, #tpu.memory_space<hbm>> -> memref<10240x16xf32, #tpu.memory_space<hbm>>
      tpu.wait_indirect_dma semaphore(%arg11 : memref<!tpu.dma_semaphore, #tpu.memory_space<semaphore_mem>>) src(%dma_wait3A_142 : memref<10240x16xf32, #tpu.memory_space<hbm>>) dst(%dma_wait3A_136 : memref<128x16xf32, #tpu.memory_space<vmem>>)
      %mul3A_143 = arith.constant 8 : i32
      %mul3A_144 = arith.muli %scan3A_9, %mul3A_143 : i32
      %add3A_145 = arith.constant 1 : i32
      %add3A_146 = arith.addi %mul3A_144, %add3A_145 : i32
      %dma_wait3A_147 = arith.constant 1 : i32
      %dma_wait3A_148 = arith.constant 0 : i32
      %dma_wait3A_149 = arith.constant 0 : i32
      %dma_wait3A_150 = tpu.memref_slice %arg9[%dma_wait3A_147, %dma_wait3A_148, %dma_wait3A_149] : memref<8x128x16xf32, #tpu.memory_space<vmem>> -> memref<1x128x16xf32, #tpu.memory_space<vmem>>
      %dma_wait3A_151 = tpu.memref_squeeze %dma_wait3A_150 : memref<1x128x16xf32, #tpu.memory_space<vmem>> -> memref<128x16xf32, #tpu.memory_space<vmem>>
      %dma_wait3A_152 = arith.constant 0 : i32
      %dma_wait3A_153 = tpu.memref_slice %arg7[%add3A_146, %dma_wait3A_152] : memref<80x128xi32, #tpu.memory_space<vmem>> -> memref<1x128xi32, #tpu.memory_space<vmem>>
      %dma_wait3A_154 = tpu.memref_squeeze %dma_wait3A_153 : memref<1x128xi32, #tpu.memory_space<vmem>> -> memref<128xi32, #tpu.memory_space<vmem>>
      %dma_wait3A_155 = arith.constant 0 : i32
      %dma_wait3A_156 = arith.constant 0 : i32
      %dma_wait3A_157 = tpu.memref_slice %arg2[%dma_wait3A_155, %dma_wait3A_156] : memref<10240x16xf32, #tpu.memory_space<hbm>> -> memref<10240x16xf32, #tpu.memory_space<hbm>>
      tpu.wait_indirect_dma semaphore(%arg11 : memref<!tpu.dma_semaphore, #tpu.memory_space<semaphore_mem>>) src(%dma_wait3A_157 : memref<10240x16xf32, #tpu.memory_space<hbm>>) dst(%dma_wait3A_151 : memref<128x16xf32, #tpu.memory_space<vmem>>)
      %mul3A_158 = arith.constant 8 : i32
      %mul3A_159 = arith.muli %scan3A_9, %mul3A_158 : i32
      %add3A_160 = arith.constant 2 : i32
      %add3A_161 = arith.addi %mul3A_159, %add3A_160 : i32
      %dma_wait3A_162 = arith.constant 2 : i32
      %dma_wait3A_163 = arith.constant 0 : i32
      %dma_wait3A_164 = arith.constant 0 : i32
      %dma_wait3A_165 = tpu.memref_slice %arg9[%dma_wait3A_162, %dma_wait3A_163, %dma_wait3A_164] : memref<8x128x16xf32, #tpu.memory_space<vmem>> -> memref<1x128x16xf32, #tpu.memory_space<vmem>>
      %dma_wait3A_166 = tpu.memref_squeeze %dma_wait3A_165 : memref<1x128x16xf32, #tpu.memory_space<vmem>> -> memref<128x16xf32, #tpu.memory_space<vmem>>
      %dma_wait3A_167 = arith.constant 0 : i32
      %dma_wait3A_168 = tpu.memref_slice %arg7[%add3A_161, %dma_wait3A_167] : memref<80x128xi32, #tpu.memory_space<vmem>> -> memref<1x128xi32, #tpu.memory_space<vmem>>
      %dma_wait3A_169 = tpu.memref_squeeze %dma_wait3A_168 : memref<1x128xi32, #tpu.memory_space<vmem>> -> memref<128xi32, #tpu.memory_space<vmem>>
      %dma_wait3A_170 = arith.constant 0 : i32
      %dma_wait3A_171 = arith.constant 0 : i32
      %dma_wait3A_172 = tpu.memref_slice %arg2[%dma_wait3A_170, %dma_wait3A_171] : memref<10240x16xf32, #tpu.memory_space<hbm>> -> memref<10240x16xf32, #tpu.memory_space<hbm>>
      tpu.wait_indirect_dma semaphore(%arg11 : memref<!tpu.dma_semaphore, #tpu.memory_space<semaphore_mem>>) src(%dma_wait3A_172 : memref<10240x16xf32, #tpu.memory_space<hbm>>) dst(%dma_wait3A_166 : memref<128x16xf32, #tpu.memory_space<vmem>>)
      %mul3A_173 = arith.constant 8 : i32
      %mul3A_174 = arith.muli %scan3A_9, %mul3A_173 : i32
      %add3A_175 = arith.constant 3 : i32
      %add3A_176 = arith.addi %mul3A_174, %add3A_175 : i32
      %dma_wait3A_177 = arith.constant 3 : i32
      %dma_wait3A_178 = arith.constant 0 : i32
      %dma_wait3A_179 = arith.constant 0 : i32
      %dma_wait3A_180 = tpu.memref_slice %arg9[%dma_wait3A_177, %dma_wait3A_178, %dma_wait3A_179] : memref<8x128x16xf32, #tpu.memory_space<vmem>> -> memref<1x128x16xf32, #tpu.memory_space<vmem>>
      %dma_wait3A_181 = tpu.memref_squeeze %dma_wait3A_180 : memref<1x128x16xf32, #tpu.memory_space<vmem>> -> memref<128x16xf32, #tpu.memory_space<vmem>>
      %dma_wait3A_182 = arith.constant 0 : i32
      %dma_wait3A_183 = tpu.memref_slice %arg7[%add3A_176, %dma_wait3A_182] : memref<80x128xi32, #tpu.memory_space<vmem>> -> memref<1x128xi32, #tpu.memory_space<vmem>>
      %dma_wait3A_184 = tpu.memref_squeeze %dma_wait3A_183 : memref<1x128xi32, #tpu.memory_space<vmem>> -> memref<128xi32, #tpu.memory_space<vmem>>
      %dma_wait3A_185 = arith.constant 0 : i32
      %dma_wait3A_186 = arith.constant 0 : i32
      %dma_wait3A_187 = tpu.memref_slice %arg2[%dma_wait3A_185, %dma_wait3A_186] : memref<10240x16xf32, #tpu.memory_space<hbm>> -> memref<10240x16xf32, #tpu.memory_space<hbm>>
      tpu.wait_indirect_dma semaphore(%arg11 : memref<!tpu.dma_semaphore, #tpu.memory_space<semaphore_mem>>) src(%dma_wait3A_187 : memref<10240x16xf32, #tpu.memory_space<hbm>>) dst(%dma_wait3A_181 : memref<128x16xf32, #tpu.memory_space<vmem>>)
      %mul3A_188 = arith.constant 8 : i32
      %mul3A_189 = arith.muli %scan3A_9, %mul3A_188 : i32
      %add3A_190 = arith.constant 4 : i32
      %add3A_191 = arith.addi %mul3A_189, %add3A_190 : i32
      %dma_wait3A_192 = arith.constant 4 : i32
      %dma_wait3A_193 = arith.constant 0 : i32
      %dma_wait3A_194 = arith.constant 0 : i32
      %dma_wait3A_195 = tpu.memref_slice %arg9[%dma_wait3A_192, %dma_wait3A_193, %dma_wait3A_194] : memref<8x128x16xf32, #tpu.memory_space<vmem>> -> memref<1x128x16xf32, #tpu.memory_space<vmem>>
      %dma_wait3A_196 = tpu.memref_squeeze %dma_wait3A_195 : memref<1x128x16xf32, #tpu.memory_space<vmem>> -> memref<128x16xf32, #tpu.memory_space<vmem>>
      %dma_wait3A_197 = arith.constant 0 : i32
      %dma_wait3A_198 = tpu.memref_slice %arg7[%add3A_191, %dma_wait3A_197] : memref<80x128xi32, #tpu.memory_space<vmem>> -> memref<1x128xi32, #tpu.memory_space<vmem>>
      %dma_wait3A_199 = tpu.memref_squeeze %dma_wait3A_198 : memref<1x128xi32, #tpu.memory_space<vmem>> -> memref<128xi32, #tpu.memory_space<vmem>>
      %dma_wait3A_200 = arith.constant 0 : i32
      %dma_wait3A_201 = arith.constant 0 : i32
      %dma_wait3A_202 = tpu.memref_slice %arg2[%dma_wait3A_200, %dma_wait3A_201] : memref<10240x16xf32, #tpu.memory_space<hbm>> -> memref<10240x16xf32, #tpu.memory_space<hbm>>
      tpu.wait_indirect_dma semaphore(%arg11 : memref<!tpu.dma_semaphore, #tpu.memory_space<semaphore_mem>>) src(%dma_wait3A_202 : memref<10240x16xf32, #tpu.memory_space<hbm>>) dst(%dma_wait3A_196 : memref<128x16xf32, #tpu.memory_space<vmem>>)
      %mul3A_203 = arith.constant 8 : i32
      %mul3A_204 = arith.muli %scan3A_9, %mul3A_203 : i32
      %add3A_205 = arith.constant 5 : i32
      %add3A_206 = arith.addi %mul3A_204, %add3A_205 : i32
      %dma_wait3A_207 = arith.constant 5 : i32
      %dma_wait3A_208 = arith.constant 0 : i32
      %dma_wait3A_209 = arith.constant 0 : i32
      %dma_wait3A_210 = tpu.memref_slice %arg9[%dma_wait3A_207, %dma_wait3A_208, %dma_wait3A_209] : memref<8x128x16xf32, #tpu.memory_space<vmem>> -> memref<1x128x16xf32, #tpu.memory_space<vmem>>
      %dma_wait3A_211 = tpu.memref_squeeze %dma_wait3A_210 : memref<1x128x16xf32, #tpu.memory_space<vmem>> -> memref<128x16xf32, #tpu.memory_space<vmem>>
      %dma_wait3A_212 = arith.constant 0 : i32
      %dma_wait3A_213 = tpu.memref_slice %arg7[%add3A_206, %dma_wait3A_212] : memref<80x128xi32, #tpu.memory_space<vmem>> -> memref<1x128xi32, #tpu.memory_space<vmem>>
      %dma_wait3A_214 = tpu.memref_squeeze %dma_wait3A_213 : memref<1x128xi32, #tpu.memory_space<vmem>> -> memref<128xi32, #tpu.memory_space<vmem>>
      %dma_wait3A_215 = arith.constant 0 : i32
      %dma_wait3A_216 = arith.constant 0 : i32
      %dma_wait3A_217 = tpu.memref_slice %arg2[%dma_wait3A_215, %dma_wait3A_216] : memref<10240x16xf32, #tpu.memory_space<hbm>> -> memref<10240x16xf32, #tpu.memory_space<hbm>>
      tpu.wait_indirect_dma semaphore(%arg11 : memref<!tpu.dma_semaphore, #tpu.memory_space<semaphore_mem>>) src(%dma_wait3A_217 : memref<10240x16xf32, #tpu.memory_space<hbm>>) dst(%dma_wait3A_211 : memref<128x16xf32, #tpu.memory_space<vmem>>)
      %mul3A_218 = arith.constant 8 : i32
      %mul3A_219 = arith.muli %scan3A_9, %mul3A_218 : i32
      %add3A_220 = arith.constant 6 : i32
      %add3A_221 = arith.addi %mul3A_219, %add3A_220 : i32
      %dma_wait3A_222 = arith.constant 6 : i32
      %dma_wait3A_223 = arith.constant 0 : i32
      %dma_wait3A_224 = arith.constant 0 : i32
      %dma_wait3A_225 = tpu.memref_slice %arg9[%dma_wait3A_222, %dma_wait3A_223, %dma_wait3A_224] : memref<8x128x16xf32, #tpu.memory_space<vmem>> -> memref<1x128x16xf32, #tpu.memory_space<vmem>>
      %dma_wait3A_226 = tpu.memref_squeeze %dma_wait3A_225 : memref<1x128x16xf32, #tpu.memory_space<vmem>> -> memref<128x16xf32, #tpu.memory_space<vmem>>
      %dma_wait3A_227 = arith.constant 0 : i32
      %dma_wait3A_228 = tpu.memref_slice %arg7[%add3A_221, %dma_wait3A_227] : memref<80x128xi32, #tpu.memory_space<vmem>> -> memref<1x128xi32, #tpu.memory_space<vmem>>
      %dma_wait3A_229 = tpu.memref_squeeze %dma_wait3A_228 : memref<1x128xi32, #tpu.memory_space<vmem>> -> memref<128xi32, #tpu.memory_space<vmem>>
      %dma_wait3A_230 = arith.constant 0 : i32
      %dma_wait3A_231 = arith.constant 0 : i32
      %dma_wait3A_232 = tpu.memref_slice %arg2[%dma_wait3A_230, %dma_wait3A_231] : memref<10240x16xf32, #tpu.memory_space<hbm>> -> memref<10240x16xf32, #tpu.memory_space<hbm>>
      tpu.wait_indirect_dma semaphore(%arg11 : memref<!tpu.dma_semaphore, #tpu.memory_space<semaphore_mem>>) src(%dma_wait3A_232 : memref<10240x16xf32, #tpu.memory_space<hbm>>) dst(%dma_wait3A_226 : memref<128x16xf32, #tpu.memory_space<vmem>>)
      %mul3A_233 = arith.constant 8 : i32
      %mul3A_234 = arith.muli %scan3A_9, %mul3A_233 : i32
      %add3A_235 = arith.constant 7 : i32
      %add3A_236 = arith.addi %mul3A_234, %add3A_235 : i32
      %dma_wait3A_237 = arith.constant 7 : i32
      %dma_wait3A_238 = arith.constant 0 : i32
      %dma_wait3A_239 = arith.constant 0 : i32
      %dma_wait3A_240 = tpu.memref_slice %arg9[%dma_wait3A_237, %dma_wait3A_238, %dma_wait3A_239] : memref<8x128x16xf32, #tpu.memory_space<vmem>> -> memref<1x128x16xf32, #tpu.memory_space<vmem>>
      %dma_wait3A_241 = tpu.memref_squeeze %dma_wait3A_240 : memref<1x128x16xf32, #tpu.memory_space<vmem>> -> memref<128x16xf32, #tpu.memory_space<vmem>>
      %dma_wait3A_242 = arith.constant 0 : i32
      %dma_wait3A_243 = tpu.memref_slice %arg7[%add3A_236, %dma_wait3A_242] : memref<80x128xi32, #tpu.memory_space<vmem>> -> memref<1x128xi32, #tpu.memory_space<vmem>>
      %dma_wait3A_244 = tpu.memref_squeeze %dma_wait3A_243 : memref<1x128xi32, #tpu.memory_space<vmem>> -> memref<128xi32, #tpu.memory_space<vmem>>
      %dma_wait3A_245 = arith.constant 0 : i32
      %dma_wait3A_246 = arith.constant 0 : i32
      %dma_wait3A_247 = tpu.memref_slice %arg2[%dma_wait3A_245, %dma_wait3A_246] : memref<10240x16xf32, #tpu.memory_space<hbm>> -> memref<10240x16xf32, #tpu.memory_space<hbm>>
      tpu.wait_indirect_dma semaphore(%arg11 : memref<!tpu.dma_semaphore, #tpu.memory_space<semaphore_mem>>) src(%dma_wait3A_247 : memref<10240x16xf32, #tpu.memory_space<hbm>>) dst(%dma_wait3A_241 : memref<128x16xf32, #tpu.memory_space<vmem>>)
      %mul3A_248 = arith.constant 8 : i32
      %mul3A_249 = arith.muli %scan3A_9, %mul3A_248 : i32
      %add3A_250 = arith.constant 0 : i32
      %add3A_251 = arith.addi %mul3A_249, %add3A_250 : i32
      %dma_start3A_252 = arith.constant 0 : i32
      %dma_start3A_253 = arith.constant 0 : i32
      %dma_start3A_254 = arith.constant 0 : i32
      %dma_start3A_255 = tpu.memref_slice %arg9[%dma_start3A_252, %dma_start3A_253, %dma_start3A_254] : memref<8x128x16xf32, #tpu.memory_space<vmem>> -> memref<1x128x16xf32, #tpu.memory_space<vmem>>
      %dma_start3A_256 = tpu.memref_squeeze %dma_start3A_255 : memref<1x128x16xf32, #tpu.memory_space<vmem>> -> memref<128x16xf32, #tpu.memory_space<vmem>>
      %dma_start3A_257 = arith.constant 0 : i32
      %dma_start3A_258 = tpu.memref_slice %arg8[%add3A_251, %dma_start3A_257] : memref<80x128xi32, #tpu.memory_space<vmem>> -> memref<1x128xi32, #tpu.memory_space<vmem>>
      %dma_start3A_259 = tpu.memref_squeeze %dma_start3A_258 : memref<1x128xi32, #tpu.memory_space<vmem>> -> memref<128xi32, #tpu.memory_space<vmem>>
      %dma_start3A_260 = arith.constant 0 : i32
      %dma_start3A_261 = arith.constant 0 : i32
      %dma_start3A_262 = tpu.memref_slice %arg10[%dma_start3A_260, %dma_start3A_261] : memref<10240x16xf32, #tpu.memory_space<vmem_shared>> -> memref<10240x16xf32, #tpu.memory_space<vmem_shared>>
      tpu.enqueue_indirect_dma source(%dma_start3A_256 : memref<128x16xf32, #tpu.memory_space<vmem>>) target(%dma_start3A_262 : memref<10240x16xf32, #tpu.memory_space<vmem_shared>>) offsets(%dma_start3A_259 : memref<128xi32, #tpu.memory_space<vmem>>) semaphore(%arg12 : memref<!tpu.dma_semaphore, #tpu.memory_space<semaphore_mem>>) {add = true}
      %mul3A_263 = arith.constant 8 : i32
      %mul3A_264 = arith.muli %scan3A_9, %mul3A_263 : i32
      %add3A_265 = arith.constant 1 : i32
      %add3A_266 = arith.addi %mul3A_264, %add3A_265 : i32
      %dma_start3A_267 = arith.constant 1 : i32
      %dma_start3A_268 = arith.constant 0 : i32
      %dma_start3A_269 = arith.constant 0 : i32
      %dma_start3A_270 = tpu.memref_slice %arg9[%dma_start3A_267, %dma_start3A_268, %dma_start3A_269] : memref<8x128x16xf32, #tpu.memory_space<vmem>> -> memref<1x128x16xf32, #tpu.memory_space<vmem>>
      %dma_start3A_271 = tpu.memref_squeeze %dma_start3A_270 : memref<1x128x16xf32, #tpu.memory_space<vmem>> -> memref<128x16xf32, #tpu.memory_space<vmem>>
      %dma_start3A_272 = arith.constant 0 : i32
      %dma_start3A_273 = tpu.memref_slice %arg8[%add3A_266, %dma_start3A_272] : memref<80x128xi32, #tpu.memory_space<vmem>> -> memref<1x128xi32, #tpu.memory_space<vmem>>
      %dma_start3A_274 = tpu.memref_squeeze %dma_start3A_273 : memref<1x128xi32, #tpu.memory_space<vmem>> -> memref<128xi32, #tpu.memory_space<vmem>>
      %dma_start3A_275 = arith.constant 0 : i32
      %dma_start3A_276 = arith.constant 0 : i32
      %dma_start3A_277 = tpu.memref_slice %arg10[%dma_start3A_275, %dma_start3A_276] : memref<10240x16xf32, #tpu.memory_space<vmem_shared>> -> memref<10240x16xf32, #tpu.memory_space<vmem_shared>>
      tpu.enqueue_indirect_dma source(%dma_start3A_271 : memref<128x16xf32, #tpu.memory_space<vmem>>) target(%dma_start3A_277 : memref<10240x16xf32, #tpu.memory_space<vmem_shared>>) offsets(%dma_start3A_274 : memref<128xi32, #tpu.memory_space<vmem>>) semaphore(%arg12 : memref<!tpu.dma_semaphore, #tpu.memory_space<semaphore_mem>>) {add = true}
      %mul3A_278 = arith.constant 8 : i32
      %mul3A_279 = arith.muli %scan3A_9, %mul3A_278 : i32
      %add3A_280 = arith.constant 2 : i32
      %add3A_281 = arith.addi %mul3A_279, %add3A_280 : i32
      %dma_start3A_282 = arith.constant 2 : i32
      %dma_start3A_283 = arith.constant 0 : i32
      %dma_start3A_284 = arith.constant 0 : i32
      %dma_start3A_285 = tpu.memref_slice %arg9[%dma_start3A_282, %dma_start3A_283, %dma_start3A_284] : memref<8x128x16xf32, #tpu.memory_space<vmem>> -> memref<1x128x16xf32, #tpu.memory_space<vmem>>
      %dma_start3A_286 = tpu.memref_squeeze %dma_start3A_285 : memref<1x128x16xf32, #tpu.memory_space<vmem>> -> memref<128x16xf32, #tpu.memory_space<vmem>>
      %dma_start3A_287 = arith.constant 0 : i32
      %dma_start3A_288 = tpu.memref_slice %arg8[%add3A_281, %dma_start3A_287] : memref<80x128xi32, #tpu.memory_space<vmem>> -> memref<1x128xi32, #tpu.memory_space<vmem>>
      %dma_start3A_289 = tpu.memref_squeeze %dma_start3A_288 : memref<1x128xi32, #tpu.memory_space<vmem>> -> memref<128xi32, #tpu.memory_space<vmem>>
      %dma_start3A_290 = arith.constant 0 : i32
      %dma_start3A_291 = arith.constant 0 : i32
      %dma_start3A_292 = tpu.memref_slice %arg10[%dma_start3A_290, %dma_start3A_291] : memref<10240x16xf32, #tpu.memory_space<vmem_shared>> -> memref<10240x16xf32, #tpu.memory_space<vmem_shared>>
      tpu.enqueue_indirect_dma source(%dma_start3A_286 : memref<128x16xf32, #tpu.memory_space<vmem>>) target(%dma_start3A_292 : memref<10240x16xf32, #tpu.memory_space<vmem_shared>>) offsets(%dma_start3A_289 : memref<128xi32, #tpu.memory_space<vmem>>) semaphore(%arg12 : memref<!tpu.dma_semaphore, #tpu.memory_space<semaphore_mem>>) {add = true}
      %mul3A_293 = arith.constant 8 : i32
      %mul3A_294 = arith.muli %scan3A_9, %mul3A_293 : i32
      %add3A_295 = arith.constant 3 : i32
      %add3A_296 = arith.addi %mul3A_294, %add3A_295 : i32
      %dma_start3A_297 = arith.constant 3 : i32
      %dma_start3A_298 = arith.constant 0 : i32
      %dma_start3A_299 = arith.constant 0 : i32
      %dma_start3A_300 = tpu.memref_slice %arg9[%dma_start3A_297, %dma_start3A_298, %dma_start3A_299] : memref<8x128x16xf32, #tpu.memory_space<vmem>> -> memref<1x128x16xf32, #tpu.memory_space<vmem>>
      %dma_start3A_301 = tpu.memref_squeeze %dma_start3A_300 : memref<1x128x16xf32, #tpu.memory_space<vmem>> -> memref<128x16xf32, #tpu.memory_space<vmem>>
      %dma_start3A_302 = arith.constant 0 : i32
      %dma_start3A_303 = tpu.memref_slice %arg8[%add3A_296, %dma_start3A_302] : memref<80x128xi32, #tpu.memory_space<vmem>> -> memref<1x128xi32, #tpu.memory_space<vmem>>
      %dma_start3A_304 = tpu.memref_squeeze %dma_start3A_303 : memref<1x128xi32, #tpu.memory_space<vmem>> -> memref<128xi32, #tpu.memory_space<vmem>>
      %dma_start3A_305 = arith.constant 0 : i32
      %dma_start3A_306 = arith.constant 0 : i32
      %dma_start3A_307 = tpu.memref_slice %arg10[%dma_start3A_305, %dma_start3A_306] : memref<10240x16xf32, #tpu.memory_space<vmem_shared>> -> memref<10240x16xf32, #tpu.memory_space<vmem_shared>>
      tpu.enqueue_indirect_dma source(%dma_start3A_301 : memref<128x16xf32, #tpu.memory_space<vmem>>) target(%dma_start3A_307 : memref<10240x16xf32, #tpu.memory_space<vmem_shared>>) offsets(%dma_start3A_304 : memref<128xi32, #tpu.memory_space<vmem>>) semaphore(%arg12 : memref<!tpu.dma_semaphore, #tpu.memory_space<semaphore_mem>>) {add = true}
      %mul3A_308 = arith.constant 8 : i32
      %mul3A_309 = arith.muli %scan3A_9, %mul3A_308 : i32
      %add3A_310 = arith.constant 4 : i32
      %add3A_311 = arith.addi %mul3A_309, %add3A_310 : i32
      %dma_start3A_312 = arith.constant 4 : i32
      %dma_start3A_313 = arith.constant 0 : i32
      %dma_start3A_314 = arith.constant 0 : i32
      %dma_start3A_315 = tpu.memref_slice %arg9[%dma_start3A_312, %dma_start3A_313, %dma_start3A_314] : memref<8x128x16xf32, #tpu.memory_space<vmem>> -> memref<1x128x16xf32, #tpu.memory_space<vmem>>
      %dma_start3A_316 = tpu.memref_squeeze %dma_start3A_315 : memref<1x128x16xf32, #tpu.memory_space<vmem>> -> memref<128x16xf32, #tpu.memory_space<vmem>>
      %dma_start3A_317 = arith.constant 0 : i32
      %dma_start3A_318 = tpu.memref_slice %arg8[%add3A_311, %dma_start3A_317] : memref<80x128xi32, #tpu.memory_space<vmem>> -> memref<1x128xi32, #tpu.memory_space<vmem>>
      %dma_start3A_319 = tpu.memref_squeeze %dma_start3A_318 : memref<1x128xi32, #tpu.memory_space<vmem>> -> memref<128xi32, #tpu.memory_space<vmem>>
      %dma_start3A_320 = arith.constant 0 : i32
      %dma_start3A_321 = arith.constant 0 : i32
      %dma_start3A_322 = tpu.memref_slice %arg10[%dma_start3A_320, %dma_start3A_321] : memref<10240x16xf32, #tpu.memory_space<vmem_shared>> -> memref<10240x16xf32, #tpu.memory_space<vmem_shared>>
      tpu.enqueue_indirect_dma source(%dma_start3A_316 : memref<128x16xf32, #tpu.memory_space<vmem>>) target(%dma_start3A_322 : memref<10240x16xf32, #tpu.memory_space<vmem_shared>>) offsets(%dma_start3A_319 : memref<128xi32, #tpu.memory_space<vmem>>) semaphore(%arg12 : memref<!tpu.dma_semaphore, #tpu.memory_space<semaphore_mem>>) {add = true}
      %mul3A_323 = arith.constant 8 : i32
      %mul3A_324 = arith.muli %scan3A_9, %mul3A_323 : i32
      %add3A_325 = arith.constant 5 : i32
      %add3A_326 = arith.addi %mul3A_324, %add3A_325 : i32
      %dma_start3A_327 = arith.constant 5 : i32
      %dma_start3A_328 = arith.constant 0 : i32
      %dma_start3A_329 = arith.constant 0 : i32
      %dma_start3A_330 = tpu.memref_slice %arg9[%dma_start3A_327, %dma_start3A_328, %dma_start3A_329] : memref<8x128x16xf32, #tpu.memory_space<vmem>> -> memref<1x128x16xf32, #tpu.memory_space<vmem>>
      %dma_start3A_331 = tpu.memref_squeeze %dma_start3A_330 : memref<1x128x16xf32, #tpu.memory_space<vmem>> -> memref<128x16xf32, #tpu.memory_space<vmem>>
      %dma_start3A_332 = arith.constant 0 : i32
      %dma_start3A_333 = tpu.memref_slice %arg8[%add3A_326, %dma_start3A_332] : memref<80x128xi32, #tpu.memory_space<vmem>> -> memref<1x128xi32, #tpu.memory_space<vmem>>
      %dma_start3A_334 = tpu.memref_squeeze %dma_start3A_333 : memref<1x128xi32, #tpu.memory_space<vmem>> -> memref<128xi32, #tpu.memory_space<vmem>>
      %dma_start3A_335 = arith.constant 0 : i32
      %dma_start3A_336 = arith.constant 0 : i32
      %dma_start3A_337 = tpu.memref_slice %arg10[%dma_start3A_335, %dma_start3A_336] : memref<10240x16xf32, #tpu.memory_space<vmem_shared>> -> memref<10240x16xf32, #tpu.memory_space<vmem_shared>>
      tpu.enqueue_indirect_dma source(%dma_start3A_331 : memref<128x16xf32, #tpu.memory_space<vmem>>) target(%dma_start3A_337 : memref<10240x16xf32, #tpu.memory_space<vmem_shared>>) offsets(%dma_start3A_334 : memref<128xi32, #tpu.memory_space<vmem>>) semaphore(%arg12 : memref<!tpu.dma_semaphore, #tpu.memory_space<semaphore_mem>>) {add = true}
      %mul3A_338 = arith.constant 8 : i32
      %mul3A_339 = arith.muli %scan3A_9, %mul3A_338 : i32
      %add3A_340 = arith.constant 6 : i32
      %add3A_341 = arith.addi %mul3A_339, %add3A_340 : i32
      %dma_start3A_342 = arith.constant 6 : i32
      %dma_start3A_343 = arith.constant 0 : i32
      %dma_start3A_344 = arith.constant 0 : i32
      %dma_start3A_345 = tpu.memref_slice %arg9[%dma_start3A_342, %dma_start3A_343, %dma_start3A_344] : memref<8x128x16xf32, #tpu.memory_space<vmem>> -> memref<1x128x16xf32, #tpu.memory_space<vmem>>
      %dma_start3A_346 = tpu.memref_squeeze %dma_start3A_345 : memref<1x128x16xf32, #tpu.memory_space<vmem>> -> memref<128x16xf32, #tpu.memory_space<vmem>>
      %dma_start3A_347 = arith.constant 0 : i32
      %dma_start3A_348 = tpu.memref_slice %arg8[%add3A_341, %dma_start3A_347] : memref<80x128xi32, #tpu.memory_space<vmem>> -> memref<1x128xi32, #tpu.memory_space<vmem>>
      %dma_start3A_349 = tpu.memref_squeeze %dma_start3A_348 : memref<1x128xi32, #tpu.memory_space<vmem>> -> memref<128xi32, #tpu.memory_space<vmem>>
      %dma_start3A_350 = arith.constant 0 : i32
      %dma_start3A_351 = arith.constant 0 : i32
      %dma_start3A_352 = tpu.memref_slice %arg10[%dma_start3A_350, %dma_start3A_351] : memref<10240x16xf32, #tpu.memory_space<vmem_shared>> -> memref<10240x16xf32, #tpu.memory_space<vmem_shared>>
      tpu.enqueue_indirect_dma source(%dma_start3A_346 : memref<128x16xf32, #tpu.memory_space<vmem>>) target(%dma_start3A_352 : memref<10240x16xf32, #tpu.memory_space<vmem_shared>>) offsets(%dma_start3A_349 : memref<128xi32, #tpu.memory_space<vmem>>) semaphore(%arg12 : memref<!tpu.dma_semaphore, #tpu.memory_space<semaphore_mem>>) {add = true}
      %mul3A_353 = arith.constant 8 : i32
      %mul3A_354 = arith.muli %scan3A_9, %mul3A_353 : i32
      %add3A_355 = arith.constant 7 : i32
      %add3A_356 = arith.addi %mul3A_354, %add3A_355 : i32
      %dma_start3A_357 = arith.constant 7 : i32
      %dma_start3A_358 = arith.constant 0 : i32
      %dma_start3A_359 = arith.constant 0 : i32
      %dma_start3A_360 = tpu.memref_slice %arg9[%dma_start3A_357, %dma_start3A_358, %dma_start3A_359] : memref<8x128x16xf32, #tpu.memory_space<vmem>> -> memref<1x128x16xf32, #tpu.memory_space<vmem>>
      %dma_start3A_361 = tpu.memref_squeeze %dma_start3A_360 : memref<1x128x16xf32, #tpu.memory_space<vmem>> -> memref<128x16xf32, #tpu.memory_space<vmem>>
      %dma_start3A_362 = arith.constant 0 : i32
      %dma_start3A_363 = tpu.memref_slice %arg8[%add3A_356, %dma_start3A_362] : memref<80x128xi32, #tpu.memory_space<vmem>> -> memref<1x128xi32, #tpu.memory_space<vmem>>
      %dma_start3A_364 = tpu.memref_squeeze %dma_start3A_363 : memref<1x128xi32, #tpu.memory_space<vmem>> -> memref<128xi32, #tpu.memory_space<vmem>>
      %dma_start3A_365 = arith.constant 0 : i32
      %dma_start3A_366 = arith.constant 0 : i32
      %dma_start3A_367 = tpu.memref_slice %arg10[%dma_start3A_365, %dma_start3A_366] : memref<10240x16xf32, #tpu.memory_space<vmem_shared>> -> memref<10240x16xf32, #tpu.memory_space<vmem_shared>>
      tpu.enqueue_indirect_dma source(%dma_start3A_361 : memref<128x16xf32, #tpu.memory_space<vmem>>) target(%dma_start3A_367 : memref<10240x16xf32, #tpu.memory_space<vmem_shared>>) offsets(%dma_start3A_364 : memref<128xi32, #tpu.memory_space<vmem>>) semaphore(%arg12 : memref<!tpu.dma_semaphore, #tpu.memory_space<semaphore_mem>>) {add = true}
      %mul3A_368 = arith.constant 8 : i32
      %mul3A_369 = arith.muli %scan3A_9, %mul3A_368 : i32
      %add3A_370 = arith.constant 0 : i32
      %add3A_371 = arith.addi %mul3A_369, %add3A_370 : i32
      %dma_wait3A_372 = arith.constant 0 : i32
      %dma_wait3A_373 = arith.constant 0 : i32
      %dma_wait3A_374 = arith.constant 0 : i32
      %dma_wait3A_375 = tpu.memref_slice %arg9[%dma_wait3A_372, %dma_wait3A_373, %dma_wait3A_374] : memref<8x128x16xf32, #tpu.memory_space<vmem>> -> memref<1x128x16xf32, #tpu.memory_space<vmem>>
      %dma_wait3A_376 = tpu.memref_squeeze %dma_wait3A_375 : memref<1x128x16xf32, #tpu.memory_space<vmem>> -> memref<128x16xf32, #tpu.memory_space<vmem>>
      %dma_wait3A_377 = arith.constant 0 : i32
      %dma_wait3A_378 = tpu.memref_slice %arg8[%add3A_371, %dma_wait3A_377] : memref<80x128xi32, #tpu.memory_space<vmem>> -> memref<1x128xi32, #tpu.memory_space<vmem>>
      %dma_wait3A_379 = tpu.memref_squeeze %dma_wait3A_378 : memref<1x128xi32, #tpu.memory_space<vmem>> -> memref<128xi32, #tpu.memory_space<vmem>>
      %dma_wait3A_380 = arith.constant 0 : i32
      %dma_wait3A_381 = arith.constant 0 : i32
      %dma_wait3A_382 = tpu.memref_slice %arg10[%dma_wait3A_380, %dma_wait3A_381] : memref<10240x16xf32, #tpu.memory_space<vmem_shared>> -> memref<10240x16xf32, #tpu.memory_space<vmem_shared>>
      tpu.wait_indirect_dma semaphore(%arg12 : memref<!tpu.dma_semaphore, #tpu.memory_space<semaphore_mem>>) src(%dma_wait3A_376 : memref<128x16xf32, #tpu.memory_space<vmem>>) dst(%dma_wait3A_382 : memref<10240x16xf32, #tpu.memory_space<vmem_shared>>)
      %mul3A_383 = arith.constant 8 : i32
      %mul3A_384 = arith.muli %scan3A_9, %mul3A_383 : i32
      %add3A_385 = arith.constant 1 : i32
      %add3A_386 = arith.addi %mul3A_384, %add3A_385 : i32
      %dma_wait3A_387 = arith.constant 1 : i32
      %dma_wait3A_388 = arith.constant 0 : i32
      %dma_wait3A_389 = arith.constant 0 : i32
      %dma_wait3A_390 = tpu.memref_slice %arg9[%dma_wait3A_387, %dma_wait3A_388, %dma_wait3A_389] : memref<8x128x16xf32, #tpu.memory_space<vmem>> -> memref<1x128x16xf32, #tpu.memory_space<vmem>>
      %dma_wait3A_391 = tpu.memref_squeeze %dma_wait3A_390 : memref<1x128x16xf32, #tpu.memory_space<vmem>> -> memref<128x16xf32, #tpu.memory_space<vmem>>
      %dma_wait3A_392 = arith.constant 0 : i32
      %dma_wait3A_393 = tpu.memref_slice %arg8[%add3A_386, %dma_wait3A_392] : memref<80x128xi32, #tpu.memory_space<vmem>> -> memref<1x128xi32, #tpu.memory_space<vmem>>
      %dma_wait3A_394 = tpu.memref_squeeze %dma_wait3A_393 : memref<1x128xi32, #tpu.memory_space<vmem>> -> memref<128xi32, #tpu.memory_space<vmem>>
      %dma_wait3A_395 = arith.constant 0 : i32
      %dma_wait3A_396 = arith.constant 0 : i32
      %dma_wait3A_397 = tpu.memref_slice %arg10[%dma_wait3A_395, %dma_wait3A_396] : memref<10240x16xf32, #tpu.memory_space<vmem_shared>> -> memref<10240x16xf32, #tpu.memory_space<vmem_shared>>
      tpu.wait_indirect_dma semaphore(%arg12 : memref<!tpu.dma_semaphore, #tpu.memory_space<semaphore_mem>>) src(%dma_wait3A_391 : memref<128x16xf32, #tpu.memory_space<vmem>>) dst(%dma_wait3A_397 : memref<10240x16xf32, #tpu.memory_space<vmem_shared>>)
      %mul3A_398 = arith.constant 8 : i32
      %mul3A_399 = arith.muli %scan3A_9, %mul3A_398 : i32
      %add3A_400 = arith.constant 2 : i32
      %add3A_401 = arith.addi %mul3A_399, %add3A_400 : i32
      %dma_wait3A_402 = arith.constant 2 : i32
      %dma_wait3A_403 = arith.constant 0 : i32
      %dma_wait3A_404 = arith.constant 0 : i32
      %dma_wait3A_405 = tpu.memref_slice %arg9[%dma_wait3A_402, %dma_wait3A_403, %dma_wait3A_404] : memref<8x128x16xf32, #tpu.memory_space<vmem>> -> memref<1x128x16xf32, #tpu.memory_space<vmem>>
      %dma_wait3A_406 = tpu.memref_squeeze %dma_wait3A_405 : memref<1x128x16xf32, #tpu.memory_space<vmem>> -> memref<128x16xf32, #tpu.memory_space<vmem>>
      %dma_wait3A_407 = arith.constant 0 : i32
      %dma_wait3A_408 = tpu.memref_slice %arg8[%add3A_401, %dma_wait3A_407] : memref<80x128xi32, #tpu.memory_space<vmem>> -> memref<1x128xi32, #tpu.memory_space<vmem>>
      %dma_wait3A_409 = tpu.memref_squeeze %dma_wait3A_408 : memref<1x128xi32, #tpu.memory_space<vmem>> -> memref<128xi32, #tpu.memory_space<vmem>>
      %dma_wait3A_410 = arith.constant 0 : i32
      %dma_wait3A_411 = arith.constant 0 : i32
      %dma_wait3A_412 = tpu.memref_slice %arg10[%dma_wait3A_410, %dma_wait3A_411] : memref<10240x16xf32, #tpu.memory_space<vmem_shared>> -> memref<10240x16xf32, #tpu.memory_space<vmem_shared>>
      tpu.wait_indirect_dma semaphore(%arg12 : memref<!tpu.dma_semaphore, #tpu.memory_space<semaphore_mem>>) src(%dma_wait3A_406 : memref<128x16xf32, #tpu.memory_space<vmem>>) dst(%dma_wait3A_412 : memref<10240x16xf32, #tpu.memory_space<vmem_shared>>)
      %mul3A_413 = arith.constant 8 : i32
      %mul3A_414 = arith.muli %scan3A_9, %mul3A_413 : i32
      %add3A_415 = arith.constant 3 : i32
      %add3A_416 = arith.addi %mul3A_414, %add3A_415 : i32
      %dma_wait3A_417 = arith.constant 3 : i32
      %dma_wait3A_418 = arith.constant 0 : i32
      %dma_wait3A_419 = arith.constant 0 : i32
      %dma_wait3A_420 = tpu.memref_slice %arg9[%dma_wait3A_417, %dma_wait3A_418, %dma_wait3A_419] : memref<8x128x16xf32, #tpu.memory_space<vmem>> -> memref<1x128x16xf32, #tpu.memory_space<vmem>>
      %dma_wait3A_421 = tpu.memref_squeeze %dma_wait3A_420 : memref<1x128x16xf32, #tpu.memory_space<vmem>> -> memref<128x16xf32, #tpu.memory_space<vmem>>
      %dma_wait3A_422 = arith.constant 0 : i32
      %dma_wait3A_423 = tpu.memref_slice %arg8[%add3A_416, %dma_wait3A_422] : memref<80x128xi32, #tpu.memory_space<vmem>> -> memref<1x128xi32, #tpu.memory_space<vmem>>
      %dma_wait3A_424 = tpu.memref_squeeze %dma_wait3A_423 : memref<1x128xi32, #tpu.memory_space<vmem>> -> memref<128xi32, #tpu.memory_space<vmem>>
      %dma_wait3A_425 = arith.constant 0 : i32
      %dma_wait3A_426 = arith.constant 0 : i32
      %dma_wait3A_427 = tpu.memref_slice %arg10[%dma_wait3A_425, %dma_wait3A_426] : memref<10240x16xf32, #tpu.memory_space<vmem_shared>> -> memref<10240x16xf32, #tpu.memory_space<vmem_shared>>
      tpu.wait_indirect_dma semaphore(%arg12 : memref<!tpu.dma_semaphore, #tpu.memory_space<semaphore_mem>>) src(%dma_wait3A_421 : memref<128x16xf32, #tpu.memory_space<vmem>>) dst(%dma_wait3A_427 : memref<10240x16xf32, #tpu.memory_space<vmem_shared>>)
      %mul3A_428 = arith.constant 8 : i32
      %mul3A_429 = arith.muli %scan3A_9, %mul3A_428 : i32
      %add3A_430 = arith.constant 4 : i32
      %add3A_431 = arith.addi %mul3A_429, %add3A_430 : i32
      %dma_wait3A_432 = arith.constant 4 : i32
      %dma_wait3A_433 = arith.constant 0 : i32
      %dma_wait3A_434 = arith.constant 0 : i32
      %dma_wait3A_435 = tpu.memref_slice %arg9[%dma_wait3A_432, %dma_wait3A_433, %dma_wait3A_434] : memref<8x128x16xf32, #tpu.memory_space<vmem>> -> memref<1x128x16xf32, #tpu.memory_space<vmem>>
      %dma_wait3A_436 = tpu.memref_squeeze %dma_wait3A_435 : memref<1x128x16xf32, #tpu.memory_space<vmem>> -> memref<128x16xf32, #tpu.memory_space<vmem>>
      %dma_wait3A_437 = arith.constant 0 : i32
      %dma_wait3A_438 = tpu.memref_slice %arg8[%add3A_431, %dma_wait3A_437] : memref<80x128xi32, #tpu.memory_space<vmem>> -> memref<1x128xi32, #tpu.memory_space<vmem>>
      %dma_wait3A_439 = tpu.memref_squeeze %dma_wait3A_438 : memref<1x128xi32, #tpu.memory_space<vmem>> -> memref<128xi32, #tpu.memory_space<vmem>>
      %dma_wait3A_440 = arith.constant 0 : i32
      %dma_wait3A_441 = arith.constant 0 : i32
      %dma_wait3A_442 = tpu.memref_slice %arg10[%dma_wait3A_440, %dma_wait3A_441] : memref<10240x16xf32, #tpu.memory_space<vmem_shared>> -> memref<10240x16xf32, #tpu.memory_space<vmem_shared>>
      tpu.wait_indirect_dma semaphore(%arg12 : memref<!tpu.dma_semaphore, #tpu.memory_space<semaphore_mem>>) src(%dma_wait3A_436 : memref<128x16xf32, #tpu.memory_space<vmem>>) dst(%dma_wait3A_442 : memref<10240x16xf32, #tpu.memory_space<vmem_shared>>)
      %mul3A_443 = arith.constant 8 : i32
      %mul3A_444 = arith.muli %scan3A_9, %mul3A_443 : i32
      %add3A_445 = arith.constant 5 : i32
      %add3A_446 = arith.addi %mul3A_444, %add3A_445 : i32
      %dma_wait3A_447 = arith.constant 5 : i32
      %dma_wait3A_448 = arith.constant 0 : i32
      %dma_wait3A_449 = arith.constant 0 : i32
      %dma_wait3A_450 = tpu.memref_slice %arg9[%dma_wait3A_447, %dma_wait3A_448, %dma_wait3A_449] : memref<8x128x16xf32, #tpu.memory_space<vmem>> -> memref<1x128x16xf32, #tpu.memory_space<vmem>>
      %dma_wait3A_451 = tpu.memref_squeeze %dma_wait3A_450 : memref<1x128x16xf32, #tpu.memory_space<vmem>> -> memref<128x16xf32, #tpu.memory_space<vmem>>
      %dma_wait3A_452 = arith.constant 0 : i32
      %dma_wait3A_453 = tpu.memref_slice %arg8[%add3A_446, %dma_wait3A_452] : memref<80x128xi32, #tpu.memory_space<vmem>> -> memref<1x128xi32, #tpu.memory_space<vmem>>
      %dma_wait3A_454 = tpu.memref_squeeze %dma_wait3A_453 : memref<1x128xi32, #tpu.memory_space<vmem>> -> memref<128xi32, #tpu.memory_space<vmem>>
      %dma_wait3A_455 = arith.constant 0 : i32
      %dma_wait3A_456 = arith.constant 0 : i32
      %dma_wait3A_457 = tpu.memref_slice %arg10[%dma_wait3A_455, %dma_wait3A_456] : memref<10240x16xf32, #tpu.memory_space<vmem_shared>> -> memref<10240x16xf32, #tpu.memory_space<vmem_shared>>
      tpu.wait_indirect_dma semaphore(%arg12 : memref<!tpu.dma_semaphore, #tpu.memory_space<semaphore_mem>>) src(%dma_wait3A_451 : memref<128x16xf32, #tpu.memory_space<vmem>>) dst(%dma_wait3A_457 : memref<10240x16xf32, #tpu.memory_space<vmem_shared>>)
      %mul3A_458 = arith.constant 8 : i32
      %mul3A_459 = arith.muli %scan3A_9, %mul3A_458 : i32
      %add3A_460 = arith.constant 6 : i32
      %add3A_461 = arith.addi %mul3A_459, %add3A_460 : i32
      %dma_wait3A_462 = arith.constant 6 : i32
      %dma_wait3A_463 = arith.constant 0 : i32
      %dma_wait3A_464 = arith.constant 0 : i32
      %dma_wait3A_465 = tpu.memref_slice %arg9[%dma_wait3A_462, %dma_wait3A_463, %dma_wait3A_464] : memref<8x128x16xf32, #tpu.memory_space<vmem>> -> memref<1x128x16xf32, #tpu.memory_space<vmem>>
      %dma_wait3A_466 = tpu.memref_squeeze %dma_wait3A_465 : memref<1x128x16xf32, #tpu.memory_space<vmem>> -> memref<128x16xf32, #tpu.memory_space<vmem>>
      %dma_wait3A_467 = arith.constant 0 : i32
      %dma_wait3A_468 = tpu.memref_slice %arg8[%add3A_461, %dma_wait3A_467] : memref<80x128xi32, #tpu.memory_space<vmem>> -> memref<1x128xi32, #tpu.memory_space<vmem>>
      %dma_wait3A_469 = tpu.memref_squeeze %dma_wait3A_468 : memref<1x128xi32, #tpu.memory_space<vmem>> -> memref<128xi32, #tpu.memory_space<vmem>>
      %dma_wait3A_470 = arith.constant 0 : i32
      %dma_wait3A_471 = arith.constant 0 : i32
      %dma_wait3A_472 = tpu.memref_slice %arg10[%dma_wait3A_470, %dma_wait3A_471] : memref<10240x16xf32, #tpu.memory_space<vmem_shared>> -> memref<10240x16xf32, #tpu.memory_space<vmem_shared>>
      tpu.wait_indirect_dma semaphore(%arg12 : memref<!tpu.dma_semaphore, #tpu.memory_space<semaphore_mem>>) src(%dma_wait3A_466 : memref<128x16xf32, #tpu.memory_space<vmem>>) dst(%dma_wait3A_472 : memref<10240x16xf32, #tpu.memory_space<vmem_shared>>)
      %mul3A_473 = arith.constant 8 : i32
      %mul3A_474 = arith.muli %scan3A_9, %mul3A_473 : i32
      %add3A_475 = arith.constant 7 : i32
      %add3A_476 = arith.addi %mul3A_474, %add3A_475 : i32
      %dma_wait3A_477 = arith.constant 7 : i32
      %dma_wait3A_478 = arith.constant 0 : i32
      %dma_wait3A_479 = arith.constant 0 : i32
      %dma_wait3A_480 = tpu.memref_slice %arg9[%dma_wait3A_477, %dma_wait3A_478, %dma_wait3A_479] : memref<8x128x16xf32, #tpu.memory_space<vmem>> -> memref<1x128x16xf32, #tpu.memory_space<vmem>>
      %dma_wait3A_481 = tpu.memref_squeeze %dma_wait3A_480 : memref<1x128x16xf32, #tpu.memory_space<vmem>> -> memref<128x16xf32, #tpu.memory_space<vmem>>
      %dma_wait3A_482 = arith.constant 0 : i32
      %dma_wait3A_483 = tpu.memref_slice %arg8[%add3A_476, %dma_wait3A_482] : memref<80x128xi32, #tpu.memory_space<vmem>> -> memref<1x128xi32, #tpu.memory_space<vmem>>
      %dma_wait3A_484 = tpu.memref_squeeze %dma_wait3A_483 : memref<1x128xi32, #tpu.memory_space<vmem>> -> memref<128xi32, #tpu.memory_space<vmem>>
      %dma_wait3A_485 = arith.constant 0 : i32
      %dma_wait3A_486 = arith.constant 0 : i32
      %dma_wait3A_487 = tpu.memref_slice %arg10[%dma_wait3A_485, %dma_wait3A_486] : memref<10240x16xf32, #tpu.memory_space<vmem_shared>> -> memref<10240x16xf32, #tpu.memory_space<vmem_shared>>
      tpu.wait_indirect_dma semaphore(%arg12 : memref<!tpu.dma_semaphore, #tpu.memory_space<semaphore_mem>>) src(%dma_wait3A_481 : memref<128x16xf32, #tpu.memory_space<vmem>>) dst(%dma_wait3A_487 : memref<10240x16xf32, #tpu.memory_space<vmem_shared>>)
    }
    %scan3A_7 = arith.constant 10 : i32
    %barrier3A_8 = arith.constant 0 : index
    tpu.barrier barrier_id(%barrier3A_8)
    "tpu.region"() ({
      %run_scoped3A = tpu.sem_alloc : memref<!tpu.dma_semaphore, #tpu.memory_space<semaphore_mem>>
      %dma_start3A = arith.constant 0 : i32
      %dma_start3A_9 = tpu.memref_slice %arg6[%arg0, %mul3A_2, %dma_start3A] : memref<2x10240x16xf32, #tpu.memory_space<hbm>> -> memref<1x640x16xf32, #tpu.memory_space<hbm>>
      %dma_start3A_10 = tpu.memref_squeeze %dma_start3A_9 : memref<1x640x16xf32, #tpu.memory_space<hbm>> -> memref<640x16xf32, #tpu.memory_space<hbm>>
      %dma_start3A_11 = arith.constant 0 : i32
      %dma_start3A_12 = tpu.memref_slice %arg10[%mul3A_2, %dma_start3A_11] : memref<10240x16xf32, #tpu.memory_space<vmem_shared>> -> memref<640x16xf32, #tpu.memory_space<vmem_shared>>
      tpu.enqueue_dma source(%dma_start3A_12 : memref<640x16xf32, #tpu.memory_space<vmem_shared>>) target(%dma_start3A_10 : memref<640x16xf32, #tpu.memory_space<hbm>>) target_semaphore(%run_scoped3A : memref<!tpu.dma_semaphore, #tpu.memory_space<semaphore_mem>>)
      %dma_wait3A = arith.constant 0 : i32
      %dma_wait3A_13 = tpu.memref_slice %arg6[%arg0, %mul3A_2, %dma_wait3A] : memref<2x10240x16xf32, #tpu.memory_space<hbm>> -> memref<1x640x16xf32, #tpu.memory_space<hbm>>
      %dma_wait3A_14 = tpu.memref_squeeze %dma_wait3A_13 : memref<1x640x16xf32, #tpu.memory_space<hbm>> -> memref<640x16xf32, #tpu.memory_space<hbm>>
      %dma_wait3A_15 = arith.constant 0 : i32
      %dma_wait3A_16 = tpu.memref_slice %arg10[%mul3A_2, %dma_wait3A_15] : memref<10240x16xf32, #tpu.memory_space<vmem_shared>> -> memref<640x16xf32, #tpu.memory_space<vmem_shared>>
      tpu.wait_dma2 semaphore(%run_scoped3A : memref<!tpu.dma_semaphore, #tpu.memory_space<semaphore_mem>>) src(%dma_wait3A_16 : memref<640x16xf32, #tpu.memory_space<vmem_shared>>) dst(%dma_wait3A_14 : memref<640x16xf32, #tpu.memory_space<hbm>>)
      tpu.yield
    }) : () -> ()
    return
  }
}

module attributes {stable_mosaic.version = 14 : i64} {
  func.func @_k_h1(%arg0: memref<10240x128xf32, #tpu.memory_space<vmem>>, %arg1: memref<128x16xf32, #tpu.memory_space<vmem>>, %arg2: memref<10240x16xf32, #tpu.memory_space<vmem>>) attributes {dimension_semantics = [], scalar_prefetch = 0 : i64, scratch_operands = 0 : i64, tpu.core_type = #tpu.core_type<tc>} {
    %get3A = arith.constant 0 : index
    %get3A_0 = arith.constant 0 : index
    %get3A_1 = vector.load %arg0[%get3A, %get3A_0] : memref<10240x128xf32, #tpu.memory_space<vmem>>, vector<10240x128xf32>
    %get3A_2 = arith.constant 0 : index
    %get3A_3 = arith.constant 0 : index
    %get3A_4 = vector.load %arg1[%get3A_2, %get3A_3] : memref<128x16xf32, #tpu.memory_space<vmem>>, vector<128x16xf32>
    %dot_general3A = arith.constant dense<0.000000e+00> : vector<10240x16xf32>
    %dot_general3A_5 = tpu.matmul %get3A_1, %get3A_4, %dot_general3A {dimension_numbers = #tpu.dot_dimension_numbers<[1], [0], [0], [1], [0, 0, 1, 1], [], []>, transpose_lhs_hint = false} : vector<10240x128xf32>, vector<128x16xf32>, vector<10240x16xf32> -> vector<10240x16xf32>
    %swap3A = arith.constant 0 : index
    %swap3A_6 = arith.constant 0 : index
    %swap3A_7 = vector.load %arg2[%swap3A, %swap3A_6] : memref<10240x16xf32, #tpu.memory_space<vmem>>, vector<10240x16xf32>
    tpu.vector_store %arg2[%swap3A, %swap3A_6], %dot_general3A_5 {strides = array<i32>} : memref<10240x16xf32, #tpu.memory_space<vmem>>, vector<10240x16xf32>,
    return
  }
}

module attributes {stable_mosaic.version = 14 : i64} {
  func.func @_k_u1(%arg0: memref<2x10240x16xf32, #tpu.memory_space<vmem>>, %arg1: memref<10240x16xf32, #tpu.memory_space<vmem>>, %arg2: memref<10240x16xf32, #tpu.memory_space<vmem>>, %arg3: memref<10240x1xf32, #tpu.memory_space<vmem>>) attributes {dimension_semantics = [], scalar_prefetch = 0 : i64, scratch_operands = 0 : i64, tpu.core_type = #tpu.core_type<tc>} {
    %get3A = arith.constant 0 : index
    %get3A_0 = arith.constant 0 : index
    %get3A_1 = arith.constant 0 : index
    %get3A_2 = vector.load %arg0[%get3A, %get3A_0, %get3A_1] : memref<2x10240x16xf32, #tpu.memory_space<vmem>>, vector<1x10240x1xf32>
    %get3A_3 = vector.shape_cast %get3A_2 : vector<1x10240x1xf32> to vector<10240x1xf32>
    %get3A_4 = arith.constant 1 : index
    %get3A_5 = arith.constant 0 : index
    %get3A_6 = arith.constant 0 : index
    %get3A_7 = vector.load %arg0[%get3A_4, %get3A_5, %get3A_6] : memref<2x10240x16xf32, #tpu.memory_space<vmem>>, vector<1x10240x1xf32>
    %get3A_8 = vector.shape_cast %get3A_7 : vector<1x10240x1xf32> to vector<10240x1xf32>
    %add3A = arith.addf %get3A_3, %get3A_8 : vector<10240x1xf32>
    %add3A_9 = arith.constant 1.000000e+00 : f32
    %add3A_10 = vector.broadcast %add3A_9 : f32 to vector<10240x1xf32>
    %add3A_11 = arith.addf %add3A, %add3A_10 : vector<10240x1xf32>
    %rsqrt3A = math.rsqrt %add3A_11 : vector<10240x1xf32>
    %swap3A = arith.constant 0 : index
    %swap3A_12 = arith.constant 0 : index
    %swap3A_13 = vector.load %arg3[%swap3A, %swap3A_12] : memref<10240x1xf32, #tpu.memory_space<vmem>>, vector<10240x1xf32>
    tpu.vector_store %arg3[%swap3A, %swap3A_12], %rsqrt3A {strides = array<i32>} : memref<10240x1xf32, #tpu.memory_space<vmem>>, vector<10240x1xf32>,
    %get3A_14 = arith.constant 0 : index
    %get3A_15 = arith.constant 0 : index
    %get3A_16 = vector.load %arg1[%get3A_14, %get3A_15] : memref<10240x16xf32, #tpu.memory_space<vmem>>, vector<10240x16xf32>
    %mul3A = vector.broadcast %rsqrt3A : vector<10240x1xf32> to vector<10240x16xf32>
    %mul3A_17 = arith.mulf %get3A_16, %mul3A : vector<10240x16xf32>
    %swap3A_18 = arith.constant 0 : index
    %swap3A_19 = arith.constant 0 : index
    %swap3A_20 = vector.load %arg2[%swap3A_18, %swap3A_19] : memref<10240x16xf32, #tpu.memory_space<vmem>>, vector<10240x16xf32>
    tpu.vector_store %arg2[%swap3A_18, %swap3A_19], %mul3A_17 {strides = array<i32>} : memref<10240x16xf32, #tpu.memory_space<vmem>>, vector<10240x16xf32>,
    return
  }
}

module attributes {stable_mosaic.version = 14 : i64} {
  func.func @_k_u2(%arg0: memref<2x10240x16xf32, #tpu.memory_space<vmem>>, %arg1: memref<10240x16xf32, #tpu.memory_space<vmem>>, %arg2: memref<10240x1xf32, #tpu.memory_space<vmem>>, %arg3: memref<1x16xf32, #tpu.memory_space<vmem>>, %arg4: memref<10240x16xf32, #tpu.memory_space<vmem>>) attributes {dimension_semantics = [], scalar_prefetch = 0 : i64, scratch_operands = 0 : i64, tpu.core_type = #tpu.core_type<tc>} {
    %get3A = arith.constant 0 : index
    %get3A_0 = arith.constant 0 : index
    %get3A_1 = arith.constant 0 : index
    %get3A_2 = vector.load %arg0[%get3A, %get3A_0, %get3A_1] : memref<2x10240x16xf32, #tpu.memory_space<vmem>>, vector<1x10240x16xf32>
    %get3A_3 = vector.shape_cast %get3A_2 : vector<1x10240x16xf32> to vector<10240x16xf32>
    %get3A_4 = arith.constant 1 : index
    %get3A_5 = arith.constant 0 : index
    %get3A_6 = arith.constant 0 : index
    %get3A_7 = vector.load %arg0[%get3A_4, %get3A_5, %get3A_6] : memref<2x10240x16xf32, #tpu.memory_space<vmem>>, vector<1x10240x16xf32>
    %get3A_8 = vector.shape_cast %get3A_7 : vector<1x10240x16xf32> to vector<10240x16xf32>
    %add3A = arith.addf %get3A_3, %get3A_8 : vector<10240x16xf32>
    %get3A_9 = arith.constant 0 : index
    %get3A_10 = arith.constant 0 : index
    %get3A_11 = vector.load %arg1[%get3A_9, %get3A_10] : memref<10240x16xf32, #tpu.memory_space<vmem>>, vector<10240x16xf32>
    %add3A_12 = arith.addf %add3A, %get3A_11 : vector<10240x16xf32>
    %get3A_13 = arith.constant 0 : index
    %get3A_14 = arith.constant 0 : index
    %get3A_15 = vector.load %arg2[%get3A_13, %get3A_14] : memref<10240x1xf32, #tpu.memory_space<vmem>>, vector<10240x1xf32>
    %mul3A = vector.broadcast %get3A_15 : vector<10240x1xf32> to vector<10240x16xf32>
    %mul3A_16 = arith.mulf %mul3A, %add3A_12 : vector<10240x16xf32>
    %get3A_17 = arith.constant 0 : index
    %get3A_18 = arith.constant 0 : index
    %get3A_19 = vector.load %arg3[%get3A_17, %get3A_18] : memref<1x16xf32, #tpu.memory_space<vmem>>, vector<1x16xf32>
    %add3A_20 = vector.broadcast %get3A_19 : vector<1x16xf32> to vector<10240x16xf32>
    %add3A_21 = arith.addf %mul3A_16, %add3A_20 : vector<10240x16xf32>
    %max3A = arith.constant 0.000000e+00 : f32
    %max3A_22 = vector.broadcast %max3A : f32 to vector<10240x16xf32>
    %max3A_23 = arith.maximumf %add3A_21, %max3A_22 : vector<10240x16xf32>
    %get3A_24 = arith.constant 0 : index
    %get3A_25 = arith.constant 0 : index
    %get3A_26 = vector.load %arg2[%get3A_24, %get3A_25] : memref<10240x1xf32, #tpu.memory_space<vmem>>, vector<10240x1xf32>
    %mul3A_27 = vector.broadcast %get3A_26 : vector<10240x1xf32> to vector<10240x16xf32>
    %mul3A_28 = arith.mulf %mul3A_27, %max3A_23 : vector<10240x16xf32>
    %swap3A = arith.constant 0 : index
    %swap3A_29 = arith.constant 0 : index
    %swap3A_30 = vector.load %arg4[%swap3A, %swap3A_29] : memref<10240x16xf32, #tpu.memory_space<vmem>>, vector<10240x16xf32>
    tpu.vector_store %arg4[%swap3A, %swap3A_29], %mul3A_28 {strides = array<i32>} : memref<10240x16xf32, #tpu.memory_space<vmem>>, vector<10240x16xf32>,
    return
  }
}

module attributes {stable_mosaic.version = 14 : i64} {
  func.func @_k_ab(%arg0: memref<2x10240x16xf32, #tpu.memory_space<vmem>>, %arg1: memref<10240x16xf32, #tpu.memory_space<vmem>>, %arg2: memref<10240x1xf32, #tpu.memory_space<vmem>>, %arg3: memref<16x128xf32, #tpu.memory_space<vmem>>, %arg4: memref<1x128xf32, #tpu.memory_space<vmem>>, %arg5: memref<128x128xf32, #tpu.memory_space<vmem>>, %arg6: memref<128x128xf32, #tpu.memory_space<vmem>>, %arg7: memref<1x128xf32, #tpu.memory_space<vmem>>, %arg8: memref<10240x128xf32, #tpu.memory_space<vmem>>, %arg9: memref<10240x128xf32, #tpu.memory_space<vmem>>) attributes {dimension_semantics = [], scalar_prefetch = 0 : i64, scratch_operands = 0 : i64, tpu.core_type = #tpu.core_type<tc>} {
    %get3A = arith.constant 0 : index
    %get3A_0 = arith.constant 0 : index
    %get3A_1 = vector.load %arg2[%get3A, %get3A_0] : memref<10240x1xf32, #tpu.memory_space<vmem>>, vector<10240x1xf32>
    %get3A_2 = arith.constant 0 : index
    %get3A_3 = arith.constant 0 : index
    %get3A_4 = arith.constant 0 : index
    %get3A_5 = vector.load %arg0[%get3A_2, %get3A_3, %get3A_4] : memref<2x10240x16xf32, #tpu.memory_space<vmem>>, vector<1x10240x16xf32>
    %get3A_6 = vector.shape_cast %get3A_5 : vector<1x10240x16xf32> to vector<10240x16xf32>
    %get3A_7 = arith.constant 1 : index
    %get3A_8 = arith.constant 0 : index
    %get3A_9 = arith.constant 0 : index
    %get3A_10 = vector.load %arg0[%get3A_7, %get3A_8, %get3A_9] : memref<2x10240x16xf32, #tpu.memory_space<vmem>>, vector<1x10240x16xf32>
    %get3A_11 = vector.shape_cast %get3A_10 : vector<1x10240x16xf32> to vector<10240x16xf32>
    %add3A = arith.addf %get3A_6, %get3A_11 : vector<10240x16xf32>
    %get3A_12 = arith.constant 0 : index
    %get3A_13 = arith.constant 0 : index
    %get3A_14 = vector.load %arg1[%get3A_12, %get3A_13] : memref<10240x16xf32, #tpu.memory_space<vmem>>, vector<10240x16xf32>
    %add3A_15 = arith.addf %add3A, %get3A_14 : vector<10240x16xf32>
    %mul3A = vector.broadcast %get3A_1 : vector<10240x1xf32> to vector<10240x16xf32>
    %mul3A_16 = arith.mulf %mul3A, %add3A_15 : vector<10240x16xf32>
    %get3A_17 = arith.constant 0 : index
    %get3A_18 = arith.constant 0 : index
    %get3A_19 = vector.load %arg3[%get3A_17, %get3A_18] : memref<16x128xf32, #tpu.memory_space<vmem>>, vector<16x128xf32>
    %dot_general3A = arith.constant dense<0.000000e+00> : vector<10240x128xf32>
    %dot_general3A_20 = tpu.matmul %mul3A_16, %get3A_19, %dot_general3A {dimension_numbers = #tpu.dot_dimension_numbers<[1], [0], [0], [1], [0, 0, 1, 1], [], []>, transpose_lhs_hint = false} : vector<10240x16xf32>, vector<16x128xf32>, vector<10240x128xf32> -> vector<10240x128xf32>
    %get3A_21 = arith.constant 0 : index
    %get3A_22 = arith.constant 0 : index
    %get3A_23 = vector.load %arg4[%get3A_21, %get3A_22] : memref<1x128xf32, #tpu.memory_space<vmem>>, vector<1x128xf32>
    %add3A_24 = vector.broadcast %get3A_23 : vector<1x128xf32> to vector<10240x128xf32>
    %add3A_25 = arith.addf %dot_general3A_20, %add3A_24 : vector<10240x128xf32>
    %get3A_26 = arith.constant 0 : index
    %get3A_27 = arith.constant 0 : index
    %get3A_28 = vector.load %arg5[%get3A_26, %get3A_27] : memref<128x128xf32, #tpu.memory_space<vmem>>, vector<128x128xf32>
    %dot_general3A_29 = arith.constant dense<0.000000e+00> : vector<10240x128xf32>
    %dot_general3A_30 = tpu.matmul %add3A_25, %get3A_28, %dot_general3A_29 {dimension_numbers = #tpu.dot_dimension_numbers<[1], [0], [0], [1], [0, 0, 1, 1], [], []>, transpose_lhs_hint = false} : vector<10240x128xf32>, vector<128x128xf32>, vector<10240x128xf32> -> vector<10240x128xf32>
    %swap3A = arith.constant 0 : index
    %swap3A_31 = arith.constant 0 : index
    %swap3A_32 = vector.load %arg8[%swap3A, %swap3A_31] : memref<10240x128xf32, #tpu.memory_space<vmem>>, vector<10240x128xf32>
    tpu.vector_store %arg8[%swap3A, %swap3A_31], %dot_general3A_30 {strides = array<i32>} : memref<10240x128xf32, #tpu.memory_space<vmem>>, vector<10240x128xf32>,
    %get3A_33 = arith.constant 0 : index
    %get3A_34 = arith.constant 0 : index
    %get3A_35 = vector.load %arg6[%get3A_33, %get3A_34] : memref<128x128xf32, #tpu.memory_space<vmem>>, vector<128x128xf32>
    %dot_general3A_36 = arith.constant dense<0.000000e+00> : vector<10240x128xf32>
    %dot_general3A_37 = tpu.matmul %add3A_25, %get3A_35, %dot_general3A_36 {dimension_numbers = #tpu.dot_dimension_numbers<[1], [0], [0], [1], [0, 0, 1, 1], [], []>, transpose_lhs_hint = false} : vector<10240x128xf32>, vector<128x128xf32>, vector<10240x128xf32> -> vector<10240x128xf32>
    %get3A_38 = arith.constant 0 : index
    %get3A_39 = arith.constant 0 : index
    %get3A_40 = vector.load %arg7[%get3A_38, %get3A_39] : memref<1x128xf32, #tpu.memory_space<vmem>>, vector<1x128xf32>
    %add3A_41 = vector.broadcast %get3A_40 : vector<1x128xf32> to vector<10240x128xf32>
    %add3A_42 = arith.addf %dot_general3A_37, %add3A_41 : vector<10240x128xf32>
    %swap3A_43 = arith.constant 0 : index
    %swap3A_44 = arith.constant 0 : index
    %swap3A_45 = vector.load %arg9[%swap3A_43, %swap3A_44] : memref<10240x128xf32, #tpu.memory_space<vmem>>, vector<10240x128xf32>
    tpu.vector_store %arg9[%swap3A_43, %swap3A_44], %add3A_42 {strides = array<i32>} : memref<10240x128xf32, #tpu.memory_space<vmem>>, vector<10240x128xf32>,
    return
  }
}

</mosaic_0001>

<sc_bundles>
// kernel: kernel.10.cloned.1.call-start
scs
__scs_entry_jumppad:
0x0: {  	(pc) =	sbr.rel $0x88, $3  }
0x1: {  	(tag) =	ssettag $0x0;
	lr =	simm.s32 $0x1  }
0x2: {  	[smem:$0x3F96] =	sst lr;
	_ =	strace $0xD0000000  }
0x3: {  	_ = 	snop  }
0x4: {  	_ = 	snop  }
0x5: {  	_ = 	snop  }
0x6: {  	_ = 	snop  }
0x7: {  	_ = 	snop  }
__scs_overlays_trampoline_lowered:
0x8: {  	[smem:$0x3FA5] =	sst s0  }
0x9: {  	[smem:$0x3FA6] =	sst s1  }
0xa: {  	[smem:$0x3FA7] =	sst s2  }
0xb: {  	[smem:$0x3FA8] =	sst s3  }
0xc: {  	[smem:$0x3FA9] =	sst s4  }
0xd: {  	[smem:$0x3FAA] =	sst s5  }
0xe: {  	[smem:$0x3FAB] =	sst s6  }
0xf: {  	[smem:$0x3FAC] =	sst s7  }
0x10: {  	[smem:$0x3FAD] =	sst s8  }
0x11: {  	[smem:$0x3FAE] =	sst s9;
	s0 =	simm.s32 @!p0 $0x0  }
0x12: {  	s1 =	sld [smem:$0x3F94];
	s0 =	simm.s32 @p0 $0x1  }
0x13: {  	[smem:$0x3FAF] =	sst s0;
	s0 =	simm.s32 @!p1 $0x0  }
0x14: {  	s2 =	sld [smem:$0x3F93];
	s0 =	simm.s32 @p1 $0x1  }
0x15: {  	[smem:$0x3FB0] =	sst s0;
	s0 =	simm.s32 @!p2 $0x0  }
0x16: {  	s3 =	sld [smem:$0x3FDB];
	s0 =	simm.s32 @p2 $0x1  }
0x17: {  	s4 =	simm.s32 $0x1BF5;
	[smem:$0x3FB2] =	sst s0  }
0x18: {  	s0 =	sld [smem:$0x3F95];
	_ =	swait.ge [sflag:s4], $0x0  }
0x19: {  	s7 =	sld [smem:$0x3F96]  }
0x1a: {  	s8 =	sadd.s32 $0xFFFFE003, lr  }
0x1b: {  	s9 =	sadd.s32 $0xFFFFFEF7, lr;
	s5 =	simm.s32 $0xFFFFFFFF;
	p2 =	slt.u32 s8, $0xFFFFF086  }
0x1c: {  	p1 =	slt.u32 s9, $0xF7A;
	s5 =	simm.s32 @!p2 $0x0  }
0x1d: {  	s5 =	simm.s32 @p1 $0x1;
	p0 =	seq.s32 s7, s2  }
0x1e: {  	s7 =	smul.u32 @!p0 $0xF7A, s2;
	p2 =	seq.s32 @!p0 s5, $0x0  }
0x1f: {  	s9 =	smul.u32 $0xF7A, s1;
	s8 =	simm.s32 @!p0 $0x1BF5;
	p2 =	por !p2, p0  }
0x20: {  	[sflag:s8] =	ssyncset.s32 @!p0 $0xFFFFF086;
	s6 =	sadd.s32 @!p0 s3, s7;
	s7 =	simm.s32 @!p0 $0x108  }
0x21: {  	s3 =	sadd.s32 s3, s9;
	s6 =	sadd.s32 @!p0 $0x88, s6;
	s7 =	simm.s32 @p2 $0x1082  }
0x22: {  	[simem:s7], [sflag:s8] =	dma.local @!p0 [hbm:s6], $0xF7A  }
0x23: {  	s9 =	sor.u32 $0xD0000000, s2;
	s6 =	simm.s32 $0x108;
	_ =	swait.ge @!p0 [sflag:s8], $0x0  }
0x24: {  	s3 =	sadd.s32 $0x88, s3;
	s6 =	simm.s32 @!p1 $0x1082;
	[sflag:s4] =	ssyncset.s32 $0xFFFFF086  }
0x25: {  	[simem:s6], [sflag:s4] =	dma.local [hbm:s3], $0xF7A  }
0x26: {  	[smem:$0x3F96] =	sst s1;
	(tag) =	ssettag s2;
	_ =	strace s9  }
0x27: {  	s1 =	sld [smem:$0x3FA6]  }
0x28: {  	s2 =	sld [smem:$0x3FA7]  }
0x29: {  	s4 =	sld [smem:$0x3FA9]  }
0x2a: {  	p0 =	seq.s32 s5, $0x0;
	s5 =	sld [smem:$0x3FAA]  }
0x2b: {  	s6 =	sld [smem:$0x3FAB]  }
0x2c: {  	s7 =	sld [smem:$0x3FAC]  }
0x2d: {  	s3 =	simm.s32 $0x108;
	s8 =	sld [smem:$0x3FAD]  }
0x2e: {  	s3 =	simm.s32 @!p0 $0x1082;
	s9 =	sld [smem:$0x3FAE]  }
0x2f: {  	lr =	sadd.s32 s0, s3;
	s0 =	sld [smem:$0x3FA5]  }
0x30: {  	s3 =	sld [smem:$0x3FA8]  }
0x31: {  	[smem:$0x3FB1] =	sst s10  }
0x32: {  	s10 =	sld [smem:$0x3FAF];
	_ =	sdelay $0x3  }
0x33: {  	p0 =	seq.s32 s10, $0x1;
	s10 =	sld [smem:$0x3FB1];
	_ =	sdelay $0x3  }
0x34: {  	[smem:$0x3FB1] =	sst s10  }
0x35: {  	s10 =	sld [smem:$0x3FB0];
	_ =	sdelay $0x3  }
0x36: {  	p1 =	seq.s32 s10, $0x1;
	s10 =	sld [smem:$0x3FB1];
	_ =	sdelay $0x3  }
0x37: {  	[smem:$0x3FB1] =	sst s10  }
0x38: {  	s10 =	sld [smem:$0x3FB2]  }
0x39: {  	_ = 	snop;
	(pc) =	sbr.ind lr, $3  }
0x3a: {  	_ = 	snop  }
0x3b: {  	_ = 	snop  }
0x3c: {  	p2 =	seq.s32 s10, $0x1;
	s10 =	sld [smem:$0x3FB1]  }
0x3d: {  	_ =	shalt  }
0x3e: {  	_ =	shalt  }
0x3f: {  	_ =	shalt  }
0x40: {  	_ =	shalt  }
0x41: {  	_ =	shalt  }
0x42: {  	_ =	shalt  }
0x43: {  	_ =	shalt  }
0x44: {  	_ =	shalt  }
0x45: {  	_ =	shalt  }
0x46: {  	_ =	shalt  }
0x47: {  	_ =	shalt  }
0x48: {  	_ =	shalt  }
0x49: {  	_ =	shalt  }
0x4a: {  	_ =	shalt  }
0x4b: {  	_ =	shalt  }
0x4c: {  	_ =	shalt  }
0x4d: {  	_ =	shalt  }
0x4e: {  	_ =	shalt  }
0x4f: {  	_ =	shalt  }
0x50: {  	_ =	shalt  }
0x51: {  	_ =	shalt  }
0x52: {  	_ =	shalt  }
0x53: {  	_ =	shalt  }
0x54: {  	_ =	shalt  }
0x55: {  	_ =	shalt  }
0x56: {  	_ =	shalt  }
0x57: {  	_ =	shalt  }
0x58: {  	_ =	shalt  }
0x59: {  	_ =	shalt  }
0x5a: {  	_ =	shalt  }
0x5b: {  	_ =	shalt  }
0x5c: {  	_ =	shalt  }
0x5d: {  	_ =	shalt  }
0x5e: {  	_ =	shalt  }
0x5f: {  	_ =	shalt  }
0x60: {  	_ =	shalt  }
0x61: {  	_ =	shalt  }
0x62: {  	_ =	shalt  }
0x63: {  	_ =	shalt  }
0x64: {  	_ =	shalt  }
0x65: {  	_ =	shalt  }
0x66: {  	_ =	shalt  }
0x67: {  	_ =	shalt  }
0x68: {  	_ =	shalt  }
0x69: {  	_ =	shalt  }
0x6a: {  	_ =	shalt  }
0x6b: {  	_ =	shalt  }
0x6c: {  	_ =	shalt  }
0x6d: {  	_ =	shalt  }
0x6e: {  	_ =	shalt  }
0x6f: {  	_ =	shalt  }
0x70: {  	_ =	shalt  }
0x71: {  	_ =	shalt  }
0x72: {  	_ =	shalt  }
0x73: {  	_ =	shalt  }
0x74: {  	_ =	shalt  }
0x75: {  	_ =	shalt  }
0x76: {  	_ =	shalt  }
0x77: {  	_ =	shalt  }
0x78: {  	_ =	shalt  }
0x79: {  	_ =	shalt  }
0x7a: {  	_ =	shalt  }
0x7b: {  	_ =	shalt  }
0x7c: {  	_ =	shalt  }
0x7d: {  	_ =	shalt  }
0x7e: {  	_ =	shalt  }
0x7f: {  	_ =	shalt  }
0x80: {  	_ =	shalt  }
0x81: {  	_ =	shalt  }
0x82: {  	_ =	shalt  }
0x83: {  	_ =	shalt  }
0x84: {  	_ =	shalt  }
0x85: {  	_ =	shalt  }
0x86: {  	_ =	shalt  }
0x87: {  	_ =	shalt  }
.Lfunc_end0:
.L_simem_size_0:
called_computation_lowered:
.L_overlay_start_0:
0x88: {  	s2 =	sld [smem:$0x3FD9]  }
0x89: {  	s3 =	sld [smem:$0x3FFE];
	_ =	sdelay $0x1  }
0x8a: {  	s1 =	srdreg.scid  }
0x8b: {  	s0 =	sand.u32 $0x1, s1  }
0x8c: {  	s17 =	sshll.u32 s0, $0xA;
	s2 =	sadd.s32 s3, s2  }
0x8d: {  	s2 =	sadd.s32 s2, s17  }
0x8e: {  	[smem:$0x3FBD] =	sst s2  }
0x8f: {  	_ = 	snop  }
0x90: {  	s2 =	sld [smem:$0x3FD0];
	(tm) =	ssettm $0x1  }
0x91: {  	s18 =	sld [smem:$0x3FFB];
	_ =	sdelay $0x3  }
0x92: {  	_ =	strace s18  }
0x93: {  	s3 =	sld [smem:$0x3FFC];
	_ =	sdelay $0x3  }
0x94: {  	_ =	strace s3  }
0x95: {  	s3 =	sld [smem:$0x3FFD];
	_ =	sdelay $0x3  }
0x96: {  	_ =	strace s3  }
0x97: {  	_ =	strace $0x8FFFFFFF  }
0x98: {  	s19 =	sld [smem:$0x3FDB];
	_ =	sdelay $0x1  }
0x99: {  	s4 =	simm.s32 $_scs_section_size  }
0x9a: {  	s5 =	simm.s32 $_size__tile_overlayer_lowered;
	s6 =	simm.s32 $_tile_overlayer_lowered  }
0x9b: {  	s22 =	simm.s32 $0x1BFF;
	s21 =	sshll.u32 s6, $0x1;
	s3 =	sadd.s32 s4, s19  }
0x9c: {  	s7 =	simm.s32 $0x0;
	s20 =	sshll.u32 s5, $0x1;
	s5 =	sadd.s32 s21, s3  }
0x9d: {  	[timem:s7], [sflag:s22] =	dma.local [hbm:s5], s20  }
0x9e: {  	_ =	swait.ge [sflag:s22], s20  }
0x9f: {  	s4 =	ssub.s32 $0x0, s20;
	[sflag:s22] =	ssyncset.done $0x0  }
0xa0: {  	[sflag:s22] =	ssyncadd.s32 s4;
	_ =	sdelay $0x1  }
0xa1: {  	s23 =	simm.s32 $0x1B8B  }
0xa2: {  	_ =	swait.ge [sflag:s23], $0x1  }
0xa3: {  	[sflag:s23] =	ssyncset.done $0x0  }
0xa4: {  	s25 =	simm.s32 $0x1B8E;
	s24 =	sld [smem:$0x3FFE];
	[sflag:s23] =	ssyncadd.s32 $0xFFFFFFFF  }
0xa5: {  	s26 =	simm.s32 $execute0_lowered;
	[smem:$0x3FD2] =	sst s25  }
0xa6: {  	s5 =	sshll.u32 s26, $0x1;
	_ =	strace $0x80000046;
	[dreg:$0x1] =	wrdreg $0xFFFFFFFF  }
0xa7: {  	s28 =	simm.s32 $_size_execute0_lowered;
	s3 =	sadd.s32 s3, s5;
	[dreg:$0x0] =	wrdreg $0x0  }
0xa8: {  	s5 =	sshll.u32 s28, $0x1;
	[dreg:$0x2] =	wrdreg s3  }
0xa9: {  	[dreg:$0x3] =	wrdreg s5  }
0xaa: {  	[dreg:$0x4] =	wrdreg $0xC0  }
0xab: {  	_ =	task [dreg:s7], $0x5FFFF  }
0xac: {  	[dreg:$0x1] =	wrdreg $0xFFFFFFFF  }
0xad: {  	[dreg:$0x0] =	wrdreg $0x60  }
0xae: {  	[dreg:$0x2] =	wrdreg s2  }
0xaf: {  	[dreg:$0x3] =	wrdreg s24  }
0xb0: {  	[dreg:$0x4] =	wrdreg $0x30000  }
0xb1: {  	[dreg:$0x5] =	wrdreg $0x9  }
0xb2: {  	_ =	task.clear_ibuf [dreg:s7], $0x6FFFF;
	_ =	strace $0x90000046  }
0xb3: {  	s29 =	simm.s32 $0x9;
	_ =	strace $0x80000048  }
0xb4: {  	_ =	swait.ge [sflag:s29], $0x1  }
0xb5: {  	[sflag:s29] =	ssyncadd.s32 $0xFFFFFFFF  }
0xb6: {  	_ =	strace $0x90000048  }
0xb7: {  	_ =	sfence  }
0xb8: {  	s30 =	sld [smem:$0x0];
	_ =	sdelay $0x2  }
0xb9: {  	s31 =	sshll.u32 s1, $0xD;
	s1 =	sshrl.u32 s1, $0x2  }
0xba: {  	s3 =	sand.u32 $0x4000, s31;
	s1 =	sadd.s32 s1, s30  }
0xbb: {  	s0 =	sor.u32 s3, s0;
	s1 =	sshll.u32 s1, $0x11  }
0xbc: {  	s0 =	sor.u32 s1, s0  }
0xbd: {  	s0 =	sadd.s32 $0x8F2B, s0  }
0xbe: {  	[sflag:s0] =	ssyncadd.remote.s32 $0x1  }
0xbf: {  	_ =	sfence.sel $0xFFFF  }
0xc0: {  	[dreg:$0x0] =	wrdreg $0xFFFFFFFF;
	(pc) =	sbr.abs _section_cstart, $3  }
0xc1: {  	[dreg:$0x1] =	wrdreg $0xFFFFFFFF  }
0xc2: {  	_ =	task.clear_ibuf [dreg:s7], $0x2FFFF;
	_ =	strace $0x9FFFFFFF  }
0xc3: {  	(tm) =	ssettm $0x7FFFFFFF  }
tec
execute0_lowered:
.L_overlay_start_1:
0x0: {  	(tag) =	ssettag $0x1  }
0x1: {  	s7 =	rddreg [dreg:$0x0]  }
0x2: {  	s5 =	rddreg [dreg:$0x1]  }
0x3: {  	s2 =	rddreg [dreg:$0x2]  }
0x4: {  	s0 =	rddreg [dreg:$0x3]  }
0x5: {  	s1 =	stileid.u32;
	s4 =	srdreg.scid;
	s3 =	simm.s32 $0x0  }
0x6: {  	s14 =	simm.s32 $0x1;
	s15 =	simm.s32 $0x0;
	s6 =	smul.u32 $0x2800, s1  }
0x7: {  	s8 =	sand.u32 $0x1, s4;
	[smem:$0x7FF] =	sst s3;
	s4 =	sadd.s32 $0x7800, s5  }
0x8: {  	s12 =	sshll.u32 s1, $0x6;
	s9 =	smul.u32 $0x28000, s8;
	_ =	strace $0x80000047  }
0x9: {  	s11 =	ssub.s32 $0x2, s8;
	s8 =	sshll.u32 s8, $0x4;
	s30 =	sshrl.u32 s6, $0x3  }
0xa: {  	s31 =	sshrl.u32 s11, $0x1;
	s8 =	sor.u32 s1, s8;
	s13 =	sadd.s32 s6, s2  }
0xb: {  	s10 =	sadd.s32 s30, s5;
	s9 =	sadd.s32 s6, s9;
	s11 =	ssub.s32 s11, s31  }
0xc: {  	s8 =	smul.u32 $0x500, s8;
	s6 =	sor.u32 $0x1C02, s12;
	s9 =	sshrl.u32 s9, $0x3  }
0xd: {  	s12 =	simm.s32 $0x2800;
	s9 =	sadd.s32 s9, s5;
	s5 =	sadd.s32 $0x2800, s10  }
0xe: {  	s7 =	sadd.s32 s7, s8;
	s10 =	sshrl.u32 s13, $0x3;
	s13 =	simm.s32 $0x80  }
0xf: {  	s8 =	sadd.s32 $0x7A00, s9;
	s9 =	smax.u32 s11, $0x1;
	s11 =	simm.s32 $0x2  }
.LBB2_1:
0x10: {  	[spmem:s10], [sflag:s6] =	dma.local [hbm:s5], $0x500  }
0x11: {  	_ =	swait.ge [sflag:s11], $0x500  }
0x12: {  	[sflag:s11] =	ssyncset.done $0x0  }
0x13: {  	[sflag:s11] =	ssyncadd.s32 $0xFFFFFB00  }
0x14: {  	[tilespmem:s12], [sflag:$0x2] =	stream.linear.gather [hbm4b:s4+s3], $0x800, $0x38;
	[tilespmem:$0x5800] =	vst v63  }
0x15: {  	_ =	swait.ge [sflag:s11], $0x800  }
0x16: {  	[sflag:s11] =	ssyncset.done $0x0  }
0x17: {  	[sflag:s11] =	ssyncadd.s32 $0xFFFFF800  }
0x18: {  	[tilespmem:s3], [sflag:$0x2] =	stream.linear.gather [hbm4b:s7+s3], $0x2800, $0x38;
	[tilespmem:$0x5800] =	vst v63  }
0x19: {  	_ =	swait.ge [sflag:s11], $0x2800  }
0x1a: {  	[sflag:s11] =	ssyncset.done $0x0  }
0x1b: {  	[sflag:s11] =	ssyncadd.s32 $0xFFFFD800  }
0x1c: {  	s16 =	simm.s32 $0x0;
	[bflag:$0x0] =	sbarrier.arrive $0xFFFF  }
0x1d: {  	[spmem:s2] =	stream.indirect.scatter.add.f32 [tilespmem:s12], [sflag:$0x1], $0x10, s16, s13, $0xb8;
	[tilespmem:$0x5800] =	vst v63  }
0x1e: {  	s24 =	simm.s32 $0x80  }
0x1f: {  	[spmem:s2] =	stream.indirect.scatter.add.f32 [tilespmem:s12], [sflag:$0x1], $0x10, s24, s13, $0xb8;
	[tilespmem:$0x5800] =	vst v63  }
0x20: {  	s25 =	simm.s32 $0x100  }
0x21: {  	[spmem:s2] =	stream.indirect.scatter.add.f32 [tilespmem:s12], [sflag:$0x1], $0x10, s25, s13, $0xb8;
	[tilespmem:$0x5800] =	vst v63  }
0x22: {  	s26 =	simm.s32 $0x180  }
0x23: {  	[spmem:s2] =	stream.indirect.scatter.add.f32 [tilespmem:s12], [sflag:$0x1], $0x10, s26, s13, $0xb8;
	[tilespmem:$0x5800] =	vst v63  }
0x24: {  	s28 =	simm.s32 $0x200  }
0x25: {  	[spmem:s2] =	stream.indirect.scatter.add.f32 [tilespmem:s12], [sflag:$0x1], $0x10, s28, s13, $0xb8;
	[tilespmem:$0x5800] =	vst v63  }
0x26: {  	s29 =	simm.s32 $0x280  }
0x27: {  	[spmem:s2] =	stream.indirect.scatter.add.f32 [tilespmem:s12], [sflag:$0x1], $0x10, s29, s13, $0xb8;
	[tilespmem:$0x5800] =	vst v63  }
0x28: {  	s30 =	simm.s32 $0x300  }
0x29: {  	[spmem:s2] =	stream.indirect.scatter.add.f32 [tilespmem:s12], [sflag:$0x1], $0x10, s30, s13, $0xb8;
	[tilespmem:$0x5800] =	vst v63  }
0x2a: {  	s31 =	simm.s32 $0x380  }
0x2b: {  	[spmem:s2] =	stream.indirect.scatter.add.f32 [tilespmem:s12], [sflag:$0x1], $0x10, s31, s13, $0xb8;
	[tilespmem:$0x5800] =	vst v63  }
0x2c: {  	_ =	swait.ge [sflag:s14], $0x800  }
0x2d: {  	[sflag:s14] =	ssyncset.done $0x0  }
0x2e: {  	[sflag:s14] =	ssyncadd.s32 $0xFFFFF800  }
0x2f: {  	_ =	swait.ge [sflag:s14], $0x800  }
0x30: {  	[sflag:s14] =	ssyncset.done $0x0  }
0x31: {  	[sflag:s14] =	ssyncadd.s32 $0xFFFFF800  }
0x32: {  	_ =	swait.ge [sflag:s14], $0x800  }
0x33: {  	[sflag:s14] =	ssyncset.done $0x0  }
0x34: {  	[sflag:s14] =	ssyncadd.s32 $0xFFFFF800  }
0x35: {  	_ =	swait.ge [sflag:s14], $0x800  }
0x36: {  	[sflag:s14] =	ssyncset.done $0x0  }
0x37: {  	[sflag:s14] =	ssyncadd.s32 $0xFFFFF800  }
0x38: {  	_ =	swait.ge [sflag:s14], $0x800  }
0x39: {  	[sflag:s14] =	ssyncset.done $0x0  }
0x3a: {  	[sflag:s14] =	ssyncadd.s32 $0xFFFFF800  }
0x3b: {  	_ =	swait.ge [sflag:s14], $0x800  }
0x3c: {  	[sflag:s14] =	ssyncset.done $0x0  }
0x3d: {  	[sflag:s14] =	ssyncadd.s32 $0xFFFFF800  }
0x3e: {  	_ =	swait.ge [sflag:s14], $0x800  }
0x3f: {  	[sflag:s14] =	ssyncset.done $0x0  }
0x40: {  	[sflag:s14] =	ssyncadd.s32 $0xFFFFF800  }
0x41: {  	_ =	swait.ge [sflag:s14], $0x800  }
0x42: {  	s18 =	simm.s32 $0x2000;
	s16 =	simm.s32 $0x1000;
	[sflag:s14] =	ssyncset.done $0x0  }
.LBB2_2:
0x43: {  	s19 =	sshra.s32 s16, $0x2  }
0x44: {  	[sflag:s14] =	ssyncadd.s32 $0xFFFFF800;
	s16 =	smov.u32 s18;
	s17 =	sadd.s32 $0x1000, s18  }
0x45: {  	[spmem:s2] =	stream.indirect.scatter.add.f32 [tilespmem:s12], [sflag:$0x1], $0x10, s19, s13, $0xb8;
	[tilespmem:$0x5800] =	vst v63  }
0x46: {  	p0 =	sne.s32 s18, $0x9000;
	s18 =	sadd.s32 $0x80, s19  }
0x47: {  	[spmem:s2] =	stream.indirect.scatter.add.f32 [tilespmem:s12], [sflag:$0x1], $0x10, s18, s13, $0xb8;
	[tilespmem:$0x5800] =	vst v63  }
0x48: {  	s18 =	sadd.s32 $0x100, s19  }
0x49: {  	[spmem:s2] =	stream.indirect.scatter.add.f32 [tilespmem:s12], [sflag:$0x1], $0x10, s18, s13, $0xb8;
	[tilespmem:$0x5800] =	vst v63  }
0x4a: {  	s18 =	sadd.s32 $0x180, s19  }
0x4b: {  	[spmem:s2] =	stream.indirect.scatter.add.f32 [tilespmem:s12], [sflag:$0x1], $0x10, s18, s13, $0xb8;
	[tilespmem:$0x5800] =	vst v63  }
0x4c: {  	s18 =	sadd.s32 $0x200, s19  }
0x4d: {  	[spmem:s2] =	stream.indirect.scatter.add.f32 [tilespmem:s12], [sflag:$0x1], $0x10, s18, s13, $0xb8;
	[tilespmem:$0x5800] =	vst v63  }
0x4e: {  	s18 =	sadd.s32 $0x280, s19  }
0x4f: {  	[spmem:s2] =	stream.indirect.scatter.add.f32 [tilespmem:s12], [sflag:$0x1], $0x10, s18, s13, $0xb8;
	[tilespmem:$0x5800] =	vst v63  }
0x50: {  	s18 =	sadd.s32 $0x300, s19  }
0x51: {  	[spmem:s2] =	stream.indirect.scatter.add.f32 [tilespmem:s12], [sflag:$0x1], $0x10, s18, s13, $0xb8;
	[tilespmem:$0x5800] =	vst v63  }
0x52: {  	s18 =	sadd.s32 $0x380, s19  }
0x53: {  	[spmem:s2] =	stream.indirect.scatter.add.f32 [tilespmem:s12], [sflag:$0x1], $0x10, s18, s13, $0xb8;
	[tilespmem:$0x5800] =	vst v63  }
0x54: {  	_ =	swait.ge [sflag:s14], $0x800  }
0x55: {  	[sflag:s14] =	ssyncset.done $0x0  }
0x56: {  	[sflag:s14] =	ssyncadd.s32 $0xFFFFF800  }
0x57: {  	_ =	swait.ge [sflag:s14], $0x800  }
0x58: {  	[sflag:s14] =	ssyncset.done $0x0  }
0x59: {  	[sflag:s14] =	ssyncadd.s32 $0xFFFFF800  }
0x5a: {  	_ =	swait.ge [sflag:s14], $0x800  }
0x5b: {  	[sflag:s14] =	ssyncset.done $0x0  }
0x5c: {  	[sflag:s14] =	ssyncadd.s32 $0xFFFFF800  }
0x5d: {  	_ =	swait.ge [sflag:s14], $0x800  }
0x5e: {  	[sflag:s14] =	ssyncset.done $0x0  }
0x5f: {  	[sflag:s14] =	ssyncadd.s32 $0xFFFFF800  }
0x60: {  	_ =	swait.ge [sflag:s14], $0x800  }
0x61: {  	[sflag:s14] =	ssyncset.done $0x0  }
0x62: {  	[sflag:s14] =	ssyncadd.s32 $0xFFFFF800  }
0x63: {  	_ =	swait.ge [sflag:s14], $0x800  }
0x64: {  	[sflag:s14] =	ssyncset.done $0x0  }
0x65: {  	[sflag:s14] =	ssyncadd.s32 $0xFFFFF800  }
.Ltmp0:
0x66: {  	_ =	swait.ge [sflag:s14], $0x800;
	(pc) =	sbr.rel @p0 .LBB2_2-.Ltmp0, $4  }
0x67: {  	[sflag:s14] =	ssyncset.done $0x0  }
0x68: {  	[sflag:s14] =	ssyncadd.s32 $0xFFFFF800  }
0x69: {  	_ =	swait.ge [sflag:s14], $0x800  }
0x6a: {  	s18 =	smov.u32 s17;
	[sflag:s14] =	ssyncset.done $0x0  }
0x6b: {  	s16 =	sshra.s32 s16, $0x2;
	[sflag:s14] =	ssyncadd.s32 $0xFFFFF800  }
0x6c: {  	[spmem:s2] =	stream.indirect.scatter.add.f32 [tilespmem:s12], [sflag:$0x1], $0x10, s16, s13, $0xb8;
	[tilespmem:$0x5800] =	vst v63  }
0x6d: {  	s17 =	sadd.s32 $0x80, s16  }
0x6e: {  	[spmem:s2] =	stream.indirect.scatter.add.f32 [tilespmem:s12], [sflag:$0x1], $0x10, s17, s13, $0xb8;
	[tilespmem:$0x5800] =	vst v63  }
0x6f: {  	s26 =	sadd.s32 $0x100, s16  }
0x70: {  	[spmem:s2] =	stream.indirect.scatter.add.f32 [tilespmem:s12], [sflag:$0x1], $0x10, s26, s13, $0xb8;
	[tilespmem:$0x5800] =	vst v63  }
0x71: {  	s28 =	sadd.s32 $0x180, s16  }
0x72: {  	[spmem:s2] =	stream.indirect.scatter.add.f32 [tilespmem:s12], [sflag:$0x1], $0x10, s28, s13, $0xb8;
	[tilespmem:$0x5800] =	vst v63  }
0x73: {  	s29 =	sadd.s32 $0x200, s16  }
0x74: {  	[spmem:s2] =	stream.indirect.scatter.add.f32 [tilespmem:s12], [sflag:$0x1], $0x10, s29, s13, $0xb8;
	[tilespmem:$0x5800] =	vst v63  }
0x75: {  	s30 =	sadd.s32 $0x280, s16  }
0x76: {  	[spmem:s2] =	stream.indirect.scatter.add.f32 [tilespmem:s12], [sflag:$0x1], $0x10, s30, s13, $0xb8;
	[tilespmem:$0x5800] =	vst v63  }
0x77: {  	s31 =	sadd.s32 $0x300, s16  }
0x78: {  	[spmem:s2] =	stream.indirect.scatter.add.f32 [tilespmem:s12], [sflag:$0x1], $0x10, s31, s13, $0xb8;
	[tilespmem:$0x5800] =	vst v63  }
0x79: {  	s16 =	sadd.s32 $0x380, s16  }
0x7a: {  	[spmem:s2] =	stream.indirect.scatter.add.f32 [tilespmem:s12], [sflag:$0x1], $0x10, s16, s13, $0xb8;
	[tilespmem:$0x5800] =	vst v63  }
0x7b: {  	_ =	swait.ge [sflag:s14], $0x800  }
0x7c: {  	[sflag:s14] =	ssyncset.done $0x0  }
0x7d: {  	[sflag:s14] =	ssyncadd.s32 $0xFFFFF800  }
0x7e: {  	_ =	swait.ge [sflag:s14], $0x800  }
0x7f: {  	[sflag:s14] =	ssyncset.done $0x0  }
0x80: {  	[sflag:s14] =	ssyncadd.s32 $0xFFFFF800  }
0x81: {  	_ =	swait.ge [sflag:s14], $0x800  }
0x82: {  	[sflag:s14] =	ssyncset.done $0x0  }
0x83: {  	[sflag:s14] =	ssyncadd.s32 $0xFFFFF800  }
0x84: {  	_ =	swait.ge [sflag:s14], $0x800  }
0x85: {  	[sflag:s14] =	ssyncset.done $0x0  }
0x86: {  	[sflag:s14] =	ssyncadd.s32 $0xFFFFF800  }
0x87: {  	_ =	swait.ge [sflag:s14], $0x800  }
0x88: {  	[sflag:s14] =	ssyncset.done $0x0  }
0x89: {  	[sflag:s14] =	ssyncadd.s32 $0xFFFFF800  }
0x8a: {  	_ =	swait.ge [sflag:s14], $0x800  }
0x8b: {  	[sflag:s14] =	ssyncset.done $0x0  }
0x8c: {  	[sflag:s14] =	ssyncadd.s32 $0xFFFFF800  }
0x8d: {  	_ =	swait.ge [sflag:s14], $0x800  }
0x8e: {  	[sflag:s14] =	ssyncset.done $0x0  }
0x8f: {  	[sflag:s14] =	ssyncadd.s32 $0xFFFFF800  }
0x90: {  	_ =	swait.ge [sflag:s14], $0x800  }
0x91: {  	s15 =	sadd.s32 $0x1, s15;
	[sflag:s14] =	ssyncset.done $0x0  }
0x92: {  	p0 =	sne.s32 s15, s9;
	[sflag:s14] =	ssyncadd.s32 $0xFFFFF800  }
.Ltmp1:
0x93: {  	[bflag:$0x0] =	sbarrier.arrive $0xFFFF;
	(pc) =	sbr.rel @p0 .LBB2_1-.Ltmp1, $4  }
0x94: {  	[hbm:s8], [sflag:s6] =	dma.local [spmem:s10], $0x500  }
0x95: {  	_ =	swait.ge [sflag:s11], $0x500  }
0x96: {  	[sflag:s11] =	ssyncset.done $0x0  }
0x97: {  	[sflag:s11] =	ssyncadd.s32 $0xFFFFFB00  }
0x98: {  	_ =	sfence.sel $0x180000  }
0x99: {  	[bflag:$0x0] =	sbarrier.arrive $0xFFFF  }
0x9a: {  	p0 =	sne.s32 s1, $0x0;
	_ =	strace $0x90000047  }
0x9b: {  	s0 =	sadd.s32 @!p0 $0x100000, s0;
	[bflag:$0x2] =	sbarrier.arrive $0xFFFF  }
0x9c: {  	[sflag:s0] =	ssyncadd.tile.s32 @!p0 $0x1;
	_ =	shalt  }
.Lfunc_end2:
_tile_overlayer_lowered:
.L_overlay_start_2:
0x9d: {  	(tag) =	ssettag $0x2  }
0x9e: {  	s0 =	rddreg [dreg:$0x0];
	s2 =	stileid.u32  }
0x9f: {  	s1 =	rddreg [dreg:$0x1];
	p0 =	sne.s32 s2, $0x0  }
0xa0: {  	s3 =	rddreg [dreg:$0x2];
	[bflag:$0x3] =	sbarrier.arrive $0xFFFF;
	s2 =	simm.s32 @!p0 $0x1C02  }
0xa1: {  	[timem:s3], [sflag:s2] =	dma.local @!p0 [hbm:s0], s1  }
0xa2: {  	s0 =	simm.s32 @!p0 $0x2  }
0xa3: {  	_ =	swait.ge @!p0 [sflag:s0], s1  }
0xa4: {  	s1 =	ssub.s32 @!p0 $0x0, s1;
	[sflag:s0] =	ssyncset.done @!p0 $0x0  }
0xa5: {  	[sflag:s0] =	ssyncadd.s32 @!p0 s1  }
0xa6: {  	[bflag:$0x3] =	sbarrier.arrive $0xFFFF  }
0xa7: {  	_ =	shalt  }

// kernel: kernel.13.cloned.1.call-start
scs
__scs_entry_jumppad:
0x0: {  	(pc) =	sbr.rel $0x88, $3  }
0x1: {  	(tag) =	ssettag $0x0;
	lr =	simm.s32 $0x1  }
0x2: {  	[smem:$0x3F96] =	sst lr;
	_ =	strace $0xD0000000  }
0x3: {  	_ = 	snop  }
0x4: {  	_ = 	snop  }
0x5: {  	_ = 	snop  }
0x6: {  	_ = 	snop  }
0x7: {  	_ = 	snop  }
__scs_overlays_trampoline_lowered:
0x8: {  	[smem:$0x3FA5] =	sst s0  }
0x9: {  	[smem:$0x3FA6] =	sst s1  }
0xa: {  	[smem:$0x3FA7] =	sst s2  }
0xb: {  	[smem:$0x3FA8] =	sst s3  }
0xc: {  	[smem:$0x3FA9] =	sst s4  }
0xd: {  	[smem:$0x3FAA] =	sst s5  }
0xe: {  	[smem:$0x3FAB] =	sst s6  }
0xf: {  	[smem:$0x3FAC] =	sst s7  }
0x10: {  	[smem:$0x3FAD] =	sst s8  }
0x11: {  	[smem:$0x3FAE] =	sst s9;
	s0 =	simm.s32 @!p0 $0x0  }
0x12: {  	s1 =	sld [smem:$0x3F94];
	s0 =	simm.s32 @p0 $0x1  }
0x13: {  	[smem:$0x3FAF] =	sst s0;
	s0 =	simm.s32 @!p1 $0x0  }
0x14: {  	s2 =	sld [smem:$0x3F93];
	s0 =	simm.s32 @p1 $0x1  }
0x15: {  	[smem:$0x3FB0] =	sst s0;
	s0 =	simm.s32 @!p2 $0x0  }
0x16: {  	s3 =	sld [smem:$0x3FDB];
	s0 =	simm.s32 @p2 $0x1  }
0x17: {  	s4 =	simm.s32 $0x1BF5;
	[smem:$0x3FB2] =	sst s0  }
0x18: {  	s0 =	sld [smem:$0x3F95];
	_ =	swait.ge [sflag:s4], $0x0  }
0x19: {  	s7 =	sld [smem:$0x3F96]  }
0x1a: {  	s8 =	sadd.s32 $0xFFFFE003, lr  }
0x1b: {  	s9 =	sadd.s32 $0xFFFFFEF7, lr;
	s5 =	simm.s32 $0xFFFFFFFF;
	p2 =	slt.u32 s8, $0xFFFFF086  }
0x1c: {  	p1 =	slt.u32 s9, $0xF7A;
	s5 =	simm.s32 @!p2 $0x0  }
0x1d: {  	s5 =	simm.s32 @p1 $0x1;
	p0 =	seq.s32 s7, s2  }
0x1e: {  	s7 =	smul.u32 @!p0 $0xF7A, s2;
	p2 =	seq.s32 @!p0 s5, $0x0  }
0x1f: {  	s9 =	smul.u32 $0xF7A, s1;
	s8 =	simm.s32 @!p0 $0x1BF5;
	p2 =	por !p2, p0  }
0x20: {  	[sflag:s8] =	ssyncset.s32 @!p0 $0xFFFFF086;
	s6 =	sadd.s32 @!p0 s3, s7;
	s7 =	simm.s32 @!p0 $0x108  }
0x21: {  	s3 =	sadd.s32 s3, s9;
	s6 =	sadd.s32 @!p0 $0x88, s6;
	s7 =	simm.s32 @p2 $0x1082  }
0x22: {  	[simem:s7], [sflag:s8] =	dma.local @!p0 [hbm:s6], $0xF7A  }
0x23: {  	s9 =	sor.u32 $0xD0000000, s2;
	s6 =	simm.s32 $0x108;
	_ =	swait.ge @!p0 [sflag:s8], $0x0  }
0x24: {  	s3 =	sadd.s32 $0x88, s3;
	s6 =	simm.s32 @!p1 $0x1082;
	[sflag:s4] =	ssyncset.s32 $0xFFFFF086  }
0x25: {  	[simem:s6], [sflag:s4] =	dma.local [hbm:s3], $0xF7A  }
0x26: {  	[smem:$0x3F96] =	sst s1;
	(tag) =	ssettag s2;
	_ =	strace s9  }
0x27: {  	s1 =	sld [smem:$0x3FA6]  }
0x28: {  	s2 =	sld [smem:$0x3FA7]  }
0x29: {  	s4 =	sld [smem:$0x3FA9]  }
0x2a: {  	p0 =	seq.s32 s5, $0x0;
	s5 =	sld [smem:$0x3FAA]  }
0x2b: {  	s6 =	sld [smem:$0x3FAB]  }
0x2c: {  	s7 =	sld [smem:$0x3FAC]  }
0x2d: {  	s3 =	simm.s32 $0x108;
	s8 =	sld [smem:$0x3FAD]  }
0x2e: {  	s3 =	simm.s32 @!p0 $0x1082;
	s9 =	sld [smem:$0x3FAE]  }
0x2f: {  	lr =	sadd.s32 s0, s3;
	s0 =	sld [smem:$0x3FA5]  }
0x30: {  	s3 =	sld [smem:$0x3FA8]  }
0x31: {  	[smem:$0x3FB1] =	sst s10  }
0x32: {  	s10 =	sld [smem:$0x3FAF];
	_ =	sdelay $0x3  }
0x33: {  	p0 =	seq.s32 s10, $0x1;
	s10 =	sld [smem:$0x3FB1];
	_ =	sdelay $0x3  }
0x34: {  	[smem:$0x3FB1] =	sst s10  }
0x35: {  	s10 =	sld [smem:$0x3FB0];
	_ =	sdelay $0x3  }
0x36: {  	p1 =	seq.s32 s10, $0x1;
	s10 =	sld [smem:$0x3FB1];
	_ =	sdelay $0x3  }
0x37: {  	[smem:$0x3FB1] =	sst s10  }
0x38: {  	s10 =	sld [smem:$0x3FB2]  }
0x39: {  	_ = 	snop;
	(pc) =	sbr.ind lr, $3  }
0x3a: {  	_ = 	snop  }
0x3b: {  	_ = 	snop  }
0x3c: {  	p2 =	seq.s32 s10, $0x1;
	s10 =	sld [smem:$0x3FB1]  }
0x3d: {  	_ =	shalt  }
0x3e: {  	_ =	shalt  }
0x3f: {  	_ =	shalt  }
0x40: {  	_ =	shalt  }
0x41: {  	_ =	shalt  }
0x42: {  	_ =	shalt  }
0x43: {  	_ =	shalt  }
0x44: {  	_ =	shalt  }
0x45: {  	_ =	shalt  }
0x46: {  	_ =	shalt  }
0x47: {  	_ =	shalt  }
0x48: {  	_ =	shalt  }
0x49: {  	_ =	shalt  }
0x4a: {  	_ =	shalt  }
0x4b: {  	_ =	shalt  }
0x4c: {  	_ =	shalt  }
0x4d: {  	_ =	shalt  }
0x4e: {  	_ =	shalt  }
0x4f: {  	_ =	shalt  }
0x50: {  	_ =	shalt  }
0x51: {  	_ =	shalt  }
0x52: {  	_ =	shalt  }
0x53: {  	_ =	shalt  }
0x54: {  	_ =	shalt  }
0x55: {  	_ =	shalt  }
0x56: {  	_ =	shalt  }
0x57: {  	_ =	shalt  }
0x58: {  	_ =	shalt  }
0x59: {  	_ =	shalt  }
0x5a: {  	_ =	shalt  }
0x5b: {  	_ =	shalt  }
0x5c: {  	_ =	shalt  }
0x5d: {  	_ =	shalt  }
0x5e: {  	_ =	shalt  }
0x5f: {  	_ =	shalt  }
0x60: {  	_ =	shalt  }
0x61: {  	_ =	shalt  }
0x62: {  	_ =	shalt  }
0x63: {  	_ =	shalt  }
0x64: {  	_ =	shalt  }
0x65: {  	_ =	shalt  }
0x66: {  	_ =	shalt  }
0x67: {  	_ =	shalt  }
0x68: {  	_ =	shalt  }
0x69: {  	_ =	shalt  }
0x6a: {  	_ =	shalt  }
0x6b: {  	_ =	shalt  }
0x6c: {  	_ =	shalt  }
0x6d: {  	_ =	shalt  }
0x6e: {  	_ =	shalt  }
0x6f: {  	_ =	shalt  }
0x70: {  	_ =	shalt  }
0x71: {  	_ =	shalt  }
0x72: {  	_ =	shalt  }
0x73: {  	_ =	shalt  }
0x74: {  	_ =	shalt  }
0x75: {  	_ =	shalt  }
0x76: {  	_ =	shalt  }
0x77: {  	_ =	shalt  }
0x78: {  	_ =	shalt  }
0x79: {  	_ =	shalt  }
0x7a: {  	_ =	shalt  }
0x7b: {  	_ =	shalt  }
0x7c: {  	_ =	shalt  }
0x7d: {  	_ =	shalt  }
0x7e: {  	_ =	shalt  }
0x7f: {  	_ =	shalt  }
0x80: {  	_ =	shalt  }
0x81: {  	_ =	shalt  }
0x82: {  	_ =	shalt  }
0x83: {  	_ =	shalt  }
0x84: {  	_ =	shalt  }
0x85: {  	_ =	shalt  }
0x86: {  	_ =	shalt  }
0x87: {  	_ =	shalt  }
.Lfunc_end0:
.L_simem_size_0:
called_computation.1_lowered:
.L_overlay_start_0:
0x88: {  	s2 =	sld [smem:$0x3FD9]  }
0x89: {  	s3 =	sld [smem:$0x3FFE];
	_ =	sdelay $0x1  }
0x8a: {  	s1 =	srdreg.scid  }
0x8b: {  	s0 =	sand.u32 $0x1, s1  }
0x8c: {  	s17 =	sshll.u32 s0, $0xA;
	s2 =	sadd.s32 s3, s2  }
0x8d: {  	s2 =	sadd.s32 s2, s17  }
0x8e: {  	[smem:$0x3FBD] =	sst s2  }
0x8f: {  	_ = 	snop  }
0x90: {  	s2 =	sld [smem:$0x3FD0];
	(tm) =	ssettm $0x1  }
0x91: {  	s18 =	sld [smem:$0x3FFB];
	_ =	sdelay $0x3  }
0x92: {  	_ =	strace s18  }
0x93: {  	s3 =	sld [smem:$0x3FFC];
	_ =	sdelay $0x3  }
0x94: {  	_ =	strace s3  }
0x95: {  	s3 =	sld [smem:$0x3FFD];
	_ =	sdelay $0x3  }
0x96: {  	_ =	strace s3  }
0x97: {  	_ =	strace $0x8FFFFFFF  }
0x98: {  	s19 =	sld [smem:$0x3FDB];
	_ =	sdelay $0x1  }
0x99: {  	s4 =	simm.s32 $_scs_section_size  }
0x9a: {  	s5 =	simm.s32 $_size__tile_overlayer_lowered;
	s6 =	simm.s32 $_tile_overlayer_lowered  }
0x9b: {  	s22 =	simm.s32 $0x1BFF;
	s21 =	sshll.u32 s6, $0x1;
	s3 =	sadd.s32 s4, s19  }
0x9c: {  	s7 =	simm.s32 $0x0;
	s20 =	sshll.u32 s5, $0x1;
	s5 =	sadd.s32 s21, s3  }
0x9d: {  	[timem:s7], [sflag:s22] =	dma.local [hbm:s5], s20  }
0x9e: {  	_ =	swait.ge [sflag:s22], s20  }
0x9f: {  	s4 =	ssub.s32 $0x0, s20;
	[sflag:s22] =	ssyncset.done $0x0  }
0xa0: {  	[sflag:s22] =	ssyncadd.s32 s4;
	_ =	sdelay $0x1  }
0xa1: {  	s23 =	simm.s32 $0x1B8B  }
0xa2: {  	_ =	swait.ge [sflag:s23], $0x1  }
0xa3: {  	[sflag:s23] =	ssyncset.done $0x0  }
0xa4: {  	s25 =	simm.s32 $0x1B8E;
	s24 =	sld [smem:$0x3FFE];
	[sflag:s23] =	ssyncadd.s32 $0xFFFFFFFF  }
0xa5: {  	s26 =	simm.s32 $execute0_lowered;
	[smem:$0x3FD2] =	sst s25  }
0xa6: {  	s5 =	sshll.u32 s26, $0x1;
	_ =	strace $0x80000049;
	[dreg:$0x1] =	wrdreg $0xFFFFFFFF  }
0xa7: {  	s28 =	simm.s32 $_size_execute0_lowered;
	s3 =	sadd.s32 s3, s5;
	[dreg:$0x0] =	wrdreg $0x0  }
0xa8: {  	s5 =	sshll.u32 s28, $0x1;
	[dreg:$0x2] =	wrdreg s3  }
0xa9: {  	[dreg:$0x3] =	wrdreg s5  }
0xaa: {  	[dreg:$0x4] =	wrdreg $0xC0  }
0xab: {  	_ =	task [dreg:s7], $0x5FFFF  }
0xac: {  	[dreg:$0x1] =	wrdreg $0xFFFFFFFF  }
0xad: {  	[dreg:$0x0] =	wrdreg $0x60  }
0xae: {  	[dreg:$0x2] =	wrdreg s24  }
0xaf: {  	[dreg:$0x3] =	wrdreg s2  }
0xb0: {  	[dreg:$0x4] =	wrdreg $0x90000  }
0xb1: {  	[dreg:$0x5] =	wrdreg $0x9  }
0xb2: {  	_ =	task.clear_ibuf [dreg:s7], $0x6FFFF;
	_ =	strace $0x90000049  }
0xb3: {  	s29 =	simm.s32 $0x9;
	_ =	strace $0x8000004B  }
0xb4: {  	_ =	swait.ge [sflag:s29], $0x1  }
0xb5: {  	[sflag:s29] =	ssyncadd.s32 $0xFFFFFFFF  }
0xb6: {  	_ =	strace $0x9000004B  }
0xb7: {  	_ =	sfence  }
0xb8: {  	s30 =	sld [smem:$0x0];
	_ =	sdelay $0x2  }
0xb9: {  	s31 =	sshll.u32 s1, $0xD;
	s1 =	sshrl.u32 s1, $0x2  }
0xba: {  	s3 =	sand.u32 $0x4000, s31;
	s1 =	sadd.s32 s1, s30  }
0xbb: {  	s0 =	sor.u32 s3, s0;
	s1 =	sshll.u32 s1, $0x11  }
0xbc: {  	s0 =	sor.u32 s1, s0  }
0xbd: {  	s0 =	sadd.s32 $0x8F2B, s0  }
0xbe: {  	[sflag:s0] =	ssyncadd.remote.s32 $0x1  }
0xbf: {  	_ =	sfence.sel $0xFFFF  }
0xc0: {  	[dreg:$0x0] =	wrdreg $0xFFFFFFFF;
	(pc) =	sbr.abs _section_cstart, $3  }
0xc1: {  	[dreg:$0x1] =	wrdreg $0xFFFFFFFF  }
0xc2: {  	_ =	task.clear_ibuf [dreg:s7], $0x2FFFF;
	_ =	strace $0x9FFFFFFF  }
0xc3: {  	(tm) =	ssettm $0x7FFFFFFF  }
tec
execute0_lowered:
.L_overlay_start_1:
0x0: {  	(tag) =	ssettag $0x1  }
0x1: {  	s6 =	rddreg [dreg:$0x0]  }
0x2: {  	s0 =	srdreg.scid;
	s8 =	rddreg [dreg:$0x1]  }
0x3: {  	s2 =	rddreg [dreg:$0x2];
	s3 =	simm.s32 $0x0;
	s15 =	simm.s32 $0x5000  }
0x4: {  	s16 =	simm.s32 $0x5800;
	s17 =	simm.s32 $0x6000;
	s18 =	simm.s32 $0x6800  }
0x5: {  	s19 =	simm.s32 $0x7000;
	s20 =	simm.s32 $0x7800;
	s21 =	simm.s32 $0x8000  }
0x6: {  	s22 =	simm.s32 $0x8800;
	s23 =	simm.s32 $0x1;
	s24 =	simm.s32 $0x2  }
0x7: {  	s25 =	simm.s32 $0x0;
	s5 =	sand.u32 $0x1, s0;
	s0 =	stileid.u32  }
0x8: {  	[smem:$0x7FF] =	sst s3;
	s4 =	sadd.s32 $0x7800, s6;
	s7 =	smul.u32 $0x2800, s0  }
0x9: {  	s1 =	sshll.u32 s5, $0x4;
	s10 =	smul.u32 $0x28000, s5;
	s5 =	ssub.s32 $0x2, s5  }
0xa: {  	s31 =	sshll.u32 s0, $0x6;
	s1 =	sor.u32 s0, s1;
	s30 =	sshrl.u32 s5, $0x1  }
0xb: {  	s9 =	smul.u32 $0x500, s1;
	s1 =	rddreg [dreg:$0x3];
	_ =	strace $0x8000004A  }
0xc: {  	s10 =	sadd.s32 s7, s10;
	s12 =	sshrl.u32 s7, $0x3;
	s13 =	ssub.s32 s5, s30  }
0xd: {  	s14 =	sadd.s32 s7, s2;
	s10 =	sshrl.u32 s10, $0x3;
	s12 =	sadd.s32 s12, s6  }
0xe: {  	s11 =	sadd.s32 s9, s6;
	s10 =	sadd.s32 s10, s6;
	s5 =	sadd.s32 $0x2800, s12  }
0xf: {  	s6 =	sor.u32 $0x1C03, s31;
	s8 =	sadd.s32 s8, s9;
	s12 =	simm.s32 $0x3  }
0x10: {  	s7 =	sadd.s32 $0x11A00, s11;
	s9 =	sadd.s32 $0x43A00, s10;
	s10 =	smax.u32 s13, $0x1  }
0x11: {  	s11 =	sshrl.u32 s14, $0x3;
	s13 =	simm.s32 $0x2800;
	s14 =	simm.s32 $0x80  }
.LBB2_1:
0x12: {  	[spmem:s11], [sflag:s6] =	dma.local [hbm:s5], $0x500  }
0x13: {  	_ =	swait.ge [sflag:s12], $0x500  }
0x14: {  	[sflag:s12] =	ssyncset.done $0x0  }
0x15: {  	[sflag:s12] =	ssyncadd.s32 $0xFFFFFB00  }
0x16: {  	[tilespmem:s3], [sflag:$0x3] =	stream.linear.gather [hbm4b:s7+s3], $0x2800, $0x38;
	[tilespmem:$0xB800] =	vst v63  }
0x17: {  	_ =	swait.ge [sflag:s12], $0x2800  }
0x18: {  	[sflag:s12] =	ssyncset.done $0x0  }
0x19: {  	[sflag:s12] =	ssyncadd.s32 $0xFFFFD800  }
0x1a: {  	[tilespmem:s13], [sflag:$0x3] =	stream.linear.gather [hbm4b:s8+s3], $0x2800, $0x38;
	[tilespmem:$0xB800] =	vst v63  }
0x1b: {  	_ =	swait.ge [sflag:s12], $0x2800  }
0x1c: {  	[sflag:s12] =	ssyncset.done $0x0  }
0x1d: {  	[sflag:s12] =	ssyncadd.s32 $0xFFFFD800  }
0x1e: {  	s26 =	simm.s32 $0x0;
	[bflag:$0x0] =	sbarrier.arrive $0xFFFF  }
0x1f: {  	[tilespmem:s15], [sflag:$0x1] =	stream.indirect.gather [hbm4b:s4+s14], $0x10, s26, s14, $0xb8;
	[tilespmem:$0xB800] =	vst v63  }
0x20: {  	s28 =	simm.s32 $0x80  }
0x21: {  	[tilespmem:s16], [sflag:$0x1] =	stream.indirect.gather [hbm4b:s4+s14], $0x10, s28, s14, $0xb8;
	[tilespmem:$0xB800] =	vst v63  }
0x22: {  	s29 =	simm.s32 $0x100  }
0x23: {  	[tilespmem:s17], [sflag:$0x1] =	stream.indirect.gather [hbm4b:s4+s14], $0x10, s29, s14, $0xb8;
	[tilespmem:$0xB800] =	vst v63  }
0x24: {  	s31 =	simm.s32 $0x180  }
0x25: {  	[tilespmem:s18], [sflag:$0x1] =	stream.indirect.gather [hbm4b:s4+s14], $0x10, s31, s14, $0xb8;
	[tilespmem:$0xB800] =	vst v63  }
0x26: {  	s28 =	simm.s32 $0x200  }
0x27: {  	[tilespmem:s19], [sflag:$0x1] =	stream.indirect.gather [hbm4b:s4+s14], $0x10, s28, s14, $0xb8;
	[tilespmem:$0xB800] =	vst v63  }
0x28: {  	s29 =	simm.s32 $0x280  }
0x29: {  	[tilespmem:s20], [sflag:$0x1] =	stream.indirect.gather [hbm4b:s4+s14], $0x10, s29, s14, $0xb8;
	[tilespmem:$0xB800] =	vst v63  }
0x2a: {  	s31 =	simm.s32 $0x300  }
0x2b: {  	[tilespmem:s21], [sflag:$0x1] =	stream.indirect.gather [hbm4b:s4+s14], $0x10, s31, s14, $0xb8;
	[tilespmem:$0xB800] =	vst v63  }
0x2c: {  	s28 =	simm.s32 $0x380  }
0x2d: {  	[tilespmem:s22], [sflag:$0x1] =	stream.indirect.gather [hbm4b:s4+s14], $0x10, s28, s14, $0xb8;
	[tilespmem:$0xB800] =	vst v63  }
0x2e: {  	_ =	swait.ge [sflag:s23], $0x800  }
0x2f: {  	[sflag:s23] =	ssyncset.done $0x0  }
0x30: {  	[sflag:s23] =	ssyncadd.s32 $0xFFFFF800  }
0x31: {  	_ =	swait.ge [sflag:s23], $0x800  }
0x32: {  	[sflag:s23] =	ssyncset.done $0x0  }
0x33: {  	[sflag:s23] =	ssyncadd.s32 $0xFFFFF800  }
0x34: {  	_ =	swait.ge [sflag:s23], $0x800  }
0x35: {  	[sflag:s23] =	ssyncset.done $0x0  }
0x36: {  	[sflag:s23] =	ssyncadd.s32 $0xFFFFF800  }
0x37: {  	_ =	swait.ge [sflag:s23], $0x800  }
0x38: {  	[sflag:s23] =	ssyncset.done $0x0  }
0x39: {  	[sflag:s23] =	ssyncadd.s32 $0xFFFFF800  }
0x3a: {  	_ =	swait.ge [sflag:s23], $0x800  }
0x3b: {  	[sflag:s23] =	ssyncset.done $0x0  }
0x3c: {  	[sflag:s23] =	ssyncadd.s32 $0xFFFFF800  }
0x3d: {  	_ =	swait.ge [sflag:s23], $0x800  }
0x3e: {  	[sflag:s23] =	ssyncset.done $0x0  }
0x3f: {  	[sflag:s23] =	ssyncadd.s32 $0xFFFFF800  }
0x40: {  	_ =	swait.ge [sflag:s23], $0x800  }
0x41: {  	[sflag:s23] =	ssyncset.done $0x0  }
0x42: {  	[sflag:s23] =	ssyncadd.s32 $0xFFFFF800  }
0x43: {  	_ =	swait.ge [sflag:s23], $0x800  }
0x44: {  	[sflag:s23] =	ssyncset.done $0x0  }
0x45: {  	s29 =	simm.s32 $0x2800;
	[sflag:s23] =	ssyncadd.s32 $0xFFFFF800  }
0x46: {  	[spmem:s2] =	stream.indirect.scatter.add.f32 [tilespmem:s15], [sflag:$0x2], $0x10, s29, s14, $0xb8;
	[tilespmem:$0xB800] =	vst v63  }
0x47: {  	s31 =	simm.s32 $0x2880  }
0x48: {  	[spmem:s2] =	stream.indirect.scatter.add.f32 [tilespmem:s16], [sflag:$0x2], $0x10, s31, s14, $0xb8;
	[tilespmem:$0xB800] =	vst v63  }
0x49: {  	s28 =	simm.s32 $0x2900  }
0x4a: {  	[spmem:s2] =	stream.indirect.scatter.add.f32 [tilespmem:s17], [sflag:$0x2], $0x10, s28, s14, $0xb8;
	[tilespmem:$0xB800] =	vst v63  }
0x4b: {  	s29 =	simm.s32 $0x2980  }
0x4c: {  	[spmem:s2] =	stream.indirect.scatter.add.f32 [tilespmem:s18], [sflag:$0x2], $0x10, s29, s14, $0xb8;
	[tilespmem:$0xB800] =	vst v63  }
0x4d: {  	s31 =	simm.s32 $0x2A00  }
0x4e: {  	[spmem:s2] =	stream.indirect.scatter.add.f32 [tilespmem:s19], [sflag:$0x2], $0x10, s31, s14, $0xb8;
	[tilespmem:$0xB800] =	vst v63  }
0x4f: {  	s28 =	simm.s32 $0x2A80  }
0x50: {  	[spmem:s2] =	stream.indirect.scatter.add.f32 [tilespmem:s20], [sflag:$0x2], $0x10, s28, s14, $0xb8;
	[tilespmem:$0xB800] =	vst v63  }
0x51: {  	s29 =	simm.s32 $0x2B00  }
0x52: {  	[spmem:s2] =	stream.indirect.scatter.add.f32 [tilespmem:s21], [sflag:$0x2], $0x10, s29, s14, $0xb8;
	[tilespmem:$0xB800] =	vst v63  }
0x53: {  	s31 =	simm.s32 $0x2B80  }
0x54: {  	[spmem:s2] =	stream.indirect.scatter.add.f32 [tilespmem:s22], [sflag:$0x2], $0x10, s31, s14, $0xb8;
	[tilespmem:$0xB800] =	vst v63  }
0x55: {  	_ =	swait.ge [sflag:s24], $0x800  }
0x56: {  	[sflag:s24] =	ssyncset.done $0x0  }
0x57: {  	[sflag:s24] =	ssyncadd.s32 $0xFFFFF800  }
0x58: {  	_ =	swait.ge [sflag:s24], $0x800  }
0x59: {  	[sflag:s24] =	ssyncset.done $0x0  }
0x5a: {  	[sflag:s24] =	ssyncadd.s32 $0xFFFFF800  }
0x5b: {  	_ =	swait.ge [sflag:s24], $0x800  }
0x5c: {  	[sflag:s24] =	ssyncset.done $0x0  }
0x5d: {  	[sflag:s24] =	ssyncadd.s32 $0xFFFFF800  }
0x5e: {  	_ =	swait.ge [sflag:s24], $0x800  }
0x5f: {  	[sflag:s24] =	ssyncset.done $0x0  }
0x60: {  	[sflag:s24] =	ssyncadd.s32 $0xFFFFF800  }
0x61: {  	_ =	swait.ge [sflag:s24], $0x800  }
0x62: {  	[sflag:s24] =	ssyncset.done $0x0  }
0x63: {  	[sflag:s24] =	ssyncadd.s32 $0xFFFFF800  }
0x64: {  	_ =	swait.ge [sflag:s24], $0x800  }
0x65: {  	[sflag:s24] =	ssyncset.done $0x0  }
0x66: {  	[sflag:s24] =	ssyncadd.s32 $0xFFFFF800  }
0x67: {  	_ =	swait.ge [sflag:s24], $0x800  }
0x68: {  	[sflag:s24] =	ssyncset.done $0x0  }
0x69: {  	[sflag:s24] =	ssyncadd.s32 $0xFFFFF800  }
0x6a: {  	_ =	swait.ge [sflag:s24], $0x800  }
0x6b: {  	s30 =	simm.s32 $0x2000;
	s26 =	simm.s32 $0x1000;
	[sflag:s24] =	ssyncset.done $0x0  }
.LBB2_2:
0x6c: {  	s29 =	sshra.s32 s26, $0x2  }
0x6d: {  	[sflag:s24] =	ssyncadd.s32 $0xFFFFF800;
	s26 =	smov.u32 s30;
	s28 =	sadd.s32 $0x1000, s30  }
0x6e: {  	[tilespmem:s15], [sflag:$0x1] =	stream.indirect.gather [hbm4b:s4+s14], $0x10, s29, s14, $0xb8;
	[tilespmem:$0xB800] =	vst v63  }
0x6f: {  	p0 =	sne.s32 s30, $0x9000;
	s30 =	sadd.s32 $0x80, s29  }
0x70: {  	[tilespmem:s16], [sflag:$0x1] =	stream.indirect.gather [hbm4b:s4+s14], $0x10, s30, s14, $0xb8;
	[tilespmem:$0xB800] =	vst v63  }
0x71: {  	s30 =	sadd.s32 $0x100, s29  }
0x72: {  	[tilespmem:s17], [sflag:$0x1] =	stream.indirect.gather [hbm4b:s4+s14], $0x10, s30, s14, $0xb8;
	[tilespmem:$0xB800] =	vst v63  }
0x73: {  	s30 =	sadd.s32 $0x180, s29  }
0x74: {  	[tilespmem:s18], [sflag:$0x1] =	stream.indirect.gather [hbm4b:s4+s14], $0x10, s30, s14, $0xb8;
	[tilespmem:$0xB800] =	vst v63  }
0x75: {  	s30 =	sadd.s32 $0x200, s29  }
0x76: {  	[tilespmem:s19], [sflag:$0x1] =	stream.indirect.gather [hbm4b:s4+s14], $0x10, s30, s14, $0xb8;
	[tilespmem:$0xB800] =	vst v63  }
0x77: {  	s30 =	sadd.s32 $0x280, s29  }
0x78: {  	[tilespmem:s20], [sflag:$0x1] =	stream.indirect.gather [hbm4b:s4+s14], $0x10, s30, s14, $0xb8;
	[tilespmem:$0xB800] =	vst v63  }
0x79: {  	s30 =	sadd.s32 $0x300, s29  }
0x7a: {  	[tilespmem:s21], [sflag:$0x1] =	stream.indirect.gather [hbm4b:s4+s14], $0x10, s30, s14, $0xb8;
	[tilespmem:$0xB800] =	vst v63  }
0x7b: {  	s30 =	sadd.s32 $0x380, s29  }
0x7c: {  	[tilespmem:s22], [sflag:$0x1] =	stream.indirect.gather [hbm4b:s4+s14], $0x10, s30, s14, $0xb8;
	[tilespmem:$0xB800] =	vst v63  }
0x7d: {  	_ =	swait.ge [sflag:s23], $0x800  }
0x7e: {  	[sflag:s23] =	ssyncset.done $0x0  }
0x7f: {  	[sflag:s23] =	ssyncadd.s32 $0xFFFFF800  }
0x80: {  	_ =	swait.ge [sflag:s23], $0x800  }
0x81: {  	[sflag:s23] =	ssyncset.done $0x0  }
0x82: {  	[sflag:s23] =	ssyncadd.s32 $0xFFFFF800  }
0x83: {  	_ =	swait.ge [sflag:s23], $0x800  }
0x84: {  	[sflag:s23] =	ssyncset.done $0x0  }
0x85: {  	[sflag:s23] =	ssyncadd.s32 $0xFFFFF800  }
0x86: {  	_ =	swait.ge [sflag:s23], $0x800  }
0x87: {  	[sflag:s23] =	ssyncset.done $0x0  }
0x88: {  	[sflag:s23] =	ssyncadd.s32 $0xFFFFF800  }
0x89: {  	_ =	swait.ge [sflag:s23], $0x800  }
0x8a: {  	[sflag:s23] =	ssyncset.done $0x0  }
0x8b: {  	[sflag:s23] =	ssyncadd.s32 $0xFFFFF800  }
0x8c: {  	_ =	swait.ge [sflag:s23], $0x800  }
0x8d: {  	[sflag:s23] =	ssyncset.done $0x0  }
0x8e: {  	[sflag:s23] =	ssyncadd.s32 $0xFFFFF800  }
0x8f: {  	_ =	swait.ge [sflag:s23], $0x800  }
0x90: {  	[sflag:s23] =	ssyncset.done $0x0  }
0x91: {  	[sflag:s23] =	ssyncadd.s32 $0xFFFFF800  }
0x92: {  	_ =	swait.ge [sflag:s23], $0x800  }
0x93: {  	[sflag:s23] =	ssyncset.done $0x0  }
0x94: {  	s30 =	sadd.s32 $0x2800, s29;
	[sflag:s23] =	ssyncadd.s32 $0xFFFFF800  }
0x95: {  	[spmem:s2] =	stream.indirect.scatter.add.f32 [tilespmem:s15], [sflag:$0x2], $0x10, s30, s14, $0xb8;
	[tilespmem:$0xB800] =	vst v63  }
0x96: {  	s30 =	sadd.s32 $0x2880, s29  }
0x97: {  	[spmem:s2] =	stream.indirect.scatter.add.f32 [tilespmem:s16], [sflag:$0x2], $0x10, s30, s14, $0xb8;
	[tilespmem:$0xB800] =	vst v63  }
0x98: {  	s30 =	sadd.s32 $0x2900, s29  }
0x99: {  	[spmem:s2] =	stream.indirect.scatter.add.f32 [tilespmem:s17], [sflag:$0x2], $0x10, s30, s14, $0xb8;
	[tilespmem:$0xB800] =	vst v63  }
0x9a: {  	s30 =	sadd.s32 $0x2980, s29  }
0x9b: {  	[spmem:s2] =	stream.indirect.scatter.add.f32 [tilespmem:s18], [sflag:$0x2], $0x10, s30, s14, $0xb8;
	[tilespmem:$0xB800] =	vst v63  }
0x9c: {  	s30 =	sadd.s32 $0x2A00, s29  }
0x9d: {  	[spmem:s2] =	stream.indirect.scatter.add.f32 [tilespmem:s19], [sflag:$0x2], $0x10, s30, s14, $0xb8;
	[tilespmem:$0xB800] =	vst v63  }
0x9e: {  	s30 =	sadd.s32 $0x2A80, s29  }
0x9f: {  	[spmem:s2] =	stream.indirect.scatter.add.f32 [tilespmem:s20], [sflag:$0x2], $0x10, s30, s14, $0xb8;
	[tilespmem:$0xB800] =	vst v63  }
0xa0: {  	s30 =	sadd.s32 $0x2B00, s29  }
0xa1: {  	[spmem:s2] =	stream.indirect.scatter.add.f32 [tilespmem:s21], [sflag:$0x2], $0x10, s30, s14, $0xb8;
	[tilespmem:$0xB800] =	vst v63  }
0xa2: {  	s29 =	sadd.s32 $0x2B80, s29  }
0xa3: {  	[spmem:s2] =	stream.indirect.scatter.add.f32 [tilespmem:s22], [sflag:$0x2], $0x10, s29, s14, $0xb8;
	[tilespmem:$0xB800] =	vst v63  }
0xa4: {  	_ =	swait.ge [sflag:s24], $0x800  }
0xa5: {  	[sflag:s24] =	ssyncset.done $0x0  }
0xa6: {  	[sflag:s24] =	ssyncadd.s32 $0xFFFFF800  }
0xa7: {  	_ =	swait.ge [sflag:s24], $0x800  }
0xa8: {  	[sflag:s24] =	ssyncset.done $0x0  }
0xa9: {  	[sflag:s24] =	ssyncadd.s32 $0xFFFFF800  }
0xaa: {  	_ =	swait.ge [sflag:s24], $0x800  }
0xab: {  	[sflag:s24] =	ssyncset.done $0x0  }
0xac: {  	[sflag:s24] =	ssyncadd.s32 $0xFFFFF800  }
0xad: {  	_ =	swait.ge [sflag:s24], $0x800  }
0xae: {  	[sflag:s24] =	ssyncset.done $0x0  }
0xaf: {  	[sflag:s24] =	ssyncadd.s32 $0xFFFFF800  }
0xb0: {  	_ =	swait.ge [sflag:s24], $0x800  }
0xb1: {  	[sflag:s24] =	ssyncset.done $0x0  }
0xb2: {  	[sflag:s24] =	ssyncadd.s32 $0xFFFFF800  }
0xb3: {  	_ =	swait.ge [sflag:s24], $0x800  }
0xb4: {  	[sflag:s24] =	ssyncset.done $0x0  }
0xb5: {  	[sflag:s24] =	ssyncadd.s32 $0xFFFFF800  }
.Ltmp0:
0xb6: {  	_ =	swait.ge [sflag:s24], $0x800;
	(pc) =	sbr.rel @p0 .LBB2_2-.Ltmp0, $4  }
0xb7: {  	[sflag:s24] =	ssyncset.done $0x0  }
0xb8: {  	[sflag:s24] =	ssyncadd.s32 $0xFFFFF800  }
0xb9: {  	_ =	swait.ge [sflag:s24], $0x800  }
0xba: {  	s30 =	smov.u32 s28;
	[sflag:s24] =	ssyncset.done $0x0  }
0xbb: {  	s26 =	sshra.s32 s26, $0x2;
	[sflag:s24] =	ssyncadd.s32 $0xFFFFF800  }
0xbc: {  	[tilespmem:s15], [sflag:$0x1] =	stream.indirect.gather [hbm4b:s4+s14], $0x10, s26, s14, $0xb8;
	[tilespmem:$0xB800] =	vst v63  }
0xbd: {  	s28 =	sadd.s32 $0x80, s26  }
0xbe: {  	[tilespmem:s16], [sflag:$0x1] =	stream.indirect.gather [hbm4b:s4+s14], $0x10, s28, s14, $0xb8;
	[tilespmem:$0xB800] =	vst v63  }
0xbf: {  	s31 =	sadd.s32 $0x100, s26  }
0xc0: {  	[tilespmem:s17], [sflag:$0x1] =	stream.indirect.gather [hbm4b:s4+s14], $0x10, s31, s14, $0xb8;
	[tilespmem:$0xB800] =	vst v63  }
0xc1: {  	s29 =	sadd.s32 $0x180, s26  }
0xc2: {  	[tilespmem:s18], [sflag:$0x1] =	stream.indirect.gather [hbm4b:s4+s14], $0x10, s29, s14, $0xb8;
	[tilespmem:$0xB800] =	vst v63  }
0xc3: {  	s30 =	sadd.s32 $0x200, s26  }
0xc4: {  	[tilespmem:s19], [sflag:$0x1] =	stream.indirect.gather [hbm4b:s4+s14], $0x10, s30, s14, $0xb8;
	[tilespmem:$0xB800] =	vst v63  }
0xc5: {  	s31 =	sadd.s32 $0x280, s26  }
0xc6: {  	[tilespmem:s20], [sflag:$0x1] =	stream.indirect.gather [hbm4b:s4+s14], $0x10, s31, s14, $0xb8;
	[tilespmem:$0xB800] =	vst v63  }
0xc7: {  	s29 =	sadd.s32 $0x300, s26  }
0xc8: {  	[tilespmem:s21], [sflag:$0x1] =	stream.indirect.gather [hbm4b:s4+s14], $0x10, s29, s14, $0xb8;
	[tilespmem:$0xB800] =	vst v63  }
0xc9: {  	s30 =	sadd.s32 $0x380, s26  }
0xca: {  	[tilespmem:s22], [sflag:$0x1] =	stream.indirect.gather [hbm4b:s4+s14], $0x10, s30, s14, $0xb8;
	[tilespmem:$0xB800] =	vst v63  }
0xcb: {  	_ =	swait.ge [sflag:s23], $0x800  }
0xcc: {  	[sflag:s23] =	ssyncset.done $0x0  }
0xcd: {  	[sflag:s23] =	ssyncadd.s32 $0xFFFFF800  }
0xce: {  	_ =	swait.ge [sflag:s23], $0x800  }
0xcf: {  	[sflag:s23] =	ssyncset.done $0x0  }
0xd0: {  	[sflag:s23] =	ssyncadd.s32 $0xFFFFF800  }
0xd1: {  	_ =	swait.ge [sflag:s23], $0x800  }
0xd2: {  	[sflag:s23] =	ssyncset.done $0x0  }
0xd3: {  	[sflag:s23] =	ssyncadd.s32 $0xFFFFF800  }
0xd4: {  	_ =	swait.ge [sflag:s23], $0x800  }
0xd5: {  	[sflag:s23] =	ssyncset.done $0x0  }
0xd6: {  	[sflag:s23] =	ssyncadd.s32 $0xFFFFF800  }
0xd7: {  	_ =	swait.ge [sflag:s23], $0x800  }
0xd8: {  	[sflag:s23] =	ssyncset.done $0x0  }
0xd9: {  	[sflag:s23] =	ssyncadd.s32 $0xFFFFF800  }
0xda: {  	_ =	swait.ge [sflag:s23], $0x800  }
0xdb: {  	[sflag:s23] =	ssyncset.done $0x0  }
0xdc: {  	[sflag:s23] =	ssyncadd.s32 $0xFFFFF800  }
0xdd: {  	_ =	swait.ge [sflag:s23], $0x800  }
0xde: {  	[sflag:s23] =	ssyncset.done $0x0  }
0xdf: {  	[sflag:s23] =	ssyncadd.s32 $0xFFFFF800  }
0xe0: {  	_ =	swait.ge [sflag:s23], $0x800  }
0xe1: {  	[sflag:s23] =	ssyncset.done $0x0  }
0xe2: {  	s31 =	sadd.s32 $0x2800, s26;
	[sflag:s23] =	ssyncadd.s32 $0xFFFFF800  }
0xe3: {  	[spmem:s2] =	stream.indirect.scatter.add.f32 [tilespmem:s15], [sflag:$0x2], $0x10, s31, s14, $0xb8;
	[tilespmem:$0xB800] =	vst v63  }
0xe4: {  	s29 =	sadd.s32 $0x2880, s26  }
0xe5: {  	[spmem:s2] =	stream.indirect.scatter.add.f32 [tilespmem:s16], [sflag:$0x2], $0x10, s29, s14, $0xb8;
	[tilespmem:$0xB800] =	vst v63  }
0xe6: {  	s30 =	sadd.s32 $0x2900, s26  }
0xe7: {  	[spmem:s2] =	stream.indirect.scatter.add.f32 [tilespmem:s17], [sflag:$0x2], $0x10, s30, s14, $0xb8;
	[tilespmem:$0xB800] =	vst v63  }
0xe8: {  	s31 =	sadd.s32 $0x2980, s26  }
0xe9: {  	[spmem:s2] =	stream.indirect.scatter.add.f32 [tilespmem:s18], [sflag:$0x2], $0x10, s31, s14, $0xb8;
	[tilespmem:$0xB800] =	vst v63  }
0xea: {  	s29 =	sadd.s32 $0x2A00, s26  }
0xeb: {  	[spmem:s2] =	stream.indirect.scatter.add.f32 [tilespmem:s19], [sflag:$0x2], $0x10, s29, s14, $0xb8;
	[tilespmem:$0xB800] =	vst v63  }
0xec: {  	s30 =	sadd.s32 $0x2A80, s26  }
0xed: {  	[spmem:s2] =	stream.indirect.scatter.add.f32 [tilespmem:s20], [sflag:$0x2], $0x10, s30, s14, $0xb8;
	[tilespmem:$0xB800] =	vst v63  }
0xee: {  	s31 =	sadd.s32 $0x2B00, s26  }
0xef: {  	[spmem:s2] =	stream.indirect.scatter.add.f32 [tilespmem:s21], [sflag:$0x2], $0x10, s31, s14, $0xb8;
	[tilespmem:$0xB800] =	vst v63  }
0xf0: {  	s26 =	sadd.s32 $0x2B80, s26  }
0xf1: {  	[spmem:s2] =	stream.indirect.scatter.add.f32 [tilespmem:s22], [sflag:$0x2], $0x10, s26, s14, $0xb8;
	[tilespmem:$0xB800] =	vst v63  }
0xf2: {  	_ =	swait.ge [sflag:s24], $0x800  }
0xf3: {  	[sflag:s24] =	ssyncset.done $0x0  }
0xf4: {  	[sflag:s24] =	ssyncadd.s32 $0xFFFFF800  }
0xf5: {  	_ =	swait.ge [sflag:s24], $0x800  }
0xf6: {  	[sflag:s24] =	ssyncset.done $0x0  }
0xf7: {  	[sflag:s24] =	ssyncadd.s32 $0xFFFFF800  }
0xf8: {  	_ =	swait.ge [sflag:s24], $0x800  }
0xf9: {  	[sflag:s24] =	ssyncset.done $0x0  }
0xfa: {  	[sflag:s24] =	ssyncadd.s32 $0xFFFFF800  }
0xfb: {  	_ =	swait.ge [sflag:s24], $0x800  }
0xfc: {  	[sflag:s24] =	ssyncset.done $0x0  }
0xfd: {  	[sflag:s24] =	ssyncadd.s32 $0xFFFFF800  }
0xfe: {  	_ =	swait.ge [sflag:s24], $0x800  }
0xff: {  	[sflag:s24] =	ssyncset.done $0x0  }
0x100: {  	[sflag:s24] =	ssyncadd.s32 $0xFFFFF800  }
0x101: {  	_ =	swait.ge [sflag:s24], $0x800  }
0x102: {  	[sflag:s24] =	ssyncset.done $0x0  }
0x103: {  	[sflag:s24] =	ssyncadd.s32 $0xFFFFF800  }
0x104: {  	_ =	swait.ge [sflag:s24], $0x800  }
0x105: {  	[sflag:s24] =	ssyncset.done $0x0  }
0x106: {  	[sflag:s24] =	ssyncadd.s32 $0xFFFFF800  }
0x107: {  	_ =	swait.ge [sflag:s24], $0x800  }
0x108: {  	s25 =	sadd.s32 $0x1, s25;
	[sflag:s24] =	ssyncset.done $0x0  }
0x109: {  	p0 =	sne.s32 s25, s10;
	[sflag:s24] =	ssyncadd.s32 $0xFFFFF800  }
.Ltmp1:
0x10a: {  	[bflag:$0x0] =	sbarrier.arrive $0xFFFF;
	(pc) =	sbr.rel @p0 .LBB2_1-.Ltmp1, $4  }
0x10b: {  	[hbm:s9], [sflag:s6] =	dma.local [spmem:s11], $0x500  }
0x10c: {  	_ =	swait.ge [sflag:s12], $0x500  }
0x10d: {  	[sflag:s12] =	ssyncset.done $0x0  }
0x10e: {  	[sflag:s12] =	ssyncadd.s32 $0xFFFFFB00  }
0x10f: {  	_ =	sfence.sel $0x180000  }
0x110: {  	[bflag:$0x0] =	sbarrier.arrive $0xFFFF  }
0x111: {  	p0 =	sne.s32 s0, $0x0;
	_ =	strace $0x9000004A  }
0x112: {  	s0 =	sadd.s32 @!p0 $0x100000, s1;
	[bflag:$0x2] =	sbarrier.arrive $0xFFFF  }
0x113: {  	[sflag:s0] =	ssyncadd.tile.s32 @!p0 $0x1;
	_ =	shalt  }
.Lfunc_end2:
_tile_overlayer_lowered:
.L_overlay_start_2:
0x114: {  	(tag) =	ssettag $0x2  }
0x115: {  	s0 =	rddreg [dreg:$0x0];
	s2 =	stileid.u32  }
0x116: {  	s1 =	rddreg [dreg:$0x1];
	p0 =	sne.s32 s2, $0x0  }
0x117: {  	s3 =	rddreg [dreg:$0x2];
	[bflag:$0x3] =	sbarrier.arrive $0xFFFF;
	s2 =	simm.s32 @!p0 $0x1C03  }
0x118: {  	[timem:s3], [sflag:s2] =	dma.local @!p0 [hbm:s0], s1  }
0x119: {  	s0 =	simm.s32 @!p0 $0x3  }
0x11a: {  	_ =	swait.ge @!p0 [sflag:s0], s1  }
0x11b: {  	s1 =	ssub.s32 @!p0 $0x0, s1;
	[sflag:s0] =	ssyncset.done @!p0 $0x0  }
0x11c: {  	[sflag:s0] =	ssyncadd.s32 @!p0 s1  }
0x11d: {  	[bflag:$0x3] =	sbarrier.arrive $0xFFFF  }
0x11e: {  	_ =	shalt  }

// kernel: kernel.16.cloned.1.call-start
scs
__scs_entry_jumppad:
0x0: {  	(pc) =	sbr.rel $0x88, $3  }
0x1: {  	(tag) =	ssettag $0x0;
	lr =	simm.s32 $0x1  }
0x2: {  	[smem:$0x3F96] =	sst lr;
	_ =	strace $0xD0000000  }
0x3: {  	_ = 	snop  }
0x4: {  	_ = 	snop  }
0x5: {  	_ = 	snop  }
0x6: {  	_ = 	snop  }
0x7: {  	_ = 	snop  }
__scs_overlays_trampoline_lowered:
0x8: {  	[smem:$0x3FA5] =	sst s0  }
0x9: {  	[smem:$0x3FA6] =	sst s1  }
0xa: {  	[smem:$0x3FA7] =	sst s2  }
0xb: {  	[smem:$0x3FA8] =	sst s3  }
0xc: {  	[smem:$0x3FA9] =	sst s4  }
0xd: {  	[smem:$0x3FAA] =	sst s5  }
0xe: {  	[smem:$0x3FAB] =	sst s6  }
0xf: {  	[smem:$0x3FAC] =	sst s7  }
0x10: {  	[smem:$0x3FAD] =	sst s8  }
0x11: {  	[smem:$0x3FAE] =	sst s9;
	s0 =	simm.s32 @!p0 $0x0  }
0x12: {  	s1 =	sld [smem:$0x3F94];
	s0 =	simm.s32 @p0 $0x1  }
0x13: {  	[smem:$0x3FAF] =	sst s0;
	s0 =	simm.s32 @!p1 $0x0  }
0x14: {  	s2 =	sld [smem:$0x3F93];
	s0 =	simm.s32 @p1 $0x1  }
0x15: {  	[smem:$0x3FB0] =	sst s0;
	s0 =	simm.s32 @!p2 $0x0  }
0x16: {  	s3 =	sld [smem:$0x3FDB];
	s0 =	simm.s32 @p2 $0x1  }
0x17: {  	s4 =	simm.s32 $0x1BF5;
	[smem:$0x3FB2] =	sst s0  }
0x18: {  	s0 =	sld [smem:$0x3F95];
	_ =	swait.ge [sflag:s4], $0x0  }
0x19: {  	s7 =	sld [smem:$0x3F96]  }
0x1a: {  	s8 =	sadd.s32 $0xFFFFE003, lr  }
0x1b: {  	s9 =	sadd.s32 $0xFFFFFEF7, lr;
	s5 =	simm.s32 $0xFFFFFFFF;
	p2 =	slt.u32 s8, $0xFFFFF086  }
0x1c: {  	p1 =	slt.u32 s9, $0xF7A;
	s5 =	simm.s32 @!p2 $0x0  }
0x1d: {  	s5 =	simm.s32 @p1 $0x1;
	p0 =	seq.s32 s7, s2  }
0x1e: {  	s7 =	smul.u32 @!p0 $0xF7A, s2;
	p2 =	seq.s32 @!p0 s5, $0x0  }
0x1f: {  	s9 =	smul.u32 $0xF7A, s1;
	s8 =	simm.s32 @!p0 $0x1BF5;
	p2 =	por !p2, p0  }
0x20: {  	[sflag:s8] =	ssyncset.s32 @!p0 $0xFFFFF086;
	s6 =	sadd.s32 @!p0 s3, s7;
	s7 =	simm.s32 @!p0 $0x108  }
0x21: {  	s3 =	sadd.s32 s3, s9;
	s6 =	sadd.s32 @!p0 $0x88, s6;
	s7 =	simm.s32 @p2 $0x1082  }
0x22: {  	[simem:s7], [sflag:s8] =	dma.local @!p0 [hbm:s6], $0xF7A  }
0x23: {  	s9 =	sor.u32 $0xD0000000, s2;
	s6 =	simm.s32 $0x108;
	_ =	swait.ge @!p0 [sflag:s8], $0x0  }
0x24: {  	s3 =	sadd.s32 $0x88, s3;
	s6 =	simm.s32 @!p1 $0x1082;
	[sflag:s4] =	ssyncset.s32 $0xFFFFF086  }
0x25: {  	[simem:s6], [sflag:s4] =	dma.local [hbm:s3], $0xF7A  }
0x26: {  	[smem:$0x3F96] =	sst s1;
	(tag) =	ssettag s2;
	_ =	strace s9  }
0x27: {  	s1 =	sld [smem:$0x3FA6]  }
0x28: {  	s2 =	sld [smem:$0x3FA7]  }
0x29: {  	s4 =	sld [smem:$0x3FA9]  }
0x2a: {  	p0 =	seq.s32 s5, $0x0;
	s5 =	sld [smem:$0x3FAA]  }
0x2b: {  	s6 =	sld [smem:$0x3FAB]  }
0x2c: {  	s7 =	sld [smem:$0x3FAC]  }
0x2d: {  	s3 =	simm.s32 $0x108;
	s8 =	sld [smem:$0x3FAD]  }
0x2e: {  	s3 =	simm.s32 @!p0 $0x1082;
	s9 =	sld [smem:$0x3FAE]  }
0x2f: {  	lr =	sadd.s32 s0, s3;
	s0 =	sld [smem:$0x3FA5]  }
0x30: {  	s3 =	sld [smem:$0x3FA8]  }
0x31: {  	[smem:$0x3FB1] =	sst s10  }
0x32: {  	s10 =	sld [smem:$0x3FAF];
	_ =	sdelay $0x3  }
0x33: {  	p0 =	seq.s32 s10, $0x1;
	s10 =	sld [smem:$0x3FB1];
	_ =	sdelay $0x3  }
0x34: {  	[smem:$0x3FB1] =	sst s10  }
0x35: {  	s10 =	sld [smem:$0x3FB0];
	_ =	sdelay $0x3  }
0x36: {  	p1 =	seq.s32 s10, $0x1;
	s10 =	sld [smem:$0x3FB1];
	_ =	sdelay $0x3  }
0x37: {  	[smem:$0x3FB1] =	sst s10  }
0x38: {  	s10 =	sld [smem:$0x3FB2]  }
0x39: {  	_ = 	snop;
	(pc) =	sbr.ind lr, $3  }
0x3a: {  	_ = 	snop  }
0x3b: {  	_ = 	snop  }
0x3c: {  	p2 =	seq.s32 s10, $0x1;
	s10 =	sld [smem:$0x3FB1]  }
0x3d: {  	_ =	shalt  }
0x3e: {  	_ =	shalt  }
0x3f: {  	_ =	shalt  }
0x40: {  	_ =	shalt  }
0x41: {  	_ =	shalt  }
0x42: {  	_ =	shalt  }
0x43: {  	_ =	shalt  }
0x44: {  	_ =	shalt  }
0x45: {  	_ =	shalt  }
0x46: {  	_ =	shalt  }
0x47: {  	_ =	shalt  }
0x48: {  	_ =	shalt  }
0x49: {  	_ =	shalt  }
0x4a: {  	_ =	shalt  }
0x4b: {  	_ =	shalt  }
0x4c: {  	_ =	shalt  }
0x4d: {  	_ =	shalt  }
0x4e: {  	_ =	shalt  }
0x4f: {  	_ =	shalt  }
0x50: {  	_ =	shalt  }
0x51: {  	_ =	shalt  }
0x52: {  	_ =	shalt  }
0x53: {  	_ =	shalt  }
0x54: {  	_ =	shalt  }
0x55: {  	_ =	shalt  }
0x56: {  	_ =	shalt  }
0x57: {  	_ =	shalt  }
0x58: {  	_ =	shalt  }
0x59: {  	_ =	shalt  }
0x5a: {  	_ =	shalt  }
0x5b: {  	_ =	shalt  }
0x5c: {  	_ =	shalt  }
0x5d: {  	_ =	shalt  }
0x5e: {  	_ =	shalt  }
0x5f: {  	_ =	shalt  }
0x60: {  	_ =	shalt  }
0x61: {  	_ =	shalt  }
0x62: {  	_ =	shalt  }
0x63: {  	_ =	shalt  }
0x64: {  	_ =	shalt  }
0x65: {  	_ =	shalt  }
0x66: {  	_ =	shalt  }
0x67: {  	_ =	shalt  }
0x68: {  	_ =	shalt  }
0x69: {  	_ =	shalt  }
0x6a: {  	_ =	shalt  }
0x6b: {  	_ =	shalt  }
0x6c: {  	_ =	shalt  }
0x6d: {  	_ =	shalt  }
0x6e: {  	_ =	shalt  }
0x6f: {  	_ =	shalt  }
0x70: {  	_ =	shalt  }
0x71: {  	_ =	shalt  }
0x72: {  	_ =	shalt  }
0x73: {  	_ =	shalt  }
0x74: {  	_ =	shalt  }
0x75: {  	_ =	shalt  }
0x76: {  	_ =	shalt  }
0x77: {  	_ =	shalt  }
0x78: {  	_ =	shalt  }
0x79: {  	_ =	shalt  }
0x7a: {  	_ =	shalt  }
0x7b: {  	_ =	shalt  }
0x7c: {  	_ =	shalt  }
0x7d: {  	_ =	shalt  }
0x7e: {  	_ =	shalt  }
0x7f: {  	_ =	shalt  }
0x80: {  	_ =	shalt  }
0x81: {  	_ =	shalt  }
0x82: {  	_ =	shalt  }
0x83: {  	_ =	shalt  }
0x84: {  	_ =	shalt  }
0x85: {  	_ =	shalt  }
0x86: {  	_ =	shalt  }
0x87: {  	_ =	shalt  }
.Lfunc_end0:
.L_simem_size_0:
called_computation.2_lowered:
.L_overlay_start_0:
0x88: {  	s2 =	sld [smem:$0x3FD9]  }
0x89: {  	s3 =	sld [smem:$0x3FFE];
	_ =	sdelay $0x1  }
0x8a: {  	s1 =	srdreg.scid  }
0x8b: {  	s0 =	sand.u32 $0x1, s1  }
0x8c: {  	s17 =	sshll.u32 s0, $0xA;
	s2 =	sadd.s32 s3, s2  }
0x8d: {  	s2 =	sadd.s32 s2, s17  }
0x8e: {  	[smem:$0x3FBD] =	sst s2  }
0x8f: {  	_ = 	snop  }
0x90: {  	s2 =	sld [smem:$0x3FD0];
	(tm) =	ssettm $0x1  }
0x91: {  	s18 =	sld [smem:$0x3FFB];
	_ =	sdelay $0x3  }
0x92: {  	_ =	strace s18  }
0x93: {  	s3 =	sld [smem:$0x3FFC];
	_ =	sdelay $0x3  }
0x94: {  	_ =	strace s3  }
0x95: {  	s3 =	sld [smem:$0x3FFD];
	_ =	sdelay $0x3  }
0x96: {  	_ =	strace s3  }
0x97: {  	_ =	strace $0x8FFFFFFF  }
0x98: {  	s19 =	sld [smem:$0x3FDB];
	_ =	sdelay $0x1  }
0x99: {  	s4 =	simm.s32 $_scs_section_size  }
0x9a: {  	s5 =	simm.s32 $_size__tile_overlayer_lowered;
	s6 =	simm.s32 $_tile_overlayer_lowered  }
0x9b: {  	s22 =	simm.s32 $0x1BFF;
	s21 =	sshll.u32 s6, $0x1;
	s3 =	sadd.s32 s4, s19  }
0x9c: {  	s7 =	simm.s32 $0x0;
	s20 =	sshll.u32 s5, $0x1;
	s5 =	sadd.s32 s21, s3  }
0x9d: {  	[timem:s7], [sflag:s22] =	dma.local [hbm:s5], s20  }
0x9e: {  	_ =	swait.ge [sflag:s22], s20  }
0x9f: {  	s4 =	ssub.s32 $0x0, s20;
	[sflag:s22] =	ssyncset.done $0x0  }
0xa0: {  	[sflag:s22] =	ssyncadd.s32 s4;
	_ =	sdelay $0x1  }
0xa1: {  	s23 =	simm.s32 $0x1B8B  }
0xa2: {  	_ =	swait.ge [sflag:s23], $0x1  }
0xa3: {  	[sflag:s23] =	ssyncset.done $0x0  }
0xa4: {  	s25 =	simm.s32 $0x1B8E;
	s24 =	sld [smem:$0x3FFE];
	[sflag:s23] =	ssyncadd.s32 $0xFFFFFFFF  }
0xa5: {  	s26 =	simm.s32 $execute0_lowered;
	[smem:$0x3FD2] =	sst s25  }
0xa6: {  	s5 =	sshll.u32 s26, $0x1;
	_ =	strace $0x8000004C;
	[dreg:$0x1] =	wrdreg $0xFFFFFFFF  }
0xa7: {  	s28 =	simm.s32 $_size_execute0_lowered;
	s3 =	sadd.s32 s3, s5;
	[dreg:$0x0] =	wrdreg $0x0  }
0xa8: {  	s5 =	sshll.u32 s28, $0x1;
	[dreg:$0x2] =	wrdreg s3  }
0xa9: {  	[dreg:$0x3] =	wrdreg s5  }
0xaa: {  	[dreg:$0x4] =	wrdreg $0xC0  }
0xab: {  	_ =	task [dreg:s7], $0x5FFFF  }
0xac: {  	[dreg:$0x1] =	wrdreg $0xFFFFFFFF  }
0xad: {  	[dreg:$0x0] =	wrdreg $0x60  }
0xae: {  	[dreg:$0x2] =	wrdreg s24  }
0xaf: {  	[dreg:$0x3] =	wrdreg s2  }
0xb0: {  	[dreg:$0x4] =	wrdreg $0x90000  }
0xb1: {  	[dreg:$0x5] =	wrdreg $0x9  }
0xb2: {  	_ =	task.clear_ibuf [dreg:s7], $0x6FFFF;
	_ =	strace $0x9000004C  }
0xb3: {  	s29 =	simm.s32 $0x9;
	_ =	strace $0x8000004E  }
0xb4: {  	_ =	swait.ge [sflag:s29], $0x1  }
0xb5: {  	[sflag:s29] =	ssyncadd.s32 $0xFFFFFFFF  }
0xb6: {  	_ =	strace $0x9000004E  }
0xb7: {  	_ =	sfence  }
0xb8: {  	s30 =	sld [smem:$0x0];
	_ =	sdelay $0x2  }
0xb9: {  	s31 =	sshll.u32 s1, $0xD;
	s1 =	sshrl.u32 s1, $0x2  }
0xba: {  	s3 =	sand.u32 $0x4000, s31;
	s1 =	sadd.s32 s1, s30  }
0xbb: {  	s0 =	sor.u32 s3, s0;
	s1 =	sshll.u32 s1, $0x11  }
0xbc: {  	s0 =	sor.u32 s1, s0  }
0xbd: {  	s0 =	sadd.s32 $0x8F2B, s0  }
0xbe: {  	[sflag:s0] =	ssyncadd.remote.s32 $0x1  }
0xbf: {  	_ =	sfence.sel $0xFFFF  }
0xc0: {  	[dreg:$0x0] =	wrdreg $0xFFFFFFFF;
	(pc) =	sbr.abs _section_cstart, $3  }
0xc1: {  	[dreg:$0x1] =	wrdreg $0xFFFFFFFF  }
0xc2: {  	_ =	task.clear_ibuf [dreg:s7], $0x2FFFF;
	_ =	strace $0x9FFFFFFF  }
0xc3: {  	(tm) =	ssettm $0x7FFFFFFF  }
tec
execute0_lowered:
.L_overlay_start_1:
0x0: {  	(tag) =	ssettag $0x1  }
0x1: {  	s6 =	rddreg [dreg:$0x0]  }
0x2: {  	s0 =	srdreg.scid;
	s8 =	rddreg [dreg:$0x1]  }
0x3: {  	s2 =	rddreg [dreg:$0x2];
	s3 =	simm.s32 $0x0;
	s15 =	simm.s32 $0x5000  }
0x4: {  	s16 =	simm.s32 $0x5800;
	s17 =	simm.s32 $0x6000;
	s18 =	simm.s32 $0x6800  }
0x5: {  	s19 =	simm.s32 $0x7000;
	s20 =	simm.s32 $0x7800;
	s21 =	simm.s32 $0x8000  }
0x6: {  	s22 =	simm.s32 $0x8800;
	s23 =	simm.s32 $0x1;
	s24 =	simm.s32 $0x2  }
0x7: {  	s25 =	simm.s32 $0x0;
	s5 =	sand.u32 $0x1, s0;
	s0 =	stileid.u32  }
0x8: {  	[smem:$0x7FF] =	sst s3;
	s4 =	sadd.s32 $0x7800, s6;
	s7 =	smul.u32 $0x2800, s0  }
0x9: {  	s1 =	sshll.u32 s5, $0x4;
	s10 =	smul.u32 $0x28000, s5;
	s5 =	ssub.s32 $0x2, s5  }
0xa: {  	s31 =	sshll.u32 s0, $0x6;
	s1 =	sor.u32 s0, s1;
	s30 =	sshrl.u32 s5, $0x1  }
0xb: {  	s9 =	smul.u32 $0x500, s1;
	s1 =	rddreg [dreg:$0x3];
	_ =	strace $0x8000004D  }
0xc: {  	s10 =	sadd.s32 s7, s10;
	s12 =	sshrl.u32 s7, $0x3;
	s13 =	ssub.s32 s5, s30  }
0xd: {  	s14 =	sadd.s32 s7, s2;
	s10 =	sshrl.u32 s10, $0x3;
	s12 =	sadd.s32 s12, s6  }
0xe: {  	s11 =	sadd.s32 s9, s6;
	s10 =	sadd.s32 s10, s6;
	s5 =	sadd.s32 $0x2800, s12  }
0xf: {  	s6 =	sor.u32 $0x1C03, s31;
	s8 =	sadd.s32 s8, s9;
	s12 =	simm.s32 $0x3  }
0x10: {  	s7 =	sadd.s32 $0x11A00, s11;
	s9 =	sadd.s32 $0x43A00, s10;
	s10 =	smax.u32 s13, $0x1  }
0x11: {  	s11 =	sshrl.u32 s14, $0x3;
	s13 =	simm.s32 $0x2800;
	s14 =	simm.s32 $0x80  }
.LBB2_1:
0x12: {  	[spmem:s11], [sflag:s6] =	dma.local [hbm:s5], $0x500  }
0x13: {  	_ =	swait.ge [sflag:s12], $0x500  }
0x14: {  	[sflag:s12] =	ssyncset.done $0x0  }
0x15: {  	[sflag:s12] =	ssyncadd.s32 $0xFFFFFB00  }
0x16: {  	[tilespmem:s3], [sflag:$0x3] =	stream.linear.gather [hbm4b:s7+s3], $0x2800, $0x38;
	[tilespmem:$0xB800] =	vst v63  }
0x17: {  	_ =	swait.ge [sflag:s12], $0x2800  }
0x18: {  	[sflag:s12] =	ssyncset.done $0x0  }
0x19: {  	[sflag:s12] =	ssyncadd.s32 $0xFFFFD800  }
0x1a: {  	[tilespmem:s13], [sflag:$0x3] =	stream.linear.gather [hbm4b:s8+s3], $0x2800, $0x38;
	[tilespmem:$0xB800] =	vst v63  }
0x1b: {  	_ =	swait.ge [sflag:s12], $0x2800  }
0x1c: {  	[sflag:s12] =	ssyncset.done $0x0  }
0x1d: {  	[sflag:s12] =	ssyncadd.s32 $0xFFFFD800  }
0x1e: {  	s26 =	simm.s32 $0x0;
	[bflag:$0x0] =	sbarrier.arrive $0xFFFF  }
0x1f: {  	[tilespmem:s15], [sflag:$0x1] =	stream.indirect.gather [hbm4b:s4+s14], $0x10, s26, s14, $0xb8;
	[tilespmem:$0xB800] =	vst v63  }
0x20: {  	s28 =	simm.s32 $0x80  }
0x21: {  	[tilespmem:s16], [sflag:$0x1] =	stream.indirect.gather [hbm4b:s4+s14], $0x10, s28, s14, $0xb8;
	[tilespmem:$0xB800] =	vst v63  }
0x22: {  	s29 =	simm.s32 $0x100  }
0x23: {  	[tilespmem:s17], [sflag:$0x1] =	stream.indirect.gather [hbm4b:s4+s14], $0x10, s29, s14, $0xb8;
	[tilespmem:$0xB800] =	vst v63  }
0x24: {  	s31 =	simm.s32 $0x180  }
0x25: {  	[tilespmem:s18], [sflag:$0x1] =	stream.indirect.gather [hbm4b:s4+s14], $0x10, s31, s14, $0xb8;
	[tilespmem:$0xB800] =	vst v63  }
0x26: {  	s28 =	simm.s32 $0x200  }
0x27: {  	[tilespmem:s19], [sflag:$0x1] =	stream.indirect.gather [hbm4b:s4+s14], $0x10, s28, s14, $0xb8;
	[tilespmem:$0xB800] =	vst v63  }
0x28: {  	s29 =	simm.s32 $0x280  }
0x29: {  	[tilespmem:s20], [sflag:$0x1] =	stream.indirect.gather [hbm4b:s4+s14], $0x10, s29, s14, $0xb8;
	[tilespmem:$0xB800] =	vst v63  }
0x2a: {  	s31 =	simm.s32 $0x300  }
0x2b: {  	[tilespmem:s21], [sflag:$0x1] =	stream.indirect.gather [hbm4b:s4+s14], $0x10, s31, s14, $0xb8;
	[tilespmem:$0xB800] =	vst v63  }
0x2c: {  	s28 =	simm.s32 $0x380  }
0x2d: {  	[tilespmem:s22], [sflag:$0x1] =	stream.indirect.gather [hbm4b:s4+s14], $0x10, s28, s14, $0xb8;
	[tilespmem:$0xB800] =	vst v63  }
0x2e: {  	_ =	swait.ge [sflag:s23], $0x800  }
0x2f: {  	[sflag:s23] =	ssyncset.done $0x0  }
0x30: {  	[sflag:s23] =	ssyncadd.s32 $0xFFFFF800  }
0x31: {  	_ =	swait.ge [sflag:s23], $0x800  }
0x32: {  	[sflag:s23] =	ssyncset.done $0x0  }
0x33: {  	[sflag:s23] =	ssyncadd.s32 $0xFFFFF800  }
0x34: {  	_ =	swait.ge [sflag:s23], $0x800  }
0x35: {  	[sflag:s23] =	ssyncset.done $0x0  }
0x36: {  	[sflag:s23] =	ssyncadd.s32 $0xFFFFF800  }
0x37: {  	_ =	swait.ge [sflag:s23], $0x800  }
0x38: {  	[sflag:s23] =	ssyncset.done $0x0  }
0x39: {  	[sflag:s23] =	ssyncadd.s32 $0xFFFFF800  }
0x3a: {  	_ =	swait.ge [sflag:s23], $0x800  }
0x3b: {  	[sflag:s23] =	ssyncset.done $0x0  }
0x3c: {  	[sflag:s23] =	ssyncadd.s32 $0xFFFFF800  }
0x3d: {  	_ =	swait.ge [sflag:s23], $0x800  }
0x3e: {  	[sflag:s23] =	ssyncset.done $0x0  }
0x3f: {  	[sflag:s23] =	ssyncadd.s32 $0xFFFFF800  }
0x40: {  	_ =	swait.ge [sflag:s23], $0x800  }
0x41: {  	[sflag:s23] =	ssyncset.done $0x0  }
0x42: {  	[sflag:s23] =	ssyncadd.s32 $0xFFFFF800  }
0x43: {  	_ =	swait.ge [sflag:s23], $0x800  }
0x44: {  	[sflag:s23] =	ssyncset.done $0x0  }
0x45: {  	s29 =	simm.s32 $0x2800;
	[sflag:s23] =	ssyncadd.s32 $0xFFFFF800  }
0x46: {  	[spmem:s2] =	stream.indirect.scatter.add.f32 [tilespmem:s15], [sflag:$0x2], $0x10, s29, s14, $0xb8;
	[tilespmem:$0xB800] =	vst v63  }
0x47: {  	s31 =	simm.s32 $0x2880  }
0x48: {  	[spmem:s2] =	stream.indirect.scatter.add.f32 [tilespmem:s16], [sflag:$0x2], $0x10, s31, s14, $0xb8;
	[tilespmem:$0xB800] =	vst v63  }
0x49: {  	s28 =	simm.s32 $0x2900  }
0x4a: {  	[spmem:s2] =	stream.indirect.scatter.add.f32 [tilespmem:s17], [sflag:$0x2], $0x10, s28, s14, $0xb8;
	[tilespmem:$0xB800] =	vst v63  }
0x4b: {  	s29 =	simm.s32 $0x2980  }
0x4c: {  	[spmem:s2] =	stream.indirect.scatter.add.f32 [tilespmem:s18], [sflag:$0x2], $0x10, s29, s14, $0xb8;
	[tilespmem:$0xB800] =	vst v63  }
0x4d: {  	s31 =	simm.s32 $0x2A00  }
0x4e: {  	[spmem:s2] =	stream.indirect.scatter.add.f32 [tilespmem:s19], [sflag:$0x2], $0x10, s31, s14, $0xb8;
	[tilespmem:$0xB800] =	vst v63  }
0x4f: {  	s28 =	simm.s32 $0x2A80  }
0x50: {  	[spmem:s2] =	stream.indirect.scatter.add.f32 [tilespmem:s20], [sflag:$0x2], $0x10, s28, s14, $0xb8;
	[tilespmem:$0xB800] =	vst v63  }
0x51: {  	s29 =	simm.s32 $0x2B00  }
0x52: {  	[spmem:s2] =	stream.indirect.scatter.add.f32 [tilespmem:s21], [sflag:$0x2], $0x10, s29, s14, $0xb8;
	[tilespmem:$0xB800] =	vst v63  }
0x53: {  	s31 =	simm.s32 $0x2B80  }
0x54: {  	[spmem:s2] =	stream.indirect.scatter.add.f32 [tilespmem:s22], [sflag:$0x2], $0x10, s31, s14, $0xb8;
	[tilespmem:$0xB800] =	vst v63  }
0x55: {  	_ =	swait.ge [sflag:s24], $0x800  }
0x56: {  	[sflag:s24] =	ssyncset.done $0x0  }
0x57: {  	[sflag:s24] =	ssyncadd.s32 $0xFFFFF800  }
0x58: {  	_ =	swait.ge [sflag:s24], $0x800  }
0x59: {  	[sflag:s24] =	ssyncset.done $0x0  }
0x5a: {  	[sflag:s24] =	ssyncadd.s32 $0xFFFFF800  }
0x5b: {  	_ =	swait.ge [sflag:s24], $0x800  }
0x5c: {  	[sflag:s24] =	ssyncset.done $0x0  }
0x5d: {  	[sflag:s24] =	ssyncadd.s32 $0xFFFFF800  }
0x5e: {  	_ =	swait.ge [sflag:s24], $0x800  }
0x5f: {  	[sflag:s24] =	ssyncset.done $0x0  }
0x60: {  	[sflag:s24] =	ssyncadd.s32 $0xFFFFF800  }
0x61: {  	_ =	swait.ge [sflag:s24], $0x800  }
0x62: {  	[sflag:s24] =	ssyncset.done $0x0  }
0x63: {  	[sflag:s24] =	ssyncadd.s32 $0xFFFFF800  }
0x64: {  	_ =	swait.ge [sflag:s24], $0x800  }
0x65: {  	[sflag:s24] =	ssyncset.done $0x0  }
0x66: {  	[sflag:s24] =	ssyncadd.s32 $0xFFFFF800  }
0x67: {  	_ =	swait.ge [sflag:s24], $0x800  }
0x68: {  	[sflag:s24] =	ssyncset.done $0x0  }
0x69: {  	[sflag:s24] =	ssyncadd.s32 $0xFFFFF800  }
0x6a: {  	_ =	swait.ge [sflag:s24], $0x800  }
0x6b: {  	s30 =	simm.s32 $0x2000;
	s26 =	simm.s32 $0x1000;
	[sflag:s24] =	ssyncset.done $0x0  }
.LBB2_2:
0x6c: {  	s29 =	sshra.s32 s26, $0x2  }
0x6d: {  	[sflag:s24] =	ssyncadd.s32 $0xFFFFF800;
	s26 =	smov.u32 s30;
	s28 =	sadd.s32 $0x1000, s30  }
0x6e: {  	[tilespmem:s15], [sflag:$0x1] =	stream.indirect.gather [hbm4b:s4+s14], $0x10, s29, s14, $0xb8;
	[tilespmem:$0xB800] =	vst v63  }
0x6f: {  	p0 =	sne.s32 s30, $0x9000;
	s30 =	sadd.s32 $0x80, s29  }
0x70: {  	[tilespmem:s16], [sflag:$0x1] =	stream.indirect.gather [hbm4b:s4+s14], $0x10, s30, s14, $0xb8;
	[tilespmem:$0xB800] =	vst v63  }
0x71: {  	s30 =	sadd.s32 $0x100, s29  }
0x72: {  	[tilespmem:s17], [sflag:$0x1] =	stream.indirect.gather [hbm4b:s4+s14], $0x10, s30, s14, $0xb8;
	[tilespmem:$0xB800] =	vst v63  }
0x73: {  	s30 =	sadd.s32 $0x180, s29  }
0x74: {  	[tilespmem:s18], [sflag:$0x1] =	stream.indirect.gather [hbm4b:s4+s14], $0x10, s30, s14, $0xb8;
	[tilespmem:$0xB800] =	vst v63  }
0x75: {  	s30 =	sadd.s32 $0x200, s29  }
0x76: {  	[tilespmem:s19], [sflag:$0x1] =	stream.indirect.gather [hbm4b:s4+s14], $0x10, s30, s14, $0xb8;
	[tilespmem:$0xB800] =	vst v63  }
0x77: {  	s30 =	sadd.s32 $0x280, s29  }
0x78: {  	[tilespmem:s20], [sflag:$0x1] =	stream.indirect.gather [hbm4b:s4+s14], $0x10, s30, s14, $0xb8;
	[tilespmem:$0xB800] =	vst v63  }
0x79: {  	s30 =	sadd.s32 $0x300, s29  }
0x7a: {  	[tilespmem:s21], [sflag:$0x1] =	stream.indirect.gather [hbm4b:s4+s14], $0x10, s30, s14, $0xb8;
	[tilespmem:$0xB800] =	vst v63  }
0x7b: {  	s30 =	sadd.s32 $0x380, s29  }
0x7c: {  	[tilespmem:s22], [sflag:$0x1] =	stream.indirect.gather [hbm4b:s4+s14], $0x10, s30, s14, $0xb8;
	[tilespmem:$0xB800] =	vst v63  }
0x7d: {  	_ =	swait.ge [sflag:s23], $0x800  }
0x7e: {  	[sflag:s23] =	ssyncset.done $0x0  }
0x7f: {  	[sflag:s23] =	ssyncadd.s32 $0xFFFFF800  }
0x80: {  	_ =	swait.ge [sflag:s23], $0x800  }
0x81: {  	[sflag:s23] =	ssyncset.done $0x0  }
0x82: {  	[sflag:s23] =	ssyncadd.s32 $0xFFFFF800  }
0x83: {  	_ =	swait.ge [sflag:s23], $0x800  }
0x84: {  	[sflag:s23] =	ssyncset.done $0x0  }
0x85: {  	[sflag:s23] =	ssyncadd.s32 $0xFFFFF800  }
0x86: {  	_ =	swait.ge [sflag:s23], $0x800  }
0x87: {  	[sflag:s23] =	ssyncset.done $0x0  }
0x88: {  	[sflag:s23] =	ssyncadd.s32 $0xFFFFF800  }
0x89: {  	_ =	swait.ge [sflag:s23], $0x800  }
0x8a: {  	[sflag:s23] =	ssyncset.done $0x0  }
0x8b: {  	[sflag:s23] =	ssyncadd.s32 $0xFFFFF800  }
0x8c: {  	_ =	swait.ge [sflag:s23], $0x800  }
0x8d: {  	[sflag:s23] =	ssyncset.done $0x0  }
0x8e: {  	[sflag:s23] =	ssyncadd.s32 $0xFFFFF800  }
0x8f: {  	_ =	swait.ge [sflag:s23], $0x800  }
0x90: {  	[sflag:s23] =	ssyncset.done $0x0  }
0x91: {  	[sflag:s23] =	ssyncadd.s32 $0xFFFFF800  }
0x92: {  	_ =	swait.ge [sflag:s23], $0x800  }
0x93: {  	[sflag:s23] =	ssyncset.done $0x0  }
0x94: {  	s30 =	sadd.s32 $0x2800, s29;
	[sflag:s23] =	ssyncadd.s32 $0xFFFFF800  }
0x95: {  	[spmem:s2] =	stream.indirect.scatter.add.f32 [tilespmem:s15], [sflag:$0x2], $0x10, s30, s14, $0xb8;
	[tilespmem:$0xB800] =	vst v63  }
0x96: {  	s30 =	sadd.s32 $0x2880, s29  }
0x97: {  	[spmem:s2] =	stream.indirect.scatter.add.f32 [tilespmem:s16], [sflag:$0x2], $0x10, s30, s14, $0xb8;
	[tilespmem:$0xB800] =	vst v63  }
0x98: {  	s30 =	sadd.s32 $0x2900, s29  }
0x99: {  	[spmem:s2] =	stream.indirect.scatter.add.f32 [tilespmem:s17], [sflag:$0x2], $0x10, s30, s14, $0xb8;
	[tilespmem:$0xB800] =	vst v63  }
0x9a: {  	s30 =	sadd.s32 $0x2980, s29  }
0x9b: {  	[spmem:s2] =	stream.indirect.scatter.add.f32 [tilespmem:s18], [sflag:$0x2], $0x10, s30, s14, $0xb8;
	[tilespmem:$0xB800] =	vst v63  }
0x9c: {  	s30 =	sadd.s32 $0x2A00, s29  }
0x9d: {  	[spmem:s2] =	stream.indirect.scatter.add.f32 [tilespmem:s19], [sflag:$0x2], $0x10, s30, s14, $0xb8;
	[tilespmem:$0xB800] =	vst v63  }
0x9e: {  	s30 =	sadd.s32 $0x2A80, s29  }
0x9f: {  	[spmem:s2] =	stream.indirect.scatter.add.f32 [tilespmem:s20], [sflag:$0x2], $0x10, s30, s14, $0xb8;
	[tilespmem:$0xB800] =	vst v63  }
0xa0: {  	s30 =	sadd.s32 $0x2B00, s29  }
0xa1: {  	[spmem:s2] =	stream.indirect.scatter.add.f32 [tilespmem:s21], [sflag:$0x2], $0x10, s30, s14, $0xb8;
	[tilespmem:$0xB800] =	vst v63  }
0xa2: {  	s29 =	sadd.s32 $0x2B80, s29  }
0xa3: {  	[spmem:s2] =	stream.indirect.scatter.add.f32 [tilespmem:s22], [sflag:$0x2], $0x10, s29, s14, $0xb8;
	[tilespmem:$0xB800] =	vst v63  }
0xa4: {  	_ =	swait.ge [sflag:s24], $0x800  }
0xa5: {  	[sflag:s24] =	ssyncset.done $0x0  }
0xa6: {  	[sflag:s24] =	ssyncadd.s32 $0xFFFFF800  }
0xa7: {  	_ =	swait.ge [sflag:s24], $0x800  }
0xa8: {  	[sflag:s24] =	ssyncset.done $0x0  }
0xa9: {  	[sflag:s24] =	ssyncadd.s32 $0xFFFFF800  }
0xaa: {  	_ =	swait.ge [sflag:s24], $0x800  }
0xab: {  	[sflag:s24] =	ssyncset.done $0x0  }
0xac: {  	[sflag:s24] =	ssyncadd.s32 $0xFFFFF800  }
0xad: {  	_ =	swait.ge [sflag:s24], $0x800  }
0xae: {  	[sflag:s24] =	ssyncset.done $0x0  }
0xaf: {  	[sflag:s24] =	ssyncadd.s32 $0xFFFFF800  }
0xb0: {  	_ =	swait.ge [sflag:s24], $0x800  }
0xb1: {  	[sflag:s24] =	ssyncset.done $0x0  }
0xb2: {  	[sflag:s24] =	ssyncadd.s32 $0xFFFFF800  }
0xb3: {  	_ =	swait.ge [sflag:s24], $0x800  }
0xb4: {  	[sflag:s24] =	ssyncset.done $0x0  }
0xb5: {  	[sflag:s24] =	ssyncadd.s32 $0xFFFFF800  }
.Ltmp0:
0xb6: {  	_ =	swait.ge [sflag:s24], $0x800;
	(pc) =	sbr.rel @p0 .LBB2_2-.Ltmp0, $4  }
0xb7: {  	[sflag:s24] =	ssyncset.done $0x0  }
0xb8: {  	[sflag:s24] =	ssyncadd.s32 $0xFFFFF800  }
0xb9: {  	_ =	swait.ge [sflag:s24], $0x800  }
0xba: {  	s30 =	smov.u32 s28;
	[sflag:s24] =	ssyncset.done $0x0  }
0xbb: {  	s26 =	sshra.s32 s26, $0x2;
	[sflag:s24] =	ssyncadd.s32 $0xFFFFF800  }
0xbc: {  	[tilespmem:s15], [sflag:$0x1] =	stream.indirect.gather [hbm4b:s4+s14], $0x10, s26, s14, $0xb8;
	[tilespmem:$0xB800] =	vst v63  }
0xbd: {  	s28 =	sadd.s32 $0x80, s26  }
0xbe: {  	[tilespmem:s16], [sflag:$0x1] =	stream.indirect.gather [hbm4b:s4+s14], $0x10, s28, s14, $0xb8;
	[tilespmem:$0xB800] =	vst v63  }
0xbf: {  	s31 =	sadd.s32 $0x100, s26  }
0xc0: {  	[tilespmem:s17], [sflag:$0x1] =	stream.indirect.gather [hbm4b:s4+s14], $0x10, s31, s14, $0xb8;
	[tilespmem:$0xB800] =	vst v63  }
0xc1: {  	s29 =	sadd.s32 $0x180, s26  }
0xc2: {  	[tilespmem:s18], [sflag:$0x1] =	stream.indirect.gather [hbm4b:s4+s14], $0x10, s29, s14, $0xb8;
	[tilespmem:$0xB800] =	vst v63  }
0xc3: {  	s30 =	sadd.s32 $0x200, s26  }
0xc4: {  	[tilespmem:s19], [sflag:$0x1] =	stream.indirect.gather [hbm4b:s4+s14], $0x10, s30, s14, $0xb8;
	[tilespmem:$0xB800] =	vst v63  }
0xc5: {  	s31 =	sadd.s32 $0x280, s26  }
0xc6: {  	[tilespmem:s20], [sflag:$0x1] =	stream.indirect.gather [hbm4b:s4+s14], $0x10, s31, s14, $0xb8;
	[tilespmem:$0xB800] =	vst v63  }
0xc7: {  	s29 =	sadd.s32 $0x300, s26  }
0xc8: {  	[tilespmem:s21], [sflag:$0x1] =	stream.indirect.gather [hbm4b:s4+s14], $0x10, s29, s14, $0xb8;
	[tilespmem:$0xB800] =	vst v63  }
0xc9: {  	s30 =	sadd.s32 $0x380, s26  }
0xca: {  	[tilespmem:s22], [sflag:$0x1] =	stream.indirect.gather [hbm4b:s4+s14], $0x10, s30, s14, $0xb8;
	[tilespmem:$0xB800] =	vst v63  }
0xcb: {  	_ =	swait.ge [sflag:s23], $0x800  }
0xcc: {  	[sflag:s23] =	ssyncset.done $0x0  }
0xcd: {  	[sflag:s23] =	ssyncadd.s32 $0xFFFFF800  }
0xce: {  	_ =	swait.ge [sflag:s23], $0x800  }
0xcf: {  	[sflag:s23] =	ssyncset.done $0x0  }
0xd0: {  	[sflag:s23] =	ssyncadd.s32 $0xFFFFF800  }
0xd1: {  	_ =	swait.ge [sflag:s23], $0x800  }
0xd2: {  	[sflag:s23] =	ssyncset.done $0x0  }
0xd3: {  	[sflag:s23] =	ssyncadd.s32 $0xFFFFF800  }
0xd4: {  	_ =	swait.ge [sflag:s23], $0x800  }
0xd5: {  	[sflag:s23] =	ssyncset.done $0x0  }
0xd6: {  	[sflag:s23] =	ssyncadd.s32 $0xFFFFF800  }
0xd7: {  	_ =	swait.ge [sflag:s23], $0x800  }
0xd8: {  	[sflag:s23] =	ssyncset.done $0x0  }
0xd9: {  	[sflag:s23] =	ssyncadd.s32 $0xFFFFF800  }
0xda: {  	_ =	swait.ge [sflag:s23], $0x800  }
0xdb: {  	[sflag:s23] =	ssyncset.done $0x0  }
0xdc: {  	[sflag:s23] =	ssyncadd.s32 $0xFFFFF800  }
0xdd: {  	_ =	swait.ge [sflag:s23], $0x800  }
0xde: {  	[sflag:s23] =	ssyncset.done $0x0  }
0xdf: {  	[sflag:s23] =	ssyncadd.s32 $0xFFFFF800  }
0xe0: {  	_ =	swait.ge [sflag:s23], $0x800  }
0xe1: {  	[sflag:s23] =	ssyncset.done $0x0  }
0xe2: {  	s31 =	sadd.s32 $0x2800, s26;
	[sflag:s23] =	ssyncadd.s32 $0xFFFFF800  }
0xe3: {  	[spmem:s2] =	stream.indirect.scatter.add.f32 [tilespmem:s15], [sflag:$0x2], $0x10, s31, s14, $0xb8;
	[tilespmem:$0xB800] =	vst v63  }
0xe4: {  	s29 =	sadd.s32 $0x2880, s26  }
0xe5: {  	[spmem:s2] =	stream.indirect.scatter.add.f32 [tilespmem:s16], [sflag:$0x2], $0x10, s29, s14, $0xb8;
	[tilespmem:$0xB800] =	vst v63  }
0xe6: {  	s30 =	sadd.s32 $0x2900, s26  }
0xe7: {  	[spmem:s2] =	stream.indirect.scatter.add.f32 [tilespmem:s17], [sflag:$0x2], $0x10, s30, s14, $0xb8;
	[tilespmem:$0xB800] =	vst v63  }
0xe8: {  	s31 =	sadd.s32 $0x2980, s26  }
0xe9: {  	[spmem:s2] =	stream.indirect.scatter.add.f32 [tilespmem:s18], [sflag:$0x2], $0x10, s31, s14, $0xb8;
	[tilespmem:$0xB800] =	vst v63  }
0xea: {  	s29 =	sadd.s32 $0x2A00, s26  }
0xeb: {  	[spmem:s2] =	stream.indirect.scatter.add.f32 [tilespmem:s19], [sflag:$0x2], $0x10, s29, s14, $0xb8;
	[tilespmem:$0xB800] =	vst v63  }
0xec: {  	s30 =	sadd.s32 $0x2A80, s26  }
0xed: {  	[spmem:s2] =	stream.indirect.scatter.add.f32 [tilespmem:s20], [sflag:$0x2], $0x10, s30, s14, $0xb8;
	[tilespmem:$0xB800] =	vst v63  }
0xee: {  	s31 =	sadd.s32 $0x2B00, s26  }
0xef: {  	[spmem:s2] =	stream.indirect.scatter.add.f32 [tilespmem:s21], [sflag:$0x2], $0x10, s31, s14, $0xb8;
	[tilespmem:$0xB800] =	vst v63  }
0xf0: {  	s26 =	sadd.s32 $0x2B80, s26  }
0xf1: {  	[spmem:s2] =	stream.indirect.scatter.add.f32 [tilespmem:s22], [sflag:$0x2], $0x10, s26, s14, $0xb8;
	[tilespmem:$0xB800] =	vst v63  }
0xf2: {  	_ =	swait.ge [sflag:s24], $0x800  }
0xf3: {  	[sflag:s24] =	ssyncset.done $0x0  }
0xf4: {  	[sflag:s24] =	ssyncadd.s32 $0xFFFFF800  }
0xf5: {  	_ =	swait.ge [sflag:s24], $0x800  }
0xf6: {  	[sflag:s24] =	ssyncset.done $0x0  }
0xf7: {  	[sflag:s24] =	ssyncadd.s32 $0xFFFFF800  }
0xf8: {  	_ =	swait.ge [sflag:s24], $0x800  }
0xf9: {  	[sflag:s24] =	ssyncset.done $0x0  }
0xfa: {  	[sflag:s24] =	ssyncadd.s32 $0xFFFFF800  }
0xfb: {  	_ =	swait.ge [sflag:s24], $0x800  }
0xfc: {  	[sflag:s24] =	ssyncset.done $0x0  }
0xfd: {  	[sflag:s24] =	ssyncadd.s32 $0xFFFFF800  }
0xfe: {  	_ =	swait.ge [sflag:s24], $0x800  }
0xff: {  	[sflag:s24] =	ssyncset.done $0x0  }
0x100: {  	[sflag:s24] =	ssyncadd.s32 $0xFFFFF800  }
0x101: {  	_ =	swait.ge [sflag:s24], $0x800  }
0x102: {  	[sflag:s24] =	ssyncset.done $0x0  }
0x103: {  	[sflag:s24] =	ssyncadd.s32 $0xFFFFF800  }
0x104: {  	_ =	swait.ge [sflag:s24], $0x800  }
0x105: {  	[sflag:s24] =	ssyncset.done $0x0  }
0x106: {  	[sflag:s24] =	ssyncadd.s32 $0xFFFFF800  }
0x107: {  	_ =	swait.ge [sflag:s24], $0x800  }
0x108: {  	s25 =	sadd.s32 $0x1, s25;
	[sflag:s24] =	ssyncset.done $0x0  }
0x109: {  	p0 =	sne.s32 s25, s10;
	[sflag:s24] =	ssyncadd.s32 $0xFFFFF800  }
.Ltmp1:
0x10a: {  	[bflag:$0x0] =	sbarrier.arrive $0xFFFF;
	(pc) =	sbr.rel @p0 .LBB2_1-.Ltmp1, $4  }
0x10b: {  	[hbm:s9], [sflag:s6] =	dma.local [spmem:s11], $0x500  }
0x10c: {  	_ =	swait.ge [sflag:s12], $0x500  }
0x10d: {  	[sflag:s12] =	ssyncset.done $0x0  }
0x10e: {  	[sflag:s12] =	ssyncadd.s32 $0xFFFFFB00  }
0x10f: {  	_ =	sfence.sel $0x180000  }
0x110: {  	[bflag:$0x0] =	sbarrier.arrive $0xFFFF  }
0x111: {  	p0 =	sne.s32 s0, $0x0;
	_ =	strace $0x9000004D  }
0x112: {  	s0 =	sadd.s32 @!p0 $0x100000, s1;
	[bflag:$0x2] =	sbarrier.arrive $0xFFFF  }
0x113: {  	[sflag:s0] =	ssyncadd.tile.s32 @!p0 $0x1;
	_ =	shalt  }
.Lfunc_end2:
_tile_overlayer_lowered:
.L_overlay_start_2:
0x114: {  	(tag) =	ssettag $0x2  }
0x115: {  	s0 =	rddreg [dreg:$0x0];
	s2 =	stileid.u32  }
0x116: {  	s1 =	rddreg [dreg:$0x1];
	p0 =	sne.s32 s2, $0x0  }
0x117: {  	s3 =	rddreg [dreg:$0x2];
	[bflag:$0x3] =	sbarrier.arrive $0xFFFF;
	s2 =	simm.s32 @!p0 $0x1C03  }
0x118: {  	[timem:s3], [sflag:s2] =	dma.local @!p0 [hbm:s0], s1  }
0x119: {  	s0 =	simm.s32 @!p0 $0x3  }
0x11a: {  	_ =	swait.ge @!p0 [sflag:s0], s1  }
0x11b: {  	s1 =	ssub.s32 @!p0 $0x0, s1;
	[sflag:s0] =	ssyncset.done @!p0 $0x0  }
0x11c: {  	[sflag:s0] =	ssyncadd.s32 @!p0 s1  }
0x11d: {  	[bflag:$0x3] =	sbarrier.arrive $0xFFFF  }
0x11e: {  	_ =	shalt  }

// kernel: kernel.19.cloned.1.call-start
scs
__scs_entry_jumppad:
0x0: {  	(pc) =	sbr.rel $0x88, $3  }
0x1: {  	(tag) =	ssettag $0x0;
	lr =	simm.s32 $0x1  }
0x2: {  	[smem:$0x3F96] =	sst lr;
	_ =	strace $0xD0000000  }
0x3: {  	_ = 	snop  }
0x4: {  	_ = 	snop  }
0x5: {  	_ = 	snop  }
0x6: {  	_ = 	snop  }
0x7: {  	_ = 	snop  }
__scs_overlays_trampoline_lowered:
0x8: {  	[smem:$0x3FA5] =	sst s0  }
0x9: {  	[smem:$0x3FA6] =	sst s1  }
0xa: {  	[smem:$0x3FA7] =	sst s2  }
0xb: {  	[smem:$0x3FA8] =	sst s3  }
0xc: {  	[smem:$0x3FA9] =	sst s4  }
0xd: {  	[smem:$0x3FAA] =	sst s5  }
0xe: {  	[smem:$0x3FAB] =	sst s6  }
0xf: {  	[smem:$0x3FAC] =	sst s7  }
0x10: {  	[smem:$0x3FAD] =	sst s8  }
0x11: {  	[smem:$0x3FAE] =	sst s9;
	s0 =	simm.s32 @!p0 $0x0  }
0x12: {  	s1 =	sld [smem:$0x3F94];
	s0 =	simm.s32 @p0 $0x1  }
0x13: {  	[smem:$0x3FAF] =	sst s0;
	s0 =	simm.s32 @!p1 $0x0  }
0x14: {  	s2 =	sld [smem:$0x3F93];
	s0 =	simm.s32 @p1 $0x1  }
0x15: {  	[smem:$0x3FB0] =	sst s0;
	s0 =	simm.s32 @!p2 $0x0  }
0x16: {  	s3 =	sld [smem:$0x3FDB];
	s0 =	simm.s32 @p2 $0x1  }
0x17: {  	s4 =	simm.s32 $0x1BF5;
	[smem:$0x3FB2] =	sst s0  }
0x18: {  	s0 =	sld [smem:$0x3F95];
	_ =	swait.ge [sflag:s4], $0x0  }
0x19: {  	s7 =	sld [smem:$0x3F96]  }
0x1a: {  	s8 =	sadd.s32 $0xFFFFE003, lr  }
0x1b: {  	s9 =	sadd.s32 $0xFFFFFEF7, lr;
	s5 =	simm.s32 $0xFFFFFFFF;
	p2 =	slt.u32 s8, $0xFFFFF086  }
0x1c: {  	p1 =	slt.u32 s9, $0xF7A;
	s5 =	simm.s32 @!p2 $0x0  }
0x1d: {  	s5 =	simm.s32 @p1 $0x1;
	p0 =	seq.s32 s7, s2  }
0x1e: {  	s7 =	smul.u32 @!p0 $0xF7A, s2;
	p2 =	seq.s32 @!p0 s5, $0x0  }
0x1f: {  	s9 =	smul.u32 $0xF7A, s1;
	s8 =	simm.s32 @!p0 $0x1BF5;
	p2 =	por !p2, p0  }
0x20: {  	[sflag:s8] =	ssyncset.s32 @!p0 $0xFFFFF086;
	s6 =	sadd.s32 @!p0 s3, s7;
	s7 =	simm.s32 @!p0 $0x108  }
0x21: {  	s3 =	sadd.s32 s3, s9;
	s6 =	sadd.s32 @!p0 $0x88, s6;
	s7 =	simm.s32 @p2 $0x1082  }
0x22: {  	[simem:s7], [sflag:s8] =	dma.local @!p0 [hbm:s6], $0xF7A  }
0x23: {  	s9 =	sor.u32 $0xD0000000, s2;
	s6 =	simm.s32 $0x108;
	_ =	swait.ge @!p0 [sflag:s8], $0x0  }
0x24: {  	s3 =	sadd.s32 $0x88, s3;
	s6 =	simm.s32 @!p1 $0x1082;
	[sflag:s4] =	ssyncset.s32 $0xFFFFF086  }
0x25: {  	[simem:s6], [sflag:s4] =	dma.local [hbm:s3], $0xF7A  }
0x26: {  	[smem:$0x3F96] =	sst s1;
	(tag) =	ssettag s2;
	_ =	strace s9  }
0x27: {  	s1 =	sld [smem:$0x3FA6]  }
0x28: {  	s2 =	sld [smem:$0x3FA7]  }
0x29: {  	s4 =	sld [smem:$0x3FA9]  }
0x2a: {  	p0 =	seq.s32 s5, $0x0;
	s5 =	sld [smem:$0x3FAA]  }
0x2b: {  	s6 =	sld [smem:$0x3FAB]  }
0x2c: {  	s7 =	sld [smem:$0x3FAC]  }
0x2d: {  	s3 =	simm.s32 $0x108;
	s8 =	sld [smem:$0x3FAD]  }
0x2e: {  	s3 =	simm.s32 @!p0 $0x1082;
	s9 =	sld [smem:$0x3FAE]  }
0x2f: {  	lr =	sadd.s32 s0, s3;
	s0 =	sld [smem:$0x3FA5]  }
0x30: {  	s3 =	sld [smem:$0x3FA8]  }
0x31: {  	[smem:$0x3FB1] =	sst s10  }
0x32: {  	s10 =	sld [smem:$0x3FAF];
	_ =	sdelay $0x3  }
0x33: {  	p0 =	seq.s32 s10, $0x1;
	s10 =	sld [smem:$0x3FB1];
	_ =	sdelay $0x3  }
0x34: {  	[smem:$0x3FB1] =	sst s10  }
0x35: {  	s10 =	sld [smem:$0x3FB0];
	_ =	sdelay $0x3  }
0x36: {  	p1 =	seq.s32 s10, $0x1;
	s10 =	sld [smem:$0x3FB1];
	_ =	sdelay $0x3  }
0x37: {  	[smem:$0x3FB1] =	sst s10  }
0x38: {  	s10 =	sld [smem:$0x3FB2]  }
0x39: {  	_ = 	snop;
	(pc) =	sbr.ind lr, $3  }
0x3a: {  	_ = 	snop  }
0x3b: {  	_ = 	snop  }
0x3c: {  	p2 =	seq.s32 s10, $0x1;
	s10 =	sld [smem:$0x3FB1]  }
0x3d: {  	_ =	shalt  }
0x3e: {  	_ =	shalt  }
0x3f: {  	_ =	shalt  }
0x40: {  	_ =	shalt  }
0x41: {  	_ =	shalt  }
0x42: {  	_ =	shalt  }
0x43: {  	_ =	shalt  }
0x44: {  	_ =	shalt  }
0x45: {  	_ =	shalt  }
0x46: {  	_ =	shalt  }
0x47: {  	_ =	shalt  }
0x48: {  	_ =	shalt  }
0x49: {  	_ =	shalt  }
0x4a: {  	_ =	shalt  }
0x4b: {  	_ =	shalt  }
0x4c: {  	_ =	shalt  }
0x4d: {  	_ =	shalt  }
0x4e: {  	_ =	shalt  }
0x4f: {  	_ =	shalt  }
0x50: {  	_ =	shalt  }
0x51: {  	_ =	shalt  }
0x52: {  	_ =	shalt  }
0x53: {  	_ =	shalt  }
0x54: {  	_ =	shalt  }
0x55: {  	_ =	shalt  }
0x56: {  	_ =	shalt  }
0x57: {  	_ =	shalt  }
0x58: {  	_ =	shalt  }
0x59: {  	_ =	shalt  }
0x5a: {  	_ =	shalt  }
0x5b: {  	_ =	shalt  }
0x5c: {  	_ =	shalt  }
0x5d: {  	_ =	shalt  }
0x5e: {  	_ =	shalt  }
0x5f: {  	_ =	shalt  }
0x60: {  	_ =	shalt  }
0x61: {  	_ =	shalt  }
0x62: {  	_ =	shalt  }
0x63: {  	_ =	shalt  }
0x64: {  	_ =	shalt  }
0x65: {  	_ =	shalt  }
0x66: {  	_ =	shalt  }
0x67: {  	_ =	shalt  }
0x68: {  	_ =	shalt  }
0x69: {  	_ =	shalt  }
0x6a: {  	_ =	shalt  }
0x6b: {  	_ =	shalt  }
0x6c: {  	_ =	shalt  }
0x6d: {  	_ =	shalt  }
0x6e: {  	_ =	shalt  }
0x6f: {  	_ =	shalt  }
0x70: {  	_ =	shalt  }
0x71: {  	_ =	shalt  }
0x72: {  	_ =	shalt  }
0x73: {  	_ =	shalt  }
0x74: {  	_ =	shalt  }
0x75: {  	_ =	shalt  }
0x76: {  	_ =	shalt  }
0x77: {  	_ =	shalt  }
0x78: {  	_ =	shalt  }
0x79: {  	_ =	shalt  }
0x7a: {  	_ =	shalt  }
0x7b: {  	_ =	shalt  }
0x7c: {  	_ =	shalt  }
0x7d: {  	_ =	shalt  }
0x7e: {  	_ =	shalt  }
0x7f: {  	_ =	shalt  }
0x80: {  	_ =	shalt  }
0x81: {  	_ =	shalt  }
0x82: {  	_ =	shalt  }
0x83: {  	_ =	shalt  }
0x84: {  	_ =	shalt  }
0x85: {  	_ =	shalt  }
0x86: {  	_ =	shalt  }
0x87: {  	_ =	shalt  }
.Lfunc_end0:
.L_simem_size_0:
called_computation.3_lowered:
.L_overlay_start_0:
0x88: {  	s2 =	sld [smem:$0x3FD9]  }
0x89: {  	s3 =	sld [smem:$0x3FFE];
	_ =	sdelay $0x1  }
0x8a: {  	s1 =	srdreg.scid  }
0x8b: {  	s0 =	sand.u32 $0x1, s1  }
0x8c: {  	s17 =	sshll.u32 s0, $0xA;
	s2 =	sadd.s32 s3, s2  }
0x8d: {  	s2 =	sadd.s32 s2, s17  }
0x8e: {  	[smem:$0x3FBD] =	sst s2  }
0x8f: {  	_ = 	snop  }
0x90: {  	s2 =	sld [smem:$0x3FC0]  }
0x91: {  	s18 =	sld [smem:$0x3FD0];
	(tm) =	ssettm $0x1  }
0x92: {  	s4 =	sld [smem:$0x3FFB];
	_ =	sdelay $0x3  }
0x93: {  	_ =	strace s4  }
0x94: {  	s4 =	sld [smem:$0x3FFC];
	_ =	sdelay $0x3  }
0x95: {  	_ =	strace s4  }
0x96: {  	s4 =	sld [smem:$0x3FFD];
	_ =	sdelay $0x3  }
0x97: {  	_ =	strace s4  }
0x98: {  	_ =	strace $0x8FFFFFFF  }
0x99: {  	s19 =	sld [smem:$0x3FDB];
	_ =	sdelay $0x1  }
0x9a: {  	s5 =	simm.s32 $_scs_section_size  }
0x9b: {  	s6 =	simm.s32 $_size__tile_overlayer_lowered;
	s7 =	simm.s32 $_tile_overlayer_lowered  }
0x9c: {  	s22 =	simm.s32 $0x1BFF;
	s21 =	sshll.u32 s7, $0x1;
	s4 =	sadd.s32 s5, s19  }
0x9d: {  	s8 =	simm.s32 $0x0;
	s20 =	sshll.u32 s6, $0x1;
	s6 =	sadd.s32 s21, s4  }
0x9e: {  	[timem:s8], [sflag:s22] =	dma.local [hbm:s6], s20  }
0x9f: {  	_ =	swait.ge [sflag:s22], s20  }
0xa0: {  	s5 =	ssub.s32 $0x0, s20;
	[sflag:s22] =	ssyncset.done $0x0  }
0xa1: {  	[sflag:s22] =	ssyncadd.s32 s5;
	_ =	sdelay $0x1  }
0xa2: {  	s23 =	simm.s32 $0x1B8B  }
0xa3: {  	_ =	swait.ge [sflag:s23], $0x1  }
0xa4: {  	[sflag:s23] =	ssyncset.done $0x0  }
0xa5: {  	s25 =	simm.s32 $0x1B8E;
	s24 =	sld [smem:$0x3FFE];
	[sflag:s23] =	ssyncadd.s32 $0xFFFFFFFF  }
0xa6: {  	s26 =	simm.s32 $execute0_lowered;
	[smem:$0x3FD2] =	sst s25  }
0xa7: {  	s6 =	sshll.u32 s26, $0x1;
	_ =	strace $0x8000004F;
	[dreg:$0x1] =	wrdreg $0xFFFFFFFF  }
0xa8: {  	s28 =	simm.s32 $_size_execute0_lowered;
	s4 =	sadd.s32 s4, s6;
	[dreg:$0x0] =	wrdreg $0x0  }
0xa9: {  	s6 =	sshll.u32 s28, $0x1;
	[dreg:$0x2] =	wrdreg s4  }
0xaa: {  	[dreg:$0x3] =	wrdreg s6  }
0xab: {  	[dreg:$0x4] =	wrdreg $0xC0  }
0xac: {  	_ =	task [dreg:s8], $0x5FFFF  }
0xad: {  	[dreg:$0x1] =	wrdreg $0xFFFFFFFF  }
0xae: {  	[dreg:$0x0] =	wrdreg $0x60  }
0xaf: {  	[dreg:$0x2] =	wrdreg s24  }
0xb0: {  	[dreg:$0x3] =	wrdreg s2  }
0xb1: {  	[dreg:$0x4] =	wrdreg s18  }
0xb2: {  	[dreg:$0x5] =	wrdreg $0x9  }
0xb3: {  	_ =	task.clear_ibuf [dreg:s8], $0x6FFFF;
	_ =	strace $0x9000004F  }
0xb4: {  	s29 =	simm.s32 $0x9;
	_ =	strace $0x80000051  }
0xb5: {  	_ =	swait.ge [sflag:s29], $0x1  }
0xb6: {  	[sflag:s29] =	ssyncadd.s32 $0xFFFFFFFF  }
0xb7: {  	_ =	strace $0x90000051  }
0xb8: {  	_ =	sfence  }
0xb9: {  	s30 =	sld [smem:$0x0];
	_ =	sdelay $0x2  }
0xba: {  	s31 =	sshll.u32 s1, $0xD;
	s1 =	sshrl.u32 s1, $0x2  }
0xbb: {  	s3 =	sand.u32 $0x4000, s31;
	s1 =	sadd.s32 s1, s30  }
0xbc: {  	s0 =	sor.u32 s3, s0;
	s1 =	sshll.u32 s1, $0x11  }
0xbd: {  	s0 =	sor.u32 s1, s0  }
0xbe: {  	s0 =	sadd.s32 $0x8F2B, s0  }
0xbf: {  	[sflag:s0] =	ssyncadd.remote.s32 $0x1  }
0xc0: {  	_ =	sfence.sel $0xFFFF  }
0xc1: {  	[dreg:$0x0] =	wrdreg $0xFFFFFFFF;
	(pc) =	sbr.abs _section_cstart, $3  }
0xc2: {  	[dreg:$0x1] =	wrdreg $0xFFFFFFFF  }
0xc3: {  	_ =	task.clear_ibuf [dreg:s8], $0x2FFFF;
	_ =	strace $0x9FFFFFFF  }
0xc4: {  	(tm) =	ssettm $0x7FFFFFFF  }
0xc5: {  	_ =	shalt  }
tec
execute0_lowered:
.L_overlay_start_1:
0x0: {  	(tag) =	ssettag $0x1  }
0x1: {  	s0 =	rddreg [dreg:$0x0];
	s1 =	srdreg.scid  }
0x2: {  	s3 =	rddreg [dreg:$0x2];
	s2 =	stileid.u32  }
0x3: {  	s4 =	simm.s32 $0x0;
	s11 =	simm.s32 $0x7;
	s12 =	simm.s32 $0x3F00  }
0x4: {  	s13 =	simm.s32 $0x13E00;
	s14 =	simm.s32 $0x13E80;
	s15 =	simm.s32 $0x80  }
0x5: {  	s16 =	simm.s32 $0x7E00;
	s17 =	simm.s32 $0xBE00;
	s18 =	simm.s32 $0x1  }
0x6: {  	s19 =	simm.s32 $0xFE00;
	s20 =	simm.s32 $0x2;
	s21 =	simm.s32 $0x4  }
0x7: {  	s22 =	simm.s32 $0x3;
	s23 =	simm.s32 $0x5;
	s1 =	sand.u32 $0x1, s1  }
0x8: {  	v0 =	vlaneseq.u32;
	s24 =	simm.s32 $0x6;
	s25 =	simm.s32 $0x13E90;
	s5 =	sshll.u32 s1, $0x4  }
0x9: {  	s26 =	simm.s32 $0x0;
	v0 =	vmul.u32 $0x80, v0;
	s1 =	ssub.s32 $0x2, s1;
	s5 =	sor.u32 s2, s5  }
0xa: {  	[smem:$0x7FF] =	sst s4;
	s31 =	sshrl.u32 s1, $0x1;
	s7 =	smul.u32 $0x7E0, s5  }
0xb: {  	s6 =	sadd.s32 $0x6D200, s0;
	_ =	strace $0x80000050;
	v1 =	vor.u32 $0x800, v0;
	s1 =	ssub.s32 s1, s31  }
0xc: {  	v2 =	vor.u32 $0x1000, v0;
	v3 =	vor.u32 $0x1800, v0;
	v4 =	vor.u32 $0x2000, v0;
	s5 =	sadd.s32 $0xCA00, s0;
	s10 =	smax.u32 s1, $0x1;
	s0 =	sadd.s32 s7, s0  }
0xd: {  	v5 =	vor.u32 $0x2800, v0;
	v6 =	vor.u32 $0x3000, v0;
	v7 =	vor.u32 $0x3800, v0;
	s7 =	sadd.s32 $0x5D600, s0;
	s8 =	sadd.s32 $0x4DA00, s0;
	s9 =	sadd.s32 $0x34A00, s0  }
.LBB2_1:
0xe: {  	[tilespmem:s4], [sflag:$0x7] =	stream.linear.gather [hbm4b:s7+s4], $0x3F00, $0x38;
	[tilespmem:$0x17D90] =	vst v63  }
0xf: {  	_ =	swait.ge [sflag:s11], $0x3F00  }
0x10: {  	[sflag:s11] =	ssyncset.done $0x0  }
0x11: {  	[sflag:s11] =	ssyncadd.s32 $0xFFFFC100  }
0x12: {  	[tilespmem:s12], [sflag:$0x7] =	stream.linear.gather [hbm4b:s8+s4], $0x3F00, $0x38;
	[tilespmem:$0x17D90] =	vst v63  }
0x13: {  	_ =	swait.ge [sflag:s11], $0x3F00  }
0x14: {  	[sflag:s11] =	ssyncset.done $0x0  }
0x15: {  	[sflag:s11] =	ssyncadd.s32 $0xFFFFC100  }
0x16: {  	s0 =	rddreg [dreg:$0x1]  }
0x17: {  	[tilespmem:s13], [sflag:$0x7] =	stream.linear.gather [hbm4b:s0+s4], $0x80, $0x38;
	[tilespmem:$0x17D90] =	vst v63  }
0x18: {  	_ =	swait.ge [sflag:s11], $0x80  }
0x19: {  	[sflag:s11] =	ssyncset.done $0x0  }
0x1a: {  	[sflag:s11] =	ssyncadd.s32 $0xFFFFFF80  }
0x1b: {  	[tilespmem:s14], [sflag:$0x7] =	stream.linear.gather [hbm4b:s3+s4], $0x10, $0x38;
	[tilespmem:$0x17D90] =	vst v63  }
0x1c: {  	_ =	swait.ge [sflag:s11], $0x10  }
0x1d: {  	[sflag:s11] =	ssyncset.done $0x0  }
0x1e: {  	[sflag:s11] =	ssyncadd.s32 $0xFFFFFFF0  }
0x1f: {  	v8 =	vld [tilespmem:$0x13E80];
	[tilespmem:s16], [sflag:$0x1] =	stream.indirect.gather [hbm4b:s5+s15], $0x80, s4, s15, $0xb8  }
0x20: {  	_ = 	snop  }
0x21: {  	[tilespmem:s17], [sflag:$0x2] =	stream.indirect.gather [hbm4b:s5+s15], $0x80, s15, s15, $0xb8;
	[tilespmem:$0x17D90] =	vst v63  }
0x22: {  	_ =	swait.ge [sflag:s18], $0x4000  }
0x23: {  	[sflag:s18] =	ssyncset.done $0x0  }
0x24: {  	s28 =	simm.s32 $0x0;
	[sflag:s18] =	ssyncadd.s32 $0xFFFFC000  }
0x25: {  	[tilespmem:s16], [sflag:$0x4] =	stream.indirect.gather.add.f32 [hbm:s6], $0x80, s12, s15, $0xb8;
	[tilespmem:$0x17D90] =	vst v63  }
.LBB2_2:
0x26: {  	s30 =	smul.u32 $0x600, s28;
	_ =	sdelay $0x1  }
0x27: {  	s0 =	sadd.s32 $0x400, s30  }
0x28: {  	s2 =	simm.s32 $0x0;
	s29 =	sshra.s32 s0, $0x2  }
0x29: {  	[tilespmem:s19], [sflag:$0x3] =	stream.indirect.gather [hbm4b:s5+s15], $0x80, s29, s15, $0xb8;
	[tilespmem:$0x17D90] =	vst v63  }
0x2a: {  	v9 =	vmov s2;
	s1 =	sadd.s32 $0x200, s30;
	_ =	swait.ge [sflag:s20], $0x4000  }
0x2b: {  	v12 =	vand.u32 $0x7F, v9;
	s31 =	sshra.s32 s1, $0x2;
	[sflag:s20] =	ssyncset.done $0x0  }
0x2c: {  	v10 =	vor.u32 v7, v12;
	s1 =	sadd.s32 $0x3F00, s31;
	[sflag:s20] =	ssyncadd.s32 $0xFFFFC000  }
0x2d: {  	[tilespmem:s17], [sflag:$0x5] =	stream.indirect.gather.add.f32 [hbm:s6], $0x80, s1, s15, $0xb8;
	[tilespmem:$0x17D90] =	vst v63  }
0x2e: {  	v13 =	vor.u32 v0, v12;
	_ =	swait.ge [sflag:s21], $0x4000  }
0x2f: {  	v14 =	vor.u32 v1, v12;
	[sflag:s21] =	ssyncset.done $0x0  }
0x30: {  	v16 =	vor.u32 v2, v12;
	[sflag:s21] =	ssyncadd.s32 $0xFFFFC000  }
0x31: {  	v21 =	vor.u32 v3, v12;
	v11 =	vld.idx.msk [tilespmem:v10+s16+$0x0], $0xffff  }
0x32: {  	v17 =	vor.u32 v4, v12;
	v10 =	vld.idx.msk [tilespmem:v9+s13+$0x0], $0xffff  }
0x33: {  	v22 =	vimm.f32 $0.0e+00;
	v15 =	vor.u32 v5, v12;
	v25 =	vld.idx.msk [tilespmem:v13+s16+$0x0], $0xffff  }
0x34: {  	v20 =	vimm.f32 $0.0e+00;
	v19 =	vimm.f32 $0.0e+00;
	s2 =	simm.s32 $0x1;
	v13 =	vor.u32 v6, v12;
	v24 =	vld.idx.msk [tilespmem:v14+s16+$0x0], $0xffff  }
0x35: {  	v18 =	vimm.f32 $0.0e+00;
	v26 =	vmov s2;
	v9 =	vimm.f32 $0.0e+00;
	v23 =	vld.idx.msk [tilespmem:v16+s16+$0x0], $0xffff  }
0x36: {  	s0 =	smul.u32 $0x3, s28;
	s1 =	simm.s32 $0x2;
	v21 =	vld.idx.msk [tilespmem:v21+s16+$0x0], $0xffff;
	v16 =	vimm.f32 $0.0e+00;
	v14 =	vimm.f32 $0.0e+00;
	v12 =	vimm.f32 $0.0e+00  }
.LBB2_3:
0x37: {  	p0 =	sne.s32 s1, $0x7F;
	v27 =	vand.u32 $0x7F, v26;
	v28 =	vld.idx.msk [tilespmem:v17+s16+$0x0], $0xffff;
	v11 =	vmax.f32 v11, $0.0e+00  }
0x38: {  	v29 =	vor.u32 v0, v27;
	v30 =	vor.u32 v7, v27;
	v31 =	vld.idx.msk [tilespmem:v15+s16+$0x0], $0xffff;
	v11 =	vmul.f32 v11, v10  }
0x39: {  	v32 =	vor.u32 v1, v27;
	v33 =	vor.u32 v2, v27;
	v34 =	vor.u32 v3, v27;
	v35 =	vld.idx.msk [tilespmem:v13+s16+$0x0], $0xffff  }
0x3a: {  	v36 =	vmovc v10;
	v17 =	vor.u32 v4, v27;
	v15 =	vor.u32 v5, v27;
	v9 =	vadd.f32 v11, v9  }
0x3b: {  	v10 =	vmax.f32 v25, $0.0e+00;
	v13 =	vor.u32 v6, v27;
	v24 =	vmax.f32 v24, $0.0e+00  }
0x3c: {  	v27 =	vmul.f32 v10, v36;
	v10 =	vmax.f32 v23, $0.0e+00;
	v21 =	vmax.f32 v21, $0.0e+00  }
0x3d: {  	v23 =	vmul.f32 v24, v36;
	v24 =	vmax.f32 v28, $0.0e+00;
	v11 =	vld.idx.msk [tilespmem:v30+s16+$0x0], $0xffff;
	v30 =	vmul.f32 v10, v36  }
.Ltmp0:
0x3e: {  	v21 =	vmul.f32 v21, v36;
	v10 =	vld.idx.msk [tilespmem:v26+s13+$0x0], $0xffff;
	v26 =	vmul.f32 v24, v36;
	v24 =	vmax.f32 v31, $0.0e+00;
	(pc) =	sbr.rel @p0 .LBB2_3-.Ltmp0, $4  }
0x3f: {  	v22 =	vadd.f32 v27, v22;
	v28 =	vmax.f32 v35, $0.0e+00;
	v25 =	vld.idx.msk [tilespmem:v29+s16+$0x0], $0xffff;
	v27 =	vmul.f32 v24, v36  }
0x40: {  	v20 =	vadd.f32 v23, v20;
	v19 =	vadd.f32 v30, v19;
	v28 =	vmul.f32 v28, v36;
	v24 =	vld.idx.msk [tilespmem:v32+s16+$0x0], $0xffff  }
0x41: {  	v18 =	vadd.f32 v21, v18;
	v16 =	vadd.f32 v26, v16;
	v23 =	vld.idx.msk [tilespmem:v33+s16+$0x0], $0xffff  }
0x42: {  	v26 =	vmov s1;
	s1 =	sadd.s32 $0x1, s1;
	v14 =	vadd.f32 v27, v14;
	v12 =	vadd.f32 v28, v12;
	v21 =	vld.idx.msk [tilespmem:v34+s16+$0x0], $0xffff  }
0x43: {  	v27 =	vand.u32 $0x7F, v26  }
0x44: {  	v28 =	vor.u32 v0, v27;
	_ =	sdelay $0x4  }
0x45: {  	v28 =	vld.idx.msk [tilespmem:v28+s16+$0x0], $0xffff  }
0x46: {  	v26 =	vld.idx.msk [tilespmem:v26+s13+$0x0], $0xffff;
	_ =	sdelay $0x1  }
0x47: {  	v25 =	vmax.f32 v25, $0.0e+00  }
0x48: {  	v25 =	vmul.f32 v25, v10  }
0x49: {  	v28 =	vmax.f32 v28, $0.0e+00  }
0x4a: {  	v22 =	vadd.f32 v25, v22;
	v25 =	vmul.f32 v28, v26;
	_ =	sdelay $0x1  }
0x4b: {  	v63 =	vor.u32 v1, v27;
	v22 =	vadd.f32 v25, v22;
	_ =	sdelay $0x1  }
0x4c: {  	v22 =	vadd.f32 v22, v8;
	_ =	sdelay $0x1  }
0x4d: {  	v22 =	vsub.f32 $0.0e+00, v22  }
0x4e: {  	v25 =	vld.idx.msk [tilespmem:v63+s16+$0x0], $0xffff  }
0x4f: {  	v22 =	vmul.f32 $1.442695020e+00, v22;
	_ =	sdelay $0x1  }
0x50: {  	v24 =	vmax.f32 v24, $0.0e+00;
	(erf) = vpow2.f32 v22  }
0x51: {  	v22 =	vmul.f32 v24, v10  }
0x52: {  	v24 =	vmax.f32 v25, $0.0e+00  }
0x53: {  	v20 =	vadd.f32 v22, v20;
	v22 =	vmul.f32 v24, v26;
	_ =	sdelay $0x1  }
0x54: {  	v24 =	vor.u32 v2, v27;
	v20 =	vadd.f32 v22, v20;
	_ =	sdelay $0x1  }
0x55: {  	v20 =	vadd.f32 v20, v8;
	_ =	sdelay $0x1  }
0x56: {  	v20 =	vsub.f32 $0.0e+00, v20;
	v22 =	vpop (erf)  }
0x57: {  	v24 =	vld.idx.msk [tilespmem:v24+s16+$0x0], $0xffff;
	v22 =	vadd.f32 $1.000000000e+00, v22  }
0x58: {  	v20 =	vmul.f32 $1.442695020e+00, v20  }
0x59: {  	(erf) = vrcp.f32 v22  }
0x5a: {  	v22 =	vmax.f32 v23, $0.0e+00;
	(erf) = vpow2.f32 v20  }
0x5b: {  	v20 =	vmul.f32 v22, v10  }
0x5c: {  	v22 =	vmax.f32 v24, $0.0e+00  }
0x5d: {  	v19 =	vadd.f32 v20, v19;
	v20 =	vmul.f32 v22, v26;
	_ =	sdelay $0x1  }
0x5e: {  	v22 =	vor.u32 v3, v27;
	v19 =	vadd.f32 v20, v19;
	_ =	sdelay $0x1  }
0x5f: {  	v19 =	vadd.f32 v19, v8  }
0x60: {  	v20 =	vpop (erf)  }
0x61: {  	v19 =	vsub.f32 $0.0e+00, v19;
	v23 =	vpop (erf)  }
0x62: {  	v22 =	vld.idx.msk [tilespmem:v22+s16+$0x0], $0xffff;
	v23 =	vadd.f32 $1.000000000e+00, v23  }
0x63: {  	v19 =	vmul.f32 $1.442695020e+00, v19  }
0x64: {  	(erf) = vrcp.f32 v23  }
0x65: {  	v21 =	vmax.f32 v21, $0.0e+00;
	(erf) = vpow2.f32 v19  }
0x66: {  	v19 =	vmul.f32 v21, v10  }
0x67: {  	v21 =	vmax.f32 v22, $0.0e+00  }
0x68: {  	v18 =	vadd.f32 v19, v18;
	v19 =	vmul.f32 v21, v26;
	_ =	sdelay $0x1  }
0x69: {  	v21 =	vor.u32 v4, v27;
	v18 =	vadd.f32 v19, v18;
	_ =	sdelay $0x1  }
0x6a: {  	v18 =	vadd.f32 v18, v8  }
0x6b: {  	v17 =	vld.idx.msk [tilespmem:v17+s16+$0x0], $0xffff;
	v19 =	vpop (erf)  }
0x6c: {  	v18 =	vsub.f32 $0.0e+00, v18;
	v22 =	vpop (erf)  }
0x6d: {  	v21 =	vld.idx.msk [tilespmem:v21+s16+$0x0], $0xffff;
	v22 =	vadd.f32 $1.000000000e+00, v22  }
0x6e: {  	v18 =	vmul.f32 $1.442695020e+00, v18  }
0x6f: {  	(erf) = vrcp.f32 v22  }
0x70: {  	v17 =	vmax.f32 v17, $0.0e+00;
	(erf) = vpow2.f32 v18  }
0x71: {  	v17 =	vmul.f32 v17, v10  }
0x72: {  	v18 =	vmax.f32 v21, $0.0e+00  }
0x73: {  	v16 =	vadd.f32 v17, v16;
	v17 =	vmul.f32 v18, v26;
	_ =	sdelay $0x1  }
0x74: {  	v18 =	vor.u32 v5, v27;
	v16 =	vadd.f32 v17, v16;
	_ =	sdelay $0x1  }
0x75: {  	v16 =	vadd.f32 v16, v8  }
0x76: {  	v15 =	vld.idx.msk [tilespmem:v15+s16+$0x0], $0xffff;
	v17 =	vpop (erf)  }
0x77: {  	v16 =	vsub.f32 $0.0e+00, v16;
	v21 =	vpop (erf)  }
0x78: {  	v18 =	vld.idx.msk [tilespmem:v18+s16+$0x0], $0xffff;
	v21 =	vadd.f32 $1.000000000e+00, v21  }
0x79: {  	v16 =	vmul.f32 $1.442695020e+00, v16  }
0x7a: {  	(erf) = vrcp.f32 v21  }
0x7b: {  	v15 =	vmax.f32 v15, $0.0e+00;
	(erf) = vpow2.f32 v16  }
0x7c: {  	v15 =	vmul.f32 v15, v10  }
0x7d: {  	v16 =	vmax.f32 v18, $0.0e+00  }
0x7e: {  	v14 =	vadd.f32 v15, v14;
	v15 =	vmul.f32 v16, v26;
	_ =	sdelay $0x1  }
0x7f: {  	v16 =	vor.u32 v6, v27;
	v14 =	vadd.f32 v15, v14;
	_ =	sdelay $0x1  }
0x80: {  	v14 =	vadd.f32 v14, v8  }
0x81: {  	v13 =	vld.idx.msk [tilespmem:v13+s16+$0x0], $0xffff;
	v15 =	vpop (erf)  }
0x82: {  	v14 =	vsub.f32 $0.0e+00, v14;
	v18 =	vpop (erf)  }
0x83: {  	v16 =	vld.idx.msk [tilespmem:v16+s16+$0x0], $0xffff;
	v18 =	vadd.f32 $1.000000000e+00, v18  }
0x84: {  	v14 =	vmul.f32 $1.442695020e+00, v14  }
0x85: {  	(erf) = vrcp.f32 v18  }
0x86: {  	v13 =	vmax.f32 v13, $0.0e+00;
	(erf) = vpow2.f32 v14  }
0x87: {  	v13 =	vmul.f32 v13, v10  }
0x88: {  	v14 =	vmax.f32 v16, $0.0e+00  }
0x89: {  	v12 =	vadd.f32 v13, v12;
	v13 =	vmul.f32 v14, v26;
	_ =	sdelay $0x1  }
0x8a: {  	v14 =	vor.u32 v7, v27;
	v12 =	vadd.f32 v13, v12;
	_ =	sdelay $0x1  }
0x8b: {  	v12 =	vadd.f32 v12, v8  }
0x8c: {  	v13 =	vpop (erf)  }
0x8d: {  	v12 =	vsub.f32 $0.0e+00, v12;
	v16 =	vpop (erf)  }
0x8e: {  	v14 =	vld.idx.msk [tilespmem:v14+s16+$0x0], $0xffff;
	v16 =	vadd.f32 $1.000000000e+00, v16  }
0x8f: {  	v12 =	vmul.f32 $1.442695020e+00, v12  }
0x90: {  	(erf) = vrcp.f32 v16  }
0x91: {  	v11 =	vmax.f32 v11, $0.0e+00;
	(erf) = vpow2.f32 v12  }
0x92: {  	v10 =	vmul.f32 v11, v10  }
0x93: {  	v11 =	vmax.f32 v14, $0.0e+00  }
0x94: {  	v9 =	vadd.f32 v10, v9;
	v10 =	vmul.f32 v11, v26;
	_ =	sdelay $0x1  }
0x95: {  	v9 =	vadd.f32 v10, v9;
	_ =	sdelay $0x1  }
0x96: {  	v9 =	vadd.f32 v9, v8  }
0x97: {  	v10 =	vpop (erf)  }
0x98: {  	v9 =	vsub.f32 $0.0e+00, v9;
	v11 =	vpop (erf)  }
0x99: {  	v11 =	vadd.f32 $1.000000000e+00, v11  }
0x9a: {  	v9 =	vmul.f32 $1.442695020e+00, v9  }
0x9b: {  	(erf) = vrcp.f32 v11  }
0x9c: {  	(erf) = vpow2.f32 v9;
	_ =	sdelay $0x7  }
0x9d: {  	v9 =	vpop (erf)  }
0x9e: {  	v11 =	vpop (erf)  }
0x9f: {  	v11 =	vadd.f32 $1.000000000e+00, v11;
	_ =	sdelay $0x1  }
0xa0: {  	(erf) = vrcp.f32 v11;
	_ =	sdelay $0x1  }
0xa1: {  	s1 =	sshra.s32 s30, $0x2  }
0xa2: {  	[tilespmem:s1+$0x13E90] =	vst v20  }
0xa3: {  	[tilespmem:s1+$0x13EA0] =	vst v19  }
0xa4: {  	[tilespmem:s1+$0x13EB0] =	vst v17  }
0xa5: {  	[tilespmem:s1+$0x13EC0] =	vst v15  }
0xa6: {  	[tilespmem:s1+$0x13ED0] =	vst v13  }
0xa7: {  	s0 =	sadd.s32 $0x3, s0;
	p0 =	seq.s32 s28, $0x29;
	[tilespmem:s1+$0x13EE0] =	vst v10  }
0xa8: {  	s0 =	sshll.u32 @!p0 s0, $0x7;
	[tilespmem:s1+$0x13EF0] =	vst v9;
	v9 =	vpop (erf)  }
0xa9: {  	s2 =	simm.s32 @!p0 $0x7E00;
	s0 =	sand.u32 @!p0 $0x3FFFFF80, s0;
	[tilespmem:s1+$0x13F00] =	vst v9;
	s1 =	simm.s32 @!p0 $0x80  }
0xaa: {  	[tilespmem:s2], [sflag:$0x1] =	stream.indirect.gather @!p0 [hbm4b:s5+s1], $0x80, s0, s1, $0xb8;
	[tilespmem:$0x17D90] =	vst v63  }
0xab: {  	s2 =	simm.s32 $0x0  }
0xac: {  	_ =	swait.ge [sflag:s22], $0x4000;
	v9 =	vmov s2  }
0xad: {  	[sflag:s22] =	ssyncset.done $0x0;
	v12 =	vand.u32 $0x7F, v9  }
0xae: {  	s2 =	sadd.s32 $0x3F00, s29;
	[sflag:s22] =	ssyncadd.s32 $0xFFFFC000;
	v10 =	vor.u32 v7, v12  }
0xaf: {  	[tilespmem:s19], [sflag:$0x6] =	stream.indirect.gather.add.f32 [hbm:s6], $0x80, s2, s15, $0xb8;
	[tilespmem:$0x17D90] =	vst v63  }
0xb0: {  	v13 =	vor.u32 v0, v12;
	_ =	swait.ge [sflag:s23], $0x4000  }
0xb1: {  	v14 =	vor.u32 v1, v12;
	[sflag:s23] =	ssyncset.done $0x0  }
0xb2: {  	v16 =	vor.u32 v2, v12;
	[sflag:s23] =	ssyncadd.s32 $0xFFFFC000  }
0xb3: {  	v21 =	vor.u32 v3, v12;
	v11 =	vld.idx.msk [tilespmem:v10+s17+$0x0], $0xffff  }
0xb4: {  	v17 =	vor.u32 v4, v12;
	v10 =	vld.idx.msk [tilespmem:v9+s13+$0x0], $0xffff  }
0xb5: {  	v22 =	vimm.f32 $0.0e+00;
	v15 =	vor.u32 v5, v12;
	v25 =	vld.idx.msk [tilespmem:v13+s17+$0x0], $0xffff  }
0xb6: {  	v18 =	vimm.f32 $0.0e+00;
	v20 =	vimm.f32 $0.0e+00;
	s2 =	simm.s32 $0x1;
	v13 =	vor.u32 v6, v12;
	v24 =	vld.idx.msk [tilespmem:v14+s17+$0x0], $0xffff  }
0xb7: {  	v19 =	vimm.f32 $0.0e+00;
	v26 =	vmov s2;
	v9 =	vimm.f32 $0.0e+00;
	v23 =	vld.idx.msk [tilespmem:v16+s17+$0x0], $0xffff  }
0xb8: {  	s1 =	simm.s32 $0x2;
	v21 =	vld.idx.msk [tilespmem:v21+s17+$0x0], $0xffff;
	v16 =	vimm.f32 $0.0e+00;
	v14 =	vimm.f32 $0.0e+00;
	v12 =	vimm.f32 $0.0e+00  }
.LBB2_5:
0xb9: {  	p1 =	sne.s32 s1, $0x7F;
	v27 =	vand.u32 $0x7F, v26;
	v28 =	vld.idx.msk [tilespmem:v17+s17+$0x0], $0xffff;
	v11 =	vmax.f32 v11, $0.0e+00  }
0xba: {  	v29 =	vor.u32 v0, v27;
	v30 =	vor.u32 v7, v27;
	v31 =	vld.idx.msk [tilespmem:v15+s17+$0x0], $0xffff;
	v11 =	vmul.f32 v11, v10  }
0xbb: {  	v32 =	vor.u32 v1, v27;
	v33 =	vor.u32 v2, v27;
	v34 =	vor.u32 v3, v27;
	v35 =	vld.idx.msk [tilespmem:v13+s17+$0x0], $0xffff  }
0xbc: {  	v36 =	vmovc v10;
	v17 =	vor.u32 v4, v27;
	v15 =	vor.u32 v5, v27;
	v9 =	vadd.f32 v11, v9  }
0xbd: {  	v10 =	vmax.f32 v25, $0.0e+00;
	v13 =	vor.u32 v6, v27;
	v24 =	vmax.f32 v24, $0.0e+00  }
0xbe: {  	v27 =	vmul.f32 v10, v36;
	v10 =	vmax.f32 v23, $0.0e+00;
	v21 =	vmax.f32 v21, $0.0e+00  }
0xbf: {  	v23 =	vmul.f32 v24, v36;
	v24 =	vmax.f32 v28, $0.0e+00;
	v11 =	vld.idx.msk [tilespmem:v30+s17+$0x0], $0xffff;
	v30 =	vmul.f32 v10, v36  }
.Ltmp1:
0xc0: {  	v21 =	vmul.f32 v21, v36;
	v10 =	vld.idx.msk [tilespmem:v26+s13+$0x0], $0xffff;
	v26 =	vmul.f32 v24, v36;
	v24 =	vmax.f32 v31, $0.0e+00;
	(pc) =	sbr.rel @p1 .LBB2_5-.Ltmp1, $4  }
0xc1: {  	v22 =	vadd.f32 v27, v22;
	v28 =	vmax.f32 v35, $0.0e+00;
	v25 =	vld.idx.msk [tilespmem:v29+s17+$0x0], $0xffff;
	v27 =	vmul.f32 v24, v36  }
0xc2: {  	v20 =	vadd.f32 v23, v20;
	v19 =	vadd.f32 v30, v19;
	v28 =	vmul.f32 v28, v36;
	v24 =	vld.idx.msk [tilespmem:v32+s17+$0x0], $0xffff  }
0xc3: {  	v18 =	vadd.f32 v21, v18;
	v16 =	vadd.f32 v26, v16;
	v23 =	vld.idx.msk [tilespmem:v33+s17+$0x0], $0xffff  }
0xc4: {  	v26 =	vmov s1;
	s1 =	sadd.s32 $0x1, s1;
	v14 =	vadd.f32 v27, v14;
	v12 =	vadd.f32 v28, v12;
	v21 =	vld.idx.msk [tilespmem:v34+s17+$0x0], $0xffff  }
0xc5: {  	v27 =	vand.u32 $0x7F, v26  }
0xc6: {  	v28 =	vor.u32 v0, v27;
	_ =	sdelay $0x4  }
0xc7: {  	v28 =	vld.idx.msk [tilespmem:v28+s17+$0x0], $0xffff  }
0xc8: {  	v26 =	vld.idx.msk [tilespmem:v26+s13+$0x0], $0xffff;
	_ =	sdelay $0x1  }
0xc9: {  	v25 =	vmax.f32 v25, $0.0e+00  }
0xca: {  	v25 =	vmul.f32 v25, v10  }
0xcb: {  	v28 =	vmax.f32 v28, $0.0e+00  }
0xcc: {  	v22 =	vadd.f32 v25, v22;
	v25 =	vmul.f32 v28, v26;
	_ =	sdelay $0x1  }
0xcd: {  	v63 =	vor.u32 v1, v27;
	v22 =	vadd.f32 v25, v22;
	_ =	sdelay $0x1  }
0xce: {  	v22 =	vadd.f32 v22, v8;
	_ =	sdelay $0x1  }
0xcf: {  	v22 =	vsub.f32 $0.0e+00, v22  }
0xd0: {  	v25 =	vld.idx.msk [tilespmem:v63+s17+$0x0], $0xffff  }
0xd1: {  	v22 =	vmul.f32 $1.442695020e+00, v22;
	_ =	sdelay $0x1  }
0xd2: {  	v24 =	vmax.f32 v24, $0.0e+00;
	(erf) = vpow2.f32 v22  }
0xd3: {  	v22 =	vmul.f32 v24, v10  }
0xd4: {  	v24 =	vmax.f32 v25, $0.0e+00  }
0xd5: {  	v20 =	vadd.f32 v22, v20;
	v22 =	vmul.f32 v24, v26;
	_ =	sdelay $0x1  }
0xd6: {  	v24 =	vor.u32 v2, v27;
	v20 =	vadd.f32 v22, v20;
	_ =	sdelay $0x1  }
0xd7: {  	v20 =	vadd.f32 v20, v8;
	_ =	sdelay $0x1  }
0xd8: {  	v20 =	vsub.f32 $0.0e+00, v20;
	v22 =	vpop (erf)  }
0xd9: {  	v24 =	vld.idx.msk [tilespmem:v24+s17+$0x0], $0xffff;
	v22 =	vadd.f32 $1.000000000e+00, v22  }
0xda: {  	v20 =	vmul.f32 $1.442695020e+00, v20  }
0xdb: {  	(erf) = vrcp.f32 v22  }
0xdc: {  	v22 =	vmax.f32 v23, $0.0e+00;
	(erf) = vpow2.f32 v20  }
0xdd: {  	v20 =	vmul.f32 v22, v10  }
0xde: {  	v22 =	vmax.f32 v24, $0.0e+00  }
0xdf: {  	v19 =	vadd.f32 v20, v19;
	v20 =	vmul.f32 v22, v26;
	_ =	sdelay $0x1  }
0xe0: {  	v22 =	vor.u32 v3, v27;
	v19 =	vadd.f32 v20, v19;
	_ =	sdelay $0x1  }
0xe1: {  	v19 =	vadd.f32 v19, v8  }
0xe2: {  	v20 =	vpop (erf)  }
0xe3: {  	v19 =	vsub.f32 $0.0e+00, v19;
	v23 =	vpop (erf)  }
0xe4: {  	v22 =	vld.idx.msk [tilespmem:v22+s17+$0x0], $0xffff;
	v23 =	vadd.f32 $1.000000000e+00, v23  }
0xe5: {  	v19 =	vmul.f32 $1.442695020e+00, v19  }
0xe6: {  	(erf) = vrcp.f32 v23  }
0xe7: {  	v21 =	vmax.f32 v21, $0.0e+00;
	(erf) = vpow2.f32 v19  }
0xe8: {  	v19 =	vmul.f32 v21, v10  }
0xe9: {  	v21 =	vmax.f32 v22, $0.0e+00  }
0xea: {  	v18 =	vadd.f32 v19, v18;
	v19 =	vmul.f32 v21, v26;
	_ =	sdelay $0x1  }
0xeb: {  	v21 =	vor.u32 v4, v27;
	v18 =	vadd.f32 v19, v18;
	_ =	sdelay $0x1  }
0xec: {  	v18 =	vadd.f32 v18, v8  }
0xed: {  	v17 =	vld.idx.msk [tilespmem:v17+s17+$0x0], $0xffff;
	v19 =	vpop (erf)  }
0xee: {  	v18 =	vsub.f32 $0.0e+00, v18;
	v22 =	vpop (erf)  }
0xef: {  	v21 =	vld.idx.msk [tilespmem:v21+s17+$0x0], $0xffff;
	v22 =	vadd.f32 $1.000000000e+00, v22  }
0xf0: {  	v18 =	vmul.f32 $1.442695020e+00, v18  }
0xf1: {  	(erf) = vrcp.f32 v22  }
0xf2: {  	v17 =	vmax.f32 v17, $0.0e+00;
	(erf) = vpow2.f32 v18  }
0xf3: {  	v17 =	vmul.f32 v17, v10  }
0xf4: {  	v18 =	vmax.f32 v21, $0.0e+00  }
0xf5: {  	v16 =	vadd.f32 v17, v16;
	v17 =	vmul.f32 v18, v26;
	_ =	sdelay $0x1  }
0xf6: {  	v18 =	vor.u32 v5, v27;
	v16 =	vadd.f32 v17, v16;
	_ =	sdelay $0x1  }
0xf7: {  	v16 =	vadd.f32 v16, v8  }
0xf8: {  	v15 =	vld.idx.msk [tilespmem:v15+s17+$0x0], $0xffff;
	v17 =	vpop (erf)  }
0xf9: {  	v16 =	vsub.f32 $0.0e+00, v16;
	v21 =	vpop (erf)  }
0xfa: {  	v18 =	vld.idx.msk [tilespmem:v18+s17+$0x0], $0xffff;
	v21 =	vadd.f32 $1.000000000e+00, v21  }
0xfb: {  	v16 =	vmul.f32 $1.442695020e+00, v16  }
0xfc: {  	(erf) = vrcp.f32 v21  }
0xfd: {  	v15 =	vmax.f32 v15, $0.0e+00;
	(erf) = vpow2.f32 v16  }
0xfe: {  	v15 =	vmul.f32 v15, v10  }
0xff: {  	v16 =	vmax.f32 v18, $0.0e+00  }
0x100: {  	v14 =	vadd.f32 v15, v14;
	v15 =	vmul.f32 v16, v26;
	_ =	sdelay $0x1  }
0x101: {  	v16 =	vor.u32 v6, v27;
	v14 =	vadd.f32 v15, v14;
	_ =	sdelay $0x1  }
0x102: {  	v14 =	vadd.f32 v14, v8  }
0x103: {  	v13 =	vld.idx.msk [tilespmem:v13+s17+$0x0], $0xffff;
	v15 =	vpop (erf)  }
0x104: {  	v14 =	vsub.f32 $0.0e+00, v14;
	v18 =	vpop (erf)  }
0x105: {  	v16 =	vld.idx.msk [tilespmem:v16+s17+$0x0], $0xffff;
	v18 =	vadd.f32 $1.000000000e+00, v18  }
0x106: {  	v14 =	vmul.f32 $1.442695020e+00, v14  }
0x107: {  	(erf) = vrcp.f32 v18  }
0x108: {  	v13 =	vmax.f32 v13, $0.0e+00;
	(erf) = vpow2.f32 v14  }
0x109: {  	v13 =	vmul.f32 v13, v10  }
0x10a: {  	v14 =	vmax.f32 v16, $0.0e+00  }
0x10b: {  	v12 =	vadd.f32 v13, v12;
	v13 =	vmul.f32 v14, v26;
	_ =	sdelay $0x1  }
0x10c: {  	v14 =	vor.u32 v7, v27;
	v12 =	vadd.f32 v13, v12;
	_ =	sdelay $0x1  }
0x10d: {  	v12 =	vadd.f32 v12, v8  }
0x10e: {  	v13 =	vpop (erf)  }
0x10f: {  	v12 =	vsub.f32 $0.0e+00, v12;
	v16 =	vpop (erf)  }
0x110: {  	v14 =	vld.idx.msk [tilespmem:v14+s17+$0x0], $0xffff;
	v16 =	vadd.f32 $1.000000000e+00, v16  }
0x111: {  	v12 =	vmul.f32 $1.442695020e+00, v12  }
0x112: {  	(erf) = vrcp.f32 v16  }
0x113: {  	v11 =	vmax.f32 v11, $0.0e+00;
	(erf) = vpow2.f32 v12  }
0x114: {  	v10 =	vmul.f32 v11, v10  }
0x115: {  	v11 =	vmax.f32 v14, $0.0e+00  }
0x116: {  	v9 =	vadd.f32 v10, v9;
	v10 =	vmul.f32 v11, v26;
	_ =	sdelay $0x1  }
0x117: {  	v9 =	vadd.f32 v10, v9;
	_ =	sdelay $0x1  }
0x118: {  	v9 =	vadd.f32 v9, v8  }
0x119: {  	v10 =	vpop (erf)  }
0x11a: {  	v9 =	vsub.f32 $0.0e+00, v9;
	v11 =	vpop (erf)  }
0x11b: {  	v11 =	vadd.f32 $1.000000000e+00, v11  }
0x11c: {  	v9 =	vmul.f32 $1.442695020e+00, v9  }
0x11d: {  	(erf) = vrcp.f32 v11  }
0x11e: {  	(erf) = vpow2.f32 v9;
	_ =	sdelay $0x7  }
0x11f: {  	v9 =	vpop (erf)  }
0x120: {  	v11 =	vpop (erf)  }
0x121: {  	v11 =	vadd.f32 $1.000000000e+00, v11;
	_ =	sdelay $0x1  }
0x122: {  	(erf) = vrcp.f32 v11;
	_ =	sdelay $0x2  }
0x123: {  	[tilespmem:s31+$0x13E90] =	vst v20  }
0x124: {  	[tilespmem:s31+$0x13EA0] =	vst v19  }
0x125: {  	[tilespmem:s31+$0x13EB0] =	vst v17  }
0x126: {  	[tilespmem:s31+$0x13EC0] =	vst v15  }
0x127: {  	[tilespmem:s31+$0x13ED0] =	vst v13  }
0x128: {  	[tilespmem:s31+$0x13EE0] =	vst v10  }
0x129: {  	s1 =	sshra.s32 @!p0 s30, $0x2;
	[tilespmem:s31+$0x13EF0] =	vst v9;
	v9 =	vpop (erf)  }
0x12a: {  	s2 =	simm.s32 @!p0 $0x80;
	s30 =	simm.s32 @!p0 $0xBE00;
	s1 =	sadd.s32 @!p0 $0x200, s1;
	[tilespmem:s31+$0x13F00] =	vst v9  }
0x12b: {  	[tilespmem:s30], [sflag:$0x2] =	stream.indirect.gather @!p0 [hbm4b:s5+s2], $0x80, s1, s2, $0xb8;
	[tilespmem:$0x17D90] =	vst v63  }
0x12c: {  	s31 =	simm.s32 $0x0;
	s1 =	simm.s32 @!p0 $0x1  }
0x12d: {  	v9 =	vmov s31;
	_ =	swait.ge @!p0 [sflag:s1], $0x4000  }
0x12e: {  	v12 =	vand.u32 $0x7F, v9;
	[sflag:s1] =	ssyncset.done @!p0 $0x0  }
0x12f: {  	s0 =	sadd.s32 @!p0 $0x3F00, s0;
	v10 =	vor.u32 v7, v12;
	[sflag:s1] =	ssyncadd.s32 @!p0 $0xFFFFC000;
	s1 =	simm.s32 @!p0 $0x7E00  }
0x130: {  	[tilespmem:s1], [sflag:$0x4] =	stream.indirect.gather.add.f32 @!p0 [hbm:s6], $0x80, s0, s2, $0xb8;
	[tilespmem:$0x17D90] =	vst v63  }
0x131: {  	v13 =	vor.u32 v0, v12;
	_ =	swait.ge [sflag:s24], $0x4000  }
0x132: {  	v14 =	vor.u32 v1, v12;
	[sflag:s24] =	ssyncset.done $0x0  }
0x133: {  	v16 =	vor.u32 v2, v12;
	[sflag:s24] =	ssyncadd.s32 $0xFFFFC000  }
0x134: {  	v21 =	vor.u32 v3, v12;
	v11 =	vld.idx.msk [tilespmem:v10+s19+$0x0], $0xffff  }
0x135: {  	v17 =	vor.u32 v4, v12;
	v10 =	vld.idx.msk [tilespmem:v9+s13+$0x0], $0xffff  }
0x136: {  	v22 =	vimm.f32 $0.0e+00;
	v15 =	vor.u32 v5, v12;
	v25 =	vld.idx.msk [tilespmem:v13+s19+$0x0], $0xffff  }
0x137: {  	v18 =	vimm.f32 $0.0e+00;
	v20 =	vimm.f32 $0.0e+00;
	s31 =	simm.s32 $0x1;
	v13 =	vor.u32 v6, v12;
	v24 =	vld.idx.msk [tilespmem:v14+s19+$0x0], $0xffff  }
0x138: {  	v19 =	vimm.f32 $0.0e+00;
	v26 =	vmov s31;
	v9 =	vimm.f32 $0.0e+00;
	v23 =	vld.idx.msk [tilespmem:v16+s19+$0x0], $0xffff  }
0x139: {  	s0 =	simm.s32 $0x2;
	v21 =	vld.idx.msk [tilespmem:v21+s19+$0x0], $0xffff;
	v16 =	vimm.f32 $0.0e+00;
	v14 =	vimm.f32 $0.0e+00;
	v12 =	vimm.f32 $0.0e+00  }
.LBB2_7:
0x13a: {  	p0 =	sne.s32 s0, $0x7F;
	v27 =	vand.u32 $0x7F, v26;
	v28 =	vld.idx.msk [tilespmem:v17+s19+$0x0], $0xffff;
	v11 =	vmax.f32 v11, $0.0e+00  }
0x13b: {  	v29 =	vor.u32 v0, v27;
	v30 =	vor.u32 v7, v27;
	v31 =	vld.idx.msk [tilespmem:v15+s19+$0x0], $0xffff;
	v11 =	vmul.f32 v11, v10  }
0x13c: {  	v32 =	vor.u32 v1, v27;
	v33 =	vor.u32 v2, v27;
	v34 =	vor.u32 v3, v27;
	v35 =	vld.idx.msk [tilespmem:v13+s19+$0x0], $0xffff  }
0x13d: {  	v36 =	vmovc v10;
	v17 =	vor.u32 v4, v27;
	v15 =	vor.u32 v5, v27;
	v9 =	vadd.f32 v11, v9  }
0x13e: {  	v10 =	vmax.f32 v25, $0.0e+00;
	v13 =	vor.u32 v6, v27;
	v24 =	vmax.f32 v24, $0.0e+00  }
0x13f: {  	v27 =	vmul.f32 v10, v36;
	v10 =	vmax.f32 v23, $0.0e+00;
	v21 =	vmax.f32 v21, $0.0e+00  }
0x140: {  	v23 =	vmul.f32 v24, v36;
	v24 =	vmax.f32 v28, $0.0e+00;
	v11 =	vld.idx.msk [tilespmem:v30+s19+$0x0], $0xffff;
	v30 =	vmul.f32 v10, v36  }
.Ltmp2:
0x141: {  	v21 =	vmul.f32 v21, v36;
	v10 =	vld.idx.msk [tilespmem:v26+s13+$0x0], $0xffff;
	v26 =	vmul.f32 v24, v36;
	v24 =	vmax.f32 v31, $0.0e+00;
	(pc) =	sbr.rel @p0 .LBB2_7-.Ltmp2, $4  }
0x142: {  	v22 =	vadd.f32 v27, v22;
	v28 =	vmax.f32 v35, $0.0e+00;
	v25 =	vld.idx.msk [tilespmem:v29+s19+$0x0], $0xffff;
	v27 =	vmul.f32 v24, v36  }
0x143: {  	v20 =	vadd.f32 v23, v20;
	v19 =	vadd.f32 v30, v19;
	v28 =	vmul.f32 v28, v36;
	v24 =	vld.idx.msk [tilespmem:v32+s19+$0x0], $0xffff  }
0x144: {  	v18 =	vadd.f32 v21, v18;
	v16 =	vadd.f32 v26, v16;
	v23 =	vld.idx.msk [tilespmem:v33+s19+$0x0], $0xffff  }
0x145: {  	v26 =	vmov s0;
	s0 =	sadd.s32 $0x1, s0;
	v14 =	vadd.f32 v27, v14;
	v12 =	vadd.f32 v28, v12;
	v21 =	vld.idx.msk [tilespmem:v34+s19+$0x0], $0xffff  }
0x146: {  	v27 =	vand.u32 $0x7F, v26  }
0x147: {  	v28 =	vor.u32 v0, v27;
	_ =	sdelay $0x4  }
0x148: {  	v28 =	vld.idx.msk [tilespmem:v28+s19+$0x0], $0xffff  }
0x149: {  	v26 =	vld.idx.msk [tilespmem:v26+s13+$0x0], $0xffff;
	_ =	sdelay $0x1  }
0x14a: {  	v25 =	vmax.f32 v25, $0.0e+00  }
0x14b: {  	v25 =	vmul.f32 v25, v10  }
0x14c: {  	v28 =	vmax.f32 v28, $0.0e+00  }
0x14d: {  	v22 =	vadd.f32 v25, v22;
	v62 =	vmul.f32 v28, v26;
	_ =	sdelay $0x1  }
0x14e: {  	v63 =	vor.u32 v1, v27;
	v22 =	vadd.f32 v62, v22;
	_ =	sdelay $0x1  }
0x14f: {  	v22 =	vadd.f32 v22, v8;
	_ =	sdelay $0x1  }
0x150: {  	v22 =	vsub.f32 $0.0e+00, v22  }
0x151: {  	v30 =	vld.idx.msk [tilespmem:v63+s19+$0x0], $0xffff  }
0x152: {  	v22 =	vmul.f32 $1.442695020e+00, v22;
	_ =	sdelay $0x1  }
0x153: {  	v24 =	vmax.f32 v24, $0.0e+00;
	(erf) = vpow2.f32 v22  }
0x154: {  	v31 =	vmul.f32 v24, v10  }
0x155: {  	v32 =	vmax.f32 v30, $0.0e+00  }
0x156: {  	v20 =	vadd.f32 v31, v20;
	v33 =	vmul.f32 v32, v26;
	_ =	sdelay $0x1  }
0x157: {  	v34 =	vor.u32 v2, v27;
	v20 =	vadd.f32 v33, v20;
	_ =	sdelay $0x1  }
0x158: {  	v20 =	vadd.f32 v20, v8;
	_ =	sdelay $0x1  }
0x159: {  	v20 =	vsub.f32 $0.0e+00, v20;
	v35 =	vpop (erf)  }
0x15a: {  	v24 =	vld.idx.msk [tilespmem:v34+s19+$0x0], $0xffff;
	v22 =	vadd.f32 $1.000000000e+00, v35  }
0x15b: {  	v20 =	vmul.f32 $1.442695020e+00, v20  }
0x15c: {  	(erf) = vrcp.f32 v22  }
0x15d: {  	v36 =	vmax.f32 v23, $0.0e+00;
	(erf) = vpow2.f32 v20  }
0x15e: {  	v37 =	vmul.f32 v36, v10  }
0x15f: {  	v38 =	vmax.f32 v24, $0.0e+00  }
0x160: {  	v19 =	vadd.f32 v37, v19;
	v39 =	vmul.f32 v38, v26;
	_ =	sdelay $0x1  }
0x161: {  	v40 =	vor.u32 v3, v27;
	v19 =	vadd.f32 v39, v19;
	_ =	sdelay $0x1  }
0x162: {  	v19 =	vadd.f32 v19, v8  }
0x163: {  	v41 =	vpop (erf)  }
0x164: {  	v19 =	vsub.f32 $0.0e+00, v19;
	v42 =	vpop (erf)  }
0x165: {  	v22 =	vld.idx.msk [tilespmem:v40+s19+$0x0], $0xffff;
	v23 =	vadd.f32 $1.000000000e+00, v42  }
0x166: {  	v19 =	vmul.f32 $1.442695020e+00, v19  }
0x167: {  	(erf) = vrcp.f32 v23  }
0x168: {  	v21 =	vmax.f32 v21, $0.0e+00;
	(erf) = vpow2.f32 v19  }
0x169: {  	v43 =	vmul.f32 v21, v10  }
0x16a: {  	v44 =	vmax.f32 v22, $0.0e+00  }
0x16b: {  	v18 =	vadd.f32 v43, v18;
	v45 =	vmul.f32 v44, v26;
	_ =	sdelay $0x1  }
0x16c: {  	v46 =	vor.u32 v4, v27;
	v18 =	vadd.f32 v45, v18;
	_ =	sdelay $0x1  }
0x16d: {  	v18 =	vadd.f32 v18, v8  }
0x16e: {  	v17 =	vld.idx.msk [tilespmem:v17+s19+$0x0], $0xffff;
	v47 =	vpop (erf)  }
0x16f: {  	v18 =	vsub.f32 $0.0e+00, v18;
	v48 =	vpop (erf)  }
0x170: {  	v21 =	vld.idx.msk [tilespmem:v46+s19+$0x0], $0xffff;
	v22 =	vadd.f32 $1.000000000e+00, v48  }
0x171: {  	v18 =	vmul.f32 $1.442695020e+00, v18  }
0x172: {  	(erf) = vrcp.f32 v22  }
0x173: {  	v17 =	vmax.f32 v17, $0.0e+00;
	(erf) = vpow2.f32 v18  }
0x174: {  	v17 =	vmul.f32 v17, v10  }
0x175: {  	v49 =	vmax.f32 v21, $0.0e+00  }
0x176: {  	v16 =	vadd.f32 v17, v16;
	v50 =	vmul.f32 v49, v26;
	_ =	sdelay $0x1  }
0x177: {  	v51 =	vor.u32 v5, v27;
	v16 =	vadd.f32 v50, v16;
	_ =	sdelay $0x1  }
0x178: {  	v16 =	vadd.f32 v16, v8  }
0x179: {  	v15 =	vld.idx.msk [tilespmem:v15+s19+$0x0], $0xffff;
	v52 =	vpop (erf)  }
0x17a: {  	v16 =	vsub.f32 $0.0e+00, v16;
	v53 =	vpop (erf)  }
0x17b: {  	v18 =	vld.idx.msk [tilespmem:v51+s19+$0x0], $0xffff;
	v21 =	vadd.f32 $1.000000000e+00, v53  }
0x17c: {  	v16 =	vmul.f32 $1.442695020e+00, v16  }
0x17d: {  	(erf) = vrcp.f32 v21  }
0x17e: {  	v15 =	vmax.f32 v15, $0.0e+00;
	(erf) = vpow2.f32 v16  }
0x17f: {  	v15 =	vmul.f32 v15, v10  }
0x180: {  	v54 =	vmax.f32 v18, $0.0e+00  }
0x181: {  	v14 =	vadd.f32 v15, v14;
	v55 =	vmul.f32 v54, v26;
	_ =	sdelay $0x1  }
0x182: {  	v56 =	vor.u32 v6, v27;
	v14 =	vadd.f32 v55, v14;
	_ =	sdelay $0x1  }
0x183: {  	v14 =	vadd.f32 v14, v8  }
0x184: {  	v13 =	vld.idx.msk [tilespmem:v13+s19+$0x0], $0xffff;
	v57 =	vpop (erf)  }
0x185: {  	v14 =	vsub.f32 $0.0e+00, v14;
	v58 =	vpop (erf)  }
0x186: {  	v16 =	vld.idx.msk [tilespmem:v56+s19+$0x0], $0xffff;
	v18 =	vadd.f32 $1.000000000e+00, v58  }
0x187: {  	v14 =	vmul.f32 $1.442695020e+00, v14  }
0x188: {  	(erf) = vrcp.f32 v18  }
0x189: {  	v13 =	vmax.f32 v13, $0.0e+00;
	(erf) = vpow2.f32 v14  }
0x18a: {  	v13 =	vmul.f32 v13, v10  }
0x18b: {  	v59 =	vmax.f32 v16, $0.0e+00  }
0x18c: {  	v12 =	vadd.f32 v13, v12;
	v60 =	vmul.f32 v59, v26;
	_ =	sdelay $0x1  }
0x18d: {  	v61 =	vor.u32 v7, v27;
	v12 =	vadd.f32 v60, v12;
	_ =	sdelay $0x1  }
0x18e: {  	v12 =	vadd.f32 v12, v8  }
0x18f: {  	v62 =	vpop (erf)  }
0x190: {  	v12 =	vsub.f32 $0.0e+00, v12;
	v63 =	vpop (erf)  }
0x191: {  	v14 =	vld.idx.msk [tilespmem:v61+s19+$0x0], $0xffff;
	v16 =	vadd.f32 $1.000000000e+00, v63  }
0x192: {  	v12 =	vmul.f32 $1.442695020e+00, v12  }
0x193: {  	(erf) = vrcp.f32 v16  }
0x194: {  	v11 =	vmax.f32 v11, $0.0e+00;
	(erf) = vpow2.f32 v12  }
0x195: {  	v10 =	vmul.f32 v11, v10  }
0x196: {  	v11 =	vmax.f32 v14, $0.0e+00  }
0x197: {  	v9 =	vadd.f32 v10, v9;
	v10 =	vmul.f32 v11, v26;
	_ =	sdelay $0x1  }
0x198: {  	v9 =	vadd.f32 v10, v9;
	_ =	sdelay $0x1  }
0x199: {  	v9 =	vadd.f32 v9, v8  }
0x19a: {  	v10 =	vpop (erf)  }
0x19b: {  	v9 =	vsub.f32 $0.0e+00, v9;
	v11 =	vpop (erf)  }
0x19c: {  	v11 =	vadd.f32 $1.000000000e+00, v11  }
0x19d: {  	v9 =	vmul.f32 $1.442695020e+00, v9  }
0x19e: {  	(erf) = vrcp.f32 v11  }
0x19f: {  	(erf) = vpow2.f32 v9;
	_ =	sdelay $0x7  }
0x1a0: {  	v9 =	vpop (erf)  }
0x1a1: {  	v11 =	vpop (erf)  }
0x1a2: {  	v11 =	vadd.f32 $1.000000000e+00, v11;
	_ =	sdelay $0x1  }
0x1a3: {  	(erf) = vrcp.f32 v11;
	_ =	sdelay $0x2  }
0x1a4: {  	[tilespmem:s29+$0x13E90] =	vst v41  }
0x1a5: {  	s28 =	sadd.s32 $0x1, s28;
	[tilespmem:s29+$0x13EA0] =	vst v47  }
0x1a6: {  	p0 =	sne.s32 s28, $0x2A;
	[tilespmem:s29+$0x13EB0] =	vst v52  }
.Ltmp3:
0x1a7: {  	[tilespmem:s29+$0x13EC0] =	vst v57;
	(pc) =	sbr.rel @p0 .LBB2_2-.Ltmp3, $4  }
0x1a8: {  	[tilespmem:s29+$0x13ED0] =	vst v62  }
0x1a9: {  	[tilespmem:s29+$0x13EE0] =	vst v10  }
0x1aa: {  	[tilespmem:s29+$0x13EF0] =	vst v9;
	v9 =	vpop (erf)  }
0x1ab: {  	[tilespmem:s29+$0x13F00] =	vst v9  }
0x1ac: {  	s26 =	sadd.s32 $0x1, s26  }
0x1ad: {  	p0 =	sne.s32 s26, s10  }
.Ltmp4:
0x1ae: {  	_ = 	snop;
	(pc) =	sbr.rel @p0 .LBB2_1-.Ltmp4, $4  }
0x1af: {  	[hbm4b:s9+s4] =	stream.linear.scatter [tilespmem:s25], [sflag:$0x7], $0x3F00, $0x38;
	[tilespmem:$0x17D90] =	vst v63  }
0x1b0: {  	_ =	swait.ge [sflag:s11], $0x3F00  }
0x1b1: {  	[sflag:s11] =	ssyncset.done $0x0  }
0x1b2: {  	[sflag:s11] =	ssyncadd.s32 $0xFFFFC100  }
0x1b3: {  	_ =	sfence.sel $0x180000  }
0x1b4: {  	[bflag:$0x0] =	sbarrier.arrive $0xFFFF  }
0x1b5: {  	_ =	strace $0x90000050  }
0x1b6: {  	s0 =	stileid.u32;
	[bflag:$0x2] =	sbarrier.arrive $0xFFFF  }
0x1b7: {  	p0 =	sne.s32 s0, $0x0;
	s0 =	rddreg [dreg:$0x3]  }
0x1b8: {  	s0 =	sadd.s32 @!p0 $0x100000, s0  }
0x1b9: {  	[sflag:s0] =	ssyncadd.tile.s32 @!p0 $0x1;
	_ =	shalt  }
.Lfunc_end2:
_tile_overlayer_lowered:
.L_overlay_start_2:
0x1ba: {  	(tag) =	ssettag $0x2  }
0x1bb: {  	s0 =	rddreg [dreg:$0x0];
	s2 =	stileid.u32  }
0x1bc: {  	s1 =	rddreg [dreg:$0x1];
	p0 =	sne.s32 s2, $0x0  }
0x1bd: {  	s3 =	rddreg [dreg:$0x2];
	[bflag:$0x3] =	sbarrier.arrive $0xFFFF;
	s2 =	simm.s32 @!p0 $0x1C07  }
0x1be: {  	[timem:s3], [sflag:s2] =	dma.local @!p0 [hbm:s0], s1  }
0x1bf: {  	s0 =	simm.s32 @!p0 $0x7  }
0x1c0: {  	_ =	swait.ge @!p0 [sflag:s0], s1  }
0x1c1: {  	s1 =	ssub.s32 @!p0 $0x0, s1;
	[sflag:s0] =	ssyncset.done @!p0 $0x0  }
0x1c2: {  	[sflag:s0] =	ssyncadd.s32 @!p0 s1  }
0x1c3: {  	[bflag:$0x3] =	sbarrier.arrive $0xFFFF  }
0x1c4: {  	_ =	shalt  }

</sc_bundles>
